<compile_context>
chip_gen: v7x
topology: tpu7x:2x2x1
jax: 0.10.2.dev20260603
libtpu: 0.0.44.dev20260713+nightly
codegen_flags: <defaults>
</compile_context>

<pallas_src>
import functools

import jax
import jax.numpy as jnp
from jax import lax
from jax.experimental import pallas as pl
from jax.experimental.pallas import tpu as pltpu
from jax.experimental.pallas import tpu_sc as plsc

_K = 16
_RADIUS = 0.8
_BINS = 50
_WIDTH = 0.2
_L = 16
_NC = 2
_NS = 16
_GROUP = 8
_SC_FRACTION = 0.5


_GATHER_DNUMS = lax.GatherDimensionNumbers(
    offset_dims=(), collapsed_slice_dims=(0,), start_index_map=(0,))


def _tc_select_kernel(d_ref, cols_ref, vals_ref):
    d = d_ref[...]
    r, n = d.shape
    colidx = lax.broadcasted_iota(jnp.int32, (r, n), 1)
    inf_bits = jnp.int32(0x7F800000)
    dead = jnp.int32(0x7FFFFFFF)
    kint = jnp.where(d <= _RADIUS, lax.bitcast_convert_type(d, jnp.int32),
                     inf_bits)
    cols_list = []
    vbits_list = []
    for _ in range(_K):
        v = jnp.min(kint, axis=1, keepdims=True)
        cand = jnp.where(kint == v, colidx, n)
        idx = jnp.min(cand, axis=1, keepdims=True)
        kint = jnp.where(colidx == idx, dead, kint)
        cols_list.append(idx)
        vbits_list.append(v)
    cols = jnp.concatenate(cols_list, axis=1)
    vbits = jnp.concatenate(vbits_list, axis=1)

    def fix_degenerate():
        outs = []
        for k in range(_K):
            hit = colidx == cols[:, k:k + 1]
            outs.append(jnp.sum(jnp.where(hit, d, 0.0), axis=1, keepdims=True))
        return jnp.concatenate(outs, axis=1)

    vals = lax.cond(jnp.any(vbits == inf_bits), fix_degenerate,
                    lambda: lax.bitcast_convert_type(vbits, jnp.float32))
    cols_ref[...] = cols
    vals_ref[...] = vals


def _vgather(x, idx):
    return lax.gather(x, idx[:, None], _GATHER_DNUMS, (1,),
                      mode=lax.GatherScatterMode.PROMISE_IN_BOUNDS)


def _sc_select(n, nsc, off, distance_matrix):
    nw = _NC * _NS
    rows_per = nsc // nw
    nchunk = n // _L
    mesh = plsc.VectorSubcoreMesh(core_axis_name="c", subcore_axis_name="s")

    @functools.partial(
        pl.kernel,
        mesh=mesh,
        out_type=[
            jax.ShapeDtypeStruct((nsc * _K,), jnp.int32),
            jax.ShapeDtypeStruct((nsc * _K,), jnp.float32),
        ],
        scratch_types=[
            pltpu.VMEM((2, n), jnp.float32),
            pltpu.VMEM((rows_per * _K,), jnp.int32),
            pltpu.VMEM((rows_per * _K,), jnp.float32),
            pltpu.SemaphoreType.DMA,
            pltpu.SemaphoreType.DMA,
        ],
        compiler_params=pltpu.CompilerParams(needs_layout_passes=False),
    )
    def sel(d_hbm, cols_hbm, vals_hbm, rowbuf, colbuf, valbuf, sem0, sem1):
        wid = lax.axis_index("s") * _NC + lax.axis_index("c")
        row0 = off + wid * rows_per
        iota = lax.iota(jnp.int32, _L)
        fifteen = jnp.full((_L,), _L - 1, jnp.int32)
        inf_v = jnp.full((_L,), jnp.inf, jnp.float32)
        big_i = jnp.full((_L,), jnp.int32(2**31 - 1), jnp.int32)
        shift_idx = jnp.maximum(iota - 1, 0)

        def scan_row(b, t0):
            def group_body(g, st):
                bk, bi, trun = st
                base = g * (_GROUP * _L)
                vs = [rowbuf[b, pl.ds(base + j * _L, _L)] for j in range(_GROUP)]
                anyc = vs[0] <= trun
                for j in range(1, _GROUP):
                    anyc = jnp.logical_or(anyc, vs[j] <= trun)

                def chunk_insert(st, j):
                    v = vs[j]
                    colv = iota + (base + j * _L)
                    m0 = v <= st[2]

                    def ins_cond(s):
                        return plsc.all_reduce_population_count(s[3])[0] > 0

                    def ins_body(s, v=v, colv=colv):
                        bk, bi, trun, m = s
                        lane = plsc.all_reduce_ffs(m)
                        vc = _vgather(v, lane)
                        keyc = jnp.where(vc <= _RADIUS, vc, jnp.inf)
                        colc = _vgather(colv, lane)
                        lt = jnp.logical_or(
                            bk < keyc,
                            jnp.logical_and(bk == keyc, bi < colc))
                        pos = plsc.all_reduce_population_count(lt)
                        shk = _vgather(bk, shift_idx)
                        shi = _vgather(bi, shift_idx)
                        keep = iota < pos
                        ins = iota == pos
                        bk = jnp.where(keep, bk, jnp.where(ins, keyc, shk))
                        bi = jnp.where(keep, bi, jnp.where(ins, colc, shi))
                        trun = jnp.minimum(t0, _vgather(bk, fifteen))
                        m = jnp.logical_and(m, iota != lane)
                        m = jnp.logical_and(m, v <= trun)
                        return (bk, bi, trun, m)

                    out = lax.while_loop(
                        ins_cond, ins_body, (st[0], st[1], st[2], m0))
                    return (out[0], out[1], out[2])

                def do_insert(st):
                    for h in range(2):
                        js = range(h * (_GROUP // 2), (h + 1) * (_GROUP // 2))
                        hm = vs[js[0]] <= st[2]
                        for j in js[1:]:
                            hm = jnp.logical_or(hm, vs[j] <= st[2])

                        def half_fn(st, js=js):
                            for j in js:
                                st = chunk_insert(st, j)
                            return st

                        st = lax.cond(
                            plsc.all_reduce_population_count(hm)[0] > 0,
                            half_fn, lambda s: s, st)
                    return st

                n_cand = plsc.all_reduce_population_count(anyc)[0]
                return lax.cond(n_cand > 0, do_insert, lambda s: s,
                                (bk, bi, trun))

            bk, bi, _t = lax.fori_loop(
                0, nchunk // _GROUP, group_body, (inf_v, big_i, t0))
            return bk, bi

        def process_row(b, ri):
            def min_body(c, accs):
                base = c * (16 * _L)
                half = [
                    jnp.minimum(accs[j], rowbuf[b, pl.ds(base + j * _L, _L)])
                    for j in range(8)]
                return tuple(
                    jnp.minimum(half[j],
                                rowbuf[b, pl.ds(base + (8 + j) * _L, _L)])
                    for j in range(8))

            accs = lax.fori_loop(0, n // (16 * _L), min_body, (inf_v,) * 8)
            rev = (_L - 1) - iota

            def merge_lo16(x, y):
                return jnp.minimum(x, _vgather(y, rev))

            def vsorted(x):
                return plsc.sort_key_val(x, x)[0]

            ms = [jnp.minimum(accs[2 * j], accs[2 * j + 1]) for j in range(4)]
            lo_ab = merge_lo16(vsorted(ms[0]), vsorted(ms[1]))
            lo_cd = merge_lo16(vsorted(ms[2]), vsorted(ms[3]))
            lo = merge_lo16(vsorted(lo_ab), vsorted(lo_cd))
            for d in (8, 4, 2, 1):
                lo = jnp.maximum(lo, _vgather(lo, iota ^ d))
            bk, bi = scan_row(b, lo)
            kd = _vgather(bk, fifteen)
            bk, bi = lax.cond(
                kd[0] > _RADIUS, lambda: scan_row(b, inf_v), lambda: (bk, bi))
            vals = plsc.load_gather(
                rowbuf, [jnp.full((_L,), b, jnp.int32), bi])
            colbuf[pl.ds(ri * _K, _K)] = bi
            valbuf[pl.ds(ri * _K, _K)] = vals

        row_max = row0 + rows_per - 1
        pltpu.async_copy(d_hbm.at[row0], rowbuf.at[0], sem0)

        def pair_body(k, carry):
            r0 = row0 + 2 * k
            pltpu.async_copy(d_hbm.at[r0 + 1], rowbuf.at[1], sem1)
            pltpu.make_async_copy(d_hbm.at[r0], rowbuf.at[0], sem0).wait()
            process_row(0, 2 * k)
            pltpu.async_copy(
                d_hbm.at[jnp.minimum(r0 + 2, row_max)], rowbuf.at[0], sem0)
            pltpu.make_async_copy(d_hbm.at[r0 + 1], rowbuf.at[1], sem1).wait()
            process_row(1, 2 * k + 1)
            return carry

        lax.fori_loop(0, rows_per // 2, pair_body, 0)
        pltpu.make_async_copy(d_hbm.at[row_max], rowbuf.at[0], sem0).wait()
        out0 = wid * rows_per * _K
        pltpu.sync_copy(colbuf, cols_hbm.at[pl.ds(out0, rows_per * _K)])
        pltpu.sync_copy(valbuf, vals_hbm.at[pl.ds(out0, rows_per * _K)])

    return sel(distance_matrix)


def _feature_kernel(v_ref, feat_ref):
    dflat = v_ref[...]
    centers = lax.broadcasted_iota(jnp.int32, (1, _BINS), 1).astype(jnp.float32) * (
        1.0 / (_BINS - 1))
    z = (dflat - centers) * (1.0 / _WIDTH)
    feat_ref[...] = jnp.exp(-0.5 * z * z)


def kernel(distance_matrix):
    n = distance_matrix.shape[0]
    nsc = (int(n * _SC_FRACTION) // (_NC * _NS * 2)) * (_NC * _NS * 2)
    ntc = n - nsc
    sc_cols, sc_vals = _sc_select(n, nsc, 0, distance_matrix)
    r = min(256, ntc)
    tc_cols, tc_vals = pl.pallas_call(
        _tc_select_kernel,
        grid=(ntc // r,),
        in_specs=[pl.BlockSpec((r, n), lambda i, o=nsc // r: (i + o, 0))],
        out_specs=[
            pl.BlockSpec((r, _K), lambda i: (i, 0)),
            pl.BlockSpec((r, _K), lambda i: (i, 0)),
        ],
        out_shape=[
            jax.ShapeDtypeStruct((ntc, _K), jnp.int32),
            jax.ShapeDtypeStruct((ntc, _K), jnp.float32),
        ],
    )(distance_matrix)
    cols = jnp.concatenate([sc_cols.reshape(nsc, _K), tc_cols], axis=0)

    def expand(v):
        e = v.shape[0] * _K
        fb = min(8192, e)
        return pl.pallas_call(
            _feature_kernel,
            grid=(e // fb,),
            in_specs=[pl.BlockSpec((fb, 1), lambda i: (i, 0))],
            out_specs=pl.BlockSpec((fb, _BINS), lambda i: (i, 0)),
            out_shape=jax.ShapeDtypeStruct((e, _BINS), jnp.float32),
        )(v.reshape(e, 1))

    feats = jnp.concatenate(
        [expand(sc_vals.reshape(nsc, _K)), expand(tc_vals)], axis=0)
    rows = jnp.broadcast_to(jnp.arange(n, dtype=cols.dtype)[:, None], (n, _K))
    edge_index = jnp.stack([rows.reshape(-1), cols.reshape(-1)], axis=1)
    return edge_index, feats

# --- scband reference (transcript-rebuilt; emitter-appended) ---
"""Pipeline reference for scband-edge-featurizer-47974784696344 (READ-ONLY COPY).

The authoritative reference and input builder live on the scoring server;
editing this copy changes nothing except your own understanding.
"""

import jax, jax.numpy as jnp
import numpy as np

MAX_NEIGHBORS = 16
MAX_RADIUS = 0.8
NUM_BINS = 50
WIDTH = 0.2
N_ATOMS = 4096


def setup_inputs(seed: int = 0) -> dict:
    key = jax.random.key(seed)
    distance_matrix = jax.random.uniform(key, (N_ATOMS, N_ATOMS), dtype=jnp.float32)
    return {"distance_matrix": distance_matrix}


def _gaussian_distance(d):
    # GaussianDistance.call: exp(-0.5 * ((d - centers)/width)^2), centers = linspace(0,1,num_bins)
    centers = jnp.linspace(0.0, 1.0, NUM_BINS)
    d = d[:, None]
    c = centers[None, :]
    return jnp.exp(-0.5 * ((d - c) / WIDTH) ** 2)


def reference(distance_matrix):
    # For each source node i, keep its MAX_NEIGHBORS nearest edges with
    # distance <= MAX_RADIUS. The original pipeline (argwhere in row-major
    # order, stable global sort by distance, stable sort by source node,
    # keep first MAX_NEIGHBORS per node) orders output edges by node
    # ascending, then by distance ascending, with ties broken by column
    # index ascending -- exactly what a stable per-row argsort produces.
    n = distance_matrix.shape[0]
    masked = jnp.where(distance_matrix <= MAX_RADIUS, distance_matrix, jnp.inf)
    cols = jnp.argsort(masked, axis=1)[:, :MAX_NEIGHBORS]  # stable sort
    rows = jnp.broadcast_to(jnp.arange(n)[:, None], cols.shape)
    kept_distances = jnp.take_along_axis(distance_matrix, cols, axis=1).reshape(-1)
    edge_index = jnp.stack([rows.reshape(-1), cols.reshape(-1)], axis=1)
    edge_features = _gaussian_distance(kept_distances)
    return (edge_index, edge_features)

if __name__ == "__main__":
    import jax
    _d = setup_inputs()
    print(jax.jit(kernel)(*tuple(_d.values())))

</pallas_src>

<mosaic_0001>
#map = affine_map<(d0, d1) -> (0, 0)>
#map1 = affine_map<(d0, d1) -> (0)>
module attributes {stable_mosaic.version = 14 : i64} {
  func.func @sel(%arg0: i32, %arg1: i32, %arg2: memref<4096x4096xf32, #tpu.memory_space<hbm>>, %arg3: memref<32768xi32, #tpu.memory_space<hbm>>, %arg4: memref<32768xf32, #tpu.memory_space<hbm>>, %arg5: memref<2x4096xf32, #tpu.memory_space<vmem>>, %arg6: memref<1024xi32, #tpu.memory_space<vmem>>, %arg7: memref<1024xf32, #tpu.memory_space<vmem>>, %arg8: memref<!tpu.dma_semaphore, #tpu.memory_space<semaphore_mem>>, %arg9: memref<!tpu.dma_semaphore, #tpu.memory_space<semaphore_mem>>) attributes {dimension_semantics = [#tpu.dimension_semantics<core_parallel>, #tpu.dimension_semantics<subcore_parallel>], iteration_bounds = array<i64: 2, 16>, scalar_prefetch = 0 : i64, scratch_operands = 5 : i64, tpu.core_type = #tpu.core_type<sc_vector_subcore>, window_params = [{transform_indices = #map}, {transform_indices = #map1}, {transform_indices = #map1}]} {
    %mul3A = arith.constant 2 : i32
    %mul3A_0 = arith.muli %arg1, %mul3A : i32
    %add3A = arith.addi %mul3A_0, %arg0 : i32
    %mul3A_1 = arith.constant 64 : i32
    %mul3A_2 = arith.muli %add3A, %mul3A_1 : i32
    %add3A_3 = arith.constant 0 : i32
    %add3A_4 = arith.addi %add3A_3, %mul3A_2 : i32
    %iota3A = tpu.iota {dimensions = array<i32: 0>} : vector<16xi32>
    %broadcast_in_dim3A = arith.constant 15 : i32
    %broadcast_in_dim3A_5 = vector.broadcast %broadcast_in_dim3A : i32 to vector<16xi32>
    %broadcast_in_dim3A_6 = arith.constant 0x7F800000 : f32
    %broadcast_in_dim3A_7 = vector.broadcast %broadcast_in_dim3A_6 : f32 to vector<16xf32>
    %broadcast_in_dim3A_8 = arith.constant 2147483647 : i32
    %broadcast_in_dim3A_9 = vector.broadcast %broadcast_in_dim3A_8 : i32 to vector<16xi32>
    %sub3A = arith.constant 1 : i32
    %sub3A_10 = vector.broadcast %sub3A : i32 to vector<16xi32>
    %sub3A_11 = arith.subi %iota3A, %sub3A_10 : vector<16xi32>
    %max3A = arith.constant 0 : i32
    %max3A_12 = vector.broadcast %max3A : i32 to vector<16xi32>
    %max3A_13 = arith.maxsi %sub3A_11, %max3A_12 : vector<16xi32>
    %add3A_14 = arith.constant 64 : i32
    %add3A_15 = arith.addi %add3A_4, %add3A_14 : i32
    %sub3A_16 = arith.constant 1 : i32
    %sub3A_17 = arith.subi %add3A_15, %sub3A_16 : i32
    %dma_start3A = arith.constant 0 : i32
    %dma_start3A_18 = arith.constant 0 : i32
    %dma_start3A_19 = tpu.memref_slice %arg5[%dma_start3A, %dma_start3A_18] : memref<2x4096xf32, #tpu.memory_space<vmem>> -> memref<1x4096xf32, #tpu.memory_space<vmem>>
    %dma_start3A_20 = tpu.memref_squeeze %dma_start3A_19 : memref<1x4096xf32, #tpu.memory_space<vmem>> -> memref<4096xf32, #tpu.memory_space<vmem>>
    %dma_start3A_21 = arith.constant 0 : i32
    %dma_start3A_22 = tpu.memref_slice %arg2[%add3A_4, %dma_start3A_21] : memref<4096x4096xf32, #tpu.memory_space<hbm>> -> memref<1x4096xf32, #tpu.memory_space<hbm>>
    %dma_start3A_23 = tpu.memref_squeeze %dma_start3A_22 : memref<1x4096xf32, #tpu.memory_space<hbm>> -> memref<4096xf32, #tpu.memory_space<hbm>>
    %dma_start3A_24 = arith.constant 0 : i32
    %dma_start3A_25 = tpu.memref_slice %arg5[%dma_start3A, %dma_start3A_24] : memref<2x4096xf32, #tpu.memory_space<vmem>> -> memref<1x4096xf32, #tpu.memory_space<vmem>>
    %dma_start3A_26 = tpu.memref_squeeze %dma_start3A_25 : memref<1x4096xf32, #tpu.memory_space<vmem>> -> memref<4096xf32, #tpu.memory_space<vmem>>
    %dma_start3A_27 = arith.constant 0 : i32
    %dma_start3A_28 = tpu.memref_slice %arg2[%add3A_4, %dma_start3A_27] : memref<4096x4096xf32, #tpu.memory_space<hbm>> -> memref<1x4096xf32, #tpu.memory_space<hbm>>
    %dma_start3A_29 = tpu.memref_squeeze %dma_start3A_28 : memref<1x4096xf32, #tpu.memory_space<hbm>> -> memref<4096xf32, #tpu.memory_space<hbm>>
    tpu.enqueue_dma source(%dma_start3A_29 : memref<4096xf32, #tpu.memory_space<hbm>>) target(%dma_start3A_26 : memref<4096xf32, #tpu.memory_space<vmem>>) target_semaphore(%arg8 : memref<!tpu.dma_semaphore, #tpu.memory_space<semaphore_mem>>)
    %scan3A = arith.constant 0 : i32
    %scan3A_30 = arith.constant 0 : i32
    %scan3A_31 = arith.constant 32 : i32
    %scan3A_32 = arith.addi %scan3A_30, %scan3A_31 : i32
    %scan3A_33 = arith.constant 1 : i32
    scf.for %scan3A_51 = %scan3A_30 to %scan3A_32 step %scan3A_33  : i32 {
      %mul3A_52 = arith.constant 2 : i32
      %mul3A_53 = arith.muli %mul3A_52, %scan3A_51 : i32
      %add3A_54 = arith.addi %add3A_4, %mul3A_53 : i32
      %add3A_55 = arith.constant 1 : i32
      %add3A_56 = arith.addi %add3A_54, %add3A_55 : i32
      %dma_start3A_57 = arith.constant 1 : i32
      %dma_start3A_58 = arith.constant 0 : i32
      %dma_start3A_59 = tpu.memref_slice %arg5[%dma_start3A_57, %dma_start3A_58] : memref<2x4096xf32, #tpu.memory_space<vmem>> -> memref<1x4096xf32, #tpu.memory_space<vmem>>
      %dma_start3A_60 = tpu.memref_squeeze %dma_start3A_59 : memref<1x4096xf32, #tpu.memory_space<vmem>> -> memref<4096xf32, #tpu.memory_space<vmem>>
      %dma_start3A_61 = arith.constant 0 : i32
      %dma_start3A_62 = tpu.memref_slice %arg2[%add3A_56, %dma_start3A_61] : memref<4096x4096xf32, #tpu.memory_space<hbm>> -> memref<1x4096xf32, #tpu.memory_space<hbm>>
      %dma_start3A_63 = tpu.memref_squeeze %dma_start3A_62 : memref<1x4096xf32, #tpu.memory_space<hbm>> -> memref<4096xf32, #tpu.memory_space<hbm>>
      %dma_start3A_64 = arith.constant 0 : i32
      %dma_start3A_65 = tpu.memref_slice %arg5[%dma_start3A_57, %dma_start3A_64] : memref<2x4096xf32, #tpu.memory_space<vmem>> -> memref<1x4096xf32, #tpu.memory_space<vmem>>
      %dma_start3A_66 = tpu.memref_squeeze %dma_start3A_65 : memref<1x4096xf32, #tpu.memory_space<vmem>> -> memref<4096xf32, #tpu.memory_space<vmem>>
      %dma_start3A_67 = arith.constant 0 : i32
      %dma_start3A_68 = tpu.memref_slice %arg2[%add3A_56, %dma_start3A_67] : memref<4096x4096xf32, #tpu.memory_space<hbm>> -> memref<1x4096xf32, #tpu.memory_space<hbm>>
      %dma_start3A_69 = tpu.memref_squeeze %dma_start3A_68 : memref<1x4096xf32, #tpu.memory_space<hbm>> -> memref<4096xf32, #tpu.memory_space<hbm>>
      tpu.enqueue_dma source(%dma_start3A_69 : memref<4096xf32, #tpu.memory_space<hbm>>) target(%dma_start3A_66 : memref<4096xf32, #tpu.memory_space<vmem>>) target_semaphore(%arg9 : memref<!tpu.dma_semaphore, #tpu.memory_space<semaphore_mem>>)
      %dma_wait3A_70 = arith.constant 0 : i32
      %dma_wait3A_71 = arith.constant 0 : i32
      %dma_wait3A_72 = tpu.memref_slice %arg5[%dma_wait3A_70, %dma_wait3A_71] : memref<2x4096xf32, #tpu.memory_space<vmem>> -> memref<1x4096xf32, #tpu.memory_space<vmem>>
      %dma_wait3A_73 = tpu.memref_squeeze %dma_wait3A_72 : memref<1x4096xf32, #tpu.memory_space<vmem>> -> memref<4096xf32, #tpu.memory_space<vmem>>
      %dma_wait3A_74 = arith.constant 0 : i32
      %dma_wait3A_75 = tpu.memref_slice %arg2[%add3A_54, %dma_wait3A_74] : memref<4096x4096xf32, #tpu.memory_space<hbm>> -> memref<1x4096xf32, #tpu.memory_space<hbm>>
      %dma_wait3A_76 = tpu.memref_squeeze %dma_wait3A_75 : memref<1x4096xf32, #tpu.memory_space<hbm>> -> memref<4096xf32, #tpu.memory_space<hbm>>
      %dma_wait3A_77 = arith.constant 0 : i32
      %dma_wait3A_78 = tpu.memref_slice %arg5[%dma_wait3A_70, %dma_wait3A_77] : memref<2x4096xf32, #tpu.memory_space<vmem>> -> memref<1x4096xf32, #tpu.memory_space<vmem>>
      %dma_wait3A_79 = tpu.memref_squeeze %dma_wait3A_78 : memref<1x4096xf32, #tpu.memory_space<vmem>> -> memref<4096xf32, #tpu.memory_space<vmem>>
      %dma_wait3A_80 = arith.constant 0 : i32
      %dma_wait3A_81 = tpu.memref_slice %arg2[%add3A_54, %dma_wait3A_80] : memref<4096x4096xf32, #tpu.memory_space<hbm>> -> memref<1x4096xf32, #tpu.memory_space<hbm>>
      %dma_wait3A_82 = tpu.memref_squeeze %dma_wait3A_81 : memref<1x4096xf32, #tpu.memory_space<hbm>> -> memref<4096xf32, #tpu.memory_space<hbm>>
      tpu.wait_dma2 semaphore(%arg8 : memref<!tpu.dma_semaphore, #tpu.memory_space<semaphore_mem>>) src(%dma_wait3A_82 : memref<4096xf32, #tpu.memory_space<hbm>>) dst(%dma_wait3A_79 : memref<4096xf32, #tpu.memory_space<vmem>>)
      %mul3A_83 = arith.constant 2 : i32
      %mul3A_84 = arith.muli %mul3A_83, %scan3A_51 : i32
      %scan3A_85 = arith.constant 0 : i32
      %scan3A_86 = arith.constant 16 : i32
      %scan3A_87 = arith.addi %scan3A_85, %scan3A_86 : i32
      %scan3A_88 = arith.constant 1 : i32
      %scan3A_89:8 = scf.for %scan3A_320 = %scan3A_85 to %scan3A_87 step %scan3A_88 iter_args(%scan3A_321 = %broadcast_in_dim3A_7, %scan3A_322 = %broadcast_in_dim3A_7, %scan3A_323 = %broadcast_in_dim3A_7, %scan3A_324 = %broadcast_in_dim3A_7, %scan3A_325 = %broadcast_in_dim3A_7, %scan3A_326 = %broadcast_in_dim3A_7, %scan3A_327 = %broadcast_in_dim3A_7, %scan3A_328 = %broadcast_in_dim3A_7) -> (vector<16xf32>, vector<16xf32>, vector<16xf32>, vector<16xf32>, vector<16xf32>, vector<16xf32>, vector<16xf32>, vector<16xf32>)  : i32 {
        %mul3A_329 = arith.constant 256 : i32
        %mul3A_330 = arith.muli %scan3A_320, %mul3A_329 : i32
        %add3A_331 = arith.constant 0 : i32
        %add3A_332 = arith.addi %mul3A_330, %add3A_331 : i32
        %get3A = arith.constant 0 : i32
        %get3A_333 = arith.index_cast %get3A : i32 to index
        %get3A_334 = arith.index_cast %add3A_332 : i32 to index
        %get3A_335 = tpu.vector_load %arg5[%get3A_333, %get3A_334] {strides = array<i32>} : memref<2x4096xf32, #tpu.memory_space<vmem>>, vector<16xf32>,
        %min3A_336 = arith.minimumf %scan3A_321, %get3A_335 : vector<16xf32>
        %add3A_337 = arith.constant 16 : i32
        %add3A_338 = arith.addi %mul3A_330, %add3A_337 : i32
        %get3A_339 = arith.constant 0 : i32
        %get3A_340 = arith.index_cast %get3A_339 : i32 to index
        %get3A_341 = arith.index_cast %add3A_338 : i32 to index
        %get3A_342 = tpu.vector_load %arg5[%get3A_340, %get3A_341] {strides = array<i32>} : memref<2x4096xf32, #tpu.memory_space<vmem>>, vector<16xf32>,
        %min3A_343 = arith.minimumf %scan3A_322, %get3A_342 : vector<16xf32>
        %add3A_344 = arith.constant 32 : i32
        %add3A_345 = arith.addi %mul3A_330, %add3A_344 : i32
        %get3A_346 = arith.constant 0 : i32
        %get3A_347 = arith.index_cast %get3A_346 : i32 to index
        %get3A_348 = arith.index_cast %add3A_345 : i32 to index
        %get3A_349 = tpu.vector_load %arg5[%get3A_347, %get3A_348] {strides = array<i32>} : memref<2x4096xf32, #tpu.memory_space<vmem>>, vector<16xf32>,
        %min3A_350 = arith.minimumf %scan3A_323, %get3A_349 : vector<16xf32>
        %add3A_351 = arith.constant 48 : i32
        %add3A_352 = arith.addi %mul3A_330, %add3A_351 : i32
        %get3A_353 = arith.constant 0 : i32
        %get3A_354 = arith.index_cast %get3A_353 : i32 to index
        %get3A_355 = arith.index_cast %add3A_352 : i32 to index
        %get3A_356 = tpu.vector_load %arg5[%get3A_354, %get3A_355] {strides = array<i32>} : memref<2x4096xf32, #tpu.memory_space<vmem>>, vector<16xf32>,
        %min3A_357 = arith.minimumf %scan3A_324, %get3A_356 : vector<16xf32>
        %add3A_358 = arith.constant 64 : i32
        %add3A_359 = arith.addi %mul3A_330, %add3A_358 : i32
        %get3A_360 = arith.constant 0 : i32
        %get3A_361 = arith.index_cast %get3A_360 : i32 to index
        %get3A_362 = arith.index_cast %add3A_359 : i32 to index
        %get3A_363 = tpu.vector_load %arg5[%get3A_361, %get3A_362] {strides = array<i32>} : memref<2x4096xf32, #tpu.memory_space<vmem>>, vector<16xf32>,
        %min3A_364 = arith.minimumf %scan3A_325, %get3A_363 : vector<16xf32>
        %add3A_365 = arith.constant 80 : i32
        %add3A_366 = arith.addi %mul3A_330, %add3A_365 : i32
        %get3A_367 = arith.constant 0 : i32
        %get3A_368 = arith.index_cast %get3A_367 : i32 to index
        %get3A_369 = arith.index_cast %add3A_366 : i32 to index
        %get3A_370 = tpu.vector_load %arg5[%get3A_368, %get3A_369] {strides = array<i32>} : memref<2x4096xf32, #tpu.memory_space<vmem>>, vector<16xf32>,
        %min3A_371 = arith.minimumf %scan3A_326, %get3A_370 : vector<16xf32>
        %add3A_372 = arith.constant 96 : i32
        %add3A_373 = arith.addi %mul3A_330, %add3A_372 : i32
        %get3A_374 = arith.constant 0 : i32
        %get3A_375 = arith.index_cast %get3A_374 : i32 to index
        %get3A_376 = arith.index_cast %add3A_373 : i32 to index
        %get3A_377 = tpu.vector_load %arg5[%get3A_375, %get3A_376] {strides = array<i32>} : memref<2x4096xf32, #tpu.memory_space<vmem>>, vector<16xf32>,
        %min3A_378 = arith.minimumf %scan3A_327, %get3A_377 : vector<16xf32>
        %add3A_379 = arith.constant 112 : i32
        %add3A_380 = arith.addi %mul3A_330, %add3A_379 : i32
        %get3A_381 = arith.constant 0 : i32
        %get3A_382 = arith.index_cast %get3A_381 : i32 to index
        %get3A_383 = arith.index_cast %add3A_380 : i32 to index
        %get3A_384 = tpu.vector_load %arg5[%get3A_382, %get3A_383] {strides = array<i32>} : memref<2x4096xf32, #tpu.memory_space<vmem>>, vector<16xf32>,
        %min3A_385 = arith.minimumf %scan3A_328, %get3A_384 : vector<16xf32>
        %add3A_386 = arith.constant 128 : i32
        %add3A_387 = arith.addi %mul3A_330, %add3A_386 : i32
        %get3A_388 = arith.constant 0 : i32
        %get3A_389 = arith.index_cast %get3A_388 : i32 to index
        %get3A_390 = arith.index_cast %add3A_387 : i32 to index
        %get3A_391 = tpu.vector_load %arg5[%get3A_389, %get3A_390] {strides = array<i32>} : memref<2x4096xf32, #tpu.memory_space<vmem>>, vector<16xf32>,
        %min3A_392 = arith.minimumf %min3A_336, %get3A_391 : vector<16xf32>
        %add3A_393 = arith.constant 144 : i32
        %add3A_394 = arith.addi %mul3A_330, %add3A_393 : i32
        %get3A_395 = arith.constant 0 : i32
        %get3A_396 = arith.index_cast %get3A_395 : i32 to index
        %get3A_397 = arith.index_cast %add3A_394 : i32 to index
        %get3A_398 = tpu.vector_load %arg5[%get3A_396, %get3A_397] {strides = array<i32>} : memref<2x4096xf32, #tpu.memory_space<vmem>>, vector<16xf32>,
        %min3A_399 = arith.minimumf %min3A_343, %get3A_398 : vector<16xf32>
        %add3A_400 = arith.constant 160 : i32
        %add3A_401 = arith.addi %mul3A_330, %add3A_400 : i32
        %get3A_402 = arith.constant 0 : i32
        %get3A_403 = arith.index_cast %get3A_402 : i32 to index
        %get3A_404 = arith.index_cast %add3A_401 : i32 to index
        %get3A_405 = tpu.vector_load %arg5[%get3A_403, %get3A_404] {strides = array<i32>} : memref<2x4096xf32, #tpu.memory_space<vmem>>, vector<16xf32>,
        %min3A_406 = arith.minimumf %min3A_350, %get3A_405 : vector<16xf32>
        %add3A_407 = arith.constant 176 : i32
        %add3A_408 = arith.addi %mul3A_330, %add3A_407 : i32
        %get3A_409 = arith.constant 0 : i32
        %get3A_410 = arith.index_cast %get3A_409 : i32 to index
        %get3A_411 = arith.index_cast %add3A_408 : i32 to index
        %get3A_412 = tpu.vector_load %arg5[%get3A_410, %get3A_411] {strides = array<i32>} : memref<2x4096xf32, #tpu.memory_space<vmem>>, vector<16xf32>,
        %min3A_413 = arith.minimumf %min3A_357, %get3A_412 : vector<16xf32>
        %add3A_414 = arith.constant 192 : i32
        %add3A_415 = arith.addi %mul3A_330, %add3A_414 : i32
        %get3A_416 = arith.constant 0 : i32
        %get3A_417 = arith.index_cast %get3A_416 : i32 to index
        %get3A_418 = arith.index_cast %add3A_415 : i32 to index
        %get3A_419 = tpu.vector_load %arg5[%get3A_417, %get3A_418] {strides = array<i32>} : memref<2x4096xf32, #tpu.memory_space<vmem>>, vector<16xf32>,
        %min3A_420 = arith.minimumf %min3A_364, %get3A_419 : vector<16xf32>
        %add3A_421 = arith.constant 208 : i32
        %add3A_422 = arith.addi %mul3A_330, %add3A_421 : i32
        %get3A_423 = arith.constant 0 : i32
        %get3A_424 = arith.index_cast %get3A_423 : i32 to index
        %get3A_425 = arith.index_cast %add3A_422 : i32 to index
        %get3A_426 = tpu.vector_load %arg5[%get3A_424, %get3A_425] {strides = array<i32>} : memref<2x4096xf32, #tpu.memory_space<vmem>>, vector<16xf32>,
        %min3A_427 = arith.minimumf %min3A_371, %get3A_426 : vector<16xf32>
        %add3A_428 = arith.constant 224 : i32
        %add3A_429 = arith.addi %mul3A_330, %add3A_428 : i32
        %get3A_430 = arith.constant 0 : i32
        %get3A_431 = arith.index_cast %get3A_430 : i32 to index
        %get3A_432 = arith.index_cast %add3A_429 : i32 to index
        %get3A_433 = tpu.vector_load %arg5[%get3A_431, %get3A_432] {strides = array<i32>} : memref<2x4096xf32, #tpu.memory_space<vmem>>, vector<16xf32>,
        %min3A_434 = arith.minimumf %min3A_378, %get3A_433 : vector<16xf32>
        %add3A_435 = arith.constant 240 : i32
        %add3A_436 = arith.addi %mul3A_330, %add3A_435 : i32
        %get3A_437 = arith.constant 0 : i32
        %get3A_438 = arith.index_cast %get3A_437 : i32 to index
        %get3A_439 = arith.index_cast %add3A_436 : i32 to index
        %get3A_440 = tpu.vector_load %arg5[%get3A_438, %get3A_439] {strides = array<i32>} : memref<2x4096xf32, #tpu.memory_space<vmem>>, vector<16xf32>,
        %min3A_441 = arith.minimumf %min3A_385, %get3A_440 : vector<16xf32>
        scf.yield %min3A_392, %min3A_399, %min3A_406, %min3A_413, %min3A_420, %min3A_427, %min3A_434, %min3A_441 : vector<16xf32>, vector<16xf32>, vector<16xf32>, vector<16xf32>, vector<16xf32>, vector<16xf32>, vector<16xf32>, vector<16xf32>
      }
      %scan3A_90 = arith.constant 16 : i32
      %sub3A_91 = arith.constant 15 : i32
      %sub3A_92 = vector.broadcast %sub3A_91 : i32 to vector<16xi32>
      %sub3A_93 = arith.subi %sub3A_92, %iota3A : vector<16xi32>
      %min3A = arith.minimumf %scan3A_89#0, %scan3A_89#1 : vector<16xf32>
      %min3A_94 = arith.minimumf %scan3A_89#2, %scan3A_89#3 : vector<16xf32>
      %min3A_95 = arith.minimumf %scan3A_89#4, %scan3A_89#5 : vector<16xf32>
      %min3A_96 = arith.minimumf %scan3A_89#6, %scan3A_89#7 : vector<16xf32>
      %masked_sort3A = arith.constant dense<true> : vector<16xi1>
      %masked_sort3A_97, %masked_sort3A_98, %masked_sort3A_99 = tpu.sort %min3A, %min3A masked %masked_sort3A : (vector<16xf32>, vector<16xf32>, vector<16xi1>) -> (vector<16xi1>, vector<16xf32>, vector<16xf32>)
      %masked_sort3A_100 = arith.constant dense<true> : vector<16xi1>
      %masked_sort3A_101, %masked_sort3A_102, %masked_sort3A_103 = tpu.sort %min3A_94, %min3A_94 masked %masked_sort3A_100 : (vector<16xf32>, vector<16xf32>, vector<16xi1>) -> (vector<16xi1>, vector<16xf32>, vector<16xf32>)
      %broadcast_in_dim3A_104 = vector.shape_cast %sub3A_93 : vector<16xi32> to vector<16x1xi32>
      %gather3A = vector.shape_cast %broadcast_in_dim3A_104 : vector<16x1xi32> to vector<16xi32>
      %gather3A_105 = tpu.dynamic_gather %masked_sort3A_102[%gather3A] in [0] : vector<16xf32>, vector<16xi32> -> vector<16xf32>
      %min3A_106 = arith.minimumf %masked_sort3A_98, %gather3A_105 : vector<16xf32>
      %masked_sort3A_107 = arith.constant dense<true> : vector<16xi1>
      %masked_sort3A_108, %masked_sort3A_109, %masked_sort3A_110 = tpu.sort %min3A_95, %min3A_95 masked %masked_sort3A_107 : (vector<16xf32>, vector<16xf32>, vector<16xi1>) -> (vector<16xi1>, vector<16xf32>, vector<16xf32>)
      %masked_sort3A_111 = arith.constant dense<true> : vector<16xi1>
      %masked_sort3A_112, %masked_sort3A_113, %masked_sort3A_114 = tpu.sort %min3A_96, %min3A_96 masked %masked_sort3A_111 : (vector<16xf32>, vector<16xf32>, vector<16xi1>) -> (vector<16xi1>, vector<16xf32>, vector<16xf32>)
      %broadcast_in_dim3A_115 = vector.shape_cast %sub3A_93 : vector<16xi32> to vector<16x1xi32>
      %gather3A_116 = vector.shape_cast %broadcast_in_dim3A_115 : vector<16x1xi32> to vector<16xi32>
      %gather3A_117 = tpu.dynamic_gather %masked_sort3A_113[%gather3A_116] in [0] : vector<16xf32>, vector<16xi32> -> vector<16xf32>
      %min3A_118 = arith.minimumf %masked_sort3A_109, %gather3A_117 : vector<16xf32>
      %masked_sort3A_119 = arith.constant dense<true> : vector<16xi1>
      %masked_sort3A_120, %masked_sort3A_121, %masked_sort3A_122 = tpu.sort %min3A_106, %min3A_106 masked %masked_sort3A_119 : (vector<16xf32>, vector<16xf32>, vector<16xi1>) -> (vector<16xi1>, vector<16xf32>, vector<16xf32>)
      %masked_sort3A_123 = arith.constant dense<true> : vector<16xi1>
      %masked_sort3A_124, %masked_sort3A_125, %masked_sort3A_126 = tpu.sort %min3A_118, %min3A_118 masked %masked_sort3A_123 : (vector<16xf32>, vector<16xf32>, vector<16xi1>) -> (vector<16xi1>, vector<16xf32>, vector<16xf32>)
      %broadcast_in_dim3A_127 = vector.shape_cast %sub3A_93 : vector<16xi32> to vector<16x1xi32>
      %gather3A_128 = vector.shape_cast %broadcast_in_dim3A_127 : vector<16x1xi32> to vector<16xi32>
      %gather3A_129 = tpu.dynamic_gather %masked_sort3A_125[%gather3A_128] in [0] : vector<16xf32>, vector<16xi32> -> vector<16xf32>
      %min3A_130 = arith.minimumf %masked_sort3A_121, %gather3A_129 : vector<16xf32>
      %xor3A = arith.constant 8 : i32
      %xor3A_131 = vector.broadcast %xor3A : i32 to vector<16xi32>
      %xor3A_132 = arith.xori %iota3A, %xor3A_131 : vector<16xi32>
      %broadcast_in_dim3A_133 = vector.shape_cast %xor3A_132 : vector<16xi32> to vector<16x1xi32>
      %gather3A_134 = vector.shape_cast %broadcast_in_dim3A_133 : vector<16x1xi32> to vector<16xi32>
      %gather3A_135 = tpu.dynamic_gather %min3A_130[%gather3A_134] in [0] : vector<16xf32>, vector<16xi32> -> vector<16xf32>
      %max3A_136 = arith.maximumf %min3A_130, %gather3A_135 : vector<16xf32>
      %xor3A_137 = arith.constant 4 : i32
      %xor3A_138 = vector.broadcast %xor3A_137 : i32 to vector<16xi32>
      %xor3A_139 = arith.xori %iota3A, %xor3A_138 : vector<16xi32>
      %broadcast_in_dim3A_140 = vector.shape_cast %xor3A_139 : vector<16xi32> to vector<16x1xi32>
      %gather3A_141 = vector.shape_cast %broadcast_in_dim3A_140 : vector<16x1xi32> to vector<16xi32>
      %gather3A_142 = tpu.dynamic_gather %max3A_136[%gather3A_141] in [0] : vector<16xf32>, vector<16xi32> -> vector<16xf32>
      %max3A_143 = arith.maximumf %max3A_136, %gather3A_142 : vector<16xf32>
      %xor3A_144 = arith.constant 2 : i32
      %xor3A_145 = vector.broadcast %xor3A_144 : i32 to vector<16xi32>
      %xor3A_146 = arith.xori %iota3A, %xor3A_145 : vector<16xi32>
      %broadcast_in_dim3A_147 = vector.shape_cast %xor3A_146 : vector<16xi32> to vector<16x1xi32>
      %gather3A_148 = vector.shape_cast %broadcast_in_dim3A_147 : vector<16x1xi32> to vector<16xi32>
      %gather3A_149 = tpu.dynamic_gather %max3A_143[%gather3A_148] in [0] : vector<16xf32>, vector<16xi32> -> vector<16xf32>
      %max3A_150 = arith.maximumf %max3A_143, %gather3A_149 : vector<16xf32>
      %xor3A_151 = arith.constant 1 : i32
      %xor3A_152 = vector.broadcast %xor3A_151 : i32 to vector<16xi32>
      %xor3A_153 = arith.xori %iota3A, %xor3A_152 : vector<16xi32>
      %broadcast_in_dim3A_154 = vector.shape_cast %xor3A_153 : vector<16xi32> to vector<16x1xi32>
      %gather3A_155 = vector.shape_cast %broadcast_in_dim3A_154 : vector<16x1xi32> to vector<16xi32>
      %gather3A_156 = tpu.dynamic_gather %max3A_150[%gather3A_155] in [0] : vector<16xf32>, vector<16xi32> -> vector<16xf32>
      %max3A_157 = arith.maximumf %max3A_150, %gather3A_156 : vector<16xf32>
      %scan3A_158 = arith.constant 0 : i32
      %scan3A_159 = arith.constant 32 : i32
      %scan3A_160 = arith.addi %scan3A_158, %scan3A_159 : i32
      %scan3A_161 = arith.constant 1 : i32
      %scan3A_162:3 = scf.for %scan3A_320 = %scan3A_158 to %scan3A_160 step %scan3A_161 iter_args(%scan3A_321 = %broadcast_in_dim3A_7, %scan3A_322 = %broadcast_in_dim3A_9, %scan3A_323 = %max3A_157) -> (vector<16xf32>, vector<16xi32>, vector<16xf32>)  : i32 {
        %mul3A_324 = arith.constant 128 : i32
        %mul3A_325 = arith.muli %scan3A_320, %mul3A_324 : i32
        %add3A_326 = arith.constant 0 : i32
        %add3A_327 = arith.addi %mul3A_325, %add3A_326 : i32
        %get3A = arith.constant 0 : i32
        %get3A_328 = arith.index_cast %get3A : i32 to index
        %get3A_329 = arith.index_cast %add3A_327 : i32 to index
        %get3A_330 = tpu.vector_load %arg5[%get3A_328, %get3A_329] {strides = array<i32>} : memref<2x4096xf32, #tpu.memory_space<vmem>>, vector<16xf32>,
        %add3A_331 = arith.constant 16 : i32
        %add3A_332 = arith.addi %mul3A_325, %add3A_331 : i32
        %get3A_333 = arith.constant 0 : i32
        %get3A_334 = arith.index_cast %get3A_333 : i32 to index
        %get3A_335 = arith.index_cast %add3A_332 : i32 to index
        %get3A_336 = tpu.vector_load %arg5[%get3A_334, %get3A_335] {strides = array<i32>} : memref<2x4096xf32, #tpu.memory_space<vmem>>, vector<16xf32>,
        %add3A_337 = arith.constant 32 : i32
        %add3A_338 = arith.addi %mul3A_325, %add3A_337 : i32
        %get3A_339 = arith.constant 0 : i32
        %get3A_340 = arith.index_cast %get3A_339 : i32 to index
        %get3A_341 = arith.index_cast %add3A_338 : i32 to index
        %get3A_342 = tpu.vector_load %arg5[%get3A_340, %get3A_341] {strides = array<i32>} : memref<2x4096xf32, #tpu.memory_space<vmem>>, vector<16xf32>,
        %add3A_343 = arith.constant 48 : i32
        %add3A_344 = arith.addi %mul3A_325, %add3A_343 : i32
        %get3A_345 = arith.constant 0 : i32
        %get3A_346 = arith.index_cast %get3A_345 : i32 to index
        %get3A_347 = arith.index_cast %add3A_344 : i32 to index
        %get3A_348 = tpu.vector_load %arg5[%get3A_346, %get3A_347] {strides = array<i32>} : memref<2x4096xf32, #tpu.memory_space<vmem>>, vector<16xf32>,
        %add3A_349 = arith.constant 64 : i32
        %add3A_350 = arith.addi %mul3A_325, %add3A_349 : i32
        %get3A_351 = arith.constant 0 : i32
        %get3A_352 = arith.index_cast %get3A_351 : i32 to index
        %get3A_353 = arith.index_cast %add3A_350 : i32 to index
        %get3A_354 = tpu.vector_load %arg5[%get3A_352, %get3A_353] {strides = array<i32>} : memref<2x4096xf32, #tpu.memory_space<vmem>>, vector<16xf32>,
        %add3A_355 = arith.constant 80 : i32
        %add3A_356 = arith.addi %mul3A_325, %add3A_355 : i32
        %get3A_357 = arith.constant 0 : i32
        %get3A_358 = arith.index_cast %get3A_357 : i32 to index
        %get3A_359 = arith.index_cast %add3A_356 : i32 to index
        %get3A_360 = tpu.vector_load %arg5[%get3A_358, %get3A_359] {strides = array<i32>} : memref<2x4096xf32, #tpu.memory_space<vmem>>, vector<16xf32>,
        %add3A_361 = arith.constant 96 : i32
        %add3A_362 = arith.addi %mul3A_325, %add3A_361 : i32
        %get3A_363 = arith.constant 0 : i32
        %get3A_364 = arith.index_cast %get3A_363 : i32 to index
        %get3A_365 = arith.index_cast %add3A_362 : i32 to index
        %get3A_366 = tpu.vector_load %arg5[%get3A_364, %get3A_365] {strides = array<i32>} : memref<2x4096xf32, #tpu.memory_space<vmem>>, vector<16xf32>,
        %add3A_367 = arith.constant 112 : i32
        %add3A_368 = arith.addi %mul3A_325, %add3A_367 : i32
        %get3A_369 = arith.constant 0 : i32
        %get3A_370 = arith.index_cast %get3A_369 : i32 to index
        %get3A_371 = arith.index_cast %add3A_368 : i32 to index
        %get3A_372 = tpu.vector_load %arg5[%get3A_370, %get3A_371] {strides = array<i32>} : memref<2x4096xf32, #tpu.memory_space<vmem>>, vector<16xf32>,
        %le3A = arith.cmpf ole, %get3A_330, %scan3A_323 : vector<16xf32>
        %le3A_373 = arith.cmpf ole, %get3A_336, %scan3A_323 : vector<16xf32>
        %or3A = arith.ori %le3A, %le3A_373 : vector<16xi1>
        %le3A_374 = arith.cmpf ole, %get3A_342, %scan3A_323 : vector<16xf32>
        %or3A_375 = arith.ori %or3A, %le3A_374 : vector<16xi1>
        %le3A_376 = arith.cmpf ole, %get3A_348, %scan3A_323 : vector<16xf32>
        %or3A_377 = arith.ori %or3A_375, %le3A_376 : vector<16xi1>
        %le3A_378 = arith.cmpf ole, %get3A_354, %scan3A_323 : vector<16xf32>
        %or3A_379 = arith.ori %or3A_377, %le3A_378 : vector<16xi1>
        %le3A_380 = arith.cmpf ole, %get3A_360, %scan3A_323 : vector<16xf32>
        %or3A_381 = arith.ori %or3A_379, %le3A_380 : vector<16xi1>
        %le3A_382 = arith.cmpf ole, %get3A_366, %scan3A_323 : vector<16xf32>
        %or3A_383 = arith.ori %or3A_381, %le3A_382 : vector<16xi1>
        %le3A_384 = arith.cmpf ole, %get3A_372, %scan3A_323 : vector<16xf32>
        %or3A_385 = arith.ori %or3A_383, %le3A_384 : vector<16xi1>
        %all_reduce_population_count3A = tpu.all_reduce %or3A_385 {dim = 0 : i64, kind = #tpu.reduction_kind<sum>} : vector<16xi1> -> vector<16xi32>
        %slice3A_386 = vector.extract_strided_slice %all_reduce_population_count3A {offsets = [0], sizes = [1], strides = [1]} : vector<16xi32> to vector<1xi32>
        %squeeze3A_387 = vector.extract %slice3A_386[0] : i32 from vector<1xi32>
        %gt3A_388 = arith.constant 0 : i32
        %gt3A_389 = arith.cmpi sgt, %squeeze3A_387, %gt3A_388 : i32
        %convert_element_type3A_390 = arith.extui %gt3A_389 : i1 to i32
        %cond3A_391 = arith.constant 0 : i32
        %cond3A_392 = arith.cmpi ne, %convert_element_type3A_390, %cond3A_391 : i32
        %cond3A_393:3 = scf.if %cond3A_392 -> (vector<16xf32>, vector<16xi32>, vector<16xf32>) {
          %le3A_394 = arith.cmpf ole, %get3A_330, %scan3A_323 : vector<16xf32>
          %le3A_395 = arith.cmpf ole, %get3A_336, %scan3A_323 : vector<16xf32>
          %or3A_396 = arith.ori %le3A_394, %le3A_395 : vector<16xi1>
          %le3A_397 = arith.cmpf ole, %get3A_342, %scan3A_323 : vector<16xf32>
          %or3A_398 = arith.ori %or3A_396, %le3A_397 : vector<16xi1>
          %le3A_399 = arith.cmpf ole, %get3A_348, %scan3A_323 : vector<16xf32>
          %or3A_400 = arith.ori %or3A_398, %le3A_399 : vector<16xi1>
          %all_reduce_population_count3A_401 = tpu.all_reduce %or3A_400 {dim = 0 : i64, kind = #tpu.reduction_kind<sum>} : vector<16xi1> -> vector<16xi32>
          %slice3A_402 = vector.extract_strided_slice %all_reduce_population_count3A_401 {offsets = [0], sizes = [1], strides = [1]} : vector<16xi32> to vector<1xi32>
          %squeeze3A_403 = vector.extract %slice3A_402[0] : i32 from vector<1xi32>
          %gt3A_404 = arith.constant 0 : i32
          %gt3A_405 = arith.cmpi sgt, %squeeze3A_403, %gt3A_404 : i32
          %convert_element_type3A_406 = arith.extui %gt3A_405 : i1 to i32
          %cond3A_407 = arith.constant 0 : i32
          %cond3A_408 = arith.cmpi ne, %convert_element_type3A_406, %cond3A_407 : i32
          %cond3A_409:3 = scf.if %cond3A_408 -> (vector<16xf32>, vector<16xi32>, vector<16xf32>) {
            %add3A_426 = arith.constant 0 : i32
            %add3A_427 = arith.addi %mul3A_325, %add3A_426 : i32
            %add3A_428 = vector.broadcast %add3A_427 : i32 to vector<16xi32>
            %add3A_429 = arith.addi %iota3A, %add3A_428 : vector<16xi32>
            %le3A_430 = arith.cmpf ole, %get3A_330, %scan3A_323 : vector<16xf32>
            %while3A:4 = scf.while (%while3A_449 = %scan3A_321, %while3A_450 = %scan3A_322, %while3A_451 = %scan3A_323, %while3A_452 = %le3A_430) : (vector<16xf32>, vector<16xi32>, vector<16xf32>, vector<16xi1>) -> (vector<16xf32>, vector<16xi32>, vector<16xf32>, vector<16xi1>) {
              %all_reduce_population_count3A_453 = tpu.all_reduce %while3A_452 {dim = 0 : i64, kind = #tpu.reduction_kind<sum>} : vector<16xi1> -> vector<16xi32>
              %slice3A_454 = vector.extract_strided_slice %all_reduce_population_count3A_453 {offsets = [0], sizes = [1], strides = [1]} : vector<16xi32> to vector<1xi32>
              %squeeze3A_455 = vector.extract %slice3A_454[0] : i32 from vector<1xi32>
              %gt3A_456 = arith.constant 0 : i32
              %gt3A_457 = arith.cmpi sgt, %squeeze3A_455, %gt3A_456 : i32
              scf.condition(%gt3A_457) %while3A_449, %while3A_450, %while3A_451, %while3A_452 : vector<16xf32>, vector<16xi32>, vector<16xf32>, vector<16xi1>
            } do {
            ^bb0(%while3A_449: vector<16xf32>, %while3A_450: vector<16xi32>, %while3A_451: vector<16xf32>, %while3A_452: vector<16xi1>):
              %all_reduce_ffs3A = tpu.all_reduce %while3A_452 {dim = 0 : i64, kind = #tpu.reduction_kind<find_first_set>} : vector<16xi1> -> vector<16xi32>
              %broadcast_in_dim3A_453 = vector.shape_cast %all_reduce_ffs3A : vector<16xi32> to vector<16x1xi32>
              %gather3A_454 = vector.shape_cast %broadcast_in_dim3A_453 : vector<16x1xi32> to vector<16xi32>
              %gather3A_455 = tpu.dynamic_gather %get3A_330[%gather3A_454] in [0] : vector<16xf32>, vector<16xi32> -> vector<16xf32>
              %le3A_456 = arith.constant 8.000000e-01 : f32
              %le3A_457 = vector.broadcast %le3A_456 : f32 to vector<16xf32>
              %le3A_458 = arith.cmpf ole, %gather3A_455, %le3A_457 : vector<16xf32>
              %jit3A = arith.constant 0x7F800000 : f32
              %broadcast_in_dim3A_459 = vector.broadcast %jit3A : f32 to vector<16xf32>
              %select_n3A = arith.select %le3A_458, %gather3A_455, %broadcast_in_dim3A_459 : vector<16xi1>, vector<16xf32>
              %broadcast_in_dim3A_460 = vector.shape_cast %all_reduce_ffs3A : vector<16xi32> to vector<16x1xi32>
              %gather3A_461 = vector.shape_cast %broadcast_in_dim3A_460 : vector<16x1xi32> to vector<16xi32>
              %gather3A_462 = tpu.dynamic_gather %add3A_429[%gather3A_461] in [0] : vector<16xi32>, vector<16xi32> -> vector<16xi32>
              %lt3A = arith.cmpf olt, %while3A_449, %select_n3A : vector<16xf32>
              %eq3A = arith.cmpf oeq, %while3A_449, %select_n3A : vector<16xf32>
              %lt3A_463 = arith.cmpi slt, %while3A_450, %gather3A_462 : vector<16xi32>
              %and3A = arith.andi %eq3A, %lt3A_463 : vector<16xi1>
              %or3A_464 = arith.ori %lt3A, %and3A : vector<16xi1>
              %all_reduce_population_count3A_465 = tpu.all_reduce %or3A_464 {dim = 0 : i64, kind = #tpu.reduction_kind<sum>} : vector<16xi1> -> vector<16xi32>
              %broadcast_in_dim3A_466 = vector.shape_cast %max3A_13 : vector<16xi32> to vector<16x1xi32>
              %gather3A_467 = vector.shape_cast %broadcast_in_dim3A_466 : vector<16x1xi32> to vector<16xi32>
              %gather3A_468 = tpu.dynamic_gather %while3A_449[%gather3A_467] in [0] : vector<16xf32>, vector<16xi32> -> vector<16xf32>
              %broadcast_in_dim3A_469 = vector.shape_cast %max3A_13 : vector<16xi32> to vector<16x1xi32>
              %gather3A_470 = vector.shape_cast %broadcast_in_dim3A_469 : vector<16x1xi32> to vector<16xi32>
              %gather3A_471 = tpu.dynamic_gather %while3A_450[%gather3A_470] in [0] : vector<16xi32>, vector<16xi32> -> vector<16xi32>
              %lt3A_472 = arith.cmpi slt, %iota3A, %all_reduce_population_count3A_465 : vector<16xi32>
              %eq3A_473 = arith.cmpi eq, %iota3A, %all_reduce_population_count3A_465 : vector<16xi32>
              %select_n3A_474 = arith.select %eq3A_473, %select_n3A, %gather3A_468 : vector<16xi1>, vector<16xf32>
              %select_n3A_475 = arith.select %lt3A_472, %while3A_449, %select_n3A_474 : vector<16xi1>, vector<16xf32>
              %select_n3A_476 = arith.select %eq3A_473, %gather3A_462, %gather3A_471 : vector<16xi1>, vector<16xi32>
              %select_n3A_477 = arith.select %lt3A_472, %while3A_450, %select_n3A_476 : vector<16xi1>, vector<16xi32>
              %broadcast_in_dim3A_478 = vector.shape_cast %broadcast_in_dim3A_5 : vector<16xi32> to vector<16x1xi32>
              %gather3A_479 = vector.shape_cast %broadcast_in_dim3A_478 : vector<16x1xi32> to vector<16xi32>
              %gather3A_480 = tpu.dynamic_gather %select_n3A_475[%gather3A_479] in [0] : vector<16xf32>, vector<16xi32> -> vector<16xf32>
              %min3A_481 = arith.minimumf %max3A_157, %gather3A_480 : vector<16xf32>
              %ne3A = arith.cmpi ne, %iota3A, %all_reduce_ffs3A : vector<16xi32>
              %and3A_482 = arith.andi %while3A_452, %ne3A : vector<16xi1>
              %le3A_483 = arith.cmpf ole, %get3A_330, %min3A_481 : vector<16xf32>
              %and3A_484 = arith.andi %and3A_482, %le3A_483 : vector<16xi1>
              scf.yield %select_n3A_475, %select_n3A_477, %min3A_481, %and3A_484 : vector<16xf32>, vector<16xi32>, vector<16xf32>, vector<16xi1>
            }
            %add3A_431 = arith.constant 16 : i32
            %add3A_432 = arith.addi %mul3A_325, %add3A_431 : i32
            %add3A_433 = vector.broadcast %add3A_432 : i32 to vector<16xi32>
            %add3A_434 = arith.addi %iota3A, %add3A_433 : vector<16xi32>
            %le3A_435 = arith.cmpf ole, %get3A_336, %while3A#2 : vector<16xf32>
            %while3A_436:4 = scf.while (%while3A_449 = %while3A#0, %while3A_450 = %while3A#1, %while3A_451 = %while3A#2, %while3A_452 = %le3A_435) : (vector<16xf32>, vector<16xi32>, vector<16xf32>, vector<16xi1>) -> (vector<16xf32>, vector<16xi32>, vector<16xf32>, vector<16xi1>) {
              %all_reduce_population_count3A_453 = tpu.all_reduce %while3A_452 {dim = 0 : i64, kind = #tpu.reduction_kind<sum>} : vector<16xi1> -> vector<16xi32>
              %slice3A_454 = vector.extract_strided_slice %all_reduce_population_count3A_453 {offsets = [0], sizes = [1], strides = [1]} : vector<16xi32> to vector<1xi32>
              %squeeze3A_455 = vector.extract %slice3A_454[0] : i32 from vector<1xi32>
              %gt3A_456 = arith.constant 0 : i32
              %gt3A_457 = arith.cmpi sgt, %squeeze3A_455, %gt3A_456 : i32
              scf.condition(%gt3A_457) %while3A_449, %while3A_450, %while3A_451, %while3A_452 : vector<16xf32>, vector<16xi32>, vector<16xf32>, vector<16xi1>
            } do {
            ^bb0(%while3A_449: vector<16xf32>, %while3A_450: vector<16xi32>, %while3A_451: vector<16xf32>, %while3A_452: vector<16xi1>):
              %all_reduce_ffs3A = tpu.all_reduce %while3A_452 {dim = 0 : i64, kind = #tpu.reduction_kind<find_first_set>} : vector<16xi1> -> vector<16xi32>
              %broadcast_in_dim3A_453 = vector.shape_cast %all_reduce_ffs3A : vector<16xi32> to vector<16x1xi32>
              %gather3A_454 = vector.shape_cast %broadcast_in_dim3A_453 : vector<16x1xi32> to vector<16xi32>
              %gather3A_455 = tpu.dynamic_gather %get3A_336[%gather3A_454] in [0] : vector<16xf32>, vector<16xi32> -> vector<16xf32>
              %le3A_456 = arith.constant 8.000000e-01 : f32
              %le3A_457 = vector.broadcast %le3A_456 : f32 to vector<16xf32>
              %le3A_458 = arith.cmpf ole, %gather3A_455, %le3A_457 : vector<16xf32>
              %jit3A = arith.constant 0x7F800000 : f32
              %broadcast_in_dim3A_459 = vector.broadcast %jit3A : f32 to vector<16xf32>
              %select_n3A = arith.select %le3A_458, %gather3A_455, %broadcast_in_dim3A_459 : vector<16xi1>, vector<16xf32>
              %broadcast_in_dim3A_460 = vector.shape_cast %all_reduce_ffs3A : vector<16xi32> to vector<16x1xi32>
              %gather3A_461 = vector.shape_cast %broadcast_in_dim3A_460 : vector<16x1xi32> to vector<16xi32>
              %gather3A_462 = tpu.dynamic_gather %add3A_434[%gather3A_461] in [0] : vector<16xi32>, vector<16xi32> -> vector<16xi32>
              %lt3A = arith.cmpf olt, %while3A_449, %select_n3A : vector<16xf32>
              %eq3A = arith.cmpf oeq, %while3A_449, %select_n3A : vector<16xf32>
              %lt3A_463 = arith.cmpi slt, %while3A_450, %gather3A_462 : vector<16xi32>
              %and3A = arith.andi %eq3A, %lt3A_463 : vector<16xi1>
              %or3A_464 = arith.ori %lt3A, %and3A : vector<16xi1>
              %all_reduce_population_count3A_465 = tpu.all_reduce %or3A_464 {dim = 0 : i64, kind = #tpu.reduction_kind<sum>} : vector<16xi1> -> vector<16xi32>
              %broadcast_in_dim3A_466 = vector.shape_cast %max3A_13 : vector<16xi32> to vector<16x1xi32>
              %gather3A_467 = vector.shape_cast %broadcast_in_dim3A_466 : vector<16x1xi32> to vector<16xi32>
              %gather3A_468 = tpu.dynamic_gather %while3A_449[%gather3A_467] in [0] : vector<16xf32>, vector<16xi32> -> vector<16xf32>
              %broadcast_in_dim3A_469 = vector.shape_cast %max3A_13 : vector<16xi32> to vector<16x1xi32>
              %gather3A_470 = vector.shape_cast %broadcast_in_dim3A_469 : vector<16x1xi32> to vector<16xi32>
              %gather3A_471 = tpu.dynamic_gather %while3A_450[%gather3A_470] in [0] : vector<16xi32>, vector<16xi32> -> vector<16xi32>
              %lt3A_472 = arith.cmpi slt, %iota3A, %all_reduce_population_count3A_465 : vector<16xi32>
              %eq3A_473 = arith.cmpi eq, %iota3A, %all_reduce_population_count3A_465 : vector<16xi32>
              %select_n3A_474 = arith.select %eq3A_473, %select_n3A, %gather3A_468 : vector<16xi1>, vector<16xf32>
              %select_n3A_475 = arith.select %lt3A_472, %while3A_449, %select_n3A_474 : vector<16xi1>, vector<16xf32>
              %select_n3A_476 = arith.select %eq3A_473, %gather3A_462, %gather3A_471 : vector<16xi1>, vector<16xi32>
              %select_n3A_477 = arith.select %lt3A_472, %while3A_450, %select_n3A_476 : vector<16xi1>, vector<16xi32>
              %broadcast_in_dim3A_478 = vector.shape_cast %broadcast_in_dim3A_5 : vector<16xi32> to vector<16x1xi32>
              %gather3A_479 = vector.shape_cast %broadcast_in_dim3A_478 : vector<16x1xi32> to vector<16xi32>
              %gather3A_480 = tpu.dynamic_gather %select_n3A_475[%gather3A_479] in [0] : vector<16xf32>, vector<16xi32> -> vector<16xf32>
              %min3A_481 = arith.minimumf %max3A_157, %gather3A_480 : vector<16xf32>
              %ne3A = arith.cmpi ne, %iota3A, %all_reduce_ffs3A : vector<16xi32>
              %and3A_482 = arith.andi %while3A_452, %ne3A : vector<16xi1>
              %le3A_483 = arith.cmpf ole, %get3A_336, %min3A_481 : vector<16xf32>
              %and3A_484 = arith.andi %and3A_482, %le3A_483 : vector<16xi1>
              scf.yield %select_n3A_475, %select_n3A_477, %min3A_481, %and3A_484 : vector<16xf32>, vector<16xi32>, vector<16xf32>, vector<16xi1>
            }
            %add3A_437 = arith.constant 32 : i32
            %add3A_438 = arith.addi %mul3A_325, %add3A_437 : i32
            %add3A_439 = vector.broadcast %add3A_438 : i32 to vector<16xi32>
            %add3A_440 = arith.addi %iota3A, %add3A_439 : vector<16xi32>
            %le3A_441 = arith.cmpf ole, %get3A_342, %while3A_436#2 : vector<16xf32>
            %while3A_442:4 = scf.while (%while3A_449 = %while3A_436#0, %while3A_450 = %while3A_436#1, %while3A_451 = %while3A_436#2, %while3A_452 = %le3A_441) : (vector<16xf32>, vector<16xi32>, vector<16xf32>, vector<16xi1>) -> (vector<16xf32>, vector<16xi32>, vector<16xf32>, vector<16xi1>) {
              %all_reduce_population_count3A_453 = tpu.all_reduce %while3A_452 {dim = 0 : i64, kind = #tpu.reduction_kind<sum>} : vector<16xi1> -> vector<16xi32>
              %slice3A_454 = vector.extract_strided_slice %all_reduce_population_count3A_453 {offsets = [0], sizes = [1], strides = [1]} : vector<16xi32> to vector<1xi32>
              %squeeze3A_455 = vector.extract %slice3A_454[0] : i32 from vector<1xi32>
              %gt3A_456 = arith.constant 0 : i32
              %gt3A_457 = arith.cmpi sgt, %squeeze3A_455, %gt3A_456 : i32
              scf.condition(%gt3A_457) %while3A_449, %while3A_450, %while3A_451, %while3A_452 : vector<16xf32>, vector<16xi32>, vector<16xf32>, vector<16xi1>
            } do {
            ^bb0(%while3A_449: vector<16xf32>, %while3A_450: vector<16xi32>, %while3A_451: vector<16xf32>, %while3A_452: vector<16xi1>):
              %all_reduce_ffs3A = tpu.all_reduce %while3A_452 {dim = 0 : i64, kind = #tpu.reduction_kind<find_first_set>} : vector<16xi1> -> vector<16xi32>
              %broadcast_in_dim3A_453 = vector.shape_cast %all_reduce_ffs3A : vector<16xi32> to vector<16x1xi32>
              %gather3A_454 = vector.shape_cast %broadcast_in_dim3A_453 : vector<16x1xi32> to vector<16xi32>
              %gather3A_455 = tpu.dynamic_gather %get3A_342[%gather3A_454] in [0] : vector<16xf32>, vector<16xi32> -> vector<16xf32>
              %le3A_456 = arith.constant 8.000000e-01 : f32
              %le3A_457 = vector.broadcast %le3A_456 : f32 to vector<16xf32>
              %le3A_458 = arith.cmpf ole, %gather3A_455, %le3A_457 : vector<16xf32>
              %jit3A = arith.constant 0x7F800000 : f32
              %broadcast_in_dim3A_459 = vector.broadcast %jit3A : f32 to vector<16xf32>
              %select_n3A = arith.select %le3A_458, %gather3A_455, %broadcast_in_dim3A_459 : vector<16xi1>, vector<16xf32>
              %broadcast_in_dim3A_460 = vector.shape_cast %all_reduce_ffs3A : vector<16xi32> to vector<16x1xi32>
              %gather3A_461 = vector.shape_cast %broadcast_in_dim3A_460 : vector<16x1xi32> to vector<16xi32>
              %gather3A_462 = tpu.dynamic_gather %add3A_440[%gather3A_461] in [0] : vector<16xi32>, vector<16xi32> -> vector<16xi32>
              %lt3A = arith.cmpf olt, %while3A_449, %select_n3A : vector<16xf32>
              %eq3A = arith.cmpf oeq, %while3A_449, %select_n3A : vector<16xf32>
              %lt3A_463 = arith.cmpi slt, %while3A_450, %gather3A_462 : vector<16xi32>
              %and3A = arith.andi %eq3A, %lt3A_463 : vector<16xi1>
              %or3A_464 = arith.ori %lt3A, %and3A : vector<16xi1>
              %all_reduce_population_count3A_465 = tpu.all_reduce %or3A_464 {dim = 0 : i64, kind = #tpu.reduction_kind<sum>} : vector<16xi1> -> vector<16xi32>
              %broadcast_in_dim3A_466 = vector.shape_cast %max3A_13 : vector<16xi32> to vector<16x1xi32>
              %gather3A_467 = vector.shape_cast %broadcast_in_dim3A_466 : vector<16x1xi32> to vector<16xi32>
              %gather3A_468 = tpu.dynamic_gather %while3A_449[%gather3A_467] in [0] : vector<16xf32>, vector<16xi32> -> vector<16xf32>
              %broadcast_in_dim3A_469 = vector.shape_cast %max3A_13 : vector<16xi32> to vector<16x1xi32>
              %gather3A_470 = vector.shape_cast %broadcast_in_dim3A_469 : vector<16x1xi32> to vector<16xi32>
              %gather3A_471 = tpu.dynamic_gather %while3A_450[%gather3A_470] in [0] : vector<16xi32>, vector<16xi32> -> vector<16xi32>
              %lt3A_472 = arith.cmpi slt, %iota3A, %all_reduce_population_count3A_465 : vector<16xi32>
              %eq3A_473 = arith.cmpi eq, %iota3A, %all_reduce_population_count3A_465 : vector<16xi32>
              %select_n3A_474 = arith.select %eq3A_473, %select_n3A, %gather3A_468 : vector<16xi1>, vector<16xf32>
              %select_n3A_475 = arith.select %lt3A_472, %while3A_449, %select_n3A_474 : vector<16xi1>, vector<16xf32>
              %select_n3A_476 = arith.select %eq3A_473, %gather3A_462, %gather3A_471 : vector<16xi1>, vector<16xi32>
              %select_n3A_477 = arith.select %lt3A_472, %while3A_450, %select_n3A_476 : vector<16xi1>, vector<16xi32>
              %broadcast_in_dim3A_478 = vector.shape_cast %broadcast_in_dim3A_5 : vector<16xi32> to vector<16x1xi32>
              %gather3A_479 = vector.shape_cast %broadcast_in_dim3A_478 : vector<16x1xi32> to vector<16xi32>
              %gather3A_480 = tpu.dynamic_gather %select_n3A_475[%gather3A_479] in [0] : vector<16xf32>, vector<16xi32> -> vector<16xf32>
              %min3A_481 = arith.minimumf %max3A_157, %gather3A_480 : vector<16xf32>
              %ne3A = arith.cmpi ne, %iota3A, %all_reduce_ffs3A : vector<16xi32>
              %and3A_482 = arith.andi %while3A_452, %ne3A : vector<16xi1>
              %le3A_483 = arith.cmpf ole, %get3A_342, %min3A_481 : vector<16xf32>
              %and3A_484 = arith.andi %and3A_482, %le3A_483 : vector<16xi1>
              scf.yield %select_n3A_475, %select_n3A_477, %min3A_481, %and3A_484 : vector<16xf32>, vector<16xi32>, vector<16xf32>, vector<16xi1>
            }
            %add3A_443 = arith.constant 48 : i32
            %add3A_444 = arith.addi %mul3A_325, %add3A_443 : i32
            %add3A_445 = vector.broadcast %add3A_444 : i32 to vector<16xi32>
            %add3A_446 = arith.addi %iota3A, %add3A_445 : vector<16xi32>
            %le3A_447 = arith.cmpf ole, %get3A_348, %while3A_442#2 : vector<16xf32>
            %while3A_448:4 = scf.while (%while3A_449 = %while3A_442#0, %while3A_450 = %while3A_442#1, %while3A_451 = %while3A_442#2, %while3A_452 = %le3A_447) : (vector<16xf32>, vector<16xi32>, vector<16xf32>, vector<16xi1>) -> (vector<16xf32>, vector<16xi32>, vector<16xf32>, vector<16xi1>) {
              %all_reduce_population_count3A_453 = tpu.all_reduce %while3A_452 {dim = 0 : i64, kind = #tpu.reduction_kind<sum>} : vector<16xi1> -> vector<16xi32>
              %slice3A_454 = vector.extract_strided_slice %all_reduce_population_count3A_453 {offsets = [0], sizes = [1], strides = [1]} : vector<16xi32> to vector<1xi32>
              %squeeze3A_455 = vector.extract %slice3A_454[0] : i32 from vector<1xi32>
              %gt3A_456 = arith.constant 0 : i32
              %gt3A_457 = arith.cmpi sgt, %squeeze3A_455, %gt3A_456 : i32
              scf.condition(%gt3A_457) %while3A_449, %while3A_450, %while3A_451, %while3A_452 : vector<16xf32>, vector<16xi32>, vector<16xf32>, vector<16xi1>
            } do {
            ^bb0(%while3A_449: vector<16xf32>, %while3A_450: vector<16xi32>, %while3A_451: vector<16xf32>, %while3A_452: vector<16xi1>):
              %all_reduce_ffs3A = tpu.all_reduce %while3A_452 {dim = 0 : i64, kind = #tpu.reduction_kind<find_first_set>} : vector<16xi1> -> vector<16xi32>
              %broadcast_in_dim3A_453 = vector.shape_cast %all_reduce_ffs3A : vector<16xi32> to vector<16x1xi32>
              %gather3A_454 = vector.shape_cast %broadcast_in_dim3A_453 : vector<16x1xi32> to vector<16xi32>
              %gather3A_455 = tpu.dynamic_gather %get3A_348[%gather3A_454] in [0] : vector<16xf32>, vector<16xi32> -> vector<16xf32>
              %le3A_456 = arith.constant 8.000000e-01 : f32
              %le3A_457 = vector.broadcast %le3A_456 : f32 to vector<16xf32>
              %le3A_458 = arith.cmpf ole, %gather3A_455, %le3A_457 : vector<16xf32>
              %jit3A = arith.constant 0x7F800000 : f32
              %broadcast_in_dim3A_459 = vector.broadcast %jit3A : f32 to vector<16xf32>
              %select_n3A = arith.select %le3A_458, %gather3A_455, %broadcast_in_dim3A_459 : vector<16xi1>, vector<16xf32>
              %broadcast_in_dim3A_460 = vector.shape_cast %all_reduce_ffs3A : vector<16xi32> to vector<16x1xi32>
              %gather3A_461 = vector.shape_cast %broadcast_in_dim3A_460 : vector<16x1xi32> to vector<16xi32>
              %gather3A_462 = tpu.dynamic_gather %add3A_446[%gather3A_461] in [0] : vector<16xi32>, vector<16xi32> -> vector<16xi32>
              %lt3A = arith.cmpf olt, %while3A_449, %select_n3A : vector<16xf32>
              %eq3A = arith.cmpf oeq, %while3A_449, %select_n3A : vector<16xf32>
              %lt3A_463 = arith.cmpi slt, %while3A_450, %gather3A_462 : vector<16xi32>
              %and3A = arith.andi %eq3A, %lt3A_463 : vector<16xi1>
              %or3A_464 = arith.ori %lt3A, %and3A : vector<16xi1>
              %all_reduce_population_count3A_465 = tpu.all_reduce %or3A_464 {dim = 0 : i64, kind = #tpu.reduction_kind<sum>} : vector<16xi1> -> vector<16xi32>
              %broadcast_in_dim3A_466 = vector.shape_cast %max3A_13 : vector<16xi32> to vector<16x1xi32>
              %gather3A_467 = vector.shape_cast %broadcast_in_dim3A_466 : vector<16x1xi32> to vector<16xi32>
              %gather3A_468 = tpu.dynamic_gather %while3A_449[%gather3A_467] in [0] : vector<16xf32>, vector<16xi32> -> vector<16xf32>
              %broadcast_in_dim3A_469 = vector.shape_cast %max3A_13 : vector<16xi32> to vector<16x1xi32>
              %gather3A_470 = vector.shape_cast %broadcast_in_dim3A_469 : vector<16x1xi32> to vector<16xi32>
              %gather3A_471 = tpu.dynamic_gather %while3A_450[%gather3A_470] in [0] : vector<16xi32>, vector<16xi32> -> vector<16xi32>
              %lt3A_472 = arith.cmpi slt, %iota3A, %all_reduce_population_count3A_465 : vector<16xi32>
              %eq3A_473 = arith.cmpi eq, %iota3A, %all_reduce_population_count3A_465 : vector<16xi32>
              %select_n3A_474 = arith.select %eq3A_473, %select_n3A, %gather3A_468 : vector<16xi1>, vector<16xf32>
              %select_n3A_475 = arith.select %lt3A_472, %while3A_449, %select_n3A_474 : vector<16xi1>, vector<16xf32>
              %select_n3A_476 = arith.select %eq3A_473, %gather3A_462, %gather3A_471 : vector<16xi1>, vector<16xi32>
              %select_n3A_477 = arith.select %lt3A_472, %while3A_450, %select_n3A_476 : vector<16xi1>, vector<16xi32>
              %broadcast_in_dim3A_478 = vector.shape_cast %broadcast_in_dim3A_5 : vector<16xi32> to vector<16x1xi32>
              %gather3A_479 = vector.shape_cast %broadcast_in_dim3A_478 : vector<16x1xi32> to vector<16xi32>
              %gather3A_480 = tpu.dynamic_gather %select_n3A_475[%gather3A_479] in [0] : vector<16xf32>, vector<16xi32> -> vector<16xf32>
              %min3A_481 = arith.minimumf %max3A_157, %gather3A_480 : vector<16xf32>
              %ne3A = arith.cmpi ne, %iota3A, %all_reduce_ffs3A : vector<16xi32>
              %and3A_482 = arith.andi %while3A_452, %ne3A : vector<16xi1>
              %le3A_483 = arith.cmpf ole, %get3A_348, %min3A_481 : vector<16xf32>
              %and3A_484 = arith.andi %and3A_482, %le3A_483 : vector<16xi1>
              scf.yield %select_n3A_475, %select_n3A_477, %min3A_481, %and3A_484 : vector<16xf32>, vector<16xi32>, vector<16xf32>, vector<16xi1>
            }
            scf.yield %while3A_448#0, %while3A_448#1, %while3A_448#2 : vector<16xf32>, vector<16xi32>, vector<16xf32>
          } else {
            scf.yield %scan3A_321, %scan3A_322, %scan3A_323 : vector<16xf32>, vector<16xi32>, vector<16xf32>
          }
          %le3A_410 = arith.cmpf ole, %get3A_354, %cond3A_409#2 : vector<16xf32>
          %le3A_411 = arith.cmpf ole, %get3A_360, %cond3A_409#2 : vector<16xf32>
          %or3A_412 = arith.ori %le3A_410, %le3A_411 : vector<16xi1>
          %le3A_413 = arith.cmpf ole, %get3A_366, %cond3A_409#2 : vector<16xf32>
          %or3A_414 = arith.ori %or3A_412, %le3A_413 : vector<16xi1>
          %le3A_415 = arith.cmpf ole, %get3A_372, %cond3A_409#2 : vector<16xf32>
          %or3A_416 = arith.ori %or3A_414, %le3A_415 : vector<16xi1>
          %all_reduce_population_count3A_417 = tpu.all_reduce %or3A_416 {dim = 0 : i64, kind = #tpu.reduction_kind<sum>} : vector<16xi1> -> vector<16xi32>
          %slice3A_418 = vector.extract_strided_slice %all_reduce_population_count3A_417 {offsets = [0], sizes = [1], strides = [1]} : vector<16xi32> to vector<1xi32>
          %squeeze3A_419 = vector.extract %slice3A_418[0] : i32 from vector<1xi32>
          %gt3A_420 = arith.constant 0 : i32
          %gt3A_421 = arith.cmpi sgt, %squeeze3A_419, %gt3A_420 : i32
          %convert_element_type3A_422 = arith.extui %gt3A_421 : i1 to i32
          %cond3A_423 = arith.constant 0 : i32
          %cond3A_424 = arith.cmpi ne, %convert_element_type3A_422, %cond3A_423 : i32
          %cond3A_425:3 = scf.if %cond3A_424 -> (vector<16xf32>, vector<16xi32>, vector<16xf32>) {
            %add3A_426 = arith.constant 64 : i32
            %add3A_427 = arith.addi %mul3A_325, %add3A_426 : i32
            %add3A_428 = vector.broadcast %add3A_427 : i32 to vector<16xi32>
            %add3A_429 = arith.addi %iota3A, %add3A_428 : vector<16xi32>
            %le3A_430 = arith.cmpf ole, %get3A_354, %cond3A_409#2 : vector<16xf32>
            %while3A:4 = scf.while (%while3A_449 = %cond3A_409#0, %while3A_450 = %cond3A_409#1, %while3A_451 = %cond3A_409#2, %while3A_452 = %le3A_430) : (vector<16xf32>, vector<16xi32>, vector<16xf32>, vector<16xi1>) -> (vector<16xf32>, vector<16xi32>, vector<16xf32>, vector<16xi1>) {
              %all_reduce_population_count3A_453 = tpu.all_reduce %while3A_452 {dim = 0 : i64, kind = #tpu.reduction_kind<sum>} : vector<16xi1> -> vector<16xi32>
              %slice3A_454 = vector.extract_strided_slice %all_reduce_population_count3A_453 {offsets = [0], sizes = [1], strides = [1]} : vector<16xi32> to vector<1xi32>
              %squeeze3A_455 = vector.extract %slice3A_454[0] : i32 from vector<1xi32>
              %gt3A_456 = arith.constant 0 : i32
              %gt3A_457 = arith.cmpi sgt, %squeeze3A_455, %gt3A_456 : i32
              scf.condition(%gt3A_457) %while3A_449, %while3A_450, %while3A_451, %while3A_452 : vector<16xf32>, vector<16xi32>, vector<16xf32>, vector<16xi1>
            } do {
            ^bb0(%while3A_449: vector<16xf32>, %while3A_450: vector<16xi32>, %while3A_451: vector<16xf32>, %while3A_452: vector<16xi1>):
              %all_reduce_ffs3A = tpu.all_reduce %while3A_452 {dim = 0 : i64, kind = #tpu.reduction_kind<find_first_set>} : vector<16xi1> -> vector<16xi32>
              %broadcast_in_dim3A_453 = vector.shape_cast %all_reduce_ffs3A : vector<16xi32> to vector<16x1xi32>
              %gather3A_454 = vector.shape_cast %broadcast_in_dim3A_453 : vector<16x1xi32> to vector<16xi32>
              %gather3A_455 = tpu.dynamic_gather %get3A_354[%gather3A_454] in [0] : vector<16xf32>, vector<16xi32> -> vector<16xf32>
              %le3A_456 = arith.constant 8.000000e-01 : f32
              %le3A_457 = vector.broadcast %le3A_456 : f32 to vector<16xf32>
              %le3A_458 = arith.cmpf ole, %gather3A_455, %le3A_457 : vector<16xf32>
              %jit3A = arith.constant 0x7F800000 : f32
              %broadcast_in_dim3A_459 = vector.broadcast %jit3A : f32 to vector<16xf32>
              %select_n3A = arith.select %le3A_458, %gather3A_455, %broadcast_in_dim3A_459 : vector<16xi1>, vector<16xf32>
              %broadcast_in_dim3A_460 = vector.shape_cast %all_reduce_ffs3A : vector<16xi32> to vector<16x1xi32>
              %gather3A_461 = vector.shape_cast %broadcast_in_dim3A_460 : vector<16x1xi32> to vector<16xi32>
              %gather3A_462 = tpu.dynamic_gather %add3A_429[%gather3A_461] in [0] : vector<16xi32>, vector<16xi32> -> vector<16xi32>
              %lt3A = arith.cmpf olt, %while3A_449, %select_n3A : vector<16xf32>
              %eq3A = arith.cmpf oeq, %while3A_449, %select_n3A : vector<16xf32>
              %lt3A_463 = arith.cmpi slt, %while3A_450, %gather3A_462 : vector<16xi32>
              %and3A = arith.andi %eq3A, %lt3A_463 : vector<16xi1>
              %or3A_464 = arith.ori %lt3A, %and3A : vector<16xi1>
              %all_reduce_population_count3A_465 = tpu.all_reduce %or3A_464 {dim = 0 : i64, kind = #tpu.reduction_kind<sum>} : vector<16xi1> -> vector<16xi32>
              %broadcast_in_dim3A_466 = vector.shape_cast %max3A_13 : vector<16xi32> to vector<16x1xi32>
              %gather3A_467 = vector.shape_cast %broadcast_in_dim3A_466 : vector<16x1xi32> to vector<16xi32>
              %gather3A_468 = tpu.dynamic_gather %while3A_449[%gather3A_467] in [0] : vector<16xf32>, vector<16xi32> -> vector<16xf32>
              %broadcast_in_dim3A_469 = vector.shape_cast %max3A_13 : vector<16xi32> to vector<16x1xi32>
              %gather3A_470 = vector.shape_cast %broadcast_in_dim3A_469 : vector<16x1xi32> to vector<16xi32>
              %gather3A_471 = tpu.dynamic_gather %while3A_450[%gather3A_470] in [0] : vector<16xi32>, vector<16xi32> -> vector<16xi32>
              %lt3A_472 = arith.cmpi slt, %iota3A, %all_reduce_population_count3A_465 : vector<16xi32>
              %eq3A_473 = arith.cmpi eq, %iota3A, %all_reduce_population_count3A_465 : vector<16xi32>
              %select_n3A_474 = arith.select %eq3A_473, %select_n3A, %gather3A_468 : vector<16xi1>, vector<16xf32>
              %select_n3A_475 = arith.select %lt3A_472, %while3A_449, %select_n3A_474 : vector<16xi1>, vector<16xf32>
              %select_n3A_476 = arith.select %eq3A_473, %gather3A_462, %gather3A_471 : vector<16xi1>, vector<16xi32>
              %select_n3A_477 = arith.select %lt3A_472, %while3A_450, %select_n3A_476 : vector<16xi1>, vector<16xi32>
              %broadcast_in_dim3A_478 = vector.shape_cast %broadcast_in_dim3A_5 : vector<16xi32> to vector<16x1xi32>
              %gather3A_479 = vector.shape_cast %broadcast_in_dim3A_478 : vector<16x1xi32> to vector<16xi32>
              %gather3A_480 = tpu.dynamic_gather %select_n3A_475[%gather3A_479] in [0] : vector<16xf32>, vector<16xi32> -> vector<16xf32>
              %min3A_481 = arith.minimumf %max3A_157, %gather3A_480 : vector<16xf32>
              %ne3A = arith.cmpi ne, %iota3A, %all_reduce_ffs3A : vector<16xi32>
              %and3A_482 = arith.andi %while3A_452, %ne3A : vector<16xi1>
              %le3A_483 = arith.cmpf ole, %get3A_354, %min3A_481 : vector<16xf32>
              %and3A_484 = arith.andi %and3A_482, %le3A_483 : vector<16xi1>
              scf.yield %select_n3A_475, %select_n3A_477, %min3A_481, %and3A_484 : vector<16xf32>, vector<16xi32>, vector<16xf32>, vector<16xi1>
            }
            %add3A_431 = arith.constant 80 : i32
            %add3A_432 = arith.addi %mul3A_325, %add3A_431 : i32
            %add3A_433 = vector.broadcast %add3A_432 : i32 to vector<16xi32>
            %add3A_434 = arith.addi %iota3A, %add3A_433 : vector<16xi32>
            %le3A_435 = arith.cmpf ole, %get3A_360, %while3A#2 : vector<16xf32>
            %while3A_436:4 = scf.while (%while3A_449 = %while3A#0, %while3A_450 = %while3A#1, %while3A_451 = %while3A#2, %while3A_452 = %le3A_435) : (vector<16xf32>, vector<16xi32>, vector<16xf32>, vector<16xi1>) -> (vector<16xf32>, vector<16xi32>, vector<16xf32>, vector<16xi1>) {
              %all_reduce_population_count3A_453 = tpu.all_reduce %while3A_452 {dim = 0 : i64, kind = #tpu.reduction_kind<sum>} : vector<16xi1> -> vector<16xi32>
              %slice3A_454 = vector.extract_strided_slice %all_reduce_population_count3A_453 {offsets = [0], sizes = [1], strides = [1]} : vector<16xi32> to vector<1xi32>
              %squeeze3A_455 = vector.extract %slice3A_454[0] : i32 from vector<1xi32>
              %gt3A_456 = arith.constant 0 : i32
              %gt3A_457 = arith.cmpi sgt, %squeeze3A_455, %gt3A_456 : i32
              scf.condition(%gt3A_457) %while3A_449, %while3A_450, %while3A_451, %while3A_452 : vector<16xf32>, vector<16xi32>, vector<16xf32>, vector<16xi1>
            } do {
            ^bb0(%while3A_449: vector<16xf32>, %while3A_450: vector<16xi32>, %while3A_451: vector<16xf32>, %while3A_452: vector<16xi1>):
              %all_reduce_ffs3A = tpu.all_reduce %while3A_452 {dim = 0 : i64, kind = #tpu.reduction_kind<find_first_set>} : vector<16xi1> -> vector<16xi32>
              %broadcast_in_dim3A_453 = vector.shape_cast %all_reduce_ffs3A : vector<16xi32> to vector<16x1xi32>
              %gather3A_454 = vector.shape_cast %broadcast_in_dim3A_453 : vector<16x1xi32> to vector<16xi32>
              %gather3A_455 = tpu.dynamic_gather %get3A_360[%gather3A_454] in [0] : vector<16xf32>, vector<16xi32> -> vector<16xf32>
              %le3A_456 = arith.constant 8.000000e-01 : f32
              %le3A_457 = vector.broadcast %le3A_456 : f32 to vector<16xf32>
              %le3A_458 = arith.cmpf ole, %gather3A_455, %le3A_457 : vector<16xf32>
              %jit3A = arith.constant 0x7F800000 : f32
              %broadcast_in_dim3A_459 = vector.broadcast %jit3A : f32 to vector<16xf32>
              %select_n3A = arith.select %le3A_458, %gather3A_455, %broadcast_in_dim3A_459 : vector<16xi1>, vector<16xf32>
              %broadcast_in_dim3A_460 = vector.shape_cast %all_reduce_ffs3A : vector<16xi32> to vector<16x1xi32>
              %gather3A_461 = vector.shape_cast %broadcast_in_dim3A_460 : vector<16x1xi32> to vector<16xi32>
              %gather3A_462 = tpu.dynamic_gather %add3A_434[%gather3A_461] in [0] : vector<16xi32>, vector<16xi32> -> vector<16xi32>
              %lt3A = arith.cmpf olt, %while3A_449, %select_n3A : vector<16xf32>
              %eq3A = arith.cmpf oeq, %while3A_449, %select_n3A : vector<16xf32>
              %lt3A_463 = arith.cmpi slt, %while3A_450, %gather3A_462 : vector<16xi32>
              %and3A = arith.andi %eq3A, %lt3A_463 : vector<16xi1>
              %or3A_464 = arith.ori %lt3A, %and3A : vector<16xi1>
              %all_reduce_population_count3A_465 = tpu.all_reduce %or3A_464 {dim = 0 : i64, kind = #tpu.reduction_kind<sum>} : vector<16xi1> -> vector<16xi32>
              %broadcast_in_dim3A_466 = vector.shape_cast %max3A_13 : vector<16xi32> to vector<16x1xi32>
              %gather3A_467 = vector.shape_cast %broadcast_in_dim3A_466 : vector<16x1xi32> to vector<16xi32>
              %gather3A_468 = tpu.dynamic_gather %while3A_449[%gather3A_467] in [0] : vector<16xf32>, vector<16xi32> -> vector<16xf32>
              %broadcast_in_dim3A_469 = vector.shape_cast %max3A_13 : vector<16xi32> to vector<16x1xi32>
              %gather3A_470 = vector.shape_cast %broadcast_in_dim3A_469 : vector<16x1xi32> to vector<16xi32>
              %gather3A_471 = tpu.dynamic_gather %while3A_450[%gather3A_470] in [0] : vector<16xi32>, vector<16xi32> -> vector<16xi32>
              %lt3A_472 = arith.cmpi slt, %iota3A, %all_reduce_population_count3A_465 : vector<16xi32>
              %eq3A_473 = arith.cmpi eq, %iota3A, %all_reduce_population_count3A_465 : vector<16xi32>
              %select_n3A_474 = arith.select %eq3A_473, %select_n3A, %gather3A_468 : vector<16xi1>, vector<16xf32>
              %select_n3A_475 = arith.select %lt3A_472, %while3A_449, %select_n3A_474 : vector<16xi1>, vector<16xf32>
              %select_n3A_476 = arith.select %eq3A_473, %gather3A_462, %gather3A_471 : vector<16xi1>, vector<16xi32>
              %select_n3A_477 = arith.select %lt3A_472, %while3A_450, %select_n3A_476 : vector<16xi1>, vector<16xi32>
              %broadcast_in_dim3A_478 = vector.shape_cast %broadcast_in_dim3A_5 : vector<16xi32> to vector<16x1xi32>
              %gather3A_479 = vector.shape_cast %broadcast_in_dim3A_478 : vector<16x1xi32> to vector<16xi32>
              %gather3A_480 = tpu.dynamic_gather %select_n3A_475[%gather3A_479] in [0] : vector<16xf32>, vector<16xi32> -> vector<16xf32>
              %min3A_481 = arith.minimumf %max3A_157, %gather3A_480 : vector<16xf32>
              %ne3A = arith.cmpi ne, %iota3A, %all_reduce_ffs3A : vector<16xi32>
              %and3A_482 = arith.andi %while3A_452, %ne3A : vector<16xi1>
              %le3A_483 = arith.cmpf ole, %get3A_360, %min3A_481 : vector<16xf32>
              %and3A_484 = arith.andi %and3A_482, %le3A_483 : vector<16xi1>
              scf.yield %select_n3A_475, %select_n3A_477, %min3A_481, %and3A_484 : vector<16xf32>, vector<16xi32>, vector<16xf32>, vector<16xi1>
            }
            %add3A_437 = arith.constant 96 : i32
            %add3A_438 = arith.addi %mul3A_325, %add3A_437 : i32
            %add3A_439 = vector.broadcast %add3A_438 : i32 to vector<16xi32>
            %add3A_440 = arith.addi %iota3A, %add3A_439 : vector<16xi32>
            %le3A_441 = arith.cmpf ole, %get3A_366, %while3A_436#2 : vector<16xf32>
            %while3A_442:4 = scf.while (%while3A_449 = %while3A_436#0, %while3A_450 = %while3A_436#1, %while3A_451 = %while3A_436#2, %while3A_452 = %le3A_441) : (vector<16xf32>, vector<16xi32>, vector<16xf32>, vector<16xi1>) -> (vector<16xf32>, vector<16xi32>, vector<16xf32>, vector<16xi1>) {
              %all_reduce_population_count3A_453 = tpu.all_reduce %while3A_452 {dim = 0 : i64, kind = #tpu.reduction_kind<sum>} : vector<16xi1> -> vector<16xi32>
              %slice3A_454 = vector.extract_strided_slice %all_reduce_population_count3A_453 {offsets = [0], sizes = [1], strides = [1]} : vector<16xi32> to vector<1xi32>
              %squeeze3A_455 = vector.extract %slice3A_454[0] : i32 from vector<1xi32>
              %gt3A_456 = arith.constant 0 : i32
              %gt3A_457 = arith.cmpi sgt, %squeeze3A_455, %gt3A_456 : i32
              scf.condition(%gt3A_457) %while3A_449, %while3A_450, %while3A_451, %while3A_452 : vector<16xf32>, vector<16xi32>, vector<16xf32>, vector<16xi1>
            } do {
            ^bb0(%while3A_449: vector<16xf32>, %while3A_450: vector<16xi32>, %while3A_451: vector<16xf32>, %while3A_452: vector<16xi1>):
              %all_reduce_ffs3A = tpu.all_reduce %while3A_452 {dim = 0 : i64, kind = #tpu.reduction_kind<find_first_set>} : vector<16xi1> -> vector<16xi32>
              %broadcast_in_dim3A_453 = vector.shape_cast %all_reduce_ffs3A : vector<16xi32> to vector<16x1xi32>
              %gather3A_454 = vector.shape_cast %broadcast_in_dim3A_453 : vector<16x1xi32> to vector<16xi32>
              %gather3A_455 = tpu.dynamic_gather %get3A_366[%gather3A_454] in [0] : vector<16xf32>, vector<16xi32> -> vector<16xf32>
              %le3A_456 = arith.constant 8.000000e-01 : f32
              %le3A_457 = vector.broadcast %le3A_456 : f32 to vector<16xf32>
              %le3A_458 = arith.cmpf ole, %gather3A_455, %le3A_457 : vector<16xf32>
              %jit3A = arith.constant 0x7F800000 : f32
              %broadcast_in_dim3A_459 = vector.broadcast %jit3A : f32 to vector<16xf32>
              %select_n3A = arith.select %le3A_458, %gather3A_455, %broadcast_in_dim3A_459 : vector<16xi1>, vector<16xf32>
              %broadcast_in_dim3A_460 = vector.shape_cast %all_reduce_ffs3A : vector<16xi32> to vector<16x1xi32>
              %gather3A_461 = vector.shape_cast %broadcast_in_dim3A_460 : vector<16x1xi32> to vector<16xi32>
              %gather3A_462 = tpu.dynamic_gather %add3A_440[%gather3A_461] in [0] : vector<16xi32>, vector<16xi32> -> vector<16xi32>
              %lt3A = arith.cmpf olt, %while3A_449, %select_n3A : vector<16xf32>
              %eq3A = arith.cmpf oeq, %while3A_449, %select_n3A : vector<16xf32>
              %lt3A_463 = arith.cmpi slt, %while3A_450, %gather3A_462 : vector<16xi32>
              %and3A = arith.andi %eq3A, %lt3A_463 : vector<16xi1>
              %or3A_464 = arith.ori %lt3A, %and3A : vector<16xi1>
              %all_reduce_population_count3A_465 = tpu.all_reduce %or3A_464 {dim = 0 : i64, kind = #tpu.reduction_kind<sum>} : vector<16xi1> -> vector<16xi32>
              %broadcast_in_dim3A_466 = vector.shape_cast %max3A_13 : vector<16xi32> to vector<16x1xi32>
              %gather3A_467 = vector.shape_cast %broadcast_in_dim3A_466 : vector<16x1xi32> to vector<16xi32>
              %gather3A_468 = tpu.dynamic_gather %while3A_449[%gather3A_467] in [0] : vector<16xf32>, vector<16xi32> -> vector<16xf32>
              %broadcast_in_dim3A_469 = vector.shape_cast %max3A_13 : vector<16xi32> to vector<16x1xi32>
              %gather3A_470 = vector.shape_cast %broadcast_in_dim3A_469 : vector<16x1xi32> to vector<16xi32>
              %gather3A_471 = tpu.dynamic_gather %while3A_450[%gather3A_470] in [0] : vector<16xi32>, vector<16xi32> -> vector<16xi32>
              %lt3A_472 = arith.cmpi slt, %iota3A, %all_reduce_population_count3A_465 : vector<16xi32>
              %eq3A_473 = arith.cmpi eq, %iota3A, %all_reduce_population_count3A_465 : vector<16xi32>
              %select_n3A_474 = arith.select %eq3A_473, %select_n3A, %gather3A_468 : vector<16xi1>, vector<16xf32>
              %select_n3A_475 = arith.select %lt3A_472, %while3A_449, %select_n3A_474 : vector<16xi1>, vector<16xf32>
              %select_n3A_476 = arith.select %eq3A_473, %gather3A_462, %gather3A_471 : vector<16xi1>, vector<16xi32>
              %select_n3A_477 = arith.select %lt3A_472, %while3A_450, %select_n3A_476 : vector<16xi1>, vector<16xi32>
              %broadcast_in_dim3A_478 = vector.shape_cast %broadcast_in_dim3A_5 : vector<16xi32> to vector<16x1xi32>
              %gather3A_479 = vector.shape_cast %broadcast_in_dim3A_478 : vector<16x1xi32> to vector<16xi32>
              %gather3A_480 = tpu.dynamic_gather %select_n3A_475[%gather3A_479] in [0] : vector<16xf32>, vector<16xi32> -> vector<16xf32>
              %min3A_481 = arith.minimumf %max3A_157, %gather3A_480 : vector<16xf32>
              %ne3A = arith.cmpi ne, %iota3A, %all_reduce_ffs3A : vector<16xi32>
              %and3A_482 = arith.andi %while3A_452, %ne3A : vector<16xi1>
              %le3A_483 = arith.cmpf ole, %get3A_366, %min3A_481 : vector<16xf32>
              %and3A_484 = arith.andi %and3A_482, %le3A_483 : vector<16xi1>
              scf.yield %select_n3A_475, %select_n3A_477, %min3A_481, %and3A_484 : vector<16xf32>, vector<16xi32>, vector<16xf32>, vector<16xi1>
            }
            %add3A_443 = arith.constant 112 : i32
            %add3A_444 = arith.addi %mul3A_325, %add3A_443 : i32
            %add3A_445 = vector.broadcast %add3A_444 : i32 to vector<16xi32>
            %add3A_446 = arith.addi %iota3A, %add3A_445 : vector<16xi32>
            %le3A_447 = arith.cmpf ole, %get3A_372, %while3A_442#2 : vector<16xf32>
            %while3A_448:4 = scf.while (%while3A_449 = %while3A_442#0, %while3A_450 = %while3A_442#1, %while3A_451 = %while3A_442#2, %while3A_452 = %le3A_447) : (vector<16xf32>, vector<16xi32>, vector<16xf32>, vector<16xi1>) -> (vector<16xf32>, vector<16xi32>, vector<16xf32>, vector<16xi1>) {
              %all_reduce_population_count3A_453 = tpu.all_reduce %while3A_452 {dim = 0 : i64, kind = #tpu.reduction_kind<sum>} : vector<16xi1> -> vector<16xi32>
              %slice3A_454 = vector.extract_strided_slice %all_reduce_population_count3A_453 {offsets = [0], sizes = [1], strides = [1]} : vector<16xi32> to vector<1xi32>
              %squeeze3A_455 = vector.extract %slice3A_454[0] : i32 from vector<1xi32>
              %gt3A_456 = arith.constant 0 : i32
              %gt3A_457 = arith.cmpi sgt, %squeeze3A_455, %gt3A_456 : i32
              scf.condition(%gt3A_457) %while3A_449, %while3A_450, %while3A_451, %while3A_452 : vector<16xf32>, vector<16xi32>, vector<16xf32>, vector<16xi1>
            } do {
            ^bb0(%while3A_449: vector<16xf32>, %while3A_450: vector<16xi32>, %while3A_451: vector<16xf32>, %while3A_452: vector<16xi1>):
              %all_reduce_ffs3A = tpu.all_reduce %while3A_452 {dim = 0 : i64, kind = #tpu.reduction_kind<find_first_set>} : vector<16xi1> -> vector<16xi32>
              %broadcast_in_dim3A_453 = vector.shape_cast %all_reduce_ffs3A : vector<16xi32> to vector<16x1xi32>
              %gather3A_454 = vector.shape_cast %broadcast_in_dim3A_453 : vector<16x1xi32> to vector<16xi32>
              %gather3A_455 = tpu.dynamic_gather %get3A_372[%gather3A_454] in [0] : vector<16xf32>, vector<16xi32> -> vector<16xf32>
              %le3A_456 = arith.constant 8.000000e-01 : f32
              %le3A_457 = vector.broadcast %le3A_456 : f32 to vector<16xf32>
              %le3A_458 = arith.cmpf ole, %gather3A_455, %le3A_457 : vector<16xf32>
              %jit3A = arith.constant 0x7F800000 : f32
              %broadcast_in_dim3A_459 = vector.broadcast %jit3A : f32 to vector<16xf32>
              %select_n3A = arith.select %le3A_458, %gather3A_455, %broadcast_in_dim3A_459 : vector<16xi1>, vector<16xf32>
              %broadcast_in_dim3A_460 = vector.shape_cast %all_reduce_ffs3A : vector<16xi32> to vector<16x1xi32>
              %gather3A_461 = vector.shape_cast %broadcast_in_dim3A_460 : vector<16x1xi32> to vector<16xi32>
              %gather3A_462 = tpu.dynamic_gather %add3A_446[%gather3A_461] in [0] : vector<16xi32>, vector<16xi32> -> vector<16xi32>
              %lt3A = arith.cmpf olt, %while3A_449, %select_n3A : vector<16xf32>
              %eq3A = arith.cmpf oeq, %while3A_449, %select_n3A : vector<16xf32>
              %lt3A_463 = arith.cmpi slt, %while3A_450, %gather3A_462 : vector<16xi32>
              %and3A = arith.andi %eq3A, %lt3A_463 : vector<16xi1>
              %or3A_464 = arith.ori %lt3A, %and3A : vector<16xi1>
              %all_reduce_population_count3A_465 = tpu.all_reduce %or3A_464 {dim = 0 : i64, kind = #tpu.reduction_kind<sum>} : vector<16xi1> -> vector<16xi32>
              %broadcast_in_dim3A_466 = vector.shape_cast %max3A_13 : vector<16xi32> to vector<16x1xi32>
              %gather3A_467 = vector.shape_cast %broadcast_in_dim3A_466 : vector<16x1xi32> to vector<16xi32>
              %gather3A_468 = tpu.dynamic_gather %while3A_449[%gather3A_467] in [0] : vector<16xf32>, vector<16xi32> -> vector<16xf32>
              %broadcast_in_dim3A_469 = vector.shape_cast %max3A_13 : vector<16xi32> to vector<16x1xi32>
              %gather3A_470 = vector.shape_cast %broadcast_in_dim3A_469 : vector<16x1xi32> to vector<16xi32>
              %gather3A_471 = tpu.dynamic_gather %while3A_450[%gather3A_470] in [0] : vector<16xi32>, vector<16xi32> -> vector<16xi32>
              %lt3A_472 = arith.cmpi slt, %iota3A, %all_reduce_population_count3A_465 : vector<16xi32>
              %eq3A_473 = arith.cmpi eq, %iota3A, %all_reduce_population_count3A_465 : vector<16xi32>
              %select_n3A_474 = arith.select %eq3A_473, %select_n3A, %gather3A_468 : vector<16xi1>, vector<16xf32>
              %select_n3A_475 = arith.select %lt3A_472, %while3A_449, %select_n3A_474 : vector<16xi1>, vector<16xf32>
              %select_n3A_476 = arith.select %eq3A_473, %gather3A_462, %gather3A_471 : vector<16xi1>, vector<16xi32>
              %select_n3A_477 = arith.select %lt3A_472, %while3A_450, %select_n3A_476 : vector<16xi1>, vector<16xi32>
              %broadcast_in_dim3A_478 = vector.shape_cast %broadcast_in_dim3A_5 : vector<16xi32> to vector<16x1xi32>
              %gather3A_479 = vector.shape_cast %broadcast_in_dim3A_478 : vector<16x1xi32> to vector<16xi32>
              %gather3A_480 = tpu.dynamic_gather %select_n3A_475[%gather3A_479] in [0] : vector<16xf32>, vector<16xi32> -> vector<16xf32>
              %min3A_481 = arith.minimumf %max3A_157, %gather3A_480 : vector<16xf32>
              %ne3A = arith.cmpi ne, %iota3A, %all_reduce_ffs3A : vector<16xi32>
              %and3A_482 = arith.andi %while3A_452, %ne3A : vector<16xi1>
              %le3A_483 = arith.cmpf ole, %get3A_372, %min3A_481 : vector<16xf32>
              %and3A_484 = arith.andi %and3A_482, %le3A_483 : vector<16xi1>
              scf.yield %select_n3A_475, %select_n3A_477, %min3A_481, %and3A_484 : vector<16xf32>, vector<16xi32>, vector<16xf32>, vector<16xi1>
            }
            scf.yield %while3A_448#0, %while3A_448#1, %while3A_448#2 : vector<16xf32>, vector<16xi32>, vector<16xf32>
          } else {
            scf.yield %cond3A_409#0, %cond3A_409#1, %cond3A_409#2 : vector<16xf32>, vector<16xi32>, vector<16xf32>
          }
          scf.yield %cond3A_425#0, %cond3A_425#1, %cond3A_425#2 : vector<16xf32>, vector<16xi32>, vector<16xf32>
        } else {
          scf.yield %scan3A_321, %scan3A_322, %scan3A_323 : vector<16xf32>, vector<16xi32>, vector<16xf32>
        }
        scf.yield %cond3A_393#0, %cond3A_393#1, %cond3A_393#2 : vector<16xf32>, vector<16xi32>, vector<16xf32>
      }
      %scan3A_163 = arith.constant 32 : i32
      %broadcast_in_dim3A_164 = vector.shape_cast %broadcast_in_dim3A_5 : vector<16xi32> to vector<16x1xi32>
      %gather3A_165 = vector.shape_cast %broadcast_in_dim3A_164 : vector<16x1xi32> to vector<16xi32>
      %gather3A_166 = tpu.dynamic_gather %scan3A_162#0[%gather3A_165] in [0] : vector<16xf32>, vector<16xi32> -> vector<16xf32>
      %slice3A = vector.extract_strided_slice %gather3A_166 {offsets = [0], sizes = [1], strides = [1]} : vector<16xf32> to vector<1xf32>
      %squeeze3A = vector.extract %slice3A[0] : f32 from vector<1xf32>
      %gt3A = arith.constant 8.000000e-01 : f32
      %gt3A_167 = arith.cmpf ogt, %squeeze3A, %gt3A : f32
      %convert_element_type3A = arith.extui %gt3A_167 : i1 to i32
      %cond3A = arith.constant 0 : i32
      %cond3A_168 = arith.cmpi ne, %convert_element_type3A, %cond3A : i32
      %cond3A_169:2 = scf.if %cond3A_168 -> (vector<16xf32>, vector<16xi32>) {
        %scan3A_320 = arith.constant 0 : i32
        %scan3A_321 = arith.constant 32 : i32
        %scan3A_322 = arith.addi %scan3A_320, %scan3A_321 : i32
        %scan3A_323 = arith.constant 1 : i32
        %scan3A_324:3 = scf.for %scan3A_326 = %scan3A_320 to %scan3A_322 step %scan3A_323 iter_args(%scan3A_327 = %broadcast_in_dim3A_7, %scan3A_328 = %broadcast_in_dim3A_9, %scan3A_329 = %broadcast_in_dim3A_7) -> (vector<16xf32>, vector<16xi32>, vector<16xf32>)  : i32 {
          %mul3A_330 = arith.constant 128 : i32
          %mul3A_331 = arith.muli %scan3A_326, %mul3A_330 : i32
          %add3A_332 = arith.constant 0 : i32
          %add3A_333 = arith.addi %mul3A_331, %add3A_332 : i32
          %get3A = arith.constant 0 : i32
          %get3A_334 = arith.index_cast %get3A : i32 to index
          %get3A_335 = arith.index_cast %add3A_333 : i32 to index
          %get3A_336 = tpu.vector_load %arg5[%get3A_334, %get3A_335] {strides = array<i32>} : memref<2x4096xf32, #tpu.memory_space<vmem>>, vector<16xf32>,
          %add3A_337 = arith.constant 16 : i32
          %add3A_338 = arith.addi %mul3A_331, %add3A_337 : i32
          %get3A_339 = arith.constant 0 : i32
          %get3A_340 = arith.index_cast %get3A_339 : i32 to index
          %get3A_341 = arith.index_cast %add3A_338 : i32 to index
          %get3A_342 = tpu.vector_load %arg5[%get3A_340, %get3A_341] {strides = array<i32>} : memref<2x4096xf32, #tpu.memory_space<vmem>>, vector<16xf32>,
          %add3A_343 = arith.constant 32 : i32
          %add3A_344 = arith.addi %mul3A_331, %add3A_343 : i32
          %get3A_345 = arith.constant 0 : i32
          %get3A_346 = arith.index_cast %get3A_345 : i32 to index
          %get3A_347 = arith.index_cast %add3A_344 : i32 to index
          %get3A_348 = tpu.vector_load %arg5[%get3A_346, %get3A_347] {strides = array<i32>} : memref<2x4096xf32, #tpu.memory_space<vmem>>, vector<16xf32>,
          %add3A_349 = arith.constant 48 : i32
          %add3A_350 = arith.addi %mul3A_331, %add3A_349 : i32
          %get3A_351 = arith.constant 0 : i32
          %get3A_352 = arith.index_cast %get3A_351 : i32 to index
          %get3A_353 = arith.index_cast %add3A_350 : i32 to index
          %get3A_354 = tpu.vector_load %arg5[%get3A_352, %get3A_353] {strides = array<i32>} : memref<2x4096xf32, #tpu.memory_space<vmem>>, vector<16xf32>,
          %add3A_355 = arith.constant 64 : i32
          %add3A_356 = arith.addi %mul3A_331, %add3A_355 : i32
          %get3A_357 = arith.constant 0 : i32
          %get3A_358 = arith.index_cast %get3A_357 : i32 to index
          %get3A_359 = arith.index_cast %add3A_356 : i32 to index
          %get3A_360 = tpu.vector_load %arg5[%get3A_358, %get3A_359] {strides = array<i32>} : memref<2x4096xf32, #tpu.memory_space<vmem>>, vector<16xf32>,
          %add3A_361 = arith.constant 80 : i32
          %add3A_362 = arith.addi %mul3A_331, %add3A_361 : i32
          %get3A_363 = arith.constant 0 : i32
          %get3A_364 = arith.index_cast %get3A_363 : i32 to index
          %get3A_365 = arith.index_cast %add3A_362 : i32 to index
          %get3A_366 = tpu.vector_load %arg5[%get3A_364, %get3A_365] {strides = array<i32>} : memref<2x4096xf32, #tpu.memory_space<vmem>>, vector<16xf32>,
          %add3A_367 = arith.constant 96 : i32
          %add3A_368 = arith.addi %mul3A_331, %add3A_367 : i32
          %get3A_369 = arith.constant 0 : i32
          %get3A_370 = arith.index_cast %get3A_369 : i32 to index
          %get3A_371 = arith.index_cast %add3A_368 : i32 to index
          %get3A_372 = tpu.vector_load %arg5[%get3A_370, %get3A_371] {strides = array<i32>} : memref<2x4096xf32, #tpu.memory_space<vmem>>, vector<16xf32>,
          %add3A_373 = arith.constant 112 : i32
          %add3A_374 = arith.addi %mul3A_331, %add3A_373 : i32
          %get3A_375 = arith.constant 0 : i32
          %get3A_376 = arith.index_cast %get3A_375 : i32 to index
          %get3A_377 = arith.index_cast %add3A_374 : i32 to index
          %get3A_378 = tpu.vector_load %arg5[%get3A_376, %get3A_377] {strides = array<i32>} : memref<2x4096xf32, #tpu.memory_space<vmem>>, vector<16xf32>,
          %le3A = arith.cmpf ole, %get3A_336, %scan3A_329 : vector<16xf32>
          %le3A_379 = arith.cmpf ole, %get3A_342, %scan3A_329 : vector<16xf32>
          %or3A = arith.ori %le3A, %le3A_379 : vector<16xi1>
          %le3A_380 = arith.cmpf ole, %get3A_348, %scan3A_329 : vector<16xf32>
          %or3A_381 = arith.ori %or3A, %le3A_380 : vector<16xi1>
          %le3A_382 = arith.cmpf ole, %get3A_354, %scan3A_329 : vector<16xf32>
          %or3A_383 = arith.ori %or3A_381, %le3A_382 : vector<16xi1>
          %le3A_384 = arith.cmpf ole, %get3A_360, %scan3A_329 : vector<16xf32>
          %or3A_385 = arith.ori %or3A_383, %le3A_384 : vector<16xi1>
          %le3A_386 = arith.cmpf ole, %get3A_366, %scan3A_329 : vector<16xf32>
          %or3A_387 = arith.ori %or3A_385, %le3A_386 : vector<16xi1>
          %le3A_388 = arith.cmpf ole, %get3A_372, %scan3A_329 : vector<16xf32>
          %or3A_389 = arith.ori %or3A_387, %le3A_388 : vector<16xi1>
          %le3A_390 = arith.cmpf ole, %get3A_378, %scan3A_329 : vector<16xf32>
          %or3A_391 = arith.ori %or3A_389, %le3A_390 : vector<16xi1>
          %all_reduce_population_count3A = tpu.all_reduce %or3A_391 {dim = 0 : i64, kind = #tpu.reduction_kind<sum>} : vector<16xi1> -> vector<16xi32>
          %slice3A_392 = vector.extract_strided_slice %all_reduce_population_count3A {offsets = [0], sizes = [1], strides = [1]} : vector<16xi32> to vector<1xi32>
          %squeeze3A_393 = vector.extract %slice3A_392[0] : i32 from vector<1xi32>
          %gt3A_394 = arith.constant 0 : i32
          %gt3A_395 = arith.cmpi sgt, %squeeze3A_393, %gt3A_394 : i32
          %convert_element_type3A_396 = arith.extui %gt3A_395 : i1 to i32
          %cond3A_397 = arith.constant 0 : i32
          %cond3A_398 = arith.cmpi ne, %convert_element_type3A_396, %cond3A_397 : i32
          %cond3A_399:3 = scf.if %cond3A_398 -> (vector<16xf32>, vector<16xi32>, vector<16xf32>) {
            %le3A_400 = arith.cmpf ole, %get3A_336, %scan3A_329 : vector<16xf32>
            %le3A_401 = arith.cmpf ole, %get3A_342, %scan3A_329 : vector<16xf32>
            %or3A_402 = arith.ori %le3A_400, %le3A_401 : vector<16xi1>
            %le3A_403 = arith.cmpf ole, %get3A_348, %scan3A_329 : vector<16xf32>
            %or3A_404 = arith.ori %or3A_402, %le3A_403 : vector<16xi1>
            %le3A_405 = arith.cmpf ole, %get3A_354, %scan3A_329 : vector<16xf32>
            %or3A_406 = arith.ori %or3A_404, %le3A_405 : vector<16xi1>
            %all_reduce_population_count3A_407 = tpu.all_reduce %or3A_406 {dim = 0 : i64, kind = #tpu.reduction_kind<sum>} : vector<16xi1> -> vector<16xi32>
            %slice3A_408 = vector.extract_strided_slice %all_reduce_population_count3A_407 {offsets = [0], sizes = [1], strides = [1]} : vector<16xi32> to vector<1xi32>
            %squeeze3A_409 = vector.extract %slice3A_408[0] : i32 from vector<1xi32>
            %gt3A_410 = arith.constant 0 : i32
            %gt3A_411 = arith.cmpi sgt, %squeeze3A_409, %gt3A_410 : i32
            %convert_element_type3A_412 = arith.extui %gt3A_411 : i1 to i32
            %cond3A_413 = arith.constant 0 : i32
            %cond3A_414 = arith.cmpi ne, %convert_element_type3A_412, %cond3A_413 : i32
            %cond3A_415:3 = scf.if %cond3A_414 -> (vector<16xf32>, vector<16xi32>, vector<16xf32>) {
              %add3A_432 = arith.constant 0 : i32
              %add3A_433 = arith.addi %mul3A_331, %add3A_432 : i32
              %add3A_434 = vector.broadcast %add3A_433 : i32 to vector<16xi32>
              %add3A_435 = arith.addi %iota3A, %add3A_434 : vector<16xi32>
              %le3A_436 = arith.cmpf ole, %get3A_336, %scan3A_329 : vector<16xf32>
              %while3A:4 = scf.while (%while3A_455 = %scan3A_327, %while3A_456 = %scan3A_328, %while3A_457 = %scan3A_329, %while3A_458 = %le3A_436) : (vector<16xf32>, vector<16xi32>, vector<16xf32>, vector<16xi1>) -> (vector<16xf32>, vector<16xi32>, vector<16xf32>, vector<16xi1>) {
                %all_reduce_population_count3A_459 = tpu.all_reduce %while3A_458 {dim = 0 : i64, kind = #tpu.reduction_kind<sum>} : vector<16xi1> -> vector<16xi32>
                %slice3A_460 = vector.extract_strided_slice %all_reduce_population_count3A_459 {offsets = [0], sizes = [1], strides = [1]} : vector<16xi32> to vector<1xi32>
                %squeeze3A_461 = vector.extract %slice3A_460[0] : i32 from vector<1xi32>
                %gt3A_462 = arith.constant 0 : i32
                %gt3A_463 = arith.cmpi sgt, %squeeze3A_461, %gt3A_462 : i32
                scf.condition(%gt3A_463) %while3A_455, %while3A_456, %while3A_457, %while3A_458 : vector<16xf32>, vector<16xi32>, vector<16xf32>, vector<16xi1>
              } do {
              ^bb0(%while3A_455: vector<16xf32>, %while3A_456: vector<16xi32>, %while3A_457: vector<16xf32>, %while3A_458: vector<16xi1>):
                %all_reduce_ffs3A = tpu.all_reduce %while3A_458 {dim = 0 : i64, kind = #tpu.reduction_kind<find_first_set>} : vector<16xi1> -> vector<16xi32>
                %broadcast_in_dim3A_459 = vector.shape_cast %all_reduce_ffs3A : vector<16xi32> to vector<16x1xi32>
                %gather3A_460 = vector.shape_cast %broadcast_in_dim3A_459 : vector<16x1xi32> to vector<16xi32>
                %gather3A_461 = tpu.dynamic_gather %get3A_336[%gather3A_460] in [0] : vector<16xf32>, vector<16xi32> -> vector<16xf32>
                %le3A_462 = arith.constant 8.000000e-01 : f32
                %le3A_463 = vector.broadcast %le3A_462 : f32 to vector<16xf32>
                %le3A_464 = arith.cmpf ole, %gather3A_461, %le3A_463 : vector<16xf32>
                %jit3A = arith.constant 0x7F800000 : f32
                %broadcast_in_dim3A_465 = vector.broadcast %jit3A : f32 to vector<16xf32>
                %select_n3A = arith.select %le3A_464, %gather3A_461, %broadcast_in_dim3A_465 : vector<16xi1>, vector<16xf32>
                %broadcast_in_dim3A_466 = vector.shape_cast %all_reduce_ffs3A : vector<16xi32> to vector<16x1xi32>
                %gather3A_467 = vector.shape_cast %broadcast_in_dim3A_466 : vector<16x1xi32> to vector<16xi32>
                %gather3A_468 = tpu.dynamic_gather %add3A_435[%gather3A_467] in [0] : vector<16xi32>, vector<16xi32> -> vector<16xi32>
                %lt3A = arith.cmpf olt, %while3A_455, %select_n3A : vector<16xf32>
                %eq3A = arith.cmpf oeq, %while3A_455, %select_n3A : vector<16xf32>
                %lt3A_469 = arith.cmpi slt, %while3A_456, %gather3A_468 : vector<16xi32>
                %and3A = arith.andi %eq3A, %lt3A_469 : vector<16xi1>
                %or3A_470 = arith.ori %lt3A, %and3A : vector<16xi1>
                %all_reduce_population_count3A_471 = tpu.all_reduce %or3A_470 {dim = 0 : i64, kind = #tpu.reduction_kind<sum>} : vector<16xi1> -> vector<16xi32>
                %broadcast_in_dim3A_472 = vector.shape_cast %max3A_13 : vector<16xi32> to vector<16x1xi32>
                %gather3A_473 = vector.shape_cast %broadcast_in_dim3A_472 : vector<16x1xi32> to vector<16xi32>
                %gather3A_474 = tpu.dynamic_gather %while3A_455[%gather3A_473] in [0] : vector<16xf32>, vector<16xi32> -> vector<16xf32>
                %broadcast_in_dim3A_475 = vector.shape_cast %max3A_13 : vector<16xi32> to vector<16x1xi32>
                %gather3A_476 = vector.shape_cast %broadcast_in_dim3A_475 : vector<16x1xi32> to vector<16xi32>
                %gather3A_477 = tpu.dynamic_gather %while3A_456[%gather3A_476] in [0] : vector<16xi32>, vector<16xi32> -> vector<16xi32>
                %lt3A_478 = arith.cmpi slt, %iota3A, %all_reduce_population_count3A_471 : vector<16xi32>
                %eq3A_479 = arith.cmpi eq, %iota3A, %all_reduce_population_count3A_471 : vector<16xi32>
                %select_n3A_480 = arith.select %eq3A_479, %select_n3A, %gather3A_474 : vector<16xi1>, vector<16xf32>
                %select_n3A_481 = arith.select %lt3A_478, %while3A_455, %select_n3A_480 : vector<16xi1>, vector<16xf32>
                %select_n3A_482 = arith.select %eq3A_479, %gather3A_468, %gather3A_477 : vector<16xi1>, vector<16xi32>
                %select_n3A_483 = arith.select %lt3A_478, %while3A_456, %select_n3A_482 : vector<16xi1>, vector<16xi32>
                %broadcast_in_dim3A_484 = vector.shape_cast %broadcast_in_dim3A_5 : vector<16xi32> to vector<16x1xi32>
                %gather3A_485 = vector.shape_cast %broadcast_in_dim3A_484 : vector<16x1xi32> to vector<16xi32>
                %gather3A_486 = tpu.dynamic_gather %select_n3A_481[%gather3A_485] in [0] : vector<16xf32>, vector<16xi32> -> vector<16xf32>
                %min3A_487 = arith.minimumf %broadcast_in_dim3A_7, %gather3A_486 : vector<16xf32>
                %ne3A = arith.cmpi ne, %iota3A, %all_reduce_ffs3A : vector<16xi32>
                %and3A_488 = arith.andi %while3A_458, %ne3A : vector<16xi1>
                %le3A_489 = arith.cmpf ole, %get3A_336, %min3A_487 : vector<16xf32>
                %and3A_490 = arith.andi %and3A_488, %le3A_489 : vector<16xi1>
                scf.yield %select_n3A_481, %select_n3A_483, %min3A_487, %and3A_490 : vector<16xf32>, vector<16xi32>, vector<16xf32>, vector<16xi1>
              }
              %add3A_437 = arith.constant 16 : i32
              %add3A_438 = arith.addi %mul3A_331, %add3A_437 : i32
              %add3A_439 = vector.broadcast %add3A_438 : i32 to vector<16xi32>
              %add3A_440 = arith.addi %iota3A, %add3A_439 : vector<16xi32>
              %le3A_441 = arith.cmpf ole, %get3A_342, %while3A#2 : vector<16xf32>
              %while3A_442:4 = scf.while (%while3A_455 = %while3A#0, %while3A_456 = %while3A#1, %while3A_457 = %while3A#2, %while3A_458 = %le3A_441) : (vector<16xf32>, vector<16xi32>, vector<16xf32>, vector<16xi1>) -> (vector<16xf32>, vector<16xi32>, vector<16xf32>, vector<16xi1>) {
                %all_reduce_population_count3A_459 = tpu.all_reduce %while3A_458 {dim = 0 : i64, kind = #tpu.reduction_kind<sum>} : vector<16xi1> -> vector<16xi32>
                %slice3A_460 = vector.extract_strided_slice %all_reduce_population_count3A_459 {offsets = [0], sizes = [1], strides = [1]} : vector<16xi32> to vector<1xi32>
                %squeeze3A_461 = vector.extract %slice3A_460[0] : i32 from vector<1xi32>
                %gt3A_462 = arith.constant 0 : i32
                %gt3A_463 = arith.cmpi sgt, %squeeze3A_461, %gt3A_462 : i32
                scf.condition(%gt3A_463) %while3A_455, %while3A_456, %while3A_457, %while3A_458 : vector<16xf32>, vector<16xi32>, vector<16xf32>, vector<16xi1>
              } do {
              ^bb0(%while3A_455: vector<16xf32>, %while3A_456: vector<16xi32>, %while3A_457: vector<16xf32>, %while3A_458: vector<16xi1>):
                %all_reduce_ffs3A = tpu.all_reduce %while3A_458 {dim = 0 : i64, kind = #tpu.reduction_kind<find_first_set>} : vector<16xi1> -> vector<16xi32>
                %broadcast_in_dim3A_459 = vector.shape_cast %all_reduce_ffs3A : vector<16xi32> to vector<16x1xi32>
                %gather3A_460 = vector.shape_cast %broadcast_in_dim3A_459 : vector<16x1xi32> to vector<16xi32>
                %gather3A_461 = tpu.dynamic_gather %get3A_342[%gather3A_460] in [0] : vector<16xf32>, vector<16xi32> -> vector<16xf32>
                %le3A_462 = arith.constant 8.000000e-01 : f32
                %le3A_463 = vector.broadcast %le3A_462 : f32 to vector<16xf32>
                %le3A_464 = arith.cmpf ole, %gather3A_461, %le3A_463 : vector<16xf32>
                %jit3A = arith.constant 0x7F800000 : f32
                %broadcast_in_dim3A_465 = vector.broadcast %jit3A : f32 to vector<16xf32>
                %select_n3A = arith.select %le3A_464, %gather3A_461, %broadcast_in_dim3A_465 : vector<16xi1>, vector<16xf32>
                %broadcast_in_dim3A_466 = vector.shape_cast %all_reduce_ffs3A : vector<16xi32> to vector<16x1xi32>
                %gather3A_467 = vector.shape_cast %broadcast_in_dim3A_466 : vector<16x1xi32> to vector<16xi32>
                %gather3A_468 = tpu.dynamic_gather %add3A_440[%gather3A_467] in [0] : vector<16xi32>, vector<16xi32> -> vector<16xi32>
                %lt3A = arith.cmpf olt, %while3A_455, %select_n3A : vector<16xf32>
                %eq3A = arith.cmpf oeq, %while3A_455, %select_n3A : vector<16xf32>
                %lt3A_469 = arith.cmpi slt, %while3A_456, %gather3A_468 : vector<16xi32>
                %and3A = arith.andi %eq3A, %lt3A_469 : vector<16xi1>
                %or3A_470 = arith.ori %lt3A, %and3A : vector<16xi1>
                %all_reduce_population_count3A_471 = tpu.all_reduce %or3A_470 {dim = 0 : i64, kind = #tpu.reduction_kind<sum>} : vector<16xi1> -> vector<16xi32>
                %broadcast_in_dim3A_472 = vector.shape_cast %max3A_13 : vector<16xi32> to vector<16x1xi32>
                %gather3A_473 = vector.shape_cast %broadcast_in_dim3A_472 : vector<16x1xi32> to vector<16xi32>
                %gather3A_474 = tpu.dynamic_gather %while3A_455[%gather3A_473] in [0] : vector<16xf32>, vector<16xi32> -> vector<16xf32>
                %broadcast_in_dim3A_475 = vector.shape_cast %max3A_13 : vector<16xi32> to vector<16x1xi32>
                %gather3A_476 = vector.shape_cast %broadcast_in_dim3A_475 : vector<16x1xi32> to vector<16xi32>
                %gather3A_477 = tpu.dynamic_gather %while3A_456[%gather3A_476] in [0] : vector<16xi32>, vector<16xi32> -> vector<16xi32>
                %lt3A_478 = arith.cmpi slt, %iota3A, %all_reduce_population_count3A_471 : vector<16xi32>
                %eq3A_479 = arith.cmpi eq, %iota3A, %all_reduce_population_count3A_471 : vector<16xi32>
                %select_n3A_480 = arith.select %eq3A_479, %select_n3A, %gather3A_474 : vector<16xi1>, vector<16xf32>
                %select_n3A_481 = arith.select %lt3A_478, %while3A_455, %select_n3A_480 : vector<16xi1>, vector<16xf32>
                %select_n3A_482 = arith.select %eq3A_479, %gather3A_468, %gather3A_477 : vector<16xi1>, vector<16xi32>
                %select_n3A_483 = arith.select %lt3A_478, %while3A_456, %select_n3A_482 : vector<16xi1>, vector<16xi32>
                %broadcast_in_dim3A_484 = vector.shape_cast %broadcast_in_dim3A_5 : vector<16xi32> to vector<16x1xi32>
                %gather3A_485 = vector.shape_cast %broadcast_in_dim3A_484 : vector<16x1xi32> to vector<16xi32>
                %gather3A_486 = tpu.dynamic_gather %select_n3A_481[%gather3A_485] in [0] : vector<16xf32>, vector<16xi32> -> vector<16xf32>
                %min3A_487 = arith.minimumf %broadcast_in_dim3A_7, %gather3A_486 : vector<16xf32>
                %ne3A = arith.cmpi ne, %iota3A, %all_reduce_ffs3A : vector<16xi32>
                %and3A_488 = arith.andi %while3A_458, %ne3A : vector<16xi1>
                %le3A_489 = arith.cmpf ole, %get3A_342, %min3A_487 : vector<16xf32>
                %and3A_490 = arith.andi %and3A_488, %le3A_489 : vector<16xi1>
                scf.yield %select_n3A_481, %select_n3A_483, %min3A_487, %and3A_490 : vector<16xf32>, vector<16xi32>, vector<16xf32>, vector<16xi1>
              }
              %add3A_443 = arith.constant 32 : i32
              %add3A_444 = arith.addi %mul3A_331, %add3A_443 : i32
              %add3A_445 = vector.broadcast %add3A_444 : i32 to vector<16xi32>
              %add3A_446 = arith.addi %iota3A, %add3A_445 : vector<16xi32>
              %le3A_447 = arith.cmpf ole, %get3A_348, %while3A_442#2 : vector<16xf32>
              %while3A_448:4 = scf.while (%while3A_455 = %while3A_442#0, %while3A_456 = %while3A_442#1, %while3A_457 = %while3A_442#2, %while3A_458 = %le3A_447) : (vector<16xf32>, vector<16xi32>, vector<16xf32>, vector<16xi1>) -> (vector<16xf32>, vector<16xi32>, vector<16xf32>, vector<16xi1>) {
                %all_reduce_population_count3A_459 = tpu.all_reduce %while3A_458 {dim = 0 : i64, kind = #tpu.reduction_kind<sum>} : vector<16xi1> -> vector<16xi32>
                %slice3A_460 = vector.extract_strided_slice %all_reduce_population_count3A_459 {offsets = [0], sizes = [1], strides = [1]} : vector<16xi32> to vector<1xi32>
                %squeeze3A_461 = vector.extract %slice3A_460[0] : i32 from vector<1xi32>
                %gt3A_462 = arith.constant 0 : i32
                %gt3A_463 = arith.cmpi sgt, %squeeze3A_461, %gt3A_462 : i32
                scf.condition(%gt3A_463) %while3A_455, %while3A_456, %while3A_457, %while3A_458 : vector<16xf32>, vector<16xi32>, vector<16xf32>, vector<16xi1>
              } do {
              ^bb0(%while3A_455: vector<16xf32>, %while3A_456: vector<16xi32>, %while3A_457: vector<16xf32>, %while3A_458: vector<16xi1>):
                %all_reduce_ffs3A = tpu.all_reduce %while3A_458 {dim = 0 : i64, kind = #tpu.reduction_kind<find_first_set>} : vector<16xi1> -> vector<16xi32>
                %broadcast_in_dim3A_459 = vector.shape_cast %all_reduce_ffs3A : vector<16xi32> to vector<16x1xi32>
                %gather3A_460 = vector.shape_cast %broadcast_in_dim3A_459 : vector<16x1xi32> to vector<16xi32>
                %gather3A_461 = tpu.dynamic_gather %get3A_348[%gather3A_460] in [0] : vector<16xf32>, vector<16xi32> -> vector<16xf32>
                %le3A_462 = arith.constant 8.000000e-01 : f32
                %le3A_463 = vector.broadcast %le3A_462 : f32 to vector<16xf32>
                %le3A_464 = arith.cmpf ole, %gather3A_461, %le3A_463 : vector<16xf32>
                %jit3A = arith.constant 0x7F800000 : f32
                %broadcast_in_dim3A_465 = vector.broadcast %jit3A : f32 to vector<16xf32>
                %select_n3A = arith.select %le3A_464, %gather3A_461, %broadcast_in_dim3A_465 : vector<16xi1>, vector<16xf32>
                %broadcast_in_dim3A_466 = vector.shape_cast %all_reduce_ffs3A : vector<16xi32> to vector<16x1xi32>
                %gather3A_467 = vector.shape_cast %broadcast_in_dim3A_466 : vector<16x1xi32> to vector<16xi32>
                %gather3A_468 = tpu.dynamic_gather %add3A_446[%gather3A_467] in [0] : vector<16xi32>, vector<16xi32> -> vector<16xi32>
                %lt3A = arith.cmpf olt, %while3A_455, %select_n3A : vector<16xf32>
                %eq3A = arith.cmpf oeq, %while3A_455, %select_n3A : vector<16xf32>
                %lt3A_469 = arith.cmpi slt, %while3A_456, %gather3A_468 : vector<16xi32>
                %and3A = arith.andi %eq3A, %lt3A_469 : vector<16xi1>
                %or3A_470 = arith.ori %lt3A, %and3A : vector<16xi1>
                %all_reduce_population_count3A_471 = tpu.all_reduce %or3A_470 {dim = 0 : i64, kind = #tpu.reduction_kind<sum>} : vector<16xi1> -> vector<16xi32>
                %broadcast_in_dim3A_472 = vector.shape_cast %max3A_13 : vector<16xi32> to vector<16x1xi32>
                %gather3A_473 = vector.shape_cast %broadcast_in_dim3A_472 : vector<16x1xi32> to vector<16xi32>
                %gather3A_474 = tpu.dynamic_gather %while3A_455[%gather3A_473] in [0] : vector<16xf32>, vector<16xi32> -> vector<16xf32>
                %broadcast_in_dim3A_475 = vector.shape_cast %max3A_13 : vector<16xi32> to vector<16x1xi32>
                %gather3A_476 = vector.shape_cast %broadcast_in_dim3A_475 : vector<16x1xi32> to vector<16xi32>
                %gather3A_477 = tpu.dynamic_gather %while3A_456[%gather3A_476] in [0] : vector<16xi32>, vector<16xi32> -> vector<16xi32>
                %lt3A_478 = arith.cmpi slt, %iota3A, %all_reduce_population_count3A_471 : vector<16xi32>
                %eq3A_479 = arith.cmpi eq, %iota3A, %all_reduce_population_count3A_471 : vector<16xi32>
                %select_n3A_480 = arith.select %eq3A_479, %select_n3A, %gather3A_474 : vector<16xi1>, vector<16xf32>
                %select_n3A_481 = arith.select %lt3A_478, %while3A_455, %select_n3A_480 : vector<16xi1>, vector<16xf32>
                %select_n3A_482 = arith.select %eq3A_479, %gather3A_468, %gather3A_477 : vector<16xi1>, vector<16xi32>
                %select_n3A_483 = arith.select %lt3A_478, %while3A_456, %select_n3A_482 : vector<16xi1>, vector<16xi32>
                %broadcast_in_dim3A_484 = vector.shape_cast %broadcast_in_dim3A_5 : vector<16xi32> to vector<16x1xi32>
                %gather3A_485 = vector.shape_cast %broadcast_in_dim3A_484 : vector<16x1xi32> to vector<16xi32>
                %gather3A_486 = tpu.dynamic_gather %select_n3A_481[%gather3A_485] in [0] : vector<16xf32>, vector<16xi32> -> vector<16xf32>
                %min3A_487 = arith.minimumf %broadcast_in_dim3A_7, %gather3A_486 : vector<16xf32>
                %ne3A = arith.cmpi ne, %iota3A, %all_reduce_ffs3A : vector<16xi32>
                %and3A_488 = arith.andi %while3A_458, %ne3A : vector<16xi1>
                %le3A_489 = arith.cmpf ole, %get3A_348, %min3A_487 : vector<16xf32>
                %and3A_490 = arith.andi %and3A_488, %le3A_489 : vector<16xi1>
                scf.yield %select_n3A_481, %select_n3A_483, %min3A_487, %and3A_490 : vector<16xf32>, vector<16xi32>, vector<16xf32>, vector<16xi1>
              }
              %add3A_449 = arith.constant 48 : i32
              %add3A_450 = arith.addi %mul3A_331, %add3A_449 : i32
              %add3A_451 = vector.broadcast %add3A_450 : i32 to vector<16xi32>
              %add3A_452 = arith.addi %iota3A, %add3A_451 : vector<16xi32>
              %le3A_453 = arith.cmpf ole, %get3A_354, %while3A_448#2 : vector<16xf32>
              %while3A_454:4 = scf.while (%while3A_455 = %while3A_448#0, %while3A_456 = %while3A_448#1, %while3A_457 = %while3A_448#2, %while3A_458 = %le3A_453) : (vector<16xf32>, vector<16xi32>, vector<16xf32>, vector<16xi1>) -> (vector<16xf32>, vector<16xi32>, vector<16xf32>, vector<16xi1>) {
                %all_reduce_population_count3A_459 = tpu.all_reduce %while3A_458 {dim = 0 : i64, kind = #tpu.reduction_kind<sum>} : vector<16xi1> -> vector<16xi32>
                %slice3A_460 = vector.extract_strided_slice %all_reduce_population_count3A_459 {offsets = [0], sizes = [1], strides = [1]} : vector<16xi32> to vector<1xi32>
                %squeeze3A_461 = vector.extract %slice3A_460[0] : i32 from vector<1xi32>
                %gt3A_462 = arith.constant 0 : i32
                %gt3A_463 = arith.cmpi sgt, %squeeze3A_461, %gt3A_462 : i32
                scf.condition(%gt3A_463) %while3A_455, %while3A_456, %while3A_457, %while3A_458 : vector<16xf32>, vector<16xi32>, vector<16xf32>, vector<16xi1>
              } do {
              ^bb0(%while3A_455: vector<16xf32>, %while3A_456: vector<16xi32>, %while3A_457: vector<16xf32>, %while3A_458: vector<16xi1>):
                %all_reduce_ffs3A = tpu.all_reduce %while3A_458 {dim = 0 : i64, kind = #tpu.reduction_kind<find_first_set>} : vector<16xi1> -> vector<16xi32>
                %broadcast_in_dim3A_459 = vector.shape_cast %all_reduce_ffs3A : vector<16xi32> to vector<16x1xi32>
                %gather3A_460 = vector.shape_cast %broadcast_in_dim3A_459 : vector<16x1xi32> to vector<16xi32>
                %gather3A_461 = tpu.dynamic_gather %get3A_354[%gather3A_460] in [0] : vector<16xf32>, vector<16xi32> -> vector<16xf32>
                %le3A_462 = arith.constant 8.000000e-01 : f32
                %le3A_463 = vector.broadcast %le3A_462 : f32 to vector<16xf32>
                %le3A_464 = arith.cmpf ole, %gather3A_461, %le3A_463 : vector<16xf32>
                %jit3A = arith.constant 0x7F800000 : f32
                %broadcast_in_dim3A_465 = vector.broadcast %jit3A : f32 to vector<16xf32>
                %select_n3A = arith.select %le3A_464, %gather3A_461, %broadcast_in_dim3A_465 : vector<16xi1>, vector<16xf32>
                %broadcast_in_dim3A_466 = vector.shape_cast %all_reduce_ffs3A : vector<16xi32> to vector<16x1xi32>
                %gather3A_467 = vector.shape_cast %broadcast_in_dim3A_466 : vector<16x1xi32> to vector<16xi32>
                %gather3A_468 = tpu.dynamic_gather %add3A_452[%gather3A_467] in [0] : vector<16xi32>, vector<16xi32> -> vector<16xi32>
                %lt3A = arith.cmpf olt, %while3A_455, %select_n3A : vector<16xf32>
                %eq3A = arith.cmpf oeq, %while3A_455, %select_n3A : vector<16xf32>
                %lt3A_469 = arith.cmpi slt, %while3A_456, %gather3A_468 : vector<16xi32>
                %and3A = arith.andi %eq3A, %lt3A_469 : vector<16xi1>
                %or3A_470 = arith.ori %lt3A, %and3A : vector<16xi1>
                %all_reduce_population_count3A_471 = tpu.all_reduce %or3A_470 {dim = 0 : i64, kind = #tpu.reduction_kind<sum>} : vector<16xi1> -> vector<16xi32>
                %broadcast_in_dim3A_472 = vector.shape_cast %max3A_13 : vector<16xi32> to vector<16x1xi32>
                %gather3A_473 = vector.shape_cast %broadcast_in_dim3A_472 : vector<16x1xi32> to vector<16xi32>
                %gather3A_474 = tpu.dynamic_gather %while3A_455[%gather3A_473] in [0] : vector<16xf32>, vector<16xi32> -> vector<16xf32>
                %broadcast_in_dim3A_475 = vector.shape_cast %max3A_13 : vector<16xi32> to vector<16x1xi32>
                %gather3A_476 = vector.shape_cast %broadcast_in_dim3A_475 : vector<16x1xi32> to vector<16xi32>
                %gather3A_477 = tpu.dynamic_gather %while3A_456[%gather3A_476] in [0] : vector<16xi32>, vector<16xi32> -> vector<16xi32>
                %lt3A_478 = arith.cmpi slt, %iota3A, %all_reduce_population_count3A_471 : vector<16xi32>
                %eq3A_479 = arith.cmpi eq, %iota3A, %all_reduce_population_count3A_471 : vector<16xi32>
                %select_n3A_480 = arith.select %eq3A_479, %select_n3A, %gather3A_474 : vector<16xi1>, vector<16xf32>
                %select_n3A_481 = arith.select %lt3A_478, %while3A_455, %select_n3A_480 : vector<16xi1>, vector<16xf32>
                %select_n3A_482 = arith.select %eq3A_479, %gather3A_468, %gather3A_477 : vector<16xi1>, vector<16xi32>
                %select_n3A_483 = arith.select %lt3A_478, %while3A_456, %select_n3A_482 : vector<16xi1>, vector<16xi32>
                %broadcast_in_dim3A_484 = vector.shape_cast %broadcast_in_dim3A_5 : vector<16xi32> to vector<16x1xi32>
                %gather3A_485 = vector.shape_cast %broadcast_in_dim3A_484 : vector<16x1xi32> to vector<16xi32>
                %gather3A_486 = tpu.dynamic_gather %select_n3A_481[%gather3A_485] in [0] : vector<16xf32>, vector<16xi32> -> vector<16xf32>
                %min3A_487 = arith.minimumf %broadcast_in_dim3A_7, %gather3A_486 : vector<16xf32>
                %ne3A = arith.cmpi ne, %iota3A, %all_reduce_ffs3A : vector<16xi32>
                %and3A_488 = arith.andi %while3A_458, %ne3A : vector<16xi1>
                %le3A_489 = arith.cmpf ole, %get3A_354, %min3A_487 : vector<16xf32>
                %and3A_490 = arith.andi %and3A_488, %le3A_489 : vector<16xi1>
                scf.yield %select_n3A_481, %select_n3A_483, %min3A_487, %and3A_490 : vector<16xf32>, vector<16xi32>, vector<16xf32>, vector<16xi1>
              }
              scf.yield %while3A_454#0, %while3A_454#1, %while3A_454#2 : vector<16xf32>, vector<16xi32>, vector<16xf32>
            } else {
              scf.yield %scan3A_327, %scan3A_328, %scan3A_329 : vector<16xf32>, vector<16xi32>, vector<16xf32>
            }
            %le3A_416 = arith.cmpf ole, %get3A_360, %cond3A_415#2 : vector<16xf32>
            %le3A_417 = arith.cmpf ole, %get3A_366, %cond3A_415#2 : vector<16xf32>
            %or3A_418 = arith.ori %le3A_416, %le3A_417 : vector<16xi1>
            %le3A_419 = arith.cmpf ole, %get3A_372, %cond3A_415#2 : vector<16xf32>
            %or3A_420 = arith.ori %or3A_418, %le3A_419 : vector<16xi1>
            %le3A_421 = arith.cmpf ole, %get3A_378, %cond3A_415#2 : vector<16xf32>
            %or3A_422 = arith.ori %or3A_420, %le3A_421 : vector<16xi1>
            %all_reduce_population_count3A_423 = tpu.all_reduce %or3A_422 {dim = 0 : i64, kind = #tpu.reduction_kind<sum>} : vector<16xi1> -> vector<16xi32>
            %slice3A_424 = vector.extract_strided_slice %all_reduce_population_count3A_423 {offsets = [0], sizes = [1], strides = [1]} : vector<16xi32> to vector<1xi32>
            %squeeze3A_425 = vector.extract %slice3A_424[0] : i32 from vector<1xi32>
            %gt3A_426 = arith.constant 0 : i32
            %gt3A_427 = arith.cmpi sgt, %squeeze3A_425, %gt3A_426 : i32
            %convert_element_type3A_428 = arith.extui %gt3A_427 : i1 to i32
            %cond3A_429 = arith.constant 0 : i32
            %cond3A_430 = arith.cmpi ne, %convert_element_type3A_428, %cond3A_429 : i32
            %cond3A_431:3 = scf.if %cond3A_430 -> (vector<16xf32>, vector<16xi32>, vector<16xf32>) {
              %add3A_432 = arith.constant 64 : i32
              %add3A_433 = arith.addi %mul3A_331, %add3A_432 : i32
              %add3A_434 = vector.broadcast %add3A_433 : i32 to vector<16xi32>
              %add3A_435 = arith.addi %iota3A, %add3A_434 : vector<16xi32>
              %le3A_436 = arith.cmpf ole, %get3A_360, %cond3A_415#2 : vector<16xf32>
              %while3A:4 = scf.while (%while3A_455 = %cond3A_415#0, %while3A_456 = %cond3A_415#1, %while3A_457 = %cond3A_415#2, %while3A_458 = %le3A_436) : (vector<16xf32>, vector<16xi32>, vector<16xf32>, vector<16xi1>) -> (vector<16xf32>, vector<16xi32>, vector<16xf32>, vector<16xi1>) {
                %all_reduce_population_count3A_459 = tpu.all_reduce %while3A_458 {dim = 0 : i64, kind = #tpu.reduction_kind<sum>} : vector<16xi1> -> vector<16xi32>
                %slice3A_460 = vector.extract_strided_slice %all_reduce_population_count3A_459 {offsets = [0], sizes = [1], strides = [1]} : vector<16xi32> to vector<1xi32>
                %squeeze3A_461 = vector.extract %slice3A_460[0] : i32 from vector<1xi32>
                %gt3A_462 = arith.constant 0 : i32
                %gt3A_463 = arith.cmpi sgt, %squeeze3A_461, %gt3A_462 : i32
                scf.condition(%gt3A_463) %while3A_455, %while3A_456, %while3A_457, %while3A_458 : vector<16xf32>, vector<16xi32>, vector<16xf32>, vector<16xi1>
              } do {
              ^bb0(%while3A_455: vector<16xf32>, %while3A_456: vector<16xi32>, %while3A_457: vector<16xf32>, %while3A_458: vector<16xi1>):
                %all_reduce_ffs3A = tpu.all_reduce %while3A_458 {dim = 0 : i64, kind = #tpu.reduction_kind<find_first_set>} : vector<16xi1> -> vector<16xi32>
                %broadcast_in_dim3A_459 = vector.shape_cast %all_reduce_ffs3A : vector<16xi32> to vector<16x1xi32>
                %gather3A_460 = vector.shape_cast %broadcast_in_dim3A_459 : vector<16x1xi32> to vector<16xi32>
                %gather3A_461 = tpu.dynamic_gather %get3A_360[%gather3A_460] in [0] : vector<16xf32>, vector<16xi32> -> vector<16xf32>
                %le3A_462 = arith.constant 8.000000e-01 : f32
                %le3A_463 = vector.broadcast %le3A_462 : f32 to vector<16xf32>
                %le3A_464 = arith.cmpf ole, %gather3A_461, %le3A_463 : vector<16xf32>
                %jit3A = arith.constant 0x7F800000 : f32
                %broadcast_in_dim3A_465 = vector.broadcast %jit3A : f32 to vector<16xf32>
                %select_n3A = arith.select %le3A_464, %gather3A_461, %broadcast_in_dim3A_465 : vector<16xi1>, vector<16xf32>
                %broadcast_in_dim3A_466 = vector.shape_cast %all_reduce_ffs3A : vector<16xi32> to vector<16x1xi32>
                %gather3A_467 = vector.shape_cast %broadcast_in_dim3A_466 : vector<16x1xi32> to vector<16xi32>
                %gather3A_468 = tpu.dynamic_gather %add3A_435[%gather3A_467] in [0] : vector<16xi32>, vector<16xi32> -> vector<16xi32>
                %lt3A = arith.cmpf olt, %while3A_455, %select_n3A : vector<16xf32>
                %eq3A = arith.cmpf oeq, %while3A_455, %select_n3A : vector<16xf32>
                %lt3A_469 = arith.cmpi slt, %while3A_456, %gather3A_468 : vector<16xi32>
                %and3A = arith.andi %eq3A, %lt3A_469 : vector<16xi1>
                %or3A_470 = arith.ori %lt3A, %and3A : vector<16xi1>
                %all_reduce_population_count3A_471 = tpu.all_reduce %or3A_470 {dim = 0 : i64, kind = #tpu.reduction_kind<sum>} : vector<16xi1> -> vector<16xi32>
                %broadcast_in_dim3A_472 = vector.shape_cast %max3A_13 : vector<16xi32> to vector<16x1xi32>
                %gather3A_473 = vector.shape_cast %broadcast_in_dim3A_472 : vector<16x1xi32> to vector<16xi32>
                %gather3A_474 = tpu.dynamic_gather %while3A_455[%gather3A_473] in [0] : vector<16xf32>, vector<16xi32> -> vector<16xf32>
                %broadcast_in_dim3A_475 = vector.shape_cast %max3A_13 : vector<16xi32> to vector<16x1xi32>
                %gather3A_476 = vector.shape_cast %broadcast_in_dim3A_475 : vector<16x1xi32> to vector<16xi32>
                %gather3A_477 = tpu.dynamic_gather %while3A_456[%gather3A_476] in [0] : vector<16xi32>, vector<16xi32> -> vector<16xi32>
                %lt3A_478 = arith.cmpi slt, %iota3A, %all_reduce_population_count3A_471 : vector<16xi32>
                %eq3A_479 = arith.cmpi eq, %iota3A, %all_reduce_population_count3A_471 : vector<16xi32>
                %select_n3A_480 = arith.select %eq3A_479, %select_n3A, %gather3A_474 : vector<16xi1>, vector<16xf32>
                %select_n3A_481 = arith.select %lt3A_478, %while3A_455, %select_n3A_480 : vector<16xi1>, vector<16xf32>
                %select_n3A_482 = arith.select %eq3A_479, %gather3A_468, %gather3A_477 : vector<16xi1>, vector<16xi32>
                %select_n3A_483 = arith.select %lt3A_478, %while3A_456, %select_n3A_482 : vector<16xi1>, vector<16xi32>
                %broadcast_in_dim3A_484 = vector.shape_cast %broadcast_in_dim3A_5 : vector<16xi32> to vector<16x1xi32>
                %gather3A_485 = vector.shape_cast %broadcast_in_dim3A_484 : vector<16x1xi32> to vector<16xi32>
                %gather3A_486 = tpu.dynamic_gather %select_n3A_481[%gather3A_485] in [0] : vector<16xf32>, vector<16xi32> -> vector<16xf32>
                %min3A_487 = arith.minimumf %broadcast_in_dim3A_7, %gather3A_486 : vector<16xf32>
                %ne3A = arith.cmpi ne, %iota3A, %all_reduce_ffs3A : vector<16xi32>
                %and3A_488 = arith.andi %while3A_458, %ne3A : vector<16xi1>
                %le3A_489 = arith.cmpf ole, %get3A_360, %min3A_487 : vector<16xf32>
                %and3A_490 = arith.andi %and3A_488, %le3A_489 : vector<16xi1>
                scf.yield %select_n3A_481, %select_n3A_483, %min3A_487, %and3A_490 : vector<16xf32>, vector<16xi32>, vector<16xf32>, vector<16xi1>
              }
              %add3A_437 = arith.constant 80 : i32
              %add3A_438 = arith.addi %mul3A_331, %add3A_437 : i32
              %add3A_439 = vector.broadcast %add3A_438 : i32 to vector<16xi32>
              %add3A_440 = arith.addi %iota3A, %add3A_439 : vector<16xi32>
              %le3A_441 = arith.cmpf ole, %get3A_366, %while3A#2 : vector<16xf32>
              %while3A_442:4 = scf.while (%while3A_455 = %while3A#0, %while3A_456 = %while3A#1, %while3A_457 = %while3A#2, %while3A_458 = %le3A_441) : (vector<16xf32>, vector<16xi32>, vector<16xf32>, vector<16xi1>) -> (vector<16xf32>, vector<16xi32>, vector<16xf32>, vector<16xi1>) {
                %all_reduce_population_count3A_459 = tpu.all_reduce %while3A_458 {dim = 0 : i64, kind = #tpu.reduction_kind<sum>} : vector<16xi1> -> vector<16xi32>
                %slice3A_460 = vector.extract_strided_slice %all_reduce_population_count3A_459 {offsets = [0], sizes = [1], strides = [1]} : vector<16xi32> to vector<1xi32>
                %squeeze3A_461 = vector.extract %slice3A_460[0] : i32 from vector<1xi32>
                %gt3A_462 = arith.constant 0 : i32
                %gt3A_463 = arith.cmpi sgt, %squeeze3A_461, %gt3A_462 : i32
                scf.condition(%gt3A_463) %while3A_455, %while3A_456, %while3A_457, %while3A_458 : vector<16xf32>, vector<16xi32>, vector<16xf32>, vector<16xi1>
              } do {
              ^bb0(%while3A_455: vector<16xf32>, %while3A_456: vector<16xi32>, %while3A_457: vector<16xf32>, %while3A_458: vector<16xi1>):
                %all_reduce_ffs3A = tpu.all_reduce %while3A_458 {dim = 0 : i64, kind = #tpu.reduction_kind<find_first_set>} : vector<16xi1> -> vector<16xi32>
                %broadcast_in_dim3A_459 = vector.shape_cast %all_reduce_ffs3A : vector<16xi32> to vector<16x1xi32>
                %gather3A_460 = vector.shape_cast %broadcast_in_dim3A_459 : vector<16x1xi32> to vector<16xi32>
                %gather3A_461 = tpu.dynamic_gather %get3A_366[%gather3A_460] in [0] : vector<16xf32>, vector<16xi32> -> vector<16xf32>
                %le3A_462 = arith.constant 8.000000e-01 : f32
                %le3A_463 = vector.broadcast %le3A_462 : f32 to vector<16xf32>
                %le3A_464 = arith.cmpf ole, %gather3A_461, %le3A_463 : vector<16xf32>
                %jit3A = arith.constant 0x7F800000 : f32
                %broadcast_in_dim3A_465 = vector.broadcast %jit3A : f32 to vector<16xf32>
                %select_n3A = arith.select %le3A_464, %gather3A_461, %broadcast_in_dim3A_465 : vector<16xi1>, vector<16xf32>
                %broadcast_in_dim3A_466 = vector.shape_cast %all_reduce_ffs3A : vector<16xi32> to vector<16x1xi32>
                %gather3A_467 = vector.shape_cast %broadcast_in_dim3A_466 : vector<16x1xi32> to vector<16xi32>
                %gather3A_468 = tpu.dynamic_gather %add3A_440[%gather3A_467] in [0] : vector<16xi32>, vector<16xi32> -> vector<16xi32>
                %lt3A = arith.cmpf olt, %while3A_455, %select_n3A : vector<16xf32>
                %eq3A = arith.cmpf oeq, %while3A_455, %select_n3A : vector<16xf32>
                %lt3A_469 = arith.cmpi slt, %while3A_456, %gather3A_468 : vector<16xi32>
                %and3A = arith.andi %eq3A, %lt3A_469 : vector<16xi1>
                %or3A_470 = arith.ori %lt3A, %and3A : vector<16xi1>
                %all_reduce_population_count3A_471 = tpu.all_reduce %or3A_470 {dim = 0 : i64, kind = #tpu.reduction_kind<sum>} : vector<16xi1> -> vector<16xi32>
                %broadcast_in_dim3A_472 = vector.shape_cast %max3A_13 : vector<16xi32> to vector<16x1xi32>
                %gather3A_473 = vector.shape_cast %broadcast_in_dim3A_472 : vector<16x1xi32> to vector<16xi32>
                %gather3A_474 = tpu.dynamic_gather %while3A_455[%gather3A_473] in [0] : vector<16xf32>, vector<16xi32> -> vector<16xf32>
                %broadcast_in_dim3A_475 = vector.shape_cast %max3A_13 : vector<16xi32> to vector<16x1xi32>
                %gather3A_476 = vector.shape_cast %broadcast_in_dim3A_475 : vector<16x1xi32> to vector<16xi32>
                %gather3A_477 = tpu.dynamic_gather %while3A_456[%gather3A_476] in [0] : vector<16xi32>, vector<16xi32> -> vector<16xi32>
                %lt3A_478 = arith.cmpi slt, %iota3A, %all_reduce_population_count3A_471 : vector<16xi32>
                %eq3A_479 = arith.cmpi eq, %iota3A, %all_reduce_population_count3A_471 : vector<16xi32>
                %select_n3A_480 = arith.select %eq3A_479, %select_n3A, %gather3A_474 : vector<16xi1>, vector<16xf32>
                %select_n3A_481 = arith.select %lt3A_478, %while3A_455, %select_n3A_480 : vector<16xi1>, vector<16xf32>
                %select_n3A_482 = arith.select %eq3A_479, %gather3A_468, %gather3A_477 : vector<16xi1>, vector<16xi32>
                %select_n3A_483 = arith.select %lt3A_478, %while3A_456, %select_n3A_482 : vector<16xi1>, vector<16xi32>
                %broadcast_in_dim3A_484 = vector.shape_cast %broadcast_in_dim3A_5 : vector<16xi32> to vector<16x1xi32>
                %gather3A_485 = vector.shape_cast %broadcast_in_dim3A_484 : vector<16x1xi32> to vector<16xi32>
                %gather3A_486 = tpu.dynamic_gather %select_n3A_481[%gather3A_485] in [0] : vector<16xf32>, vector<16xi32> -> vector<16xf32>
                %min3A_487 = arith.minimumf %broadcast_in_dim3A_7, %gather3A_486 : vector<16xf32>
                %ne3A = arith.cmpi ne, %iota3A, %all_reduce_ffs3A : vector<16xi32>
                %and3A_488 = arith.andi %while3A_458, %ne3A : vector<16xi1>
                %le3A_489 = arith.cmpf ole, %get3A_366, %min3A_487 : vector<16xf32>
                %and3A_490 = arith.andi %and3A_488, %le3A_489 : vector<16xi1>
                scf.yield %select_n3A_481, %select_n3A_483, %min3A_487, %and3A_490 : vector<16xf32>, vector<16xi32>, vector<16xf32>, vector<16xi1>
              }
              %add3A_443 = arith.constant 96 : i32
              %add3A_444 = arith.addi %mul3A_331, %add3A_443 : i32
              %add3A_445 = vector.broadcast %add3A_444 : i32 to vector<16xi32>
              %add3A_446 = arith.addi %iota3A, %add3A_445 : vector<16xi32>
              %le3A_447 = arith.cmpf ole, %get3A_372, %while3A_442#2 : vector<16xf32>
              %while3A_448:4 = scf.while (%while3A_455 = %while3A_442#0, %while3A_456 = %while3A_442#1, %while3A_457 = %while3A_442#2, %while3A_458 = %le3A_447) : (vector<16xf32>, vector<16xi32>, vector<16xf32>, vector<16xi1>) -> (vector<16xf32>, vector<16xi32>, vector<16xf32>, vector<16xi1>) {
                %all_reduce_population_count3A_459 = tpu.all_reduce %while3A_458 {dim = 0 : i64, kind = #tpu.reduction_kind<sum>} : vector<16xi1> -> vector<16xi32>
                %slice3A_460 = vector.extract_strided_slice %all_reduce_population_count3A_459 {offsets = [0], sizes = [1], strides = [1]} : vector<16xi32> to vector<1xi32>
                %squeeze3A_461 = vector.extract %slice3A_460[0] : i32 from vector<1xi32>
                %gt3A_462 = arith.constant 0 : i32
                %gt3A_463 = arith.cmpi sgt, %squeeze3A_461, %gt3A_462 : i32
                scf.condition(%gt3A_463) %while3A_455, %while3A_456, %while3A_457, %while3A_458 : vector<16xf32>, vector<16xi32>, vector<16xf32>, vector<16xi1>
              } do {
              ^bb0(%while3A_455: vector<16xf32>, %while3A_456: vector<16xi32>, %while3A_457: vector<16xf32>, %while3A_458: vector<16xi1>):
                %all_reduce_ffs3A = tpu.all_reduce %while3A_458 {dim = 0 : i64, kind = #tpu.reduction_kind<find_first_set>} : vector<16xi1> -> vector<16xi32>
                %broadcast_in_dim3A_459 = vector.shape_cast %all_reduce_ffs3A : vector<16xi32> to vector<16x1xi32>
                %gather3A_460 = vector.shape_cast %broadcast_in_dim3A_459 : vector<16x1xi32> to vector<16xi32>
                %gather3A_461 = tpu.dynamic_gather %get3A_372[%gather3A_460] in [0] : vector<16xf32>, vector<16xi32> -> vector<16xf32>
                %le3A_462 = arith.constant 8.000000e-01 : f32
                %le3A_463 = vector.broadcast %le3A_462 : f32 to vector<16xf32>
                %le3A_464 = arith.cmpf ole, %gather3A_461, %le3A_463 : vector<16xf32>
                %jit3A = arith.constant 0x7F800000 : f32
                %broadcast_in_dim3A_465 = vector.broadcast %jit3A : f32 to vector<16xf32>
                %select_n3A = arith.select %le3A_464, %gather3A_461, %broadcast_in_dim3A_465 : vector<16xi1>, vector<16xf32>
                %broadcast_in_dim3A_466 = vector.shape_cast %all_reduce_ffs3A : vector<16xi32> to vector<16x1xi32>
                %gather3A_467 = vector.shape_cast %broadcast_in_dim3A_466 : vector<16x1xi32> to vector<16xi32>
                %gather3A_468 = tpu.dynamic_gather %add3A_446[%gather3A_467] in [0] : vector<16xi32>, vector<16xi32> -> vector<16xi32>
                %lt3A = arith.cmpf olt, %while3A_455, %select_n3A : vector<16xf32>
                %eq3A = arith.cmpf oeq, %while3A_455, %select_n3A : vector<16xf32>
                %lt3A_469 = arith.cmpi slt, %while3A_456, %gather3A_468 : vector<16xi32>
                %and3A = arith.andi %eq3A, %lt3A_469 : vector<16xi1>
                %or3A_470 = arith.ori %lt3A, %and3A : vector<16xi1>
                %all_reduce_population_count3A_471 = tpu.all_reduce %or3A_470 {dim = 0 : i64, kind = #tpu.reduction_kind<sum>} : vector<16xi1> -> vector<16xi32>
                %broadcast_in_dim3A_472 = vector.shape_cast %max3A_13 : vector<16xi32> to vector<16x1xi32>
                %gather3A_473 = vector.shape_cast %broadcast_in_dim3A_472 : vector<16x1xi32> to vector<16xi32>
                %gather3A_474 = tpu.dynamic_gather %while3A_455[%gather3A_473] in [0] : vector<16xf32>, vector<16xi32> -> vector<16xf32>
                %broadcast_in_dim3A_475 = vector.shape_cast %max3A_13 : vector<16xi32> to vector<16x1xi32>
                %gather3A_476 = vector.shape_cast %broadcast_in_dim3A_475 : vector<16x1xi32> to vector<16xi32>
                %gather3A_477 = tpu.dynamic_gather %while3A_456[%gather3A_476] in [0] : vector<16xi32>, vector<16xi32> -> vector<16xi32>
                %lt3A_478 = arith.cmpi slt, %iota3A, %all_reduce_population_count3A_471 : vector<16xi32>
                %eq3A_479 = arith.cmpi eq, %iota3A, %all_reduce_population_count3A_471 : vector<16xi32>
                %select_n3A_480 = arith.select %eq3A_479, %select_n3A, %gather3A_474 : vector<16xi1>, vector<16xf32>
                %select_n3A_481 = arith.select %lt3A_478, %while3A_455, %select_n3A_480 : vector<16xi1>, vector<16xf32>
                %select_n3A_482 = arith.select %eq3A_479, %gather3A_468, %gather3A_477 : vector<16xi1>, vector<16xi32>
                %select_n3A_483 = arith.select %lt3A_478, %while3A_456, %select_n3A_482 : vector<16xi1>, vector<16xi32>
                %broadcast_in_dim3A_484 = vector.shape_cast %broadcast_in_dim3A_5 : vector<16xi32> to vector<16x1xi32>
                %gather3A_485 = vector.shape_cast %broadcast_in_dim3A_484 : vector<16x1xi32> to vector<16xi32>
                %gather3A_486 = tpu.dynamic_gather %select_n3A_481[%gather3A_485] in [0] : vector<16xf32>, vector<16xi32> -> vector<16xf32>
                %min3A_487 = arith.minimumf %broadcast_in_dim3A_7, %gather3A_486 : vector<16xf32>
                %ne3A = arith.cmpi ne, %iota3A, %all_reduce_ffs3A : vector<16xi32>
                %and3A_488 = arith.andi %while3A_458, %ne3A : vector<16xi1>
                %le3A_489 = arith.cmpf ole, %get3A_372, %min3A_487 : vector<16xf32>
                %and3A_490 = arith.andi %and3A_488, %le3A_489 : vector<16xi1>
                scf.yield %select_n3A_481, %select_n3A_483, %min3A_487, %and3A_490 : vector<16xf32>, vector<16xi32>, vector<16xf32>, vector<16xi1>
              }
              %add3A_449 = arith.constant 112 : i32
              %add3A_450 = arith.addi %mul3A_331, %add3A_449 : i32
              %add3A_451 = vector.broadcast %add3A_450 : i32 to vector<16xi32>
              %add3A_452 = arith.addi %iota3A, %add3A_451 : vector<16xi32>
              %le3A_453 = arith.cmpf ole, %get3A_378, %while3A_448#2 : vector<16xf32>
              %while3A_454:4 = scf.while (%while3A_455 = %while3A_448#0, %while3A_456 = %while3A_448#1, %while3A_457 = %while3A_448#2, %while3A_458 = %le3A_453) : (vector<16xf32>, vector<16xi32>, vector<16xf32>, vector<16xi1>) -> (vector<16xf32>, vector<16xi32>, vector<16xf32>, vector<16xi1>) {
                %all_reduce_population_count3A_459 = tpu.all_reduce %while3A_458 {dim = 0 : i64, kind = #tpu.reduction_kind<sum>} : vector<16xi1> -> vector<16xi32>
                %slice3A_460 = vector.extract_strided_slice %all_reduce_population_count3A_459 {offsets = [0], sizes = [1], strides = [1]} : vector<16xi32> to vector<1xi32>
                %squeeze3A_461 = vector.extract %slice3A_460[0] : i32 from vector<1xi32>
                %gt3A_462 = arith.constant 0 : i32
                %gt3A_463 = arith.cmpi sgt, %squeeze3A_461, %gt3A_462 : i32
                scf.condition(%gt3A_463) %while3A_455, %while3A_456, %while3A_457, %while3A_458 : vector<16xf32>, vector<16xi32>, vector<16xf32>, vector<16xi1>
              } do {
              ^bb0(%while3A_455: vector<16xf32>, %while3A_456: vector<16xi32>, %while3A_457: vector<16xf32>, %while3A_458: vector<16xi1>):
                %all_reduce_ffs3A = tpu.all_reduce %while3A_458 {dim = 0 : i64, kind = #tpu.reduction_kind<find_first_set>} : vector<16xi1> -> vector<16xi32>
                %broadcast_in_dim3A_459 = vector.shape_cast %all_reduce_ffs3A : vector<16xi32> to vector<16x1xi32>
                %gather3A_460 = vector.shape_cast %broadcast_in_dim3A_459 : vector<16x1xi32> to vector<16xi32>
                %gather3A_461 = tpu.dynamic_gather %get3A_378[%gather3A_460] in [0] : vector<16xf32>, vector<16xi32> -> vector<16xf32>
                %le3A_462 = arith.constant 8.000000e-01 : f32
                %le3A_463 = vector.broadcast %le3A_462 : f32 to vector<16xf32>
                %le3A_464 = arith.cmpf ole, %gather3A_461, %le3A_463 : vector<16xf32>
                %jit3A = arith.constant 0x7F800000 : f32
                %broadcast_in_dim3A_465 = vector.broadcast %jit3A : f32 to vector<16xf32>
                %select_n3A = arith.select %le3A_464, %gather3A_461, %broadcast_in_dim3A_465 : vector<16xi1>, vector<16xf32>
                %broadcast_in_dim3A_466 = vector.shape_cast %all_reduce_ffs3A : vector<16xi32> to vector<16x1xi32>
                %gather3A_467 = vector.shape_cast %broadcast_in_dim3A_466 : vector<16x1xi32> to vector<16xi32>
                %gather3A_468 = tpu.dynamic_gather %add3A_452[%gather3A_467] in [0] : vector<16xi32>, vector<16xi32> -> vector<16xi32>
                %lt3A = arith.cmpf olt, %while3A_455, %select_n3A : vector<16xf32>
                %eq3A = arith.cmpf oeq, %while3A_455, %select_n3A : vector<16xf32>
                %lt3A_469 = arith.cmpi slt, %while3A_456, %gather3A_468 : vector<16xi32>
                %and3A = arith.andi %eq3A, %lt3A_469 : vector<16xi1>
                %or3A_470 = arith.ori %lt3A, %and3A : vector<16xi1>
                %all_reduce_population_count3A_471 = tpu.all_reduce %or3A_470 {dim = 0 : i64, kind = #tpu.reduction_kind<sum>} : vector<16xi1> -> vector<16xi32>
                %broadcast_in_dim3A_472 = vector.shape_cast %max3A_13 : vector<16xi32> to vector<16x1xi32>
                %gather3A_473 = vector.shape_cast %broadcast_in_dim3A_472 : vector<16x1xi32> to vector<16xi32>
                %gather3A_474 = tpu.dynamic_gather %while3A_455[%gather3A_473] in [0] : vector<16xf32>, vector<16xi32> -> vector<16xf32>
                %broadcast_in_dim3A_475 = vector.shape_cast %max3A_13 : vector<16xi32> to vector<16x1xi32>
                %gather3A_476 = vector.shape_cast %broadcast_in_dim3A_475 : vector<16x1xi32> to vector<16xi32>
                %gather3A_477 = tpu.dynamic_gather %while3A_456[%gather3A_476] in [0] : vector<16xi32>, vector<16xi32> -> vector<16xi32>
                %lt3A_478 = arith.cmpi slt, %iota3A, %all_reduce_population_count3A_471 : vector<16xi32>
                %eq3A_479 = arith.cmpi eq, %iota3A, %all_reduce_population_count3A_471 : vector<16xi32>
                %select_n3A_480 = arith.select %eq3A_479, %select_n3A, %gather3A_474 : vector<16xi1>, vector<16xf32>
                %select_n3A_481 = arith.select %lt3A_478, %while3A_455, %select_n3A_480 : vector<16xi1>, vector<16xf32>
                %select_n3A_482 = arith.select %eq3A_479, %gather3A_468, %gather3A_477 : vector<16xi1>, vector<16xi32>
                %select_n3A_483 = arith.select %lt3A_478, %while3A_456, %select_n3A_482 : vector<16xi1>, vector<16xi32>
                %broadcast_in_dim3A_484 = vector.shape_cast %broadcast_in_dim3A_5 : vector<16xi32> to vector<16x1xi32>
                %gather3A_485 = vector.shape_cast %broadcast_in_dim3A_484 : vector<16x1xi32> to vector<16xi32>
                %gather3A_486 = tpu.dynamic_gather %select_n3A_481[%gather3A_485] in [0] : vector<16xf32>, vector<16xi32> -> vector<16xf32>
                %min3A_487 = arith.minimumf %broadcast_in_dim3A_7, %gather3A_486 : vector<16xf32>
                %ne3A = arith.cmpi ne, %iota3A, %all_reduce_ffs3A : vector<16xi32>
                %and3A_488 = arith.andi %while3A_458, %ne3A : vector<16xi1>
                %le3A_489 = arith.cmpf ole, %get3A_378, %min3A_487 : vector<16xf32>
                %and3A_490 = arith.andi %and3A_488, %le3A_489 : vector<16xi1>
                scf.yield %select_n3A_481, %select_n3A_483, %min3A_487, %and3A_490 : vector<16xf32>, vector<16xi32>, vector<16xf32>, vector<16xi1>
              }
              scf.yield %while3A_454#0, %while3A_454#1, %while3A_454#2 : vector<16xf32>, vector<16xi32>, vector<16xf32>
            } else {
              scf.yield %cond3A_415#0, %cond3A_415#1, %cond3A_415#2 : vector<16xf32>, vector<16xi32>, vector<16xf32>
            }
            scf.yield %cond3A_431#0, %cond3A_431#1, %cond3A_431#2 : vector<16xf32>, vector<16xi32>, vector<16xf32>
          } else {
            scf.yield %scan3A_327, %scan3A_328, %scan3A_329 : vector<16xf32>, vector<16xi32>, vector<16xf32>
          }
          scf.yield %cond3A_399#0, %cond3A_399#1, %cond3A_399#2 : vector<16xf32>, vector<16xi32>, vector<16xf32>
        }
        %scan3A_325 = arith.constant 32 : i32
        scf.yield %scan3A_324#0, %scan3A_324#1 : vector<16xf32>, vector<16xi32>
      } else {
        scf.yield %scan3A_162#0, %scan3A_162#1 : vector<16xf32>, vector<16xi32>
      }
      %broadcast_in_dim3A_170 = arith.constant 0 : i32
      %broadcast_in_dim3A_171 = vector.broadcast %broadcast_in_dim3A_170 : i32 to vector<16xi32>
      %gather3A_172 = tpu.vector_load_idx %arg5[%broadcast_in_dim3A_171, %cond3A_169#1] : memref<2x4096xf32, #tpu.memory_space<vmem>>[vector<16xi32>, vector<16xi32>], vector<16xf32>,
      %mul3A_173 = arith.constant 16 : i32
      %mul3A_174 = arith.muli %mul3A_84, %mul3A_173 : i32
      %swap3A = arith.index_cast %mul3A_174 : i32 to index
      %swap3A_175 = tpu.vector_load %arg6[%swap3A] {strides = array<i32>} : memref<1024xi32, #tpu.memory_space<vmem>>, vector<16xi32>,
      tpu.vector_store %arg6[%swap3A], %cond3A_169#1 {strides = array<i32>} : memref<1024xi32, #tpu.memory_space<vmem>>, vector<16xi32>,
      %mul3A_176 = arith.constant 16 : i32
      %mul3A_177 = arith.muli %mul3A_84, %mul3A_176 : i32
      %swap3A_178 = arith.index_cast %mul3A_177 : i32 to index
      %swap3A_179 = tpu.vector_load %arg7[%swap3A_178] {strides = array<i32>} : memref<1024xf32, #tpu.memory_space<vmem>>, vector<16xf32>,
      tpu.vector_store %arg7[%swap3A_178], %gather3A_172 {strides = array<i32>} : memref<1024xf32, #tpu.memory_space<vmem>>, vector<16xf32>,
      %add3A_180 = arith.constant 2 : i32
      %add3A_181 = arith.addi %add3A_54, %add3A_180 : i32
      %min3A_182 = arith.minsi %add3A_181, %sub3A_17 : i32
      %dma_start3A_183 = arith.constant 0 : i32
      %dma_start3A_184 = arith.constant 0 : i32
      %dma_start3A_185 = tpu.memref_slice %arg5[%dma_start3A_183, %dma_start3A_184] : memref<2x4096xf32, #tpu.memory_space<vmem>> -> memref<1x4096xf32, #tpu.memory_space<vmem>>
      %dma_start3A_186 = tpu.memref_squeeze %dma_start3A_185 : memref<1x4096xf32, #tpu.memory_space<vmem>> -> memref<4096xf32, #tpu.memory_space<vmem>>
      %dma_start3A_187 = arith.constant 0 : i32
      %dma_start3A_188 = tpu.memref_slice %arg2[%min3A_182, %dma_start3A_187] : memref<4096x4096xf32, #tpu.memory_space<hbm>> -> memref<1x4096xf32, #tpu.memory_space<hbm>>
      %dma_start3A_189 = tpu.memref_squeeze %dma_start3A_188 : memref<1x4096xf32, #tpu.memory_space<hbm>> -> memref<4096xf32, #tpu.memory_space<hbm>>
      %dma_start3A_190 = arith.constant 0 : i32
      %dma_start3A_191 = tpu.memref_slice %arg5[%dma_start3A_183, %dma_start3A_190] : memref<2x4096xf32, #tpu.memory_space<vmem>> -> memref<1x4096xf32, #tpu.memory_space<vmem>>
      %dma_start3A_192 = tpu.memref_squeeze %dma_start3A_191 : memref<1x4096xf32, #tpu.memory_space<vmem>> -> memref<4096xf32, #tpu.memory_space<vmem>>
      %dma_start3A_193 = arith.constant 0 : i32
      %dma_start3A_194 = tpu.memref_slice %arg2[%min3A_182, %dma_start3A_193] : memref<4096x4096xf32, #tpu.memory_space<hbm>> -> memref<1x4096xf32, #tpu.memory_space<hbm>>
      %dma_start3A_195 = tpu.memref_squeeze %dma_start3A_194 : memref<1x4096xf32, #tpu.memory_space<hbm>> -> memref<4096xf32, #tpu.memory_space<hbm>>
      tpu.enqueue_dma source(%dma_start3A_195 : memref<4096xf32, #tpu.memory_space<hbm>>) target(%dma_start3A_192 : memref<4096xf32, #tpu.memory_space<vmem>>) target_semaphore(%arg8 : memref<!tpu.dma_semaphore, #tpu.memory_space<semaphore_mem>>)
      %add3A_196 = arith.constant 1 : i32
      %add3A_197 = arith.addi %add3A_54, %add3A_196 : i32
      %dma_wait3A_198 = arith.constant 1 : i32
      %dma_wait3A_199 = arith.constant 0 : i32
      %dma_wait3A_200 = tpu.memref_slice %arg5[%dma_wait3A_198, %dma_wait3A_199] : memref<2x4096xf32, #tpu.memory_space<vmem>> -> memref<1x4096xf32, #tpu.memory_space<vmem>>
      %dma_wait3A_201 = tpu.memref_squeeze %dma_wait3A_200 : memref<1x4096xf32, #tpu.memory_space<vmem>> -> memref<4096xf32, #tpu.memory_space<vmem>>
      %dma_wait3A_202 = arith.constant 0 : i32
      %dma_wait3A_203 = tpu.memref_slice %arg2[%add3A_197, %dma_wait3A_202] : memref<4096x4096xf32, #tpu.memory_space<hbm>> -> memref<1x4096xf32, #tpu.memory_space<hbm>>
      %dma_wait3A_204 = tpu.memref_squeeze %dma_wait3A_203 : memref<1x4096xf32, #tpu.memory_space<hbm>> -> memref<4096xf32, #tpu.memory_space<hbm>>
      %dma_wait3A_205 = arith.constant 0 : i32
      %dma_wait3A_206 = tpu.memref_slice %arg5[%dma_wait3A_198, %dma_wait3A_205] : memref<2x4096xf32, #tpu.memory_space<vmem>> -> memref<1x4096xf32, #tpu.memory_space<vmem>>
      %dma_wait3A_207 = tpu.memref_squeeze %dma_wait3A_206 : memref<1x4096xf32, #tpu.memory_space<vmem>> -> memref<4096xf32, #tpu.memory_space<vmem>>
      %dma_wait3A_208 = arith.constant 0 : i32
      %dma_wait3A_209 = tpu.memref_slice %arg2[%add3A_197, %dma_wait3A_208] : memref<4096x4096xf32, #tpu.memory_space<hbm>> -> memref<1x4096xf32, #tpu.memory_space<hbm>>
      %dma_wait3A_210 = tpu.memref_squeeze %dma_wait3A_209 : memref<1x4096xf32, #tpu.memory_space<hbm>> -> memref<4096xf32, #tpu.memory_space<hbm>>
      tpu.wait_dma2 semaphore(%arg9 : memref<!tpu.dma_semaphore, #tpu.memory_space<semaphore_mem>>) src(%dma_wait3A_210 : memref<4096xf32, #tpu.memory_space<hbm>>) dst(%dma_wait3A_207 : memref<4096xf32, #tpu.memory_space<vmem>>)
      %mul3A_211 = arith.constant 2 : i32
      %mul3A_212 = arith.muli %mul3A_211, %scan3A_51 : i32
      %add3A_213 = arith.constant 1 : i32
      %add3A_214 = arith.addi %mul3A_212, %add3A_213 : i32
      %scan3A_215 = arith.constant 0 : i32
      %scan3A_216 = arith.constant 16 : i32
      %scan3A_217 = arith.addi %scan3A_215, %scan3A_216 : i32
      %scan3A_218 = arith.constant 1 : i32
      %scan3A_219:8 = scf.for %scan3A_320 = %scan3A_215 to %scan3A_217 step %scan3A_218 iter_args(%scan3A_321 = %broadcast_in_dim3A_7, %scan3A_322 = %broadcast_in_dim3A_7, %scan3A_323 = %broadcast_in_dim3A_7, %scan3A_324 = %broadcast_in_dim3A_7, %scan3A_325 = %broadcast_in_dim3A_7, %scan3A_326 = %broadcast_in_dim3A_7, %scan3A_327 = %broadcast_in_dim3A_7, %scan3A_328 = %broadcast_in_dim3A_7) -> (vector<16xf32>, vector<16xf32>, vector<16xf32>, vector<16xf32>, vector<16xf32>, vector<16xf32>, vector<16xf32>, vector<16xf32>)  : i32 {
        %mul3A_329 = arith.constant 256 : i32
        %mul3A_330 = arith.muli %scan3A_320, %mul3A_329 : i32
        %add3A_331 = arith.constant 0 : i32
        %add3A_332 = arith.addi %mul3A_330, %add3A_331 : i32
        %get3A = arith.constant 1 : i32
        %get3A_333 = arith.index_cast %get3A : i32 to index
        %get3A_334 = arith.index_cast %add3A_332 : i32 to index
        %get3A_335 = tpu.vector_load %arg5[%get3A_333, %get3A_334] {strides = array<i32>} : memref<2x4096xf32, #tpu.memory_space<vmem>>, vector<16xf32>,
        %min3A_336 = arith.minimumf %scan3A_321, %get3A_335 : vector<16xf32>
        %add3A_337 = arith.constant 16 : i32
        %add3A_338 = arith.addi %mul3A_330, %add3A_337 : i32
        %get3A_339 = arith.constant 1 : i32
        %get3A_340 = arith.index_cast %get3A_339 : i32 to index
        %get3A_341 = arith.index_cast %add3A_338 : i32 to index
        %get3A_342 = tpu.vector_load %arg5[%get3A_340, %get3A_341] {strides = array<i32>} : memref<2x4096xf32, #tpu.memory_space<vmem>>, vector<16xf32>,
        %min3A_343 = arith.minimumf %scan3A_322, %get3A_342 : vector<16xf32>
        %add3A_344 = arith.constant 32 : i32
        %add3A_345 = arith.addi %mul3A_330, %add3A_344 : i32
        %get3A_346 = arith.constant 1 : i32
        %get3A_347 = arith.index_cast %get3A_346 : i32 to index
        %get3A_348 = arith.index_cast %add3A_345 : i32 to index
        %get3A_349 = tpu.vector_load %arg5[%get3A_347, %get3A_348] {strides = array<i32>} : memref<2x4096xf32, #tpu.memory_space<vmem>>, vector<16xf32>,
        %min3A_350 = arith.minimumf %scan3A_323, %get3A_349 : vector<16xf32>
        %add3A_351 = arith.constant 48 : i32
        %add3A_352 = arith.addi %mul3A_330, %add3A_351 : i32
        %get3A_353 = arith.constant 1 : i32
        %get3A_354 = arith.index_cast %get3A_353 : i32 to index
        %get3A_355 = arith.index_cast %add3A_352 : i32 to index
        %get3A_356 = tpu.vector_load %arg5[%get3A_354, %get3A_355] {strides = array<i32>} : memref<2x4096xf32, #tpu.memory_space<vmem>>, vector<16xf32>,
        %min3A_357 = arith.minimumf %scan3A_324, %get3A_356 : vector<16xf32>
        %add3A_358 = arith.constant 64 : i32
        %add3A_359 = arith.addi %mul3A_330, %add3A_358 : i32
        %get3A_360 = arith.constant 1 : i32
        %get3A_361 = arith.index_cast %get3A_360 : i32 to index
        %get3A_362 = arith.index_cast %add3A_359 : i32 to index
        %get3A_363 = tpu.vector_load %arg5[%get3A_361, %get3A_362] {strides = array<i32>} : memref<2x4096xf32, #tpu.memory_space<vmem>>, vector<16xf32>,
        %min3A_364 = arith.minimumf %scan3A_325, %get3A_363 : vector<16xf32>
        %add3A_365 = arith.constant 80 : i32
        %add3A_366 = arith.addi %mul3A_330, %add3A_365 : i32
        %get3A_367 = arith.constant 1 : i32
        %get3A_368 = arith.index_cast %get3A_367 : i32 to index
        %get3A_369 = arith.index_cast %add3A_366 : i32 to index
        %get3A_370 = tpu.vector_load %arg5[%get3A_368, %get3A_369] {strides = array<i32>} : memref<2x4096xf32, #tpu.memory_space<vmem>>, vector<16xf32>,
        %min3A_371 = arith.minimumf %scan3A_326, %get3A_370 : vector<16xf32>
        %add3A_372 = arith.constant 96 : i32
        %add3A_373 = arith.addi %mul3A_330, %add3A_372 : i32
        %get3A_374 = arith.constant 1 : i32
        %get3A_375 = arith.index_cast %get3A_374 : i32 to index
        %get3A_376 = arith.index_cast %add3A_373 : i32 to index
        %get3A_377 = tpu.vector_load %arg5[%get3A_375, %get3A_376] {strides = array<i32>} : memref<2x4096xf32, #tpu.memory_space<vmem>>, vector<16xf32>,
        %min3A_378 = arith.minimumf %scan3A_327, %get3A_377 : vector<16xf32>
        %add3A_379 = arith.constant 112 : i32
        %add3A_380 = arith.addi %mul3A_330, %add3A_379 : i32
        %get3A_381 = arith.constant 1 : i32
        %get3A_382 = arith.index_cast %get3A_381 : i32 to index
        %get3A_383 = arith.index_cast %add3A_380 : i32 to index
        %get3A_384 = tpu.vector_load %arg5[%get3A_382, %get3A_383] {strides = array<i32>} : memref<2x4096xf32, #tpu.memory_space<vmem>>, vector<16xf32>,
        %min3A_385 = arith.minimumf %scan3A_328, %get3A_384 : vector<16xf32>
        %add3A_386 = arith.constant 128 : i32
        %add3A_387 = arith.addi %mul3A_330, %add3A_386 : i32
        %get3A_388 = arith.constant 1 : i32
        %get3A_389 = arith.index_cast %get3A_388 : i32 to index
        %get3A_390 = arith.index_cast %add3A_387 : i32 to index
        %get3A_391 = tpu.vector_load %arg5[%get3A_389, %get3A_390] {strides = array<i32>} : memref<2x4096xf32, #tpu.memory_space<vmem>>, vector<16xf32>,
        %min3A_392 = arith.minimumf %min3A_336, %get3A_391 : vector<16xf32>
        %add3A_393 = arith.constant 144 : i32
        %add3A_394 = arith.addi %mul3A_330, %add3A_393 : i32
        %get3A_395 = arith.constant 1 : i32
        %get3A_396 = arith.index_cast %get3A_395 : i32 to index
        %get3A_397 = arith.index_cast %add3A_394 : i32 to index
        %get3A_398 = tpu.vector_load %arg5[%get3A_396, %get3A_397] {strides = array<i32>} : memref<2x4096xf32, #tpu.memory_space<vmem>>, vector<16xf32>,
        %min3A_399 = arith.minimumf %min3A_343, %get3A_398 : vector<16xf32>
        %add3A_400 = arith.constant 160 : i32
        %add3A_401 = arith.addi %mul3A_330, %add3A_400 : i32
        %get3A_402 = arith.constant 1 : i32
        %get3A_403 = arith.index_cast %get3A_402 : i32 to index
        %get3A_404 = arith.index_cast %add3A_401 : i32 to index
        %get3A_405 = tpu.vector_load %arg5[%get3A_403, %get3A_404] {strides = array<i32>} : memref<2x4096xf32, #tpu.memory_space<vmem>>, vector<16xf32>,
        %min3A_406 = arith.minimumf %min3A_350, %get3A_405 : vector<16xf32>
        %add3A_407 = arith.constant 176 : i32
        %add3A_408 = arith.addi %mul3A_330, %add3A_407 : i32
        %get3A_409 = arith.constant 1 : i32
        %get3A_410 = arith.index_cast %get3A_409 : i32 to index
        %get3A_411 = arith.index_cast %add3A_408 : i32 to index
        %get3A_412 = tpu.vector_load %arg5[%get3A_410, %get3A_411] {strides = array<i32>} : memref<2x4096xf32, #tpu.memory_space<vmem>>, vector<16xf32>,
        %min3A_413 = arith.minimumf %min3A_357, %get3A_412 : vector<16xf32>
        %add3A_414 = arith.constant 192 : i32
        %add3A_415 = arith.addi %mul3A_330, %add3A_414 : i32
        %get3A_416 = arith.constant 1 : i32
        %get3A_417 = arith.index_cast %get3A_416 : i32 to index
        %get3A_418 = arith.index_cast %add3A_415 : i32 to index
        %get3A_419 = tpu.vector_load %arg5[%get3A_417, %get3A_418] {strides = array<i32>} : memref<2x4096xf32, #tpu.memory_space<vmem>>, vector<16xf32>,
        %min3A_420 = arith.minimumf %min3A_364, %get3A_419 : vector<16xf32>
        %add3A_421 = arith.constant 208 : i32
        %add3A_422 = arith.addi %mul3A_330, %add3A_421 : i32
        %get3A_423 = arith.constant 1 : i32
        %get3A_424 = arith.index_cast %get3A_423 : i32 to index
        %get3A_425 = arith.index_cast %add3A_422 : i32 to index
        %get3A_426 = tpu.vector_load %arg5[%get3A_424, %get3A_425] {strides = array<i32>} : memref<2x4096xf32, #tpu.memory_space<vmem>>, vector<16xf32>,
        %min3A_427 = arith.minimumf %min3A_371, %get3A_426 : vector<16xf32>
        %add3A_428 = arith.constant 224 : i32
        %add3A_429 = arith.addi %mul3A_330, %add3A_428 : i32
        %get3A_430 = arith.constant 1 : i32
        %get3A_431 = arith.index_cast %get3A_430 : i32 to index
        %get3A_432 = arith.index_cast %add3A_429 : i32 to index
        %get3A_433 = tpu.vector_load %arg5[%get3A_431, %get3A_432] {strides = array<i32>} : memref<2x4096xf32, #tpu.memory_space<vmem>>, vector<16xf32>,
        %min3A_434 = arith.minimumf %min3A_378, %get3A_433 : vector<16xf32>
        %add3A_435 = arith.constant 240 : i32
        %add3A_436 = arith.addi %mul3A_330, %add3A_435 : i32
        %get3A_437 = arith.constant 1 : i32
        %get3A_438 = arith.index_cast %get3A_437 : i32 to index
        %get3A_439 = arith.index_cast %add3A_436 : i32 to index
        %get3A_440 = tpu.vector_load %arg5[%get3A_438, %get3A_439] {strides = array<i32>} : memref<2x4096xf32, #tpu.memory_space<vmem>>, vector<16xf32>,
        %min3A_441 = arith.minimumf %min3A_385, %get3A_440 : vector<16xf32>
        scf.yield %min3A_392, %min3A_399, %min3A_406, %min3A_413, %min3A_420, %min3A_427, %min3A_434, %min3A_441 : vector<16xf32>, vector<16xf32>, vector<16xf32>, vector<16xf32>, vector<16xf32>, vector<16xf32>, vector<16xf32>, vector<16xf32>
      }
      %scan3A_220 = arith.constant 16 : i32
      %sub3A_221 = arith.constant 15 : i32
      %sub3A_222 = vector.broadcast %sub3A_221 : i32 to vector<16xi32>
      %sub3A_223 = arith.subi %sub3A_222, %iota3A : vector<16xi32>
      %min3A_224 = arith.minimumf %scan3A_219#0, %scan3A_219#1 : vector<16xf32>
      %min3A_225 = arith.minimumf %scan3A_219#2, %scan3A_219#3 : vector<16xf32>
      %min3A_226 = arith.minimumf %scan3A_219#4, %scan3A_219#5 : vector<16xf32>
      %min3A_227 = arith.minimumf %scan3A_219#6, %scan3A_219#7 : vector<16xf32>
      %masked_sort3A_228 = arith.constant dense<true> : vector<16xi1>
      %masked_sort3A_229, %masked_sort3A_230, %masked_sort3A_231 = tpu.sort %min3A_224, %min3A_224 masked %masked_sort3A_228 : (vector<16xf32>, vector<16xf32>, vector<16xi1>) -> (vector<16xi1>, vector<16xf32>, vector<16xf32>)
      %masked_sort3A_232 = arith.constant dense<true> : vector<16xi1>
      %masked_sort3A_233, %masked_sort3A_234, %masked_sort3A_235 = tpu.sort %min3A_225, %min3A_225 masked %masked_sort3A_232 : (vector<16xf32>, vector<16xf32>, vector<16xi1>) -> (vector<16xi1>, vector<16xf32>, vector<16xf32>)
      %broadcast_in_dim3A_236 = vector.shape_cast %sub3A_223 : vector<16xi32> to vector<16x1xi32>
      %gather3A_237 = vector.shape_cast %broadcast_in_dim3A_236 : vector<16x1xi32> to vector<16xi32>
      %gather3A_238 = tpu.dynamic_gather %masked_sort3A_234[%gather3A_237] in [0] : vector<16xf32>, vector<16xi32> -> vector<16xf32>
      %min3A_239 = arith.minimumf %masked_sort3A_230, %gather3A_238 : vector<16xf32>
      %masked_sort3A_240 = arith.constant dense<true> : vector<16xi1>
      %masked_sort3A_241, %masked_sort3A_242, %masked_sort3A_243 = tpu.sort %min3A_226, %min3A_226 masked %masked_sort3A_240 : (vector<16xf32>, vector<16xf32>, vector<16xi1>) -> (vector<16xi1>, vector<16xf32>, vector<16xf32>)
      %masked_sort3A_244 = arith.constant dense<true> : vector<16xi1>
      %masked_sort3A_245, %masked_sort3A_246, %masked_sort3A_247 = tpu.sort %min3A_227, %min3A_227 masked %masked_sort3A_244 : (vector<16xf32>, vector<16xf32>, vector<16xi1>) -> (vector<16xi1>, vector<16xf32>, vector<16xf32>)
      %broadcast_in_dim3A_248 = vector.shape_cast %sub3A_223 : vector<16xi32> to vector<16x1xi32>
      %gather3A_249 = vector.shape_cast %broadcast_in_dim3A_248 : vector<16x1xi32> to vector<16xi32>
      %gather3A_250 = tpu.dynamic_gather %masked_sort3A_246[%gather3A_249] in [0] : vector<16xf32>, vector<16xi32> -> vector<16xf32>
      %min3A_251 = arith.minimumf %masked_sort3A_242, %gather3A_250 : vector<16xf32>
      %masked_sort3A_252 = arith.constant dense<true> : vector<16xi1>
      %masked_sort3A_253, %masked_sort3A_254, %masked_sort3A_255 = tpu.sort %min3A_239, %min3A_239 masked %masked_sort3A_252 : (vector<16xf32>, vector<16xf32>, vector<16xi1>) -> (vector<16xi1>, vector<16xf32>, vector<16xf32>)
      %masked_sort3A_256 = arith.constant dense<true> : vector<16xi1>
      %masked_sort3A_257, %masked_sort3A_258, %masked_sort3A_259 = tpu.sort %min3A_251, %min3A_251 masked %masked_sort3A_256 : (vector<16xf32>, vector<16xf32>, vector<16xi1>) -> (vector<16xi1>, vector<16xf32>, vector<16xf32>)
      %broadcast_in_dim3A_260 = vector.shape_cast %sub3A_223 : vector<16xi32> to vector<16x1xi32>
      %gather3A_261 = vector.shape_cast %broadcast_in_dim3A_260 : vector<16x1xi32> to vector<16xi32>
      %gather3A_262 = tpu.dynamic_gather %masked_sort3A_258[%gather3A_261] in [0] : vector<16xf32>, vector<16xi32> -> vector<16xf32>
      %min3A_263 = arith.minimumf %masked_sort3A_254, %gather3A_262 : vector<16xf32>
      %xor3A_264 = arith.constant 8 : i32
      %xor3A_265 = vector.broadcast %xor3A_264 : i32 to vector<16xi32>
      %xor3A_266 = arith.xori %iota3A, %xor3A_265 : vector<16xi32>
      %broadcast_in_dim3A_267 = vector.shape_cast %xor3A_266 : vector<16xi32> to vector<16x1xi32>
      %gather3A_268 = vector.shape_cast %broadcast_in_dim3A_267 : vector<16x1xi32> to vector<16xi32>
      %gather3A_269 = tpu.dynamic_gather %min3A_263[%gather3A_268] in [0] : vector<16xf32>, vector<16xi32> -> vector<16xf32>
      %max3A_270 = arith.maximumf %min3A_263, %gather3A_269 : vector<16xf32>
      %xor3A_271 = arith.constant 4 : i32
      %xor3A_272 = vector.broadcast %xor3A_271 : i32 to vector<16xi32>
      %xor3A_273 = arith.xori %iota3A, %xor3A_272 : vector<16xi32>
      %broadcast_in_dim3A_274 = vector.shape_cast %xor3A_273 : vector<16xi32> to vector<16x1xi32>
      %gather3A_275 = vector.shape_cast %broadcast_in_dim3A_274 : vector<16x1xi32> to vector<16xi32>
      %gather3A_276 = tpu.dynamic_gather %max3A_270[%gather3A_275] in [0] : vector<16xf32>, vector<16xi32> -> vector<16xf32>
      %max3A_277 = arith.maximumf %max3A_270, %gather3A_276 : vector<16xf32>
      %xor3A_278 = arith.constant 2 : i32
      %xor3A_279 = vector.broadcast %xor3A_278 : i32 to vector<16xi32>
      %xor3A_280 = arith.xori %iota3A, %xor3A_279 : vector<16xi32>
      %broadcast_in_dim3A_281 = vector.shape_cast %xor3A_280 : vector<16xi32> to vector<16x1xi32>
      %gather3A_282 = vector.shape_cast %broadcast_in_dim3A_281 : vector<16x1xi32> to vector<16xi32>
      %gather3A_283 = tpu.dynamic_gather %max3A_277[%gather3A_282] in [0] : vector<16xf32>, vector<16xi32> -> vector<16xf32>
      %max3A_284 = arith.maximumf %max3A_277, %gather3A_283 : vector<16xf32>
      %xor3A_285 = arith.constant 1 : i32
      %xor3A_286 = vector.broadcast %xor3A_285 : i32 to vector<16xi32>
      %xor3A_287 = arith.xori %iota3A, %xor3A_286 : vector<16xi32>
      %broadcast_in_dim3A_288 = vector.shape_cast %xor3A_287 : vector<16xi32> to vector<16x1xi32>
      %gather3A_289 = vector.shape_cast %broadcast_in_dim3A_288 : vector<16x1xi32> to vector<16xi32>
      %gather3A_290 = tpu.dynamic_gather %max3A_284[%gather3A_289] in [0] : vector<16xf32>, vector<16xi32> -> vector<16xf32>
      %max3A_291 = arith.maximumf %max3A_284, %gather3A_290 : vector<16xf32>
      %scan3A_292 = arith.constant 0 : i32
      %scan3A_293 = arith.constant 32 : i32
      %scan3A_294 = arith.addi %scan3A_292, %scan3A_293 : i32
      %scan3A_295 = arith.constant 1 : i32
      %scan3A_296:3 = scf.for %scan3A_320 = %scan3A_292 to %scan3A_294 step %scan3A_295 iter_args(%scan3A_321 = %broadcast_in_dim3A_7, %scan3A_322 = %broadcast_in_dim3A_9, %scan3A_323 = %max3A_291) -> (vector<16xf32>, vector<16xi32>, vector<16xf32>)  : i32 {
        %mul3A_324 = arith.constant 128 : i32
        %mul3A_325 = arith.muli %scan3A_320, %mul3A_324 : i32
        %add3A_326 = arith.constant 0 : i32
        %add3A_327 = arith.addi %mul3A_325, %add3A_326 : i32
        %get3A = arith.constant 1 : i32
        %get3A_328 = arith.index_cast %get3A : i32 to index
        %get3A_329 = arith.index_cast %add3A_327 : i32 to index
        %get3A_330 = tpu.vector_load %arg5[%get3A_328, %get3A_329] {strides = array<i32>} : memref<2x4096xf32, #tpu.memory_space<vmem>>, vector<16xf32>,
        %add3A_331 = arith.constant 16 : i32
        %add3A_332 = arith.addi %mul3A_325, %add3A_331 : i32
        %get3A_333 = arith.constant 1 : i32
        %get3A_334 = arith.index_cast %get3A_333 : i32 to index
        %get3A_335 = arith.index_cast %add3A_332 : i32 to index
        %get3A_336 = tpu.vector_load %arg5[%get3A_334, %get3A_335] {strides = array<i32>} : memref<2x4096xf32, #tpu.memory_space<vmem>>, vector<16xf32>,
        %add3A_337 = arith.constant 32 : i32
        %add3A_338 = arith.addi %mul3A_325, %add3A_337 : i32
        %get3A_339 = arith.constant 1 : i32
        %get3A_340 = arith.index_cast %get3A_339 : i32 to index
        %get3A_341 = arith.index_cast %add3A_338 : i32 to index
        %get3A_342 = tpu.vector_load %arg5[%get3A_340, %get3A_341] {strides = array<i32>} : memref<2x4096xf32, #tpu.memory_space<vmem>>, vector<16xf32>,
        %add3A_343 = arith.constant 48 : i32
        %add3A_344 = arith.addi %mul3A_325, %add3A_343 : i32
        %get3A_345 = arith.constant 1 : i32
        %get3A_346 = arith.index_cast %get3A_345 : i32 to index
        %get3A_347 = arith.index_cast %add3A_344 : i32 to index
        %get3A_348 = tpu.vector_load %arg5[%get3A_346, %get3A_347] {strides = array<i32>} : memref<2x4096xf32, #tpu.memory_space<vmem>>, vector<16xf32>,
        %add3A_349 = arith.constant 64 : i32
        %add3A_350 = arith.addi %mul3A_325, %add3A_349 : i32
        %get3A_351 = arith.constant 1 : i32
        %get3A_352 = arith.index_cast %get3A_351 : i32 to index
        %get3A_353 = arith.index_cast %add3A_350 : i32 to index
        %get3A_354 = tpu.vector_load %arg5[%get3A_352, %get3A_353] {strides = array<i32>} : memref<2x4096xf32, #tpu.memory_space<vmem>>, vector<16xf32>,
        %add3A_355 = arith.constant 80 : i32
        %add3A_356 = arith.addi %mul3A_325, %add3A_355 : i32
        %get3A_357 = arith.constant 1 : i32
        %get3A_358 = arith.index_cast %get3A_357 : i32 to index
        %get3A_359 = arith.index_cast %add3A_356 : i32 to index
        %get3A_360 = tpu.vector_load %arg5[%get3A_358, %get3A_359] {strides = array<i32>} : memref<2x4096xf32, #tpu.memory_space<vmem>>, vector<16xf32>,
        %add3A_361 = arith.constant 96 : i32
        %add3A_362 = arith.addi %mul3A_325, %add3A_361 : i32
        %get3A_363 = arith.constant 1 : i32
        %get3A_364 = arith.index_cast %get3A_363 : i32 to index
        %get3A_365 = arith.index_cast %add3A_362 : i32 to index
        %get3A_366 = tpu.vector_load %arg5[%get3A_364, %get3A_365] {strides = array<i32>} : memref<2x4096xf32, #tpu.memory_space<vmem>>, vector<16xf32>,
        %add3A_367 = arith.constant 112 : i32
        %add3A_368 = arith.addi %mul3A_325, %add3A_367 : i32
        %get3A_369 = arith.constant 1 : i32
        %get3A_370 = arith.index_cast %get3A_369 : i32 to index
        %get3A_371 = arith.index_cast %add3A_368 : i32 to index
        %get3A_372 = tpu.vector_load %arg5[%get3A_370, %get3A_371] {strides = array<i32>} : memref<2x4096xf32, #tpu.memory_space<vmem>>, vector<16xf32>,
        %le3A = arith.cmpf ole, %get3A_330, %scan3A_323 : vector<16xf32>
        %le3A_373 = arith.cmpf ole, %get3A_336, %scan3A_323 : vector<16xf32>
        %or3A = arith.ori %le3A, %le3A_373 : vector<16xi1>
        %le3A_374 = arith.cmpf ole, %get3A_342, %scan3A_323 : vector<16xf32>
        %or3A_375 = arith.ori %or3A, %le3A_374 : vector<16xi1>
        %le3A_376 = arith.cmpf ole, %get3A_348, %scan3A_323 : vector<16xf32>
        %or3A_377 = arith.ori %or3A_375, %le3A_376 : vector<16xi1>
        %le3A_378 = arith.cmpf ole, %get3A_354, %scan3A_323 : vector<16xf32>
        %or3A_379 = arith.ori %or3A_377, %le3A_378 : vector<16xi1>
        %le3A_380 = arith.cmpf ole, %get3A_360, %scan3A_323 : vector<16xf32>
        %or3A_381 = arith.ori %or3A_379, %le3A_380 : vector<16xi1>
        %le3A_382 = arith.cmpf ole, %get3A_366, %scan3A_323 : vector<16xf32>
        %or3A_383 = arith.ori %or3A_381, %le3A_382 : vector<16xi1>
        %le3A_384 = arith.cmpf ole, %get3A_372, %scan3A_323 : vector<16xf32>
        %or3A_385 = arith.ori %or3A_383, %le3A_384 : vector<16xi1>
        %all_reduce_population_count3A = tpu.all_reduce %or3A_385 {dim = 0 : i64, kind = #tpu.reduction_kind<sum>} : vector<16xi1> -> vector<16xi32>
        %slice3A_386 = vector.extract_strided_slice %all_reduce_population_count3A {offsets = [0], sizes = [1], strides = [1]} : vector<16xi32> to vector<1xi32>
        %squeeze3A_387 = vector.extract %slice3A_386[0] : i32 from vector<1xi32>
        %gt3A_388 = arith.constant 0 : i32
        %gt3A_389 = arith.cmpi sgt, %squeeze3A_387, %gt3A_388 : i32
        %convert_element_type3A_390 = arith.extui %gt3A_389 : i1 to i32
        %cond3A_391 = arith.constant 0 : i32
        %cond3A_392 = arith.cmpi ne, %convert_element_type3A_390, %cond3A_391 : i32
        %cond3A_393:3 = scf.if %cond3A_392 -> (vector<16xf32>, vector<16xi32>, vector<16xf32>) {
          %le3A_394 = arith.cmpf ole, %get3A_330, %scan3A_323 : vector<16xf32>
          %le3A_395 = arith.cmpf ole, %get3A_336, %scan3A_323 : vector<16xf32>
          %or3A_396 = arith.ori %le3A_394, %le3A_395 : vector<16xi1>
          %le3A_397 = arith.cmpf ole, %get3A_342, %scan3A_323 : vector<16xf32>
          %or3A_398 = arith.ori %or3A_396, %le3A_397 : vector<16xi1>
          %le3A_399 = arith.cmpf ole, %get3A_348, %scan3A_323 : vector<16xf32>
          %or3A_400 = arith.ori %or3A_398, %le3A_399 : vector<16xi1>
          %all_reduce_population_count3A_401 = tpu.all_reduce %or3A_400 {dim = 0 : i64, kind = #tpu.reduction_kind<sum>} : vector<16xi1> -> vector<16xi32>
          %slice3A_402 = vector.extract_strided_slice %all_reduce_population_count3A_401 {offsets = [0], sizes = [1], strides = [1]} : vector<16xi32> to vector<1xi32>
          %squeeze3A_403 = vector.extract %slice3A_402[0] : i32 from vector<1xi32>
          %gt3A_404 = arith.constant 0 : i32
          %gt3A_405 = arith.cmpi sgt, %squeeze3A_403, %gt3A_404 : i32
          %convert_element_type3A_406 = arith.extui %gt3A_405 : i1 to i32
          %cond3A_407 = arith.constant 0 : i32
          %cond3A_408 = arith.cmpi ne, %convert_element_type3A_406, %cond3A_407 : i32
          %cond3A_409:3 = scf.if %cond3A_408 -> (vector<16xf32>, vector<16xi32>, vector<16xf32>) {
            %add3A_426 = arith.constant 0 : i32
            %add3A_427 = arith.addi %mul3A_325, %add3A_426 : i32
            %add3A_428 = vector.broadcast %add3A_427 : i32 to vector<16xi32>
            %add3A_429 = arith.addi %iota3A, %add3A_428 : vector<16xi32>
            %le3A_430 = arith.cmpf ole, %get3A_330, %scan3A_323 : vector<16xf32>
            %while3A:4 = scf.while (%while3A_449 = %scan3A_321, %while3A_450 = %scan3A_322, %while3A_451 = %scan3A_323, %while3A_452 = %le3A_430) : (vector<16xf32>, vector<16xi32>, vector<16xf32>, vector<16xi1>) -> (vector<16xf32>, vector<16xi32>, vector<16xf32>, vector<16xi1>) {
              %all_reduce_population_count3A_453 = tpu.all_reduce %while3A_452 {dim = 0 : i64, kind = #tpu.reduction_kind<sum>} : vector<16xi1> -> vector<16xi32>
              %slice3A_454 = vector.extract_strided_slice %all_reduce_population_count3A_453 {offsets = [0], sizes = [1], strides = [1]} : vector<16xi32> to vector<1xi32>
              %squeeze3A_455 = vector.extract %slice3A_454[0] : i32 from vector<1xi32>
              %gt3A_456 = arith.constant 0 : i32
              %gt3A_457 = arith.cmpi sgt, %squeeze3A_455, %gt3A_456 : i32
              scf.condition(%gt3A_457) %while3A_449, %while3A_450, %while3A_451, %while3A_452 : vector<16xf32>, vector<16xi32>, vector<16xf32>, vector<16xi1>
            } do {
            ^bb0(%while3A_449: vector<16xf32>, %while3A_450: vector<16xi32>, %while3A_451: vector<16xf32>, %while3A_452: vector<16xi1>):
              %all_reduce_ffs3A = tpu.all_reduce %while3A_452 {dim = 0 : i64, kind = #tpu.reduction_kind<find_first_set>} : vector<16xi1> -> vector<16xi32>
              %broadcast_in_dim3A_453 = vector.shape_cast %all_reduce_ffs3A : vector<16xi32> to vector<16x1xi32>
              %gather3A_454 = vector.shape_cast %broadcast_in_dim3A_453 : vector<16x1xi32> to vector<16xi32>
              %gather3A_455 = tpu.dynamic_gather %get3A_330[%gather3A_454] in [0] : vector<16xf32>, vector<16xi32> -> vector<16xf32>
              %le3A_456 = arith.constant 8.000000e-01 : f32
              %le3A_457 = vector.broadcast %le3A_456 : f32 to vector<16xf32>
              %le3A_458 = arith.cmpf ole, %gather3A_455, %le3A_457 : vector<16xf32>
              %jit3A = arith.constant 0x7F800000 : f32
              %broadcast_in_dim3A_459 = vector.broadcast %jit3A : f32 to vector<16xf32>
              %select_n3A = arith.select %le3A_458, %gather3A_455, %broadcast_in_dim3A_459 : vector<16xi1>, vector<16xf32>
              %broadcast_in_dim3A_460 = vector.shape_cast %all_reduce_ffs3A : vector<16xi32> to vector<16x1xi32>
              %gather3A_461 = vector.shape_cast %broadcast_in_dim3A_460 : vector<16x1xi32> to vector<16xi32>
              %gather3A_462 = tpu.dynamic_gather %add3A_429[%gather3A_461] in [0] : vector<16xi32>, vector<16xi32> -> vector<16xi32>
              %lt3A = arith.cmpf olt, %while3A_449, %select_n3A : vector<16xf32>
              %eq3A = arith.cmpf oeq, %while3A_449, %select_n3A : vector<16xf32>
              %lt3A_463 = arith.cmpi slt, %while3A_450, %gather3A_462 : vector<16xi32>
              %and3A = arith.andi %eq3A, %lt3A_463 : vector<16xi1>
              %or3A_464 = arith.ori %lt3A, %and3A : vector<16xi1>
              %all_reduce_population_count3A_465 = tpu.all_reduce %or3A_464 {dim = 0 : i64, kind = #tpu.reduction_kind<sum>} : vector<16xi1> -> vector<16xi32>
              %broadcast_in_dim3A_466 = vector.shape_cast %max3A_13 : vector<16xi32> to vector<16x1xi32>
              %gather3A_467 = vector.shape_cast %broadcast_in_dim3A_466 : vector<16x1xi32> to vector<16xi32>
              %gather3A_468 = tpu.dynamic_gather %while3A_449[%gather3A_467] in [0] : vector<16xf32>, vector<16xi32> -> vector<16xf32>
              %broadcast_in_dim3A_469 = vector.shape_cast %max3A_13 : vector<16xi32> to vector<16x1xi32>
              %gather3A_470 = vector.shape_cast %broadcast_in_dim3A_469 : vector<16x1xi32> to vector<16xi32>
              %gather3A_471 = tpu.dynamic_gather %while3A_450[%gather3A_470] in [0] : vector<16xi32>, vector<16xi32> -> vector<16xi32>
              %lt3A_472 = arith.cmpi slt, %iota3A, %all_reduce_population_count3A_465 : vector<16xi32>
              %eq3A_473 = arith.cmpi eq, %iota3A, %all_reduce_population_count3A_465 : vector<16xi32>
              %select_n3A_474 = arith.select %eq3A_473, %select_n3A, %gather3A_468 : vector<16xi1>, vector<16xf32>
              %select_n3A_475 = arith.select %lt3A_472, %while3A_449, %select_n3A_474 : vector<16xi1>, vector<16xf32>
              %select_n3A_476 = arith.select %eq3A_473, %gather3A_462, %gather3A_471 : vector<16xi1>, vector<16xi32>
              %select_n3A_477 = arith.select %lt3A_472, %while3A_450, %select_n3A_476 : vector<16xi1>, vector<16xi32>
              %broadcast_in_dim3A_478 = vector.shape_cast %broadcast_in_dim3A_5 : vector<16xi32> to vector<16x1xi32>
              %gather3A_479 = vector.shape_cast %broadcast_in_dim3A_478 : vector<16x1xi32> to vector<16xi32>
              %gather3A_480 = tpu.dynamic_gather %select_n3A_475[%gather3A_479] in [0] : vector<16xf32>, vector<16xi32> -> vector<16xf32>
              %min3A_481 = arith.minimumf %max3A_291, %gather3A_480 : vector<16xf32>
              %ne3A = arith.cmpi ne, %iota3A, %all_reduce_ffs3A : vector<16xi32>
              %and3A_482 = arith.andi %while3A_452, %ne3A : vector<16xi1>
              %le3A_483 = arith.cmpf ole, %get3A_330, %min3A_481 : vector<16xf32>
              %and3A_484 = arith.andi %and3A_482, %le3A_483 : vector<16xi1>
              scf.yield %select_n3A_475, %select_n3A_477, %min3A_481, %and3A_484 : vector<16xf32>, vector<16xi32>, vector<16xf32>, vector<16xi1>
            }
            %add3A_431 = arith.constant 16 : i32
            %add3A_432 = arith.addi %mul3A_325, %add3A_431 : i32
            %add3A_433 = vector.broadcast %add3A_432 : i32 to vector<16xi32>
            %add3A_434 = arith.addi %iota3A, %add3A_433 : vector<16xi32>
            %le3A_435 = arith.cmpf ole, %get3A_336, %while3A#2 : vector<16xf32>
            %while3A_436:4 = scf.while (%while3A_449 = %while3A#0, %while3A_450 = %while3A#1, %while3A_451 = %while3A#2, %while3A_452 = %le3A_435) : (vector<16xf32>, vector<16xi32>, vector<16xf32>, vector<16xi1>) -> (vector<16xf32>, vector<16xi32>, vector<16xf32>, vector<16xi1>) {
              %all_reduce_population_count3A_453 = tpu.all_reduce %while3A_452 {dim = 0 : i64, kind = #tpu.reduction_kind<sum>} : vector<16xi1> -> vector<16xi32>
              %slice3A_454 = vector.extract_strided_slice %all_reduce_population_count3A_453 {offsets = [0], sizes = [1], strides = [1]} : vector<16xi32> to vector<1xi32>
              %squeeze3A_455 = vector.extract %slice3A_454[0] : i32 from vector<1xi32>
              %gt3A_456 = arith.constant 0 : i32
              %gt3A_457 = arith.cmpi sgt, %squeeze3A_455, %gt3A_456 : i32
              scf.condition(%gt3A_457) %while3A_449, %while3A_450, %while3A_451, %while3A_452 : vector<16xf32>, vector<16xi32>, vector<16xf32>, vector<16xi1>
            } do {
            ^bb0(%while3A_449: vector<16xf32>, %while3A_450: vector<16xi32>, %while3A_451: vector<16xf32>, %while3A_452: vector<16xi1>):
              %all_reduce_ffs3A = tpu.all_reduce %while3A_452 {dim = 0 : i64, kind = #tpu.reduction_kind<find_first_set>} : vector<16xi1> -> vector<16xi32>
              %broadcast_in_dim3A_453 = vector.shape_cast %all_reduce_ffs3A : vector<16xi32> to vector<16x1xi32>
              %gather3A_454 = vector.shape_cast %broadcast_in_dim3A_453 : vector<16x1xi32> to vector<16xi32>
              %gather3A_455 = tpu.dynamic_gather %get3A_336[%gather3A_454] in [0] : vector<16xf32>, vector<16xi32> -> vector<16xf32>
              %le3A_456 = arith.constant 8.000000e-01 : f32
              %le3A_457 = vector.broadcast %le3A_456 : f32 to vector<16xf32>
              %le3A_458 = arith.cmpf ole, %gather3A_455, %le3A_457 : vector<16xf32>
              %jit3A = arith.constant 0x7F800000 : f32
              %broadcast_in_dim3A_459 = vector.broadcast %jit3A : f32 to vector<16xf32>
              %select_n3A = arith.select %le3A_458, %gather3A_455, %broadcast_in_dim3A_459 : vector<16xi1>, vector<16xf32>
              %broadcast_in_dim3A_460 = vector.shape_cast %all_reduce_ffs3A : vector<16xi32> to vector<16x1xi32>
              %gather3A_461 = vector.shape_cast %broadcast_in_dim3A_460 : vector<16x1xi32> to vector<16xi32>
              %gather3A_462 = tpu.dynamic_gather %add3A_434[%gather3A_461] in [0] : vector<16xi32>, vector<16xi32> -> vector<16xi32>
              %lt3A = arith.cmpf olt, %while3A_449, %select_n3A : vector<16xf32>
              %eq3A = arith.cmpf oeq, %while3A_449, %select_n3A : vector<16xf32>
              %lt3A_463 = arith.cmpi slt, %while3A_450, %gather3A_462 : vector<16xi32>
              %and3A = arith.andi %eq3A, %lt3A_463 : vector<16xi1>
              %or3A_464 = arith.ori %lt3A, %and3A : vector<16xi1>
              %all_reduce_population_count3A_465 = tpu.all_reduce %or3A_464 {dim = 0 : i64, kind = #tpu.reduction_kind<sum>} : vector<16xi1> -> vector<16xi32>
              %broadcast_in_dim3A_466 = vector.shape_cast %max3A_13 : vector<16xi32> to vector<16x1xi32>
              %gather3A_467 = vector.shape_cast %broadcast_in_dim3A_466 : vector<16x1xi32> to vector<16xi32>
              %gather3A_468 = tpu.dynamic_gather %while3A_449[%gather3A_467] in [0] : vector<16xf32>, vector<16xi32> -> vector<16xf32>
              %broadcast_in_dim3A_469 = vector.shape_cast %max3A_13 : vector<16xi32> to vector<16x1xi32>
              %gather3A_470 = vector.shape_cast %broadcast_in_dim3A_469 : vector<16x1xi32> to vector<16xi32>
              %gather3A_471 = tpu.dynamic_gather %while3A_450[%gather3A_470] in [0] : vector<16xi32>, vector<16xi32> -> vector<16xi32>
              %lt3A_472 = arith.cmpi slt, %iota3A, %all_reduce_population_count3A_465 : vector<16xi32>
              %eq3A_473 = arith.cmpi eq, %iota3A, %all_reduce_population_count3A_465 : vector<16xi32>
              %select_n3A_474 = arith.select %eq3A_473, %select_n3A, %gather3A_468 : vector<16xi1>, vector<16xf32>
              %select_n3A_475 = arith.select %lt3A_472, %while3A_449, %select_n3A_474 : vector<16xi1>, vector<16xf32>
              %select_n3A_476 = arith.select %eq3A_473, %gather3A_462, %gather3A_471 : vector<16xi1>, vector<16xi32>
              %select_n3A_477 = arith.select %lt3A_472, %while3A_450, %select_n3A_476 : vector<16xi1>, vector<16xi32>
              %broadcast_in_dim3A_478 = vector.shape_cast %broadcast_in_dim3A_5 : vector<16xi32> to vector<16x1xi32>
              %gather3A_479 = vector.shape_cast %broadcast_in_dim3A_478 : vector<16x1xi32> to vector<16xi32>
              %gather3A_480 = tpu.dynamic_gather %select_n3A_475[%gather3A_479] in [0] : vector<16xf32>, vector<16xi32> -> vector<16xf32>
              %min3A_481 = arith.minimumf %max3A_291, %gather3A_480 : vector<16xf32>
              %ne3A = arith.cmpi ne, %iota3A, %all_reduce_ffs3A : vector<16xi32>
              %and3A_482 = arith.andi %while3A_452, %ne3A : vector<16xi1>
              %le3A_483 = arith.cmpf ole, %get3A_336, %min3A_481 : vector<16xf32>
              %and3A_484 = arith.andi %and3A_482, %le3A_483 : vector<16xi1>
              scf.yield %select_n3A_475, %select_n3A_477, %min3A_481, %and3A_484 : vector<16xf32>, vector<16xi32>, vector<16xf32>, vector<16xi1>
            }
            %add3A_437 = arith.constant 32 : i32
            %add3A_438 = arith.addi %mul3A_325, %add3A_437 : i32
            %add3A_439 = vector.broadcast %add3A_438 : i32 to vector<16xi32>
            %add3A_440 = arith.addi %iota3A, %add3A_439 : vector<16xi32>
            %le3A_441 = arith.cmpf ole, %get3A_342, %while3A_436#2 : vector<16xf32>
            %while3A_442:4 = scf.while (%while3A_449 = %while3A_436#0, %while3A_450 = %while3A_436#1, %while3A_451 = %while3A_436#2, %while3A_452 = %le3A_441) : (vector<16xf32>, vector<16xi32>, vector<16xf32>, vector<16xi1>) -> (vector<16xf32>, vector<16xi32>, vector<16xf32>, vector<16xi1>) {
              %all_reduce_population_count3A_453 = tpu.all_reduce %while3A_452 {dim = 0 : i64, kind = #tpu.reduction_kind<sum>} : vector<16xi1> -> vector<16xi32>
              %slice3A_454 = vector.extract_strided_slice %all_reduce_population_count3A_453 {offsets = [0], sizes = [1], strides = [1]} : vector<16xi32> to vector<1xi32>
              %squeeze3A_455 = vector.extract %slice3A_454[0] : i32 from vector<1xi32>
              %gt3A_456 = arith.constant 0 : i32
              %gt3A_457 = arith.cmpi sgt, %squeeze3A_455, %gt3A_456 : i32
              scf.condition(%gt3A_457) %while3A_449, %while3A_450, %while3A_451, %while3A_452 : vector<16xf32>, vector<16xi32>, vector<16xf32>, vector<16xi1>
            } do {
            ^bb0(%while3A_449: vector<16xf32>, %while3A_450: vector<16xi32>, %while3A_451: vector<16xf32>, %while3A_452: vector<16xi1>):
              %all_reduce_ffs3A = tpu.all_reduce %while3A_452 {dim = 0 : i64, kind = #tpu.reduction_kind<find_first_set>} : vector<16xi1> -> vector<16xi32>
              %broadcast_in_dim3A_453 = vector.shape_cast %all_reduce_ffs3A : vector<16xi32> to vector<16x1xi32>
              %gather3A_454 = vector.shape_cast %broadcast_in_dim3A_453 : vector<16x1xi32> to vector<16xi32>
              %gather3A_455 = tpu.dynamic_gather %get3A_342[%gather3A_454] in [0] : vector<16xf32>, vector<16xi32> -> vector<16xf32>
              %le3A_456 = arith.constant 8.000000e-01 : f32
              %le3A_457 = vector.broadcast %le3A_456 : f32 to vector<16xf32>
              %le3A_458 = arith.cmpf ole, %gather3A_455, %le3A_457 : vector<16xf32>
              %jit3A = arith.constant 0x7F800000 : f32
              %broadcast_in_dim3A_459 = vector.broadcast %jit3A : f32 to vector<16xf32>
              %select_n3A = arith.select %le3A_458, %gather3A_455, %broadcast_in_dim3A_459 : vector<16xi1>, vector<16xf32>
              %broadcast_in_dim3A_460 = vector.shape_cast %all_reduce_ffs3A : vector<16xi32> to vector<16x1xi32>
              %gather3A_461 = vector.shape_cast %broadcast_in_dim3A_460 : vector<16x1xi32> to vector<16xi32>
              %gather3A_462 = tpu.dynamic_gather %add3A_440[%gather3A_461] in [0] : vector<16xi32>, vector<16xi32> -> vector<16xi32>
              %lt3A = arith.cmpf olt, %while3A_449, %select_n3A : vector<16xf32>
              %eq3A = arith.cmpf oeq, %while3A_449, %select_n3A : vector<16xf32>
              %lt3A_463 = arith.cmpi slt, %while3A_450, %gather3A_462 : vector<16xi32>
              %and3A = arith.andi %eq3A, %lt3A_463 : vector<16xi1>
              %or3A_464 = arith.ori %lt3A, %and3A : vector<16xi1>
              %all_reduce_population_count3A_465 = tpu.all_reduce %or3A_464 {dim = 0 : i64, kind = #tpu.reduction_kind<sum>} : vector<16xi1> -> vector<16xi32>
              %broadcast_in_dim3A_466 = vector.shape_cast %max3A_13 : vector<16xi32> to vector<16x1xi32>
              %gather3A_467 = vector.shape_cast %broadcast_in_dim3A_466 : vector<16x1xi32> to vector<16xi32>
              %gather3A_468 = tpu.dynamic_gather %while3A_449[%gather3A_467] in [0] : vector<16xf32>, vector<16xi32> -> vector<16xf32>
              %broadcast_in_dim3A_469 = vector.shape_cast %max3A_13 : vector<16xi32> to vector<16x1xi32>
              %gather3A_470 = vector.shape_cast %broadcast_in_dim3A_469 : vector<16x1xi32> to vector<16xi32>
              %gather3A_471 = tpu.dynamic_gather %while3A_450[%gather3A_470] in [0] : vector<16xi32>, vector<16xi32> -> vector<16xi32>
              %lt3A_472 = arith.cmpi slt, %iota3A, %all_reduce_population_count3A_465 : vector<16xi32>
              %eq3A_473 = arith.cmpi eq, %iota3A, %all_reduce_population_count3A_465 : vector<16xi32>
              %select_n3A_474 = arith.select %eq3A_473, %select_n3A, %gather3A_468 : vector<16xi1>, vector<16xf32>
              %select_n3A_475 = arith.select %lt3A_472, %while3A_449, %select_n3A_474 : vector<16xi1>, vector<16xf32>
              %select_n3A_476 = arith.select %eq3A_473, %gather3A_462, %gather3A_471 : vector<16xi1>, vector<16xi32>
              %select_n3A_477 = arith.select %lt3A_472, %while3A_450, %select_n3A_476 : vector<16xi1>, vector<16xi32>
              %broadcast_in_dim3A_478 = vector.shape_cast %broadcast_in_dim3A_5 : vector<16xi32> to vector<16x1xi32>
              %gather3A_479 = vector.shape_cast %broadcast_in_dim3A_478 : vector<16x1xi32> to vector<16xi32>
              %gather3A_480 = tpu.dynamic_gather %select_n3A_475[%gather3A_479] in [0] : vector<16xf32>, vector<16xi32> -> vector<16xf32>
              %min3A_481 = arith.minimumf %max3A_291, %gather3A_480 : vector<16xf32>
              %ne3A = arith.cmpi ne, %iota3A, %all_reduce_ffs3A : vector<16xi32>
              %and3A_482 = arith.andi %while3A_452, %ne3A : vector<16xi1>
              %le3A_483 = arith.cmpf ole, %get3A_342, %min3A_481 : vector<16xf32>
              %and3A_484 = arith.andi %and3A_482, %le3A_483 : vector<16xi1>
              scf.yield %select_n3A_475, %select_n3A_477, %min3A_481, %and3A_484 : vector<16xf32>, vector<16xi32>, vector<16xf32>, vector<16xi1>
            }
            %add3A_443 = arith.constant 48 : i32
            %add3A_444 = arith.addi %mul3A_325, %add3A_443 : i32
            %add3A_445 = vector.broadcast %add3A_444 : i32 to vector<16xi32>
            %add3A_446 = arith.addi %iota3A, %add3A_445 : vector<16xi32>
            %le3A_447 = arith.cmpf ole, %get3A_348, %while3A_442#2 : vector<16xf32>
            %while3A_448:4 = scf.while (%while3A_449 = %while3A_442#0, %while3A_450 = %while3A_442#1, %while3A_451 = %while3A_442#2, %while3A_452 = %le3A_447) : (vector<16xf32>, vector<16xi32>, vector<16xf32>, vector<16xi1>) -> (vector<16xf32>, vector<16xi32>, vector<16xf32>, vector<16xi1>) {
              %all_reduce_population_count3A_453 = tpu.all_reduce %while3A_452 {dim = 0 : i64, kind = #tpu.reduction_kind<sum>} : vector<16xi1> -> vector<16xi32>
              %slice3A_454 = vector.extract_strided_slice %all_reduce_population_count3A_453 {offsets = [0], sizes = [1], strides = [1]} : vector<16xi32> to vector<1xi32>
              %squeeze3A_455 = vector.extract %slice3A_454[0] : i32 from vector<1xi32>
              %gt3A_456 = arith.constant 0 : i32
              %gt3A_457 = arith.cmpi sgt, %squeeze3A_455, %gt3A_456 : i32
              scf.condition(%gt3A_457) %while3A_449, %while3A_450, %while3A_451, %while3A_452 : vector<16xf32>, vector<16xi32>, vector<16xf32>, vector<16xi1>
            } do {
            ^bb0(%while3A_449: vector<16xf32>, %while3A_450: vector<16xi32>, %while3A_451: vector<16xf32>, %while3A_452: vector<16xi1>):
              %all_reduce_ffs3A = tpu.all_reduce %while3A_452 {dim = 0 : i64, kind = #tpu.reduction_kind<find_first_set>} : vector<16xi1> -> vector<16xi32>
              %broadcast_in_dim3A_453 = vector.shape_cast %all_reduce_ffs3A : vector<16xi32> to vector<16x1xi32>
              %gather3A_454 = vector.shape_cast %broadcast_in_dim3A_453 : vector<16x1xi32> to vector<16xi32>
              %gather3A_455 = tpu.dynamic_gather %get3A_348[%gather3A_454] in [0] : vector<16xf32>, vector<16xi32> -> vector<16xf32>
              %le3A_456 = arith.constant 8.000000e-01 : f32
              %le3A_457 = vector.broadcast %le3A_456 : f32 to vector<16xf32>
              %le3A_458 = arith.cmpf ole, %gather3A_455, %le3A_457 : vector<16xf32>
              %jit3A = arith.constant 0x7F800000 : f32
              %broadcast_in_dim3A_459 = vector.broadcast %jit3A : f32 to vector<16xf32>
              %select_n3A = arith.select %le3A_458, %gather3A_455, %broadcast_in_dim3A_459 : vector<16xi1>, vector<16xf32>
              %broadcast_in_dim3A_460 = vector.shape_cast %all_reduce_ffs3A : vector<16xi32> to vector<16x1xi32>
              %gather3A_461 = vector.shape_cast %broadcast_in_dim3A_460 : vector<16x1xi32> to vector<16xi32>
              %gather3A_462 = tpu.dynamic_gather %add3A_446[%gather3A_461] in [0] : vector<16xi32>, vector<16xi32> -> vector<16xi32>
              %lt3A = arith.cmpf olt, %while3A_449, %select_n3A : vector<16xf32>
              %eq3A = arith.cmpf oeq, %while3A_449, %select_n3A : vector<16xf32>
              %lt3A_463 = arith.cmpi slt, %while3A_450, %gather3A_462 : vector<16xi32>
              %and3A = arith.andi %eq3A, %lt3A_463 : vector<16xi1>
              %or3A_464 = arith.ori %lt3A, %and3A : vector<16xi1>
              %all_reduce_population_count3A_465 = tpu.all_reduce %or3A_464 {dim = 0 : i64, kind = #tpu.reduction_kind<sum>} : vector<16xi1> -> vector<16xi32>
              %broadcast_in_dim3A_466 = vector.shape_cast %max3A_13 : vector<16xi32> to vector<16x1xi32>
              %gather3A_467 = vector.shape_cast %broadcast_in_dim3A_466 : vector<16x1xi32> to vector<16xi32>
              %gather3A_468 = tpu.dynamic_gather %while3A_449[%gather3A_467] in [0] : vector<16xf32>, vector<16xi32> -> vector<16xf32>
              %broadcast_in_dim3A_469 = vector.shape_cast %max3A_13 : vector<16xi32> to vector<16x1xi32>
              %gather3A_470 = vector.shape_cast %broadcast_in_dim3A_469 : vector<16x1xi32> to vector<16xi32>
              %gather3A_471 = tpu.dynamic_gather %while3A_450[%gather3A_470] in [0] : vector<16xi32>, vector<16xi32> -> vector<16xi32>
              %lt3A_472 = arith.cmpi slt, %iota3A, %all_reduce_population_count3A_465 : vector<16xi32>
              %eq3A_473 = arith.cmpi eq, %iota3A, %all_reduce_population_count3A_465 : vector<16xi32>
              %select_n3A_474 = arith.select %eq3A_473, %select_n3A, %gather3A_468 : vector<16xi1>, vector<16xf32>
              %select_n3A_475 = arith.select %lt3A_472, %while3A_449, %select_n3A_474 : vector<16xi1>, vector<16xf32>
              %select_n3A_476 = arith.select %eq3A_473, %gather3A_462, %gather3A_471 : vector<16xi1>, vector<16xi32>
              %select_n3A_477 = arith.select %lt3A_472, %while3A_450, %select_n3A_476 : vector<16xi1>, vector<16xi32>
              %broadcast_in_dim3A_478 = vector.shape_cast %broadcast_in_dim3A_5 : vector<16xi32> to vector<16x1xi32>
              %gather3A_479 = vector.shape_cast %broadcast_in_dim3A_478 : vector<16x1xi32> to vector<16xi32>
              %gather3A_480 = tpu.dynamic_gather %select_n3A_475[%gather3A_479] in [0] : vector<16xf32>, vector<16xi32> -> vector<16xf32>
              %min3A_481 = arith.minimumf %max3A_291, %gather3A_480 : vector<16xf32>
              %ne3A = arith.cmpi ne, %iota3A, %all_reduce_ffs3A : vector<16xi32>
              %and3A_482 = arith.andi %while3A_452, %ne3A : vector<16xi1>
              %le3A_483 = arith.cmpf ole, %get3A_348, %min3A_481 : vector<16xf32>
              %and3A_484 = arith.andi %and3A_482, %le3A_483 : vector<16xi1>
              scf.yield %select_n3A_475, %select_n3A_477, %min3A_481, %and3A_484 : vector<16xf32>, vector<16xi32>, vector<16xf32>, vector<16xi1>
            }
            scf.yield %while3A_448#0, %while3A_448#1, %while3A_448#2 : vector<16xf32>, vector<16xi32>, vector<16xf32>
          } else {
            scf.yield %scan3A_321, %scan3A_322, %scan3A_323 : vector<16xf32>, vector<16xi32>, vector<16xf32>
          }
          %le3A_410 = arith.cmpf ole, %get3A_354, %cond3A_409#2 : vector<16xf32>
          %le3A_411 = arith.cmpf ole, %get3A_360, %cond3A_409#2 : vector<16xf32>
          %or3A_412 = arith.ori %le3A_410, %le3A_411 : vector<16xi1>
          %le3A_413 = arith.cmpf ole, %get3A_366, %cond3A_409#2 : vector<16xf32>
          %or3A_414 = arith.ori %or3A_412, %le3A_413 : vector<16xi1>
          %le3A_415 = arith.cmpf ole, %get3A_372, %cond3A_409#2 : vector<16xf32>
          %or3A_416 = arith.ori %or3A_414, %le3A_415 : vector<16xi1>
          %all_reduce_population_count3A_417 = tpu.all_reduce %or3A_416 {dim = 0 : i64, kind = #tpu.reduction_kind<sum>} : vector<16xi1> -> vector<16xi32>
          %slice3A_418 = vector.extract_strided_slice %all_reduce_population_count3A_417 {offsets = [0], sizes = [1], strides = [1]} : vector<16xi32> to vector<1xi32>
          %squeeze3A_419 = vector.extract %slice3A_418[0] : i32 from vector<1xi32>
          %gt3A_420 = arith.constant 0 : i32
          %gt3A_421 = arith.cmpi sgt, %squeeze3A_419, %gt3A_420 : i32
          %convert_element_type3A_422 = arith.extui %gt3A_421 : i1 to i32
          %cond3A_423 = arith.constant 0 : i32
          %cond3A_424 = arith.cmpi ne, %convert_element_type3A_422, %cond3A_423 : i32
          %cond3A_425:3 = scf.if %cond3A_424 -> (vector<16xf32>, vector<16xi32>, vector<16xf32>) {
            %add3A_426 = arith.constant 64 : i32
            %add3A_427 = arith.addi %mul3A_325, %add3A_426 : i32
            %add3A_428 = vector.broadcast %add3A_427 : i32 to vector<16xi32>
            %add3A_429 = arith.addi %iota3A, %add3A_428 : vector<16xi32>
            %le3A_430 = arith.cmpf ole, %get3A_354, %cond3A_409#2 : vector<16xf32>
            %while3A:4 = scf.while (%while3A_449 = %cond3A_409#0, %while3A_450 = %cond3A_409#1, %while3A_451 = %cond3A_409#2, %while3A_452 = %le3A_430) : (vector<16xf32>, vector<16xi32>, vector<16xf32>, vector<16xi1>) -> (vector<16xf32>, vector<16xi32>, vector<16xf32>, vector<16xi1>) {
              %all_reduce_population_count3A_453 = tpu.all_reduce %while3A_452 {dim = 0 : i64, kind = #tpu.reduction_kind<sum>} : vector<16xi1> -> vector<16xi32>
              %slice3A_454 = vector.extract_strided_slice %all_reduce_population_count3A_453 {offsets = [0], sizes = [1], strides = [1]} : vector<16xi32> to vector<1xi32>
              %squeeze3A_455 = vector.extract %slice3A_454[0] : i32 from vector<1xi32>
              %gt3A_456 = arith.constant 0 : i32
              %gt3A_457 = arith.cmpi sgt, %squeeze3A_455, %gt3A_456 : i32
              scf.condition(%gt3A_457) %while3A_449, %while3A_450, %while3A_451, %while3A_452 : vector<16xf32>, vector<16xi32>, vector<16xf32>, vector<16xi1>
            } do {
            ^bb0(%while3A_449: vector<16xf32>, %while3A_450: vector<16xi32>, %while3A_451: vector<16xf32>, %while3A_452: vector<16xi1>):
              %all_reduce_ffs3A = tpu.all_reduce %while3A_452 {dim = 0 : i64, kind = #tpu.reduction_kind<find_first_set>} : vector<16xi1> -> vector<16xi32>
              %broadcast_in_dim3A_453 = vector.shape_cast %all_reduce_ffs3A : vector<16xi32> to vector<16x1xi32>
              %gather3A_454 = vector.shape_cast %broadcast_in_dim3A_453 : vector<16x1xi32> to vector<16xi32>
              %gather3A_455 = tpu.dynamic_gather %get3A_354[%gather3A_454] in [0] : vector<16xf32>, vector<16xi32> -> vector<16xf32>
              %le3A_456 = arith.constant 8.000000e-01 : f32
              %le3A_457 = vector.broadcast %le3A_456 : f32 to vector<16xf32>
              %le3A_458 = arith.cmpf ole, %gather3A_455, %le3A_457 : vector<16xf32>
              %jit3A = arith.constant 0x7F800000 : f32
              %broadcast_in_dim3A_459 = vector.broadcast %jit3A : f32 to vector<16xf32>
              %select_n3A = arith.select %le3A_458, %gather3A_455, %broadcast_in_dim3A_459 : vector<16xi1>, vector<16xf32>
              %broadcast_in_dim3A_460 = vector.shape_cast %all_reduce_ffs3A : vector<16xi32> to vector<16x1xi32>
              %gather3A_461 = vector.shape_cast %broadcast_in_dim3A_460 : vector<16x1xi32> to vector<16xi32>
              %gather3A_462 = tpu.dynamic_gather %add3A_429[%gather3A_461] in [0] : vector<16xi32>, vector<16xi32> -> vector<16xi32>
              %lt3A = arith.cmpf olt, %while3A_449, %select_n3A : vector<16xf32>
              %eq3A = arith.cmpf oeq, %while3A_449, %select_n3A : vector<16xf32>
              %lt3A_463 = arith.cmpi slt, %while3A_450, %gather3A_462 : vector<16xi32>
              %and3A = arith.andi %eq3A, %lt3A_463 : vector<16xi1>
              %or3A_464 = arith.ori %lt3A, %and3A : vector<16xi1>
              %all_reduce_population_count3A_465 = tpu.all_reduce %or3A_464 {dim = 0 : i64, kind = #tpu.reduction_kind<sum>} : vector<16xi1> -> vector<16xi32>
              %broadcast_in_dim3A_466 = vector.shape_cast %max3A_13 : vector<16xi32> to vector<16x1xi32>
              %gather3A_467 = vector.shape_cast %broadcast_in_dim3A_466 : vector<16x1xi32> to vector<16xi32>
              %gather3A_468 = tpu.dynamic_gather %while3A_449[%gather3A_467] in [0] : vector<16xf32>, vector<16xi32> -> vector<16xf32>
              %broadcast_in_dim3A_469 = vector.shape_cast %max3A_13 : vector<16xi32> to vector<16x1xi32>
              %gather3A_470 = vector.shape_cast %broadcast_in_dim3A_469 : vector<16x1xi32> to vector<16xi32>
              %gather3A_471 = tpu.dynamic_gather %while3A_450[%gather3A_470] in [0] : vector<16xi32>, vector<16xi32> -> vector<16xi32>
              %lt3A_472 = arith.cmpi slt, %iota3A, %all_reduce_population_count3A_465 : vector<16xi32>
              %eq3A_473 = arith.cmpi eq, %iota3A, %all_reduce_population_count3A_465 : vector<16xi32>
              %select_n3A_474 = arith.select %eq3A_473, %select_n3A, %gather3A_468 : vector<16xi1>, vector<16xf32>
              %select_n3A_475 = arith.select %lt3A_472, %while3A_449, %select_n3A_474 : vector<16xi1>, vector<16xf32>
              %select_n3A_476 = arith.select %eq3A_473, %gather3A_462, %gather3A_471 : vector<16xi1>, vector<16xi32>
              %select_n3A_477 = arith.select %lt3A_472, %while3A_450, %select_n3A_476 : vector<16xi1>, vector<16xi32>
              %broadcast_in_dim3A_478 = vector.shape_cast %broadcast_in_dim3A_5 : vector<16xi32> to vector<16x1xi32>
              %gather3A_479 = vector.shape_cast %broadcast_in_dim3A_478 : vector<16x1xi32> to vector<16xi32>
              %gather3A_480 = tpu.dynamic_gather %select_n3A_475[%gather3A_479] in [0] : vector<16xf32>, vector<16xi32> -> vector<16xf32>
              %min3A_481 = arith.minimumf %max3A_291, %gather3A_480 : vector<16xf32>
              %ne3A = arith.cmpi ne, %iota3A, %all_reduce_ffs3A : vector<16xi32>
              %and3A_482 = arith.andi %while3A_452, %ne3A : vector<16xi1>
              %le3A_483 = arith.cmpf ole, %get3A_354, %min3A_481 : vector<16xf32>
              %and3A_484 = arith.andi %and3A_482, %le3A_483 : vector<16xi1>
              scf.yield %select_n3A_475, %select_n3A_477, %min3A_481, %and3A_484 : vector<16xf32>, vector<16xi32>, vector<16xf32>, vector<16xi1>
            }
            %add3A_431 = arith.constant 80 : i32
            %add3A_432 = arith.addi %mul3A_325, %add3A_431 : i32
            %add3A_433 = vector.broadcast %add3A_432 : i32 to vector<16xi32>
            %add3A_434 = arith.addi %iota3A, %add3A_433 : vector<16xi32>
            %le3A_435 = arith.cmpf ole, %get3A_360, %while3A#2 : vector<16xf32>
            %while3A_436:4 = scf.while (%while3A_449 = %while3A#0, %while3A_450 = %while3A#1, %while3A_451 = %while3A#2, %while3A_452 = %le3A_435) : (vector<16xf32>, vector<16xi32>, vector<16xf32>, vector<16xi1>) -> (vector<16xf32>, vector<16xi32>, vector<16xf32>, vector<16xi1>) {
              %all_reduce_population_count3A_453 = tpu.all_reduce %while3A_452 {dim = 0 : i64, kind = #tpu.reduction_kind<sum>} : vector<16xi1> -> vector<16xi32>
              %slice3A_454 = vector.extract_strided_slice %all_reduce_population_count3A_453 {offsets = [0], sizes = [1], strides = [1]} : vector<16xi32> to vector<1xi32>
              %squeeze3A_455 = vector.extract %slice3A_454[0] : i32 from vector<1xi32>
              %gt3A_456 = arith.constant 0 : i32
              %gt3A_457 = arith.cmpi sgt, %squeeze3A_455, %gt3A_456 : i32
              scf.condition(%gt3A_457) %while3A_449, %while3A_450, %while3A_451, %while3A_452 : vector<16xf32>, vector<16xi32>, vector<16xf32>, vector<16xi1>
            } do {
            ^bb0(%while3A_449: vector<16xf32>, %while3A_450: vector<16xi32>, %while3A_451: vector<16xf32>, %while3A_452: vector<16xi1>):
              %all_reduce_ffs3A = tpu.all_reduce %while3A_452 {dim = 0 : i64, kind = #tpu.reduction_kind<find_first_set>} : vector<16xi1> -> vector<16xi32>
              %broadcast_in_dim3A_453 = vector.shape_cast %all_reduce_ffs3A : vector<16xi32> to vector<16x1xi32>
              %gather3A_454 = vector.shape_cast %broadcast_in_dim3A_453 : vector<16x1xi32> to vector<16xi32>
              %gather3A_455 = tpu.dynamic_gather %get3A_360[%gather3A_454] in [0] : vector<16xf32>, vector<16xi32> -> vector<16xf32>
              %le3A_456 = arith.constant 8.000000e-01 : f32
              %le3A_457 = vector.broadcast %le3A_456 : f32 to vector<16xf32>
              %le3A_458 = arith.cmpf ole, %gather3A_455, %le3A_457 : vector<16xf32>
              %jit3A = arith.constant 0x7F800000 : f32
              %broadcast_in_dim3A_459 = vector.broadcast %jit3A : f32 to vector<16xf32>
              %select_n3A = arith.select %le3A_458, %gather3A_455, %broadcast_in_dim3A_459 : vector<16xi1>, vector<16xf32>
              %broadcast_in_dim3A_460 = vector.shape_cast %all_reduce_ffs3A : vector<16xi32> to vector<16x1xi32>
              %gather3A_461 = vector.shape_cast %broadcast_in_dim3A_460 : vector<16x1xi32> to vector<16xi32>
              %gather3A_462 = tpu.dynamic_gather %add3A_434[%gather3A_461] in [0] : vector<16xi32>, vector<16xi32> -> vector<16xi32>
              %lt3A = arith.cmpf olt, %while3A_449, %select_n3A : vector<16xf32>
              %eq3A = arith.cmpf oeq, %while3A_449, %select_n3A : vector<16xf32>
              %lt3A_463 = arith.cmpi slt, %while3A_450, %gather3A_462 : vector<16xi32>
              %and3A = arith.andi %eq3A, %lt3A_463 : vector<16xi1>
              %or3A_464 = arith.ori %lt3A, %and3A : vector<16xi1>
              %all_reduce_population_count3A_465 = tpu.all_reduce %or3A_464 {dim = 0 : i64, kind = #tpu.reduction_kind<sum>} : vector<16xi1> -> vector<16xi32>
              %broadcast_in_dim3A_466 = vector.shape_cast %max3A_13 : vector<16xi32> to vector<16x1xi32>
              %gather3A_467 = vector.shape_cast %broadcast_in_dim3A_466 : vector<16x1xi32> to vector<16xi32>
              %gather3A_468 = tpu.dynamic_gather %while3A_449[%gather3A_467] in [0] : vector<16xf32>, vector<16xi32> -> vector<16xf32>
              %broadcast_in_dim3A_469 = vector.shape_cast %max3A_13 : vector<16xi32> to vector<16x1xi32>
              %gather3A_470 = vector.shape_cast %broadcast_in_dim3A_469 : vector<16x1xi32> to vector<16xi32>
              %gather3A_471 = tpu.dynamic_gather %while3A_450[%gather3A_470] in [0] : vector<16xi32>, vector<16xi32> -> vector<16xi32>
              %lt3A_472 = arith.cmpi slt, %iota3A, %all_reduce_population_count3A_465 : vector<16xi32>
              %eq3A_473 = arith.cmpi eq, %iota3A, %all_reduce_population_count3A_465 : vector<16xi32>
              %select_n3A_474 = arith.select %eq3A_473, %select_n3A, %gather3A_468 : vector<16xi1>, vector<16xf32>
              %select_n3A_475 = arith.select %lt3A_472, %while3A_449, %select_n3A_474 : vector<16xi1>, vector<16xf32>
              %select_n3A_476 = arith.select %eq3A_473, %gather3A_462, %gather3A_471 : vector<16xi1>, vector<16xi32>
              %select_n3A_477 = arith.select %lt3A_472, %while3A_450, %select_n3A_476 : vector<16xi1>, vector<16xi32>
              %broadcast_in_dim3A_478 = vector.shape_cast %broadcast_in_dim3A_5 : vector<16xi32> to vector<16x1xi32>
              %gather3A_479 = vector.shape_cast %broadcast_in_dim3A_478 : vector<16x1xi32> to vector<16xi32>
              %gather3A_480 = tpu.dynamic_gather %select_n3A_475[%gather3A_479] in [0] : vector<16xf32>, vector<16xi32> -> vector<16xf32>
              %min3A_481 = arith.minimumf %max3A_291, %gather3A_480 : vector<16xf32>
              %ne3A = arith.cmpi ne, %iota3A, %all_reduce_ffs3A : vector<16xi32>
              %and3A_482 = arith.andi %while3A_452, %ne3A : vector<16xi1>
              %le3A_483 = arith.cmpf ole, %get3A_360, %min3A_481 : vector<16xf32>
              %and3A_484 = arith.andi %and3A_482, %le3A_483 : vector<16xi1>
              scf.yield %select_n3A_475, %select_n3A_477, %min3A_481, %and3A_484 : vector<16xf32>, vector<16xi32>, vector<16xf32>, vector<16xi1>
            }
            %add3A_437 = arith.constant 96 : i32
            %add3A_438 = arith.addi %mul3A_325, %add3A_437 : i32
            %add3A_439 = vector.broadcast %add3A_438 : i32 to vector<16xi32>
            %add3A_440 = arith.addi %iota3A, %add3A_439 : vector<16xi32>
            %le3A_441 = arith.cmpf ole, %get3A_366, %while3A_436#2 : vector<16xf32>
            %while3A_442:4 = scf.while (%while3A_449 = %while3A_436#0, %while3A_450 = %while3A_436#1, %while3A_451 = %while3A_436#2, %while3A_452 = %le3A_441) : (vector<16xf32>, vector<16xi32>, vector<16xf32>, vector<16xi1>) -> (vector<16xf32>, vector<16xi32>, vector<16xf32>, vector<16xi1>) {
              %all_reduce_population_count3A_453 = tpu.all_reduce %while3A_452 {dim = 0 : i64, kind = #tpu.reduction_kind<sum>} : vector<16xi1> -> vector<16xi32>
              %slice3A_454 = vector.extract_strided_slice %all_reduce_population_count3A_453 {offsets = [0], sizes = [1], strides = [1]} : vector<16xi32> to vector<1xi32>
              %squeeze3A_455 = vector.extract %slice3A_454[0] : i32 from vector<1xi32>
              %gt3A_456 = arith.constant 0 : i32
              %gt3A_457 = arith.cmpi sgt, %squeeze3A_455, %gt3A_456 : i32
              scf.condition(%gt3A_457) %while3A_449, %while3A_450, %while3A_451, %while3A_452 : vector<16xf32>, vector<16xi32>, vector<16xf32>, vector<16xi1>
            } do {
            ^bb0(%while3A_449: vector<16xf32>, %while3A_450: vector<16xi32>, %while3A_451: vector<16xf32>, %while3A_452: vector<16xi1>):
              %all_reduce_ffs3A = tpu.all_reduce %while3A_452 {dim = 0 : i64, kind = #tpu.reduction_kind<find_first_set>} : vector<16xi1> -> vector<16xi32>
              %broadcast_in_dim3A_453 = vector.shape_cast %all_reduce_ffs3A : vector<16xi32> to vector<16x1xi32>
              %gather3A_454 = vector.shape_cast %broadcast_in_dim3A_453 : vector<16x1xi32> to vector<16xi32>
              %gather3A_455 = tpu.dynamic_gather %get3A_366[%gather3A_454] in [0] : vector<16xf32>, vector<16xi32> -> vector<16xf32>
              %le3A_456 = arith.constant 8.000000e-01 : f32
              %le3A_457 = vector.broadcast %le3A_456 : f32 to vector<16xf32>
              %le3A_458 = arith.cmpf ole, %gather3A_455, %le3A_457 : vector<16xf32>
              %jit3A = arith.constant 0x7F800000 : f32
              %broadcast_in_dim3A_459 = vector.broadcast %jit3A : f32 to vector<16xf32>
              %select_n3A = arith.select %le3A_458, %gather3A_455, %broadcast_in_dim3A_459 : vector<16xi1>, vector<16xf32>
              %broadcast_in_dim3A_460 = vector.shape_cast %all_reduce_ffs3A : vector<16xi32> to vector<16x1xi32>
              %gather3A_461 = vector.shape_cast %broadcast_in_dim3A_460 : vector<16x1xi32> to vector<16xi32>
              %gather3A_462 = tpu.dynamic_gather %add3A_440[%gather3A_461] in [0] : vector<16xi32>, vector<16xi32> -> vector<16xi32>
              %lt3A = arith.cmpf olt, %while3A_449, %select_n3A : vector<16xf32>
              %eq3A = arith.cmpf oeq, %while3A_449, %select_n3A : vector<16xf32>
              %lt3A_463 = arith.cmpi slt, %while3A_450, %gather3A_462 : vector<16xi32>
              %and3A = arith.andi %eq3A, %lt3A_463 : vector<16xi1>
              %or3A_464 = arith.ori %lt3A, %and3A : vector<16xi1>
              %all_reduce_population_count3A_465 = tpu.all_reduce %or3A_464 {dim = 0 : i64, kind = #tpu.reduction_kind<sum>} : vector<16xi1> -> vector<16xi32>
              %broadcast_in_dim3A_466 = vector.shape_cast %max3A_13 : vector<16xi32> to vector<16x1xi32>
              %gather3A_467 = vector.shape_cast %broadcast_in_dim3A_466 : vector<16x1xi32> to vector<16xi32>
              %gather3A_468 = tpu.dynamic_gather %while3A_449[%gather3A_467] in [0] : vector<16xf32>, vector<16xi32> -> vector<16xf32>
              %broadcast_in_dim3A_469 = vector.shape_cast %max3A_13 : vector<16xi32> to vector<16x1xi32>
              %gather3A_470 = vector.shape_cast %broadcast_in_dim3A_469 : vector<16x1xi32> to vector<16xi32>
              %gather3A_471 = tpu.dynamic_gather %while3A_450[%gather3A_470] in [0] : vector<16xi32>, vector<16xi32> -> vector<16xi32>
              %lt3A_472 = arith.cmpi slt, %iota3A, %all_reduce_population_count3A_465 : vector<16xi32>
              %eq3A_473 = arith.cmpi eq, %iota3A, %all_reduce_population_count3A_465 : vector<16xi32>
              %select_n3A_474 = arith.select %eq3A_473, %select_n3A, %gather3A_468 : vector<16xi1>, vector<16xf32>
              %select_n3A_475 = arith.select %lt3A_472, %while3A_449, %select_n3A_474 : vector<16xi1>, vector<16xf32>
              %select_n3A_476 = arith.select %eq3A_473, %gather3A_462, %gather3A_471 : vector<16xi1>, vector<16xi32>
              %select_n3A_477 = arith.select %lt3A_472, %while3A_450, %select_n3A_476 : vector<16xi1>, vector<16xi32>
              %broadcast_in_dim3A_478 = vector.shape_cast %broadcast_in_dim3A_5 : vector<16xi32> to vector<16x1xi32>
              %gather3A_479 = vector.shape_cast %broadcast_in_dim3A_478 : vector<16x1xi32> to vector<16xi32>
              %gather3A_480 = tpu.dynamic_gather %select_n3A_475[%gather3A_479] in [0] : vector<16xf32>, vector<16xi32> -> vector<16xf32>
              %min3A_481 = arith.minimumf %max3A_291, %gather3A_480 : vector<16xf32>
              %ne3A = arith.cmpi ne, %iota3A, %all_reduce_ffs3A : vector<16xi32>
              %and3A_482 = arith.andi %while3A_452, %ne3A : vector<16xi1>
              %le3A_483 = arith.cmpf ole, %get3A_366, %min3A_481 : vector<16xf32>
              %and3A_484 = arith.andi %and3A_482, %le3A_483 : vector<16xi1>
              scf.yield %select_n3A_475, %select_n3A_477, %min3A_481, %and3A_484 : vector<16xf32>, vector<16xi32>, vector<16xf32>, vector<16xi1>
            }
            %add3A_443 = arith.constant 112 : i32
            %add3A_444 = arith.addi %mul3A_325, %add3A_443 : i32
            %add3A_445 = vector.broadcast %add3A_444 : i32 to vector<16xi32>
            %add3A_446 = arith.addi %iota3A, %add3A_445 : vector<16xi32>
            %le3A_447 = arith.cmpf ole, %get3A_372, %while3A_442#2 : vector<16xf32>
            %while3A_448:4 = scf.while (%while3A_449 = %while3A_442#0, %while3A_450 = %while3A_442#1, %while3A_451 = %while3A_442#2, %while3A_452 = %le3A_447) : (vector<16xf32>, vector<16xi32>, vector<16xf32>, vector<16xi1>) -> (vector<16xf32>, vector<16xi32>, vector<16xf32>, vector<16xi1>) {
              %all_reduce_population_count3A_453 = tpu.all_reduce %while3A_452 {dim = 0 : i64, kind = #tpu.reduction_kind<sum>} : vector<16xi1> -> vector<16xi32>
              %slice3A_454 = vector.extract_strided_slice %all_reduce_population_count3A_453 {offsets = [0], sizes = [1], strides = [1]} : vector<16xi32> to vector<1xi32>
              %squeeze3A_455 = vector.extract %slice3A_454[0] : i32 from vector<1xi32>
              %gt3A_456 = arith.constant 0 : i32
              %gt3A_457 = arith.cmpi sgt, %squeeze3A_455, %gt3A_456 : i32
              scf.condition(%gt3A_457) %while3A_449, %while3A_450, %while3A_451, %while3A_452 : vector<16xf32>, vector<16xi32>, vector<16xf32>, vector<16xi1>
            } do {
            ^bb0(%while3A_449: vector<16xf32>, %while3A_450: vector<16xi32>, %while3A_451: vector<16xf32>, %while3A_452: vector<16xi1>):
              %all_reduce_ffs3A = tpu.all_reduce %while3A_452 {dim = 0 : i64, kind = #tpu.reduction_kind<find_first_set>} : vector<16xi1> -> vector<16xi32>
              %broadcast_in_dim3A_453 = vector.shape_cast %all_reduce_ffs3A : vector<16xi32> to vector<16x1xi32>
              %gather3A_454 = vector.shape_cast %broadcast_in_dim3A_453 : vector<16x1xi32> to vector<16xi32>
              %gather3A_455 = tpu.dynamic_gather %get3A_372[%gather3A_454] in [0] : vector<16xf32>, vector<16xi32> -> vector<16xf32>
              %le3A_456 = arith.constant 8.000000e-01 : f32
              %le3A_457 = vector.broadcast %le3A_456 : f32 to vector<16xf32>
              %le3A_458 = arith.cmpf ole, %gather3A_455, %le3A_457 : vector<16xf32>
              %jit3A = arith.constant 0x7F800000 : f32
              %broadcast_in_dim3A_459 = vector.broadcast %jit3A : f32 to vector<16xf32>
              %select_n3A = arith.select %le3A_458, %gather3A_455, %broadcast_in_dim3A_459 : vector<16xi1>, vector<16xf32>
              %broadcast_in_dim3A_460 = vector.shape_cast %all_reduce_ffs3A : vector<16xi32> to vector<16x1xi32>
              %gather3A_461 = vector.shape_cast %broadcast_in_dim3A_460 : vector<16x1xi32> to vector<16xi32>
              %gather3A_462 = tpu.dynamic_gather %add3A_446[%gather3A_461] in [0] : vector<16xi32>, vector<16xi32> -> vector<16xi32>
              %lt3A = arith.cmpf olt, %while3A_449, %select_n3A : vector<16xf32>
              %eq3A = arith.cmpf oeq, %while3A_449, %select_n3A : vector<16xf32>
              %lt3A_463 = arith.cmpi slt, %while3A_450, %gather3A_462 : vector<16xi32>
              %and3A = arith.andi %eq3A, %lt3A_463 : vector<16xi1>
              %or3A_464 = arith.ori %lt3A, %and3A : vector<16xi1>
              %all_reduce_population_count3A_465 = tpu.all_reduce %or3A_464 {dim = 0 : i64, kind = #tpu.reduction_kind<sum>} : vector<16xi1> -> vector<16xi32>
              %broadcast_in_dim3A_466 = vector.shape_cast %max3A_13 : vector<16xi32> to vector<16x1xi32>
              %gather3A_467 = vector.shape_cast %broadcast_in_dim3A_466 : vector<16x1xi32> to vector<16xi32>
              %gather3A_468 = tpu.dynamic_gather %while3A_449[%gather3A_467] in [0] : vector<16xf32>, vector<16xi32> -> vector<16xf32>
              %broadcast_in_dim3A_469 = vector.shape_cast %max3A_13 : vector<16xi32> to vector<16x1xi32>
              %gather3A_470 = vector.shape_cast %broadcast_in_dim3A_469 : vector<16x1xi32> to vector<16xi32>
              %gather3A_471 = tpu.dynamic_gather %while3A_450[%gather3A_470] in [0] : vector<16xi32>, vector<16xi32> -> vector<16xi32>
              %lt3A_472 = arith.cmpi slt, %iota3A, %all_reduce_population_count3A_465 : vector<16xi32>
              %eq3A_473 = arith.cmpi eq, %iota3A, %all_reduce_population_count3A_465 : vector<16xi32>
              %select_n3A_474 = arith.select %eq3A_473, %select_n3A, %gather3A_468 : vector<16xi1>, vector<16xf32>
              %select_n3A_475 = arith.select %lt3A_472, %while3A_449, %select_n3A_474 : vector<16xi1>, vector<16xf32>
              %select_n3A_476 = arith.select %eq3A_473, %gather3A_462, %gather3A_471 : vector<16xi1>, vector<16xi32>
              %select_n3A_477 = arith.select %lt3A_472, %while3A_450, %select_n3A_476 : vector<16xi1>, vector<16xi32>
              %broadcast_in_dim3A_478 = vector.shape_cast %broadcast_in_dim3A_5 : vector<16xi32> to vector<16x1xi32>
              %gather3A_479 = vector.shape_cast %broadcast_in_dim3A_478 : vector<16x1xi32> to vector<16xi32>
              %gather3A_480 = tpu.dynamic_gather %select_n3A_475[%gather3A_479] in [0] : vector<16xf32>, vector<16xi32> -> vector<16xf32>
              %min3A_481 = arith.minimumf %max3A_291, %gather3A_480 : vector<16xf32>
              %ne3A = arith.cmpi ne, %iota3A, %all_reduce_ffs3A : vector<16xi32>
              %and3A_482 = arith.andi %while3A_452, %ne3A : vector<16xi1>
              %le3A_483 = arith.cmpf ole, %get3A_372, %min3A_481 : vector<16xf32>
              %and3A_484 = arith.andi %and3A_482, %le3A_483 : vector<16xi1>
              scf.yield %select_n3A_475, %select_n3A_477, %min3A_481, %and3A_484 : vector<16xf32>, vector<16xi32>, vector<16xf32>, vector<16xi1>
            }
            scf.yield %while3A_448#0, %while3A_448#1, %while3A_448#2 : vector<16xf32>, vector<16xi32>, vector<16xf32>
          } else {
            scf.yield %cond3A_409#0, %cond3A_409#1, %cond3A_409#2 : vector<16xf32>, vector<16xi32>, vector<16xf32>
          }
          scf.yield %cond3A_425#0, %cond3A_425#1, %cond3A_425#2 : vector<16xf32>, vector<16xi32>, vector<16xf32>
        } else {
          scf.yield %scan3A_321, %scan3A_322, %scan3A_323 : vector<16xf32>, vector<16xi32>, vector<16xf32>
        }
        scf.yield %cond3A_393#0, %cond3A_393#1, %cond3A_393#2 : vector<16xf32>, vector<16xi32>, vector<16xf32>
      }
      %scan3A_297 = arith.constant 32 : i32
      %broadcast_in_dim3A_298 = vector.shape_cast %broadcast_in_dim3A_5 : vector<16xi32> to vector<16x1xi32>
      %gather3A_299 = vector.shape_cast %broadcast_in_dim3A_298 : vector<16x1xi32> to vector<16xi32>
      %gather3A_300 = tpu.dynamic_gather %scan3A_296#0[%gather3A_299] in [0] : vector<16xf32>, vector<16xi32> -> vector<16xf32>
      %slice3A_301 = vector.extract_strided_slice %gather3A_300 {offsets = [0], sizes = [1], strides = [1]} : vector<16xf32> to vector<1xf32>
      %squeeze3A_302 = vector.extract %slice3A_301[0] : f32 from vector<1xf32>
      %gt3A_303 = arith.constant 8.000000e-01 : f32
      %gt3A_304 = arith.cmpf ogt, %squeeze3A_302, %gt3A_303 : f32
      %convert_element_type3A_305 = arith.extui %gt3A_304 : i1 to i32
      %cond3A_306 = arith.constant 0 : i32
      %cond3A_307 = arith.cmpi ne, %convert_element_type3A_305, %cond3A_306 : i32
      %cond3A_308:2 = scf.if %cond3A_307 -> (vector<16xf32>, vector<16xi32>) {
        %scan3A_320 = arith.constant 0 : i32
        %scan3A_321 = arith.constant 32 : i32
        %scan3A_322 = arith.addi %scan3A_320, %scan3A_321 : i32
        %scan3A_323 = arith.constant 1 : i32
        %scan3A_324:3 = scf.for %scan3A_326 = %scan3A_320 to %scan3A_322 step %scan3A_323 iter_args(%scan3A_327 = %broadcast_in_dim3A_7, %scan3A_328 = %broadcast_in_dim3A_9, %scan3A_329 = %broadcast_in_dim3A_7) -> (vector<16xf32>, vector<16xi32>, vector<16xf32>)  : i32 {
          %mul3A_330 = arith.constant 128 : i32
          %mul3A_331 = arith.muli %scan3A_326, %mul3A_330 : i32
          %add3A_332 = arith.constant 0 : i32
          %add3A_333 = arith.addi %mul3A_331, %add3A_332 : i32
          %get3A = arith.constant 1 : i32
          %get3A_334 = arith.index_cast %get3A : i32 to index
          %get3A_335 = arith.index_cast %add3A_333 : i32 to index
          %get3A_336 = tpu.vector_load %arg5[%get3A_334, %get3A_335] {strides = array<i32>} : memref<2x4096xf32, #tpu.memory_space<vmem>>, vector<16xf32>,
          %add3A_337 = arith.constant 16 : i32
          %add3A_338 = arith.addi %mul3A_331, %add3A_337 : i32
          %get3A_339 = arith.constant 1 : i32
          %get3A_340 = arith.index_cast %get3A_339 : i32 to index
          %get3A_341 = arith.index_cast %add3A_338 : i32 to index
          %get3A_342 = tpu.vector_load %arg5[%get3A_340, %get3A_341] {strides = array<i32>} : memref<2x4096xf32, #tpu.memory_space<vmem>>, vector<16xf32>,
          %add3A_343 = arith.constant 32 : i32
          %add3A_344 = arith.addi %mul3A_331, %add3A_343 : i32
          %get3A_345 = arith.constant 1 : i32
          %get3A_346 = arith.index_cast %get3A_345 : i32 to index
          %get3A_347 = arith.index_cast %add3A_344 : i32 to index
          %get3A_348 = tpu.vector_load %arg5[%get3A_346, %get3A_347] {strides = array<i32>} : memref<2x4096xf32, #tpu.memory_space<vmem>>, vector<16xf32>,
          %add3A_349 = arith.constant 48 : i32
          %add3A_350 = arith.addi %mul3A_331, %add3A_349 : i32
          %get3A_351 = arith.constant 1 : i32
          %get3A_352 = arith.index_cast %get3A_351 : i32 to index
          %get3A_353 = arith.index_cast %add3A_350 : i32 to index
          %get3A_354 = tpu.vector_load %arg5[%get3A_352, %get3A_353] {strides = array<i32>} : memref<2x4096xf32, #tpu.memory_space<vmem>>, vector<16xf32>,
          %add3A_355 = arith.constant 64 : i32
          %add3A_356 = arith.addi %mul3A_331, %add3A_355 : i32
          %get3A_357 = arith.constant 1 : i32
          %get3A_358 = arith.index_cast %get3A_357 : i32 to index
          %get3A_359 = arith.index_cast %add3A_356 : i32 to index
          %get3A_360 = tpu.vector_load %arg5[%get3A_358, %get3A_359] {strides = array<i32>} : memref<2x4096xf32, #tpu.memory_space<vmem>>, vector<16xf32>,
          %add3A_361 = arith.constant 80 : i32
          %add3A_362 = arith.addi %mul3A_331, %add3A_361 : i32
          %get3A_363 = arith.constant 1 : i32
          %get3A_364 = arith.index_cast %get3A_363 : i32 to index
          %get3A_365 = arith.index_cast %add3A_362 : i32 to index
          %get3A_366 = tpu.vector_load %arg5[%get3A_364, %get3A_365] {strides = array<i32>} : memref<2x4096xf32, #tpu.memory_space<vmem>>, vector<16xf32>,
          %add3A_367 = arith.constant 96 : i32
          %add3A_368 = arith.addi %mul3A_331, %add3A_367 : i32
          %get3A_369 = arith.constant 1 : i32
          %get3A_370 = arith.index_cast %get3A_369 : i32 to index
          %get3A_371 = arith.index_cast %add3A_368 : i32 to index
          %get3A_372 = tpu.vector_load %arg5[%get3A_370, %get3A_371] {strides = array<i32>} : memref<2x4096xf32, #tpu.memory_space<vmem>>, vector<16xf32>,
          %add3A_373 = arith.constant 112 : i32
          %add3A_374 = arith.addi %mul3A_331, %add3A_373 : i32
          %get3A_375 = arith.constant 1 : i32
          %get3A_376 = arith.index_cast %get3A_375 : i32 to index
          %get3A_377 = arith.index_cast %add3A_374 : i32 to index
          %get3A_378 = tpu.vector_load %arg5[%get3A_376, %get3A_377] {strides = array<i32>} : memref<2x4096xf32, #tpu.memory_space<vmem>>, vector<16xf32>,
          %le3A = arith.cmpf ole, %get3A_336, %scan3A_329 : vector<16xf32>
          %le3A_379 = arith.cmpf ole, %get3A_342, %scan3A_329 : vector<16xf32>
          %or3A = arith.ori %le3A, %le3A_379 : vector<16xi1>
          %le3A_380 = arith.cmpf ole, %get3A_348, %scan3A_329 : vector<16xf32>
          %or3A_381 = arith.ori %or3A, %le3A_380 : vector<16xi1>
          %le3A_382 = arith.cmpf ole, %get3A_354, %scan3A_329 : vector<16xf32>
          %or3A_383 = arith.ori %or3A_381, %le3A_382 : vector<16xi1>
          %le3A_384 = arith.cmpf ole, %get3A_360, %scan3A_329 : vector<16xf32>
          %or3A_385 = arith.ori %or3A_383, %le3A_384 : vector<16xi1>
          %le3A_386 = arith.cmpf ole, %get3A_366, %scan3A_329 : vector<16xf32>
          %or3A_387 = arith.ori %or3A_385, %le3A_386 : vector<16xi1>
          %le3A_388 = arith.cmpf ole, %get3A_372, %scan3A_329 : vector<16xf32>
          %or3A_389 = arith.ori %or3A_387, %le3A_388 : vector<16xi1>
          %le3A_390 = arith.cmpf ole, %get3A_378, %scan3A_329 : vector<16xf32>
          %or3A_391 = arith.ori %or3A_389, %le3A_390 : vector<16xi1>
          %all_reduce_population_count3A = tpu.all_reduce %or3A_391 {dim = 0 : i64, kind = #tpu.reduction_kind<sum>} : vector<16xi1> -> vector<16xi32>
          %slice3A_392 = vector.extract_strided_slice %all_reduce_population_count3A {offsets = [0], sizes = [1], strides = [1]} : vector<16xi32> to vector<1xi32>
          %squeeze3A_393 = vector.extract %slice3A_392[0] : i32 from vector<1xi32>
          %gt3A_394 = arith.constant 0 : i32
          %gt3A_395 = arith.cmpi sgt, %squeeze3A_393, %gt3A_394 : i32
          %convert_element_type3A_396 = arith.extui %gt3A_395 : i1 to i32
          %cond3A_397 = arith.constant 0 : i32
          %cond3A_398 = arith.cmpi ne, %convert_element_type3A_396, %cond3A_397 : i32
          %cond3A_399:3 = scf.if %cond3A_398 -> (vector<16xf32>, vector<16xi32>, vector<16xf32>) {
            %le3A_400 = arith.cmpf ole, %get3A_336, %scan3A_329 : vector<16xf32>
            %le3A_401 = arith.cmpf ole, %get3A_342, %scan3A_329 : vector<16xf32>
            %or3A_402 = arith.ori %le3A_400, %le3A_401 : vector<16xi1>
            %le3A_403 = arith.cmpf ole, %get3A_348, %scan3A_329 : vector<16xf32>
            %or3A_404 = arith.ori %or3A_402, %le3A_403 : vector<16xi1>
            %le3A_405 = arith.cmpf ole, %get3A_354, %scan3A_329 : vector<16xf32>
            %or3A_406 = arith.ori %or3A_404, %le3A_405 : vector<16xi1>
            %all_reduce_population_count3A_407 = tpu.all_reduce %or3A_406 {dim = 0 : i64, kind = #tpu.reduction_kind<sum>} : vector<16xi1> -> vector<16xi32>
            %slice3A_408 = vector.extract_strided_slice %all_reduce_population_count3A_407 {offsets = [0], sizes = [1], strides = [1]} : vector<16xi32> to vector<1xi32>
            %squeeze3A_409 = vector.extract %slice3A_408[0] : i32 from vector<1xi32>
            %gt3A_410 = arith.constant 0 : i32
            %gt3A_411 = arith.cmpi sgt, %squeeze3A_409, %gt3A_410 : i32
            %convert_element_type3A_412 = arith.extui %gt3A_411 : i1 to i32
            %cond3A_413 = arith.constant 0 : i32
            %cond3A_414 = arith.cmpi ne, %convert_element_type3A_412, %cond3A_413 : i32
            %cond3A_415:3 = scf.if %cond3A_414 -> (vector<16xf32>, vector<16xi32>, vector<16xf32>) {
              %add3A_432 = arith.constant 0 : i32
              %add3A_433 = arith.addi %mul3A_331, %add3A_432 : i32
              %add3A_434 = vector.broadcast %add3A_433 : i32 to vector<16xi32>
              %add3A_435 = arith.addi %iota3A, %add3A_434 : vector<16xi32>
              %le3A_436 = arith.cmpf ole, %get3A_336, %scan3A_329 : vector<16xf32>
              %while3A:4 = scf.while (%while3A_455 = %scan3A_327, %while3A_456 = %scan3A_328, %while3A_457 = %scan3A_329, %while3A_458 = %le3A_436) : (vector<16xf32>, vector<16xi32>, vector<16xf32>, vector<16xi1>) -> (vector<16xf32>, vector<16xi32>, vector<16xf32>, vector<16xi1>) {
                %all_reduce_population_count3A_459 = tpu.all_reduce %while3A_458 {dim = 0 : i64, kind = #tpu.reduction_kind<sum>} : vector<16xi1> -> vector<16xi32>
                %slice3A_460 = vector.extract_strided_slice %all_reduce_population_count3A_459 {offsets = [0], sizes = [1], strides = [1]} : vector<16xi32> to vector<1xi32>
                %squeeze3A_461 = vector.extract %slice3A_460[0] : i32 from vector<1xi32>
                %gt3A_462 = arith.constant 0 : i32
                %gt3A_463 = arith.cmpi sgt, %squeeze3A_461, %gt3A_462 : i32
                scf.condition(%gt3A_463) %while3A_455, %while3A_456, %while3A_457, %while3A_458 : vector<16xf32>, vector<16xi32>, vector<16xf32>, vector<16xi1>
              } do {
              ^bb0(%while3A_455: vector<16xf32>, %while3A_456: vector<16xi32>, %while3A_457: vector<16xf32>, %while3A_458: vector<16xi1>):
                %all_reduce_ffs3A = tpu.all_reduce %while3A_458 {dim = 0 : i64, kind = #tpu.reduction_kind<find_first_set>} : vector<16xi1> -> vector<16xi32>
                %broadcast_in_dim3A_459 = vector.shape_cast %all_reduce_ffs3A : vector<16xi32> to vector<16x1xi32>
                %gather3A_460 = vector.shape_cast %broadcast_in_dim3A_459 : vector<16x1xi32> to vector<16xi32>
                %gather3A_461 = tpu.dynamic_gather %get3A_336[%gather3A_460] in [0] : vector<16xf32>, vector<16xi32> -> vector<16xf32>
                %le3A_462 = arith.constant 8.000000e-01 : f32
                %le3A_463 = vector.broadcast %le3A_462 : f32 to vector<16xf32>
                %le3A_464 = arith.cmpf ole, %gather3A_461, %le3A_463 : vector<16xf32>
                %jit3A = arith.constant 0x7F800000 : f32
                %broadcast_in_dim3A_465 = vector.broadcast %jit3A : f32 to vector<16xf32>
                %select_n3A = arith.select %le3A_464, %gather3A_461, %broadcast_in_dim3A_465 : vector<16xi1>, vector<16xf32>
                %broadcast_in_dim3A_466 = vector.shape_cast %all_reduce_ffs3A : vector<16xi32> to vector<16x1xi32>
                %gather3A_467 = vector.shape_cast %broadcast_in_dim3A_466 : vector<16x1xi32> to vector<16xi32>
                %gather3A_468 = tpu.dynamic_gather %add3A_435[%gather3A_467] in [0] : vector<16xi32>, vector<16xi32> -> vector<16xi32>
                %lt3A = arith.cmpf olt, %while3A_455, %select_n3A : vector<16xf32>
                %eq3A = arith.cmpf oeq, %while3A_455, %select_n3A : vector<16xf32>
                %lt3A_469 = arith.cmpi slt, %while3A_456, %gather3A_468 : vector<16xi32>
                %and3A = arith.andi %eq3A, %lt3A_469 : vector<16xi1>
                %or3A_470 = arith.ori %lt3A, %and3A : vector<16xi1>
                %all_reduce_population_count3A_471 = tpu.all_reduce %or3A_470 {dim = 0 : i64, kind = #tpu.reduction_kind<sum>} : vector<16xi1> -> vector<16xi32>
                %broadcast_in_dim3A_472 = vector.shape_cast %max3A_13 : vector<16xi32> to vector<16x1xi32>
                %gather3A_473 = vector.shape_cast %broadcast_in_dim3A_472 : vector<16x1xi32> to vector<16xi32>
                %gather3A_474 = tpu.dynamic_gather %while3A_455[%gather3A_473] in [0] : vector<16xf32>, vector<16xi32> -> vector<16xf32>
                %broadcast_in_dim3A_475 = vector.shape_cast %max3A_13 : vector<16xi32> to vector<16x1xi32>
                %gather3A_476 = vector.shape_cast %broadcast_in_dim3A_475 : vector<16x1xi32> to vector<16xi32>
                %gather3A_477 = tpu.dynamic_gather %while3A_456[%gather3A_476] in [0] : vector<16xi32>, vector<16xi32> -> vector<16xi32>
                %lt3A_478 = arith.cmpi slt, %iota3A, %all_reduce_population_count3A_471 : vector<16xi32>
                %eq3A_479 = arith.cmpi eq, %iota3A, %all_reduce_population_count3A_471 : vector<16xi32>
                %select_n3A_480 = arith.select %eq3A_479, %select_n3A, %gather3A_474 : vector<16xi1>, vector<16xf32>
                %select_n3A_481 = arith.select %lt3A_478, %while3A_455, %select_n3A_480 : vector<16xi1>, vector<16xf32>
                %select_n3A_482 = arith.select %eq3A_479, %gather3A_468, %gather3A_477 : vector<16xi1>, vector<16xi32>
                %select_n3A_483 = arith.select %lt3A_478, %while3A_456, %select_n3A_482 : vector<16xi1>, vector<16xi32>
                %broadcast_in_dim3A_484 = vector.shape_cast %broadcast_in_dim3A_5 : vector<16xi32> to vector<16x1xi32>
                %gather3A_485 = vector.shape_cast %broadcast_in_dim3A_484 : vector<16x1xi32> to vector<16xi32>
                %gather3A_486 = tpu.dynamic_gather %select_n3A_481[%gather3A_485] in [0] : vector<16xf32>, vector<16xi32> -> vector<16xf32>
                %min3A_487 = arith.minimumf %broadcast_in_dim3A_7, %gather3A_486 : vector<16xf32>
                %ne3A = arith.cmpi ne, %iota3A, %all_reduce_ffs3A : vector<16xi32>
                %and3A_488 = arith.andi %while3A_458, %ne3A : vector<16xi1>
                %le3A_489 = arith.cmpf ole, %get3A_336, %min3A_487 : vector<16xf32>
                %and3A_490 = arith.andi %and3A_488, %le3A_489 : vector<16xi1>
                scf.yield %select_n3A_481, %select_n3A_483, %min3A_487, %and3A_490 : vector<16xf32>, vector<16xi32>, vector<16xf32>, vector<16xi1>
              }
              %add3A_437 = arith.constant 16 : i32
              %add3A_438 = arith.addi %mul3A_331, %add3A_437 : i32
              %add3A_439 = vector.broadcast %add3A_438 : i32 to vector<16xi32>
              %add3A_440 = arith.addi %iota3A, %add3A_439 : vector<16xi32>
              %le3A_441 = arith.cmpf ole, %get3A_342, %while3A#2 : vector<16xf32>
              %while3A_442:4 = scf.while (%while3A_455 = %while3A#0, %while3A_456 = %while3A#1, %while3A_457 = %while3A#2, %while3A_458 = %le3A_441) : (vector<16xf32>, vector<16xi32>, vector<16xf32>, vector<16xi1>) -> (vector<16xf32>, vector<16xi32>, vector<16xf32>, vector<16xi1>) {
                %all_reduce_population_count3A_459 = tpu.all_reduce %while3A_458 {dim = 0 : i64, kind = #tpu.reduction_kind<sum>} : vector<16xi1> -> vector<16xi32>
                %slice3A_460 = vector.extract_strided_slice %all_reduce_population_count3A_459 {offsets = [0], sizes = [1], strides = [1]} : vector<16xi32> to vector<1xi32>
                %squeeze3A_461 = vector.extract %slice3A_460[0] : i32 from vector<1xi32>
                %gt3A_462 = arith.constant 0 : i32
                %gt3A_463 = arith.cmpi sgt, %squeeze3A_461, %gt3A_462 : i32
                scf.condition(%gt3A_463) %while3A_455, %while3A_456, %while3A_457, %while3A_458 : vector<16xf32>, vector<16xi32>, vector<16xf32>, vector<16xi1>
              } do {
              ^bb0(%while3A_455: vector<16xf32>, %while3A_456: vector<16xi32>, %while3A_457: vector<16xf32>, %while3A_458: vector<16xi1>):
                %all_reduce_ffs3A = tpu.all_reduce %while3A_458 {dim = 0 : i64, kind = #tpu.reduction_kind<find_first_set>} : vector<16xi1> -> vector<16xi32>
                %broadcast_in_dim3A_459 = vector.shape_cast %all_reduce_ffs3A : vector<16xi32> to vector<16x1xi32>
                %gather3A_460 = vector.shape_cast %broadcast_in_dim3A_459 : vector<16x1xi32> to vector<16xi32>
                %gather3A_461 = tpu.dynamic_gather %get3A_342[%gather3A_460] in [0] : vector<16xf32>, vector<16xi32> -> vector<16xf32>
                %le3A_462 = arith.constant 8.000000e-01 : f32
                %le3A_463 = vector.broadcast %le3A_462 : f32 to vector<16xf32>
                %le3A_464 = arith.cmpf ole, %gather3A_461, %le3A_463 : vector<16xf32>
                %jit3A = arith.constant 0x7F800000 : f32
                %broadcast_in_dim3A_465 = vector.broadcast %jit3A : f32 to vector<16xf32>
                %select_n3A = arith.select %le3A_464, %gather3A_461, %broadcast_in_dim3A_465 : vector<16xi1>, vector<16xf32>
                %broadcast_in_dim3A_466 = vector.shape_cast %all_reduce_ffs3A : vector<16xi32> to vector<16x1xi32>
                %gather3A_467 = vector.shape_cast %broadcast_in_dim3A_466 : vector<16x1xi32> to vector<16xi32>
                %gather3A_468 = tpu.dynamic_gather %add3A_440[%gather3A_467] in [0] : vector<16xi32>, vector<16xi32> -> vector<16xi32>
                %lt3A = arith.cmpf olt, %while3A_455, %select_n3A : vector<16xf32>
                %eq3A = arith.cmpf oeq, %while3A_455, %select_n3A : vector<16xf32>
                %lt3A_469 = arith.cmpi slt, %while3A_456, %gather3A_468 : vector<16xi32>
                %and3A = arith.andi %eq3A, %lt3A_469 : vector<16xi1>
                %or3A_470 = arith.ori %lt3A, %and3A : vector<16xi1>
                %all_reduce_population_count3A_471 = tpu.all_reduce %or3A_470 {dim = 0 : i64, kind = #tpu.reduction_kind<sum>} : vector<16xi1> -> vector<16xi32>
                %broadcast_in_dim3A_472 = vector.shape_cast %max3A_13 : vector<16xi32> to vector<16x1xi32>
                %gather3A_473 = vector.shape_cast %broadcast_in_dim3A_472 : vector<16x1xi32> to vector<16xi32>
                %gather3A_474 = tpu.dynamic_gather %while3A_455[%gather3A_473] in [0] : vector<16xf32>, vector<16xi32> -> vector<16xf32>
                %broadcast_in_dim3A_475 = vector.shape_cast %max3A_13 : vector<16xi32> to vector<16x1xi32>
                %gather3A_476 = vector.shape_cast %broadcast_in_dim3A_475 : vector<16x1xi32> to vector<16xi32>
                %gather3A_477 = tpu.dynamic_gather %while3A_456[%gather3A_476] in [0] : vector<16xi32>, vector<16xi32> -> vector<16xi32>
                %lt3A_478 = arith.cmpi slt, %iota3A, %all_reduce_population_count3A_471 : vector<16xi32>
                %eq3A_479 = arith.cmpi eq, %iota3A, %all_reduce_population_count3A_471 : vector<16xi32>
                %select_n3A_480 = arith.select %eq3A_479, %select_n3A, %gather3A_474 : vector<16xi1>, vector<16xf32>
                %select_n3A_481 = arith.select %lt3A_478, %while3A_455, %select_n3A_480 : vector<16xi1>, vector<16xf32>
                %select_n3A_482 = arith.select %eq3A_479, %gather3A_468, %gather3A_477 : vector<16xi1>, vector<16xi32>
                %select_n3A_483 = arith.select %lt3A_478, %while3A_456, %select_n3A_482 : vector<16xi1>, vector<16xi32>
                %broadcast_in_dim3A_484 = vector.shape_cast %broadcast_in_dim3A_5 : vector<16xi32> to vector<16x1xi32>
                %gather3A_485 = vector.shape_cast %broadcast_in_dim3A_484 : vector<16x1xi32> to vector<16xi32>
                %gather3A_486 = tpu.dynamic_gather %select_n3A_481[%gather3A_485] in [0] : vector<16xf32>, vector<16xi32> -> vector<16xf32>
                %min3A_487 = arith.minimumf %broadcast_in_dim3A_7, %gather3A_486 : vector<16xf32>
                %ne3A = arith.cmpi ne, %iota3A, %all_reduce_ffs3A : vector<16xi32>
                %and3A_488 = arith.andi %while3A_458, %ne3A : vector<16xi1>
                %le3A_489 = arith.cmpf ole, %get3A_342, %min3A_487 : vector<16xf32>
                %and3A_490 = arith.andi %and3A_488, %le3A_489 : vector<16xi1>
                scf.yield %select_n3A_481, %select_n3A_483, %min3A_487, %and3A_490 : vector<16xf32>, vector<16xi32>, vector<16xf32>, vector<16xi1>
              }
              %add3A_443 = arith.constant 32 : i32
              %add3A_444 = arith.addi %mul3A_331, %add3A_443 : i32
              %add3A_445 = vector.broadcast %add3A_444 : i32 to vector<16xi32>
              %add3A_446 = arith.addi %iota3A, %add3A_445 : vector<16xi32>
              %le3A_447 = arith.cmpf ole, %get3A_348, %while3A_442#2 : vector<16xf32>
              %while3A_448:4 = scf.while (%while3A_455 = %while3A_442#0, %while3A_456 = %while3A_442#1, %while3A_457 = %while3A_442#2, %while3A_458 = %le3A_447) : (vector<16xf32>, vector<16xi32>, vector<16xf32>, vector<16xi1>) -> (vector<16xf32>, vector<16xi32>, vector<16xf32>, vector<16xi1>) {
                %all_reduce_population_count3A_459 = tpu.all_reduce %while3A_458 {dim = 0 : i64, kind = #tpu.reduction_kind<sum>} : vector<16xi1> -> vector<16xi32>
                %slice3A_460 = vector.extract_strided_slice %all_reduce_population_count3A_459 {offsets = [0], sizes = [1], strides = [1]} : vector<16xi32> to vector<1xi32>
                %squeeze3A_461 = vector.extract %slice3A_460[0] : i32 from vector<1xi32>
                %gt3A_462 = arith.constant 0 : i32
                %gt3A_463 = arith.cmpi sgt, %squeeze3A_461, %gt3A_462 : i32
                scf.condition(%gt3A_463) %while3A_455, %while3A_456, %while3A_457, %while3A_458 : vector<16xf32>, vector<16xi32>, vector<16xf32>, vector<16xi1>
              } do {
              ^bb0(%while3A_455: vector<16xf32>, %while3A_456: vector<16xi32>, %while3A_457: vector<16xf32>, %while3A_458: vector<16xi1>):
                %all_reduce_ffs3A = tpu.all_reduce %while3A_458 {dim = 0 : i64, kind = #tpu.reduction_kind<find_first_set>} : vector<16xi1> -> vector<16xi32>
                %broadcast_in_dim3A_459 = vector.shape_cast %all_reduce_ffs3A : vector<16xi32> to vector<16x1xi32>
                %gather3A_460 = vector.shape_cast %broadcast_in_dim3A_459 : vector<16x1xi32> to vector<16xi32>
                %gather3A_461 = tpu.dynamic_gather %get3A_348[%gather3A_460] in [0] : vector<16xf32>, vector<16xi32> -> vector<16xf32>
                %le3A_462 = arith.constant 8.000000e-01 : f32
                %le3A_463 = vector.broadcast %le3A_462 : f32 to vector<16xf32>
                %le3A_464 = arith.cmpf ole, %gather3A_461, %le3A_463 : vector<16xf32>
                %jit3A = arith.constant 0x7F800000 : f32
                %broadcast_in_dim3A_465 = vector.broadcast %jit3A : f32 to vector<16xf32>
                %select_n3A = arith.select %le3A_464, %gather3A_461, %broadcast_in_dim3A_465 : vector<16xi1>, vector<16xf32>
                %broadcast_in_dim3A_466 = vector.shape_cast %all_reduce_ffs3A : vector<16xi32> to vector<16x1xi32>
                %gather3A_467 = vector.shape_cast %broadcast_in_dim3A_466 : vector<16x1xi32> to vector<16xi32>
                %gather3A_468 = tpu.dynamic_gather %add3A_446[%gather3A_467] in [0] : vector<16xi32>, vector<16xi32> -> vector<16xi32>
                %lt3A = arith.cmpf olt, %while3A_455, %select_n3A : vector<16xf32>
                %eq3A = arith.cmpf oeq, %while3A_455, %select_n3A : vector<16xf32>
                %lt3A_469 = arith.cmpi slt, %while3A_456, %gather3A_468 : vector<16xi32>
                %and3A = arith.andi %eq3A, %lt3A_469 : vector<16xi1>
                %or3A_470 = arith.ori %lt3A, %and3A : vector<16xi1>
                %all_reduce_population_count3A_471 = tpu.all_reduce %or3A_470 {dim = 0 : i64, kind = #tpu.reduction_kind<sum>} : vector<16xi1> -> vector<16xi32>
                %broadcast_in_dim3A_472 = vector.shape_cast %max3A_13 : vector<16xi32> to vector<16x1xi32>
                %gather3A_473 = vector.shape_cast %broadcast_in_dim3A_472 : vector<16x1xi32> to vector<16xi32>
                %gather3A_474 = tpu.dynamic_gather %while3A_455[%gather3A_473] in [0] : vector<16xf32>, vector<16xi32> -> vector<16xf32>
                %broadcast_in_dim3A_475 = vector.shape_cast %max3A_13 : vector<16xi32> to vector<16x1xi32>
                %gather3A_476 = vector.shape_cast %broadcast_in_dim3A_475 : vector<16x1xi32> to vector<16xi32>
                %gather3A_477 = tpu.dynamic_gather %while3A_456[%gather3A_476] in [0] : vector<16xi32>, vector<16xi32> -> vector<16xi32>
                %lt3A_478 = arith.cmpi slt, %iota3A, %all_reduce_population_count3A_471 : vector<16xi32>
                %eq3A_479 = arith.cmpi eq, %iota3A, %all_reduce_population_count3A_471 : vector<16xi32>
                %select_n3A_480 = arith.select %eq3A_479, %select_n3A, %gather3A_474 : vector<16xi1>, vector<16xf32>
                %select_n3A_481 = arith.select %lt3A_478, %while3A_455, %select_n3A_480 : vector<16xi1>, vector<16xf32>
                %select_n3A_482 = arith.select %eq3A_479, %gather3A_468, %gather3A_477 : vector<16xi1>, vector<16xi32>
                %select_n3A_483 = arith.select %lt3A_478, %while3A_456, %select_n3A_482 : vector<16xi1>, vector<16xi32>
                %broadcast_in_dim3A_484 = vector.shape_cast %broadcast_in_dim3A_5 : vector<16xi32> to vector<16x1xi32>
                %gather3A_485 = vector.shape_cast %broadcast_in_dim3A_484 : vector<16x1xi32> to vector<16xi32>
                %gather3A_486 = tpu.dynamic_gather %select_n3A_481[%gather3A_485] in [0] : vector<16xf32>, vector<16xi32> -> vector<16xf32>
                %min3A_487 = arith.minimumf %broadcast_in_dim3A_7, %gather3A_486 : vector<16xf32>
                %ne3A = arith.cmpi ne, %iota3A, %all_reduce_ffs3A : vector<16xi32>
                %and3A_488 = arith.andi %while3A_458, %ne3A : vector<16xi1>
                %le3A_489 = arith.cmpf ole, %get3A_348, %min3A_487 : vector<16xf32>
                %and3A_490 = arith.andi %and3A_488, %le3A_489 : vector<16xi1>
                scf.yield %select_n3A_481, %select_n3A_483, %min3A_487, %and3A_490 : vector<16xf32>, vector<16xi32>, vector<16xf32>, vector<16xi1>
              }
              %add3A_449 = arith.constant 48 : i32
              %add3A_450 = arith.addi %mul3A_331, %add3A_449 : i32
              %add3A_451 = vector.broadcast %add3A_450 : i32 to vector<16xi32>
              %add3A_452 = arith.addi %iota3A, %add3A_451 : vector<16xi32>
              %le3A_453 = arith.cmpf ole, %get3A_354, %while3A_448#2 : vector<16xf32>
              %while3A_454:4 = scf.while (%while3A_455 = %while3A_448#0, %while3A_456 = %while3A_448#1, %while3A_457 = %while3A_448#2, %while3A_458 = %le3A_453) : (vector<16xf32>, vector<16xi32>, vector<16xf32>, vector<16xi1>) -> (vector<16xf32>, vector<16xi32>, vector<16xf32>, vector<16xi1>) {
                %all_reduce_population_count3A_459 = tpu.all_reduce %while3A_458 {dim = 0 : i64, kind = #tpu.reduction_kind<sum>} : vector<16xi1> -> vector<16xi32>
                %slice3A_460 = vector.extract_strided_slice %all_reduce_population_count3A_459 {offsets = [0], sizes = [1], strides = [1]} : vector<16xi32> to vector<1xi32>
                %squeeze3A_461 = vector.extract %slice3A_460[0] : i32 from vector<1xi32>
                %gt3A_462 = arith.constant 0 : i32
                %gt3A_463 = arith.cmpi sgt, %squeeze3A_461, %gt3A_462 : i32
                scf.condition(%gt3A_463) %while3A_455, %while3A_456, %while3A_457, %while3A_458 : vector<16xf32>, vector<16xi32>, vector<16xf32>, vector<16xi1>
              } do {
              ^bb0(%while3A_455: vector<16xf32>, %while3A_456: vector<16xi32>, %while3A_457: vector<16xf32>, %while3A_458: vector<16xi1>):
                %all_reduce_ffs3A = tpu.all_reduce %while3A_458 {dim = 0 : i64, kind = #tpu.reduction_kind<find_first_set>} : vector<16xi1> -> vector<16xi32>
                %broadcast_in_dim3A_459 = vector.shape_cast %all_reduce_ffs3A : vector<16xi32> to vector<16x1xi32>
                %gather3A_460 = vector.shape_cast %broadcast_in_dim3A_459 : vector<16x1xi32> to vector<16xi32>
                %gather3A_461 = tpu.dynamic_gather %get3A_354[%gather3A_460] in [0] : vector<16xf32>, vector<16xi32> -> vector<16xf32>
                %le3A_462 = arith.constant 8.000000e-01 : f32
                %le3A_463 = vector.broadcast %le3A_462 : f32 to vector<16xf32>
                %le3A_464 = arith.cmpf ole, %gather3A_461, %le3A_463 : vector<16xf32>
                %jit3A = arith.constant 0x7F800000 : f32
                %broadcast_in_dim3A_465 = vector.broadcast %jit3A : f32 to vector<16xf32>
                %select_n3A = arith.select %le3A_464, %gather3A_461, %broadcast_in_dim3A_465 : vector<16xi1>, vector<16xf32>
                %broadcast_in_dim3A_466 = vector.shape_cast %all_reduce_ffs3A : vector<16xi32> to vector<16x1xi32>
                %gather3A_467 = vector.shape_cast %broadcast_in_dim3A_466 : vector<16x1xi32> to vector<16xi32>
                %gather3A_468 = tpu.dynamic_gather %add3A_452[%gather3A_467] in [0] : vector<16xi32>, vector<16xi32> -> vector<16xi32>
                %lt3A = arith.cmpf olt, %while3A_455, %select_n3A : vector<16xf32>
                %eq3A = arith.cmpf oeq, %while3A_455, %select_n3A : vector<16xf32>
                %lt3A_469 = arith.cmpi slt, %while3A_456, %gather3A_468 : vector<16xi32>
                %and3A = arith.andi %eq3A, %lt3A_469 : vector<16xi1>
                %or3A_470 = arith.ori %lt3A, %and3A : vector<16xi1>
                %all_reduce_population_count3A_471 = tpu.all_reduce %or3A_470 {dim = 0 : i64, kind = #tpu.reduction_kind<sum>} : vector<16xi1> -> vector<16xi32>
                %broadcast_in_dim3A_472 = vector.shape_cast %max3A_13 : vector<16xi32> to vector<16x1xi32>
                %gather3A_473 = vector.shape_cast %broadcast_in_dim3A_472 : vector<16x1xi32> to vector<16xi32>
                %gather3A_474 = tpu.dynamic_gather %while3A_455[%gather3A_473] in [0] : vector<16xf32>, vector<16xi32> -> vector<16xf32>
                %broadcast_in_dim3A_475 = vector.shape_cast %max3A_13 : vector<16xi32> to vector<16x1xi32>
                %gather3A_476 = vector.shape_cast %broadcast_in_dim3A_475 : vector<16x1xi32> to vector<16xi32>
                %gather3A_477 = tpu.dynamic_gather %while3A_456[%gather3A_476] in [0] : vector<16xi32>, vector<16xi32> -> vector<16xi32>
                %lt3A_478 = arith.cmpi slt, %iota3A, %all_reduce_population_count3A_471 : vector<16xi32>
                %eq3A_479 = arith.cmpi eq, %iota3A, %all_reduce_population_count3A_471 : vector<16xi32>
                %select_n3A_480 = arith.select %eq3A_479, %select_n3A, %gather3A_474 : vector<16xi1>, vector<16xf32>
                %select_n3A_481 = arith.select %lt3A_478, %while3A_455, %select_n3A_480 : vector<16xi1>, vector<16xf32>
                %select_n3A_482 = arith.select %eq3A_479, %gather3A_468, %gather3A_477 : vector<16xi1>, vector<16xi32>
                %select_n3A_483 = arith.select %lt3A_478, %while3A_456, %select_n3A_482 : vector<16xi1>, vector<16xi32>
                %broadcast_in_dim3A_484 = vector.shape_cast %broadcast_in_dim3A_5 : vector<16xi32> to vector<16x1xi32>
                %gather3A_485 = vector.shape_cast %broadcast_in_dim3A_484 : vector<16x1xi32> to vector<16xi32>
                %gather3A_486 = tpu.dynamic_gather %select_n3A_481[%gather3A_485] in [0] : vector<16xf32>, vector<16xi32> -> vector<16xf32>
                %min3A_487 = arith.minimumf %broadcast_in_dim3A_7, %gather3A_486 : vector<16xf32>
                %ne3A = arith.cmpi ne, %iota3A, %all_reduce_ffs3A : vector<16xi32>
                %and3A_488 = arith.andi %while3A_458, %ne3A : vector<16xi1>
                %le3A_489 = arith.cmpf ole, %get3A_354, %min3A_487 : vector<16xf32>
                %and3A_490 = arith.andi %and3A_488, %le3A_489 : vector<16xi1>
                scf.yield %select_n3A_481, %select_n3A_483, %min3A_487, %and3A_490 : vector<16xf32>, vector<16xi32>, vector<16xf32>, vector<16xi1>
              }
              scf.yield %while3A_454#0, %while3A_454#1, %while3A_454#2 : vector<16xf32>, vector<16xi32>, vector<16xf32>
            } else {
              scf.yield %scan3A_327, %scan3A_328, %scan3A_329 : vector<16xf32>, vector<16xi32>, vector<16xf32>
            }
            %le3A_416 = arith.cmpf ole, %get3A_360, %cond3A_415#2 : vector<16xf32>
            %le3A_417 = arith.cmpf ole, %get3A_366, %cond3A_415#2 : vector<16xf32>
            %or3A_418 = arith.ori %le3A_416, %le3A_417 : vector<16xi1>
            %le3A_419 = arith.cmpf ole, %get3A_372, %cond3A_415#2 : vector<16xf32>
            %or3A_420 = arith.ori %or3A_418, %le3A_419 : vector<16xi1>
            %le3A_421 = arith.cmpf ole, %get3A_378, %cond3A_415#2 : vector<16xf32>
            %or3A_422 = arith.ori %or3A_420, %le3A_421 : vector<16xi1>
            %all_reduce_population_count3A_423 = tpu.all_reduce %or3A_422 {dim = 0 : i64, kind = #tpu.reduction_kind<sum>} : vector<16xi1> -> vector<16xi32>
            %slice3A_424 = vector.extract_strided_slice %all_reduce_population_count3A_423 {offsets = [0], sizes = [1], strides = [1]} : vector<16xi32> to vector<1xi32>
            %squeeze3A_425 = vector.extract %slice3A_424[0] : i32 from vector<1xi32>
            %gt3A_426 = arith.constant 0 : i32
            %gt3A_427 = arith.cmpi sgt, %squeeze3A_425, %gt3A_426 : i32
            %convert_element_type3A_428 = arith.extui %gt3A_427 : i1 to i32
            %cond3A_429 = arith.constant 0 : i32
            %cond3A_430 = arith.cmpi ne, %convert_element_type3A_428, %cond3A_429 : i32
            %cond3A_431:3 = scf.if %cond3A_430 -> (vector<16xf32>, vector<16xi32>, vector<16xf32>) {
              %add3A_432 = arith.constant 64 : i32
              %add3A_433 = arith.addi %mul3A_331, %add3A_432 : i32
              %add3A_434 = vector.broadcast %add3A_433 : i32 to vector<16xi32>
              %add3A_435 = arith.addi %iota3A, %add3A_434 : vector<16xi32>
              %le3A_436 = arith.cmpf ole, %get3A_360, %cond3A_415#2 : vector<16xf32>
              %while3A:4 = scf.while (%while3A_455 = %cond3A_415#0, %while3A_456 = %cond3A_415#1, %while3A_457 = %cond3A_415#2, %while3A_458 = %le3A_436) : (vector<16xf32>, vector<16xi32>, vector<16xf32>, vector<16xi1>) -> (vector<16xf32>, vector<16xi32>, vector<16xf32>, vector<16xi1>) {
                %all_reduce_population_count3A_459 = tpu.all_reduce %while3A_458 {dim = 0 : i64, kind = #tpu.reduction_kind<sum>} : vector<16xi1> -> vector<16xi32>
                %slice3A_460 = vector.extract_strided_slice %all_reduce_population_count3A_459 {offsets = [0], sizes = [1], strides = [1]} : vector<16xi32> to vector<1xi32>
                %squeeze3A_461 = vector.extract %slice3A_460[0] : i32 from vector<1xi32>
                %gt3A_462 = arith.constant 0 : i32
                %gt3A_463 = arith.cmpi sgt, %squeeze3A_461, %gt3A_462 : i32
                scf.condition(%gt3A_463) %while3A_455, %while3A_456, %while3A_457, %while3A_458 : vector<16xf32>, vector<16xi32>, vector<16xf32>, vector<16xi1>
              } do {
              ^bb0(%while3A_455: vector<16xf32>, %while3A_456: vector<16xi32>, %while3A_457: vector<16xf32>, %while3A_458: vector<16xi1>):
                %all_reduce_ffs3A = tpu.all_reduce %while3A_458 {dim = 0 : i64, kind = #tpu.reduction_kind<find_first_set>} : vector<16xi1> -> vector<16xi32>
                %broadcast_in_dim3A_459 = vector.shape_cast %all_reduce_ffs3A : vector<16xi32> to vector<16x1xi32>
                %gather3A_460 = vector.shape_cast %broadcast_in_dim3A_459 : vector<16x1xi32> to vector<16xi32>
                %gather3A_461 = tpu.dynamic_gather %get3A_360[%gather3A_460] in [0] : vector<16xf32>, vector<16xi32> -> vector<16xf32>
                %le3A_462 = arith.constant 8.000000e-01 : f32
                %le3A_463 = vector.broadcast %le3A_462 : f32 to vector<16xf32>
                %le3A_464 = arith.cmpf ole, %gather3A_461, %le3A_463 : vector<16xf32>
                %jit3A = arith.constant 0x7F800000 : f32
                %broadcast_in_dim3A_465 = vector.broadcast %jit3A : f32 to vector<16xf32>
                %select_n3A = arith.select %le3A_464, %gather3A_461, %broadcast_in_dim3A_465 : vector<16xi1>, vector<16xf32>
                %broadcast_in_dim3A_466 = vector.shape_cast %all_reduce_ffs3A : vector<16xi32> to vector<16x1xi32>
                %gather3A_467 = vector.shape_cast %broadcast_in_dim3A_466 : vector<16x1xi32> to vector<16xi32>
                %gather3A_468 = tpu.dynamic_gather %add3A_435[%gather3A_467] in [0] : vector<16xi32>, vector<16xi32> -> vector<16xi32>
                %lt3A = arith.cmpf olt, %while3A_455, %select_n3A : vector<16xf32>
                %eq3A = arith.cmpf oeq, %while3A_455, %select_n3A : vector<16xf32>
                %lt3A_469 = arith.cmpi slt, %while3A_456, %gather3A_468 : vector<16xi32>
                %and3A = arith.andi %eq3A, %lt3A_469 : vector<16xi1>
                %or3A_470 = arith.ori %lt3A, %and3A : vector<16xi1>
                %all_reduce_population_count3A_471 = tpu.all_reduce %or3A_470 {dim = 0 : i64, kind = #tpu.reduction_kind<sum>} : vector<16xi1> -> vector<16xi32>
                %broadcast_in_dim3A_472 = vector.shape_cast %max3A_13 : vector<16xi32> to vector<16x1xi32>
                %gather3A_473 = vector.shape_cast %broadcast_in_dim3A_472 : vector<16x1xi32> to vector<16xi32>
                %gather3A_474 = tpu.dynamic_gather %while3A_455[%gather3A_473] in [0] : vector<16xf32>, vector<16xi32> -> vector<16xf32>
                %broadcast_in_dim3A_475 = vector.shape_cast %max3A_13 : vector<16xi32> to vector<16x1xi32>
                %gather3A_476 = vector.shape_cast %broadcast_in_dim3A_475 : vector<16x1xi32> to vector<16xi32>
                %gather3A_477 = tpu.dynamic_gather %while3A_456[%gather3A_476] in [0] : vector<16xi32>, vector<16xi32> -> vector<16xi32>
                %lt3A_478 = arith.cmpi slt, %iota3A, %all_reduce_population_count3A_471 : vector<16xi32>
                %eq3A_479 = arith.cmpi eq, %iota3A, %all_reduce_population_count3A_471 : vector<16xi32>
                %select_n3A_480 = arith.select %eq3A_479, %select_n3A, %gather3A_474 : vector<16xi1>, vector<16xf32>
                %select_n3A_481 = arith.select %lt3A_478, %while3A_455, %select_n3A_480 : vector<16xi1>, vector<16xf32>
                %select_n3A_482 = arith.select %eq3A_479, %gather3A_468, %gather3A_477 : vector<16xi1>, vector<16xi32>
                %select_n3A_483 = arith.select %lt3A_478, %while3A_456, %select_n3A_482 : vector<16xi1>, vector<16xi32>
                %broadcast_in_dim3A_484 = vector.shape_cast %broadcast_in_dim3A_5 : vector<16xi32> to vector<16x1xi32>
                %gather3A_485 = vector.shape_cast %broadcast_in_dim3A_484 : vector<16x1xi32> to vector<16xi32>
                %gather3A_486 = tpu.dynamic_gather %select_n3A_481[%gather3A_485] in [0] : vector<16xf32>, vector<16xi32> -> vector<16xf32>
                %min3A_487 = arith.minimumf %broadcast_in_dim3A_7, %gather3A_486 : vector<16xf32>
                %ne3A = arith.cmpi ne, %iota3A, %all_reduce_ffs3A : vector<16xi32>
                %and3A_488 = arith.andi %while3A_458, %ne3A : vector<16xi1>
                %le3A_489 = arith.cmpf ole, %get3A_360, %min3A_487 : vector<16xf32>
                %and3A_490 = arith.andi %and3A_488, %le3A_489 : vector<16xi1>
                scf.yield %select_n3A_481, %select_n3A_483, %min3A_487, %and3A_490 : vector<16xf32>, vector<16xi32>, vector<16xf32>, vector<16xi1>
              }
              %add3A_437 = arith.constant 80 : i32
              %add3A_438 = arith.addi %mul3A_331, %add3A_437 : i32
              %add3A_439 = vector.broadcast %add3A_438 : i32 to vector<16xi32>
              %add3A_440 = arith.addi %iota3A, %add3A_439 : vector<16xi32>
              %le3A_441 = arith.cmpf ole, %get3A_366, %while3A#2 : vector<16xf32>
              %while3A_442:4 = scf.while (%while3A_455 = %while3A#0, %while3A_456 = %while3A#1, %while3A_457 = %while3A#2, %while3A_458 = %le3A_441) : (vector<16xf32>, vector<16xi32>, vector<16xf32>, vector<16xi1>) -> (vector<16xf32>, vector<16xi32>, vector<16xf32>, vector<16xi1>) {
                %all_reduce_population_count3A_459 = tpu.all_reduce %while3A_458 {dim = 0 : i64, kind = #tpu.reduction_kind<sum>} : vector<16xi1> -> vector<16xi32>
                %slice3A_460 = vector.extract_strided_slice %all_reduce_population_count3A_459 {offsets = [0], sizes = [1], strides = [1]} : vector<16xi32> to vector<1xi32>
                %squeeze3A_461 = vector.extract %slice3A_460[0] : i32 from vector<1xi32>
                %gt3A_462 = arith.constant 0 : i32
                %gt3A_463 = arith.cmpi sgt, %squeeze3A_461, %gt3A_462 : i32
                scf.condition(%gt3A_463) %while3A_455, %while3A_456, %while3A_457, %while3A_458 : vector<16xf32>, vector<16xi32>, vector<16xf32>, vector<16xi1>
              } do {
              ^bb0(%while3A_455: vector<16xf32>, %while3A_456: vector<16xi32>, %while3A_457: vector<16xf32>, %while3A_458: vector<16xi1>):
                %all_reduce_ffs3A = tpu.all_reduce %while3A_458 {dim = 0 : i64, kind = #tpu.reduction_kind<find_first_set>} : vector<16xi1> -> vector<16xi32>
                %broadcast_in_dim3A_459 = vector.shape_cast %all_reduce_ffs3A : vector<16xi32> to vector<16x1xi32>
                %gather3A_460 = vector.shape_cast %broadcast_in_dim3A_459 : vector<16x1xi32> to vector<16xi32>
                %gather3A_461 = tpu.dynamic_gather %get3A_366[%gather3A_460] in [0] : vector<16xf32>, vector<16xi32> -> vector<16xf32>
                %le3A_462 = arith.constant 8.000000e-01 : f32
                %le3A_463 = vector.broadcast %le3A_462 : f32 to vector<16xf32>
                %le3A_464 = arith.cmpf ole, %gather3A_461, %le3A_463 : vector<16xf32>
                %jit3A = arith.constant 0x7F800000 : f32
                %broadcast_in_dim3A_465 = vector.broadcast %jit3A : f32 to vector<16xf32>
                %select_n3A = arith.select %le3A_464, %gather3A_461, %broadcast_in_dim3A_465 : vector<16xi1>, vector<16xf32>
                %broadcast_in_dim3A_466 = vector.shape_cast %all_reduce_ffs3A : vector<16xi32> to vector<16x1xi32>
                %gather3A_467 = vector.shape_cast %broadcast_in_dim3A_466 : vector<16x1xi32> to vector<16xi32>
                %gather3A_468 = tpu.dynamic_gather %add3A_440[%gather3A_467] in [0] : vector<16xi32>, vector<16xi32> -> vector<16xi32>
                %lt3A = arith.cmpf olt, %while3A_455, %select_n3A : vector<16xf32>
                %eq3A = arith.cmpf oeq, %while3A_455, %select_n3A : vector<16xf32>
                %lt3A_469 = arith.cmpi slt, %while3A_456, %gather3A_468 : vector<16xi32>
                %and3A = arith.andi %eq3A, %lt3A_469 : vector<16xi1>
                %or3A_470 = arith.ori %lt3A, %and3A : vector<16xi1>
                %all_reduce_population_count3A_471 = tpu.all_reduce %or3A_470 {dim = 0 : i64, kind = #tpu.reduction_kind<sum>} : vector<16xi1> -> vector<16xi32>
                %broadcast_in_dim3A_472 = vector.shape_cast %max3A_13 : vector<16xi32> to vector<16x1xi32>
                %gather3A_473 = vector.shape_cast %broadcast_in_dim3A_472 : vector<16x1xi32> to vector<16xi32>
                %gather3A_474 = tpu.dynamic_gather %while3A_455[%gather3A_473] in [0] : vector<16xf32>, vector<16xi32> -> vector<16xf32>
                %broadcast_in_dim3A_475 = vector.shape_cast %max3A_13 : vector<16xi32> to vector<16x1xi32>
                %gather3A_476 = vector.shape_cast %broadcast_in_dim3A_475 : vector<16x1xi32> to vector<16xi32>
                %gather3A_477 = tpu.dynamic_gather %while3A_456[%gather3A_476] in [0] : vector<16xi32>, vector<16xi32> -> vector<16xi32>
                %lt3A_478 = arith.cmpi slt, %iota3A, %all_reduce_population_count3A_471 : vector<16xi32>
                %eq3A_479 = arith.cmpi eq, %iota3A, %all_reduce_population_count3A_471 : vector<16xi32>
                %select_n3A_480 = arith.select %eq3A_479, %select_n3A, %gather3A_474 : vector<16xi1>, vector<16xf32>
                %select_n3A_481 = arith.select %lt3A_478, %while3A_455, %select_n3A_480 : vector<16xi1>, vector<16xf32>
                %select_n3A_482 = arith.select %eq3A_479, %gather3A_468, %gather3A_477 : vector<16xi1>, vector<16xi32>
                %select_n3A_483 = arith.select %lt3A_478, %while3A_456, %select_n3A_482 : vector<16xi1>, vector<16xi32>
                %broadcast_in_dim3A_484 = vector.shape_cast %broadcast_in_dim3A_5 : vector<16xi32> to vector<16x1xi32>
                %gather3A_485 = vector.shape_cast %broadcast_in_dim3A_484 : vector<16x1xi32> to vector<16xi32>
                %gather3A_486 = tpu.dynamic_gather %select_n3A_481[%gather3A_485] in [0] : vector<16xf32>, vector<16xi32> -> vector<16xf32>
                %min3A_487 = arith.minimumf %broadcast_in_dim3A_7, %gather3A_486 : vector<16xf32>
                %ne3A = arith.cmpi ne, %iota3A, %all_reduce_ffs3A : vector<16xi32>
                %and3A_488 = arith.andi %while3A_458, %ne3A : vector<16xi1>
                %le3A_489 = arith.cmpf ole, %get3A_366, %min3A_487 : vector<16xf32>
                %and3A_490 = arith.andi %and3A_488, %le3A_489 : vector<16xi1>
                scf.yield %select_n3A_481, %select_n3A_483, %min3A_487, %and3A_490 : vector<16xf32>, vector<16xi32>, vector<16xf32>, vector<16xi1>
              }
              %add3A_443 = arith.constant 96 : i32
              %add3A_444 = arith.addi %mul3A_331, %add3A_443 : i32
              %add3A_445 = vector.broadcast %add3A_444 : i32 to vector<16xi32>
              %add3A_446 = arith.addi %iota3A, %add3A_445 : vector<16xi32>
              %le3A_447 = arith.cmpf ole, %get3A_372, %while3A_442#2 : vector<16xf32>
              %while3A_448:4 = scf.while (%while3A_455 = %while3A_442#0, %while3A_456 = %while3A_442#1, %while3A_457 = %while3A_442#2, %while3A_458 = %le3A_447) : (vector<16xf32>, vector<16xi32>, vector<16xf32>, vector<16xi1>) -> (vector<16xf32>, vector<16xi32>, vector<16xf32>, vector<16xi1>) {
                %all_reduce_population_count3A_459 = tpu.all_reduce %while3A_458 {dim = 0 : i64, kind = #tpu.reduction_kind<sum>} : vector<16xi1> -> vector<16xi32>
                %slice3A_460 = vector.extract_strided_slice %all_reduce_population_count3A_459 {offsets = [0], sizes = [1], strides = [1]} : vector<16xi32> to vector<1xi32>
                %squeeze3A_461 = vector.extract %slice3A_460[0] : i32 from vector<1xi32>
                %gt3A_462 = arith.constant 0 : i32
                %gt3A_463 = arith.cmpi sgt, %squeeze3A_461, %gt3A_462 : i32
                scf.condition(%gt3A_463) %while3A_455, %while3A_456, %while3A_457, %while3A_458 : vector<16xf32>, vector<16xi32>, vector<16xf32>, vector<16xi1>
              } do {
              ^bb0(%while3A_455: vector<16xf32>, %while3A_456: vector<16xi32>, %while3A_457: vector<16xf32>, %while3A_458: vector<16xi1>):
                %all_reduce_ffs3A = tpu.all_reduce %while3A_458 {dim = 0 : i64, kind = #tpu.reduction_kind<find_first_set>} : vector<16xi1> -> vector<16xi32>
                %broadcast_in_dim3A_459 = vector.shape_cast %all_reduce_ffs3A : vector<16xi32> to vector<16x1xi32>
                %gather3A_460 = vector.shape_cast %broadcast_in_dim3A_459 : vector<16x1xi32> to vector<16xi32>
                %gather3A_461 = tpu.dynamic_gather %get3A_372[%gather3A_460] in [0] : vector<16xf32>, vector<16xi32> -> vector<16xf32>
                %le3A_462 = arith.constant 8.000000e-01 : f32
                %le3A_463 = vector.broadcast %le3A_462 : f32 to vector<16xf32>
                %le3A_464 = arith.cmpf ole, %gather3A_461, %le3A_463 : vector<16xf32>
                %jit3A = arith.constant 0x7F800000 : f32
                %broadcast_in_dim3A_465 = vector.broadcast %jit3A : f32 to vector<16xf32>
                %select_n3A = arith.select %le3A_464, %gather3A_461, %broadcast_in_dim3A_465 : vector<16xi1>, vector<16xf32>
                %broadcast_in_dim3A_466 = vector.shape_cast %all_reduce_ffs3A : vector<16xi32> to vector<16x1xi32>
                %gather3A_467 = vector.shape_cast %broadcast_in_dim3A_466 : vector<16x1xi32> to vector<16xi32>
                %gather3A_468 = tpu.dynamic_gather %add3A_446[%gather3A_467] in [0] : vector<16xi32>, vector<16xi32> -> vector<16xi32>
                %lt3A = arith.cmpf olt, %while3A_455, %select_n3A : vector<16xf32>
                %eq3A = arith.cmpf oeq, %while3A_455, %select_n3A : vector<16xf32>
                %lt3A_469 = arith.cmpi slt, %while3A_456, %gather3A_468 : vector<16xi32>
                %and3A = arith.andi %eq3A, %lt3A_469 : vector<16xi1>
                %or3A_470 = arith.ori %lt3A, %and3A : vector<16xi1>
                %all_reduce_population_count3A_471 = tpu.all_reduce %or3A_470 {dim = 0 : i64, kind = #tpu.reduction_kind<sum>} : vector<16xi1> -> vector<16xi32>
                %broadcast_in_dim3A_472 = vector.shape_cast %max3A_13 : vector<16xi32> to vector<16x1xi32>
                %gather3A_473 = vector.shape_cast %broadcast_in_dim3A_472 : vector<16x1xi32> to vector<16xi32>
                %gather3A_474 = tpu.dynamic_gather %while3A_455[%gather3A_473] in [0] : vector<16xf32>, vector<16xi32> -> vector<16xf32>
                %broadcast_in_dim3A_475 = vector.shape_cast %max3A_13 : vector<16xi32> to vector<16x1xi32>
                %gather3A_476 = vector.shape_cast %broadcast_in_dim3A_475 : vector<16x1xi32> to vector<16xi32>
                %gather3A_477 = tpu.dynamic_gather %while3A_456[%gather3A_476] in [0] : vector<16xi32>, vector<16xi32> -> vector<16xi32>
                %lt3A_478 = arith.cmpi slt, %iota3A, %all_reduce_population_count3A_471 : vector<16xi32>
                %eq3A_479 = arith.cmpi eq, %iota3A, %all_reduce_population_count3A_471 : vector<16xi32>
                %select_n3A_480 = arith.select %eq3A_479, %select_n3A, %gather3A_474 : vector<16xi1>, vector<16xf32>
                %select_n3A_481 = arith.select %lt3A_478, %while3A_455, %select_n3A_480 : vector<16xi1>, vector<16xf32>
                %select_n3A_482 = arith.select %eq3A_479, %gather3A_468, %gather3A_477 : vector<16xi1>, vector<16xi32>
                %select_n3A_483 = arith.select %lt3A_478, %while3A_456, %select_n3A_482 : vector<16xi1>, vector<16xi32>
                %broadcast_in_dim3A_484 = vector.shape_cast %broadcast_in_dim3A_5 : vector<16xi32> to vector<16x1xi32>
                %gather3A_485 = vector.shape_cast %broadcast_in_dim3A_484 : vector<16x1xi32> to vector<16xi32>
                %gather3A_486 = tpu.dynamic_gather %select_n3A_481[%gather3A_485] in [0] : vector<16xf32>, vector<16xi32> -> vector<16xf32>
                %min3A_487 = arith.minimumf %broadcast_in_dim3A_7, %gather3A_486 : vector<16xf32>
                %ne3A = arith.cmpi ne, %iota3A, %all_reduce_ffs3A : vector<16xi32>
                %and3A_488 = arith.andi %while3A_458, %ne3A : vector<16xi1>
                %le3A_489 = arith.cmpf ole, %get3A_372, %min3A_487 : vector<16xf32>
                %and3A_490 = arith.andi %and3A_488, %le3A_489 : vector<16xi1>
                scf.yield %select_n3A_481, %select_n3A_483, %min3A_487, %and3A_490 : vector<16xf32>, vector<16xi32>, vector<16xf32>, vector<16xi1>
              }
              %add3A_449 = arith.constant 112 : i32
              %add3A_450 = arith.addi %mul3A_331, %add3A_449 : i32
              %add3A_451 = vector.broadcast %add3A_450 : i32 to vector<16xi32>
              %add3A_452 = arith.addi %iota3A, %add3A_451 : vector<16xi32>
              %le3A_453 = arith.cmpf ole, %get3A_378, %while3A_448#2 : vector<16xf32>
              %while3A_454:4 = scf.while (%while3A_455 = %while3A_448#0, %while3A_456 = %while3A_448#1, %while3A_457 = %while3A_448#2, %while3A_458 = %le3A_453) : (vector<16xf32>, vector<16xi32>, vector<16xf32>, vector<16xi1>) -> (vector<16xf32>, vector<16xi32>, vector<16xf32>, vector<16xi1>) {
                %all_reduce_population_count3A_459 = tpu.all_reduce %while3A_458 {dim = 0 : i64, kind = #tpu.reduction_kind<sum>} : vector<16xi1> -> vector<16xi32>
                %slice3A_460 = vector.extract_strided_slice %all_reduce_population_count3A_459 {offsets = [0], sizes = [1], strides = [1]} : vector<16xi32> to vector<1xi32>
                %squeeze3A_461 = vector.extract %slice3A_460[0] : i32 from vector<1xi32>
                %gt3A_462 = arith.constant 0 : i32
                %gt3A_463 = arith.cmpi sgt, %squeeze3A_461, %gt3A_462 : i32
                scf.condition(%gt3A_463) %while3A_455, %while3A_456, %while3A_457, %while3A_458 : vector<16xf32>, vector<16xi32>, vector<16xf32>, vector<16xi1>
              } do {
              ^bb0(%while3A_455: vector<16xf32>, %while3A_456: vector<16xi32>, %while3A_457: vector<16xf32>, %while3A_458: vector<16xi1>):
                %all_reduce_ffs3A = tpu.all_reduce %while3A_458 {dim = 0 : i64, kind = #tpu.reduction_kind<find_first_set>} : vector<16xi1> -> vector<16xi32>
                %broadcast_in_dim3A_459 = vector.shape_cast %all_reduce_ffs3A : vector<16xi32> to vector<16x1xi32>
                %gather3A_460 = vector.shape_cast %broadcast_in_dim3A_459 : vector<16x1xi32> to vector<16xi32>
                %gather3A_461 = tpu.dynamic_gather %get3A_378[%gather3A_460] in [0] : vector<16xf32>, vector<16xi32> -> vector<16xf32>
                %le3A_462 = arith.constant 8.000000e-01 : f32
                %le3A_463 = vector.broadcast %le3A_462 : f32 to vector<16xf32>
                %le3A_464 = arith.cmpf ole, %gather3A_461, %le3A_463 : vector<16xf32>
                %jit3A = arith.constant 0x7F800000 : f32
                %broadcast_in_dim3A_465 = vector.broadcast %jit3A : f32 to vector<16xf32>
                %select_n3A = arith.select %le3A_464, %gather3A_461, %broadcast_in_dim3A_465 : vector<16xi1>, vector<16xf32>
                %broadcast_in_dim3A_466 = vector.shape_cast %all_reduce_ffs3A : vector<16xi32> to vector<16x1xi32>
                %gather3A_467 = vector.shape_cast %broadcast_in_dim3A_466 : vector<16x1xi32> to vector<16xi32>
                %gather3A_468 = tpu.dynamic_gather %add3A_452[%gather3A_467] in [0] : vector<16xi32>, vector<16xi32> -> vector<16xi32>
                %lt3A = arith.cmpf olt, %while3A_455, %select_n3A : vector<16xf32>
                %eq3A = arith.cmpf oeq, %while3A_455, %select_n3A : vector<16xf32>
                %lt3A_469 = arith.cmpi slt, %while3A_456, %gather3A_468 : vector<16xi32>
                %and3A = arith.andi %eq3A, %lt3A_469 : vector<16xi1>
                %or3A_470 = arith.ori %lt3A, %and3A : vector<16xi1>
                %all_reduce_population_count3A_471 = tpu.all_reduce %or3A_470 {dim = 0 : i64, kind = #tpu.reduction_kind<sum>} : vector<16xi1> -> vector<16xi32>
                %broadcast_in_dim3A_472 = vector.shape_cast %max3A_13 : vector<16xi32> to vector<16x1xi32>
                %gather3A_473 = vector.shape_cast %broadcast_in_dim3A_472 : vector<16x1xi32> to vector<16xi32>
                %gather3A_474 = tpu.dynamic_gather %while3A_455[%gather3A_473] in [0] : vector<16xf32>, vector<16xi32> -> vector<16xf32>
                %broadcast_in_dim3A_475 = vector.shape_cast %max3A_13 : vector<16xi32> to vector<16x1xi32>
                %gather3A_476 = vector.shape_cast %broadcast_in_dim3A_475 : vector<16x1xi32> to vector<16xi32>
                %gather3A_477 = tpu.dynamic_gather %while3A_456[%gather3A_476] in [0] : vector<16xi32>, vector<16xi32> -> vector<16xi32>
                %lt3A_478 = arith.cmpi slt, %iota3A, %all_reduce_population_count3A_471 : vector<16xi32>
                %eq3A_479 = arith.cmpi eq, %iota3A, %all_reduce_population_count3A_471 : vector<16xi32>
                %select_n3A_480 = arith.select %eq3A_479, %select_n3A, %gather3A_474 : vector<16xi1>, vector<16xf32>
                %select_n3A_481 = arith.select %lt3A_478, %while3A_455, %select_n3A_480 : vector<16xi1>, vector<16xf32>
                %select_n3A_482 = arith.select %eq3A_479, %gather3A_468, %gather3A_477 : vector<16xi1>, vector<16xi32>
                %select_n3A_483 = arith.select %lt3A_478, %while3A_456, %select_n3A_482 : vector<16xi1>, vector<16xi32>
                %broadcast_in_dim3A_484 = vector.shape_cast %broadcast_in_dim3A_5 : vector<16xi32> to vector<16x1xi32>
                %gather3A_485 = vector.shape_cast %broadcast_in_dim3A_484 : vector<16x1xi32> to vector<16xi32>
                %gather3A_486 = tpu.dynamic_gather %select_n3A_481[%gather3A_485] in [0] : vector<16xf32>, vector<16xi32> -> vector<16xf32>
                %min3A_487 = arith.minimumf %broadcast_in_dim3A_7, %gather3A_486 : vector<16xf32>
                %ne3A = arith.cmpi ne, %iota3A, %all_reduce_ffs3A : vector<16xi32>
                %and3A_488 = arith.andi %while3A_458, %ne3A : vector<16xi1>
                %le3A_489 = arith.cmpf ole, %get3A_378, %min3A_487 : vector<16xf32>
                %and3A_490 = arith.andi %and3A_488, %le3A_489 : vector<16xi1>
                scf.yield %select_n3A_481, %select_n3A_483, %min3A_487, %and3A_490 : vector<16xf32>, vector<16xi32>, vector<16xf32>, vector<16xi1>
              }
              scf.yield %while3A_454#0, %while3A_454#1, %while3A_454#2 : vector<16xf32>, vector<16xi32>, vector<16xf32>
            } else {
              scf.yield %cond3A_415#0, %cond3A_415#1, %cond3A_415#2 : vector<16xf32>, vector<16xi32>, vector<16xf32>
            }
            scf.yield %cond3A_431#0, %cond3A_431#1, %cond3A_431#2 : vector<16xf32>, vector<16xi32>, vector<16xf32>
          } else {
            scf.yield %scan3A_327, %scan3A_328, %scan3A_329 : vector<16xf32>, vector<16xi32>, vector<16xf32>
          }
          scf.yield %cond3A_399#0, %cond3A_399#1, %cond3A_399#2 : vector<16xf32>, vector<16xi32>, vector<16xf32>
        }
        %scan3A_325 = arith.constant 32 : i32
        scf.yield %scan3A_324#0, %scan3A_324#1 : vector<16xf32>, vector<16xi32>
      } else {
        scf.yield %scan3A_296#0, %scan3A_296#1 : vector<16xf32>, vector<16xi32>
      }
      %broadcast_in_dim3A_309 = arith.constant 1 : i32
      %broadcast_in_dim3A_310 = vector.broadcast %broadcast_in_dim3A_309 : i32 to vector<16xi32>
      %gather3A_311 = tpu.vector_load_idx %arg5[%broadcast_in_dim3A_310, %cond3A_308#1] : memref<2x4096xf32, #tpu.memory_space<vmem>>[vector<16xi32>, vector<16xi32>], vector<16xf32>,
      %mul3A_312 = arith.constant 16 : i32
      %mul3A_313 = arith.muli %add3A_214, %mul3A_312 : i32
      %swap3A_314 = arith.index_cast %mul3A_313 : i32 to index
      %swap3A_315 = tpu.vector_load %arg6[%swap3A_314] {strides = array<i32>} : memref<1024xi32, #tpu.memory_space<vmem>>, vector<16xi32>,
      tpu.vector_store %arg6[%swap3A_314], %cond3A_308#1 {strides = array<i32>} : memref<1024xi32, #tpu.memory_space<vmem>>, vector<16xi32>,
      %mul3A_316 = arith.constant 16 : i32
      %mul3A_317 = arith.muli %add3A_214, %mul3A_316 : i32
      %swap3A_318 = arith.index_cast %mul3A_317 : i32 to index
      %swap3A_319 = tpu.vector_load %arg7[%swap3A_318] {strides = array<i32>} : memref<1024xf32, #tpu.memory_space<vmem>>, vector<16xf32>,
      tpu.vector_store %arg7[%swap3A_318], %gather3A_311 {strides = array<i32>} : memref<1024xf32, #tpu.memory_space<vmem>>, vector<16xf32>,
    }
    %scan3A_34 = arith.constant 32 : i32
    %dma_wait3A = arith.constant 0 : i32
    %dma_wait3A_35 = arith.constant 0 : i32
    %dma_wait3A_36 = tpu.memref_slice %arg5[%dma_wait3A, %dma_wait3A_35] : memref<2x4096xf32, #tpu.memory_space<vmem>> -> memref<1x4096xf32, #tpu.memory_space<vmem>>
    %dma_wait3A_37 = tpu.memref_squeeze %dma_wait3A_36 : memref<1x4096xf32, #tpu.memory_space<vmem>> -> memref<4096xf32, #tpu.memory_space<vmem>>
    %dma_wait3A_38 = arith.constant 0 : i32
    %dma_wait3A_39 = tpu.memref_slice %arg2[%sub3A_17, %dma_wait3A_38] : memref<4096x4096xf32, #tpu.memory_space<hbm>> -> memref<1x4096xf32, #tpu.memory_space<hbm>>
    %dma_wait3A_40 = tpu.memref_squeeze %dma_wait3A_39 : memref<1x4096xf32, #tpu.memory_space<hbm>> -> memref<4096xf32, #tpu.memory_space<hbm>>
    %dma_wait3A_41 = arith.constant 0 : i32
    %dma_wait3A_42 = tpu.memref_slice %arg5[%dma_wait3A, %dma_wait3A_41] : memref<2x4096xf32, #tpu.memory_space<vmem>> -> memref<1x4096xf32, #tpu.memory_space<vmem>>
    %dma_wait3A_43 = tpu.memref_squeeze %dma_wait3A_42 : memref<1x4096xf32, #tpu.memory_space<vmem>> -> memref<4096xf32, #tpu.memory_space<vmem>>
    %dma_wait3A_44 = arith.constant 0 : i32
    %dma_wait3A_45 = tpu.memref_slice %arg2[%sub3A_17, %dma_wait3A_44] : memref<4096x4096xf32, #tpu.memory_space<hbm>> -> memref<1x4096xf32, #tpu.memory_space<hbm>>
    %dma_wait3A_46 = tpu.memref_squeeze %dma_wait3A_45 : memref<1x4096xf32, #tpu.memory_space<hbm>> -> memref<4096xf32, #tpu.memory_space<hbm>>
    tpu.wait_dma2 semaphore(%arg8 : memref<!tpu.dma_semaphore, #tpu.memory_space<semaphore_mem>>) src(%dma_wait3A_46 : memref<4096xf32, #tpu.memory_space<hbm>>) dst(%dma_wait3A_43 : memref<4096xf32, #tpu.memory_space<vmem>>)
    %mul3A_47 = arith.constant 64 : i32
    %mul3A_48 = arith.muli %add3A, %mul3A_47 : i32
    %mul3A_49 = arith.constant 16 : i32
    %mul3A_50 = arith.muli %mul3A_48, %mul3A_49 : i32
    "tpu.region"() ({
      %run_scoped3A = tpu.sem_alloc : memref<!tpu.dma_semaphore, #tpu.memory_space<semaphore_mem>>
      %dma_start3A_51 = tpu.memref_slice %arg3[%mul3A_50] : memref<32768xi32, #tpu.memory_space<hbm>> -> memref<1024xi32, #tpu.memory_space<hbm>>
      %dma_start3A_52 = tpu.memref_slice %arg3[%mul3A_50] : memref<32768xi32, #tpu.memory_space<hbm>> -> memref<1024xi32, #tpu.memory_space<hbm>>
      tpu.enqueue_dma source(%arg6 : memref<1024xi32, #tpu.memory_space<vmem>>) target(%dma_start3A_52 : memref<1024xi32, #tpu.memory_space<hbm>>) target_semaphore(%run_scoped3A : memref<!tpu.dma_semaphore, #tpu.memory_space<semaphore_mem>>)
      %dma_wait3A_53 = tpu.memref_slice %arg3[%mul3A_50] : memref<32768xi32, #tpu.memory_space<hbm>> -> memref<1024xi32, #tpu.memory_space<hbm>>
      %dma_wait3A_54 = tpu.memref_slice %arg3[%mul3A_50] : memref<32768xi32, #tpu.memory_space<hbm>> -> memref<1024xi32, #tpu.memory_space<hbm>>
      tpu.wait_dma2 semaphore(%run_scoped3A : memref<!tpu.dma_semaphore, #tpu.memory_space<semaphore_mem>>) src(%arg6 : memref<1024xi32, #tpu.memory_space<vmem>>) dst(%dma_wait3A_54 : memref<1024xi32, #tpu.memory_space<hbm>>)
      tpu.yield
    }) : () -> ()
    "tpu.region"() ({
      %run_scoped3A = tpu.sem_alloc : memref<!tpu.dma_semaphore, #tpu.memory_space<semaphore_mem>>
      %dma_start3A_51 = tpu.memref_slice %arg4[%mul3A_50] : memref<32768xf32, #tpu.memory_space<hbm>> -> memref<1024xf32, #tpu.memory_space<hbm>>
      %dma_start3A_52 = tpu.memref_slice %arg4[%mul3A_50] : memref<32768xf32, #tpu.memory_space<hbm>> -> memref<1024xf32, #tpu.memory_space<hbm>>
      tpu.enqueue_dma source(%arg7 : memref<1024xf32, #tpu.memory_space<vmem>>) target(%dma_start3A_52 : memref<1024xf32, #tpu.memory_space<hbm>>) target_semaphore(%run_scoped3A : memref<!tpu.dma_semaphore, #tpu.memory_space<semaphore_mem>>)
      %dma_wait3A_53 = tpu.memref_slice %arg4[%mul3A_50] : memref<32768xf32, #tpu.memory_space<hbm>> -> memref<1024xf32, #tpu.memory_space<hbm>>
      %dma_wait3A_54 = tpu.memref_slice %arg4[%mul3A_50] : memref<32768xf32, #tpu.memory_space<hbm>> -> memref<1024xf32, #tpu.memory_space<hbm>>
      tpu.wait_dma2 semaphore(%run_scoped3A : memref<!tpu.dma_semaphore, #tpu.memory_space<semaphore_mem>>) src(%arg7 : memref<1024xf32, #tpu.memory_space<vmem>>) dst(%dma_wait3A_54 : memref<1024xf32, #tpu.memory_space<hbm>>)
      tpu.yield
    }) : () -> ()
    return
  }
}

module attributes {stable_mosaic.version = 14 : i64} {
  func.func @_feature_kernel(%arg0: i32, %arg1: memref<8192x1xf32, #tpu.memory_space<vmem>>, %arg2: memref<8192x50xf32, #tpu.memory_space<vmem>>) attributes {dimension_semantics = [#tpu.dimension_semantics<arbitrary>], iteration_bounds = array<i64: 4>, scalar_prefetch = 0 : i64, scratch_operands = 0 : i64, tpu.core_type = #tpu.core_type<tc>, window_params = [{transform_indices = @transform_0, window_bounds = array<i64: 8192, 1>}, {transform_indices = @transform_1, window_bounds = array<i64: 8192, 50>}]} {
    %get3A = arith.constant 0 : index
    %get3A_0 = arith.constant 0 : index
    %get3A_1 = vector.load %arg1[%get3A, %get3A_0] : memref<8192x1xf32, #tpu.memory_space<vmem>>, vector<8192x1xf32>
    %iota3A = tpu.iota {dimensions = array<i32: 1>} : vector<1x50xi32>
    %convert_element_type3A = arith.sitofp %iota3A : vector<1x50xi32> to vector<1x50xf32>
    %mul3A = arith.constant 0.0204081628 : f32
    %mul3A_2 = vector.broadcast %mul3A : f32 to vector<1x50xf32>
    %mul3A_3 = arith.mulf %convert_element_type3A, %mul3A_2 : vector<1x50xf32>
    %sub3A = vector.broadcast %get3A_1 : vector<8192x1xf32> to vector<8192x50xf32>
    %sub3A_4 = vector.broadcast %mul3A_3 : vector<1x50xf32> to vector<8192x50xf32>
    %sub3A_5 = arith.subf %sub3A, %sub3A_4 : vector<8192x50xf32>
    %mul3A_6 = arith.constant 5.000000e+00 : f32
    %mul3A_7 = vector.broadcast %mul3A_6 : f32 to vector<8192x50xf32>
    %mul3A_8 = arith.mulf %sub3A_5, %mul3A_7 : vector<8192x50xf32>
    %mul3A_9 = arith.constant -5.000000e-01 : f32
    %mul3A_10 = vector.broadcast %mul3A_9 : f32 to vector<8192x50xf32>
    %mul3A_11 = arith.mulf %mul3A_10, %mul3A_8 : vector<8192x50xf32>
    %mul3A_12 = arith.mulf %mul3A_11, %mul3A_8 : vector<8192x50xf32>
    %exp3A = math.exp %mul3A_12 : vector<8192x50xf32>
    %swap3A = arith.constant 0 : index
    %swap3A_13 = arith.constant 0 : index
    %swap3A_14 = vector.load %arg2[%swap3A, %swap3A_13] : memref<8192x50xf32, #tpu.memory_space<vmem>>, vector<8192x50xf32>
    tpu.vector_store %arg2[%swap3A, %swap3A_13], %exp3A {strides = array<i32>} : memref<8192x50xf32, #tpu.memory_space<vmem>>, vector<8192x50xf32>,
    return
  }
  func.func @transform_0(%arg0: i32) -> (i32, i32) {
    %c0_i32 = arith.constant 0 : i32
    %c0_i32_0 = arith.constant 0 : i32
    return %arg0, %c0_i32 : i32, i32
  }
  func.func @transform_1(%arg0: i32) -> (i32, i32) {
    %c0_i32 = arith.constant 0 : i32
    %c0_i32_0 = arith.constant 0 : i32
    return %arg0, %c0_i32 : i32, i32
  }
}

module attributes {stable_mosaic.version = 14 : i64} {
  func.func @_tc_select_kernel(%arg0: i32, %arg1: memref<256x4096xf32, #tpu.memory_space<vmem>>, %arg2: memref<256x16xi32, #tpu.memory_space<vmem>>, %arg3: memref<256x16xf32, #tpu.memory_space<vmem>>) attributes {dimension_semantics = [#tpu.dimension_semantics<arbitrary>], iteration_bounds = array<i64: 8>, scalar_prefetch = 0 : i64, scratch_operands = 0 : i64, tpu.core_type = #tpu.core_type<tc>, window_params = [{transform_indices = @transform_0, window_bounds = array<i64: 256, 4096>}, {transform_indices = @transform_1, window_bounds = array<i64: 256, 16>}, {transform_indices = @transform_2, window_bounds = array<i64: 256, 16>}]} {
    %get3A = arith.constant 0 : index
    %get3A_0 = arith.constant 0 : index
    %get3A_1 = vector.load %arg1[%get3A, %get3A_0] : memref<256x4096xf32, #tpu.memory_space<vmem>>, vector<256x4096xf32>
    %iota3A = tpu.iota {dimensions = array<i32: 1>} : vector<256x4096xi32>
    %le3A = arith.constant 8.000000e-01 : f32
    %le3A_2 = vector.broadcast %le3A : f32 to vector<256x4096xf32>
    %le3A_3 = arith.cmpf ole, %get3A_1, %le3A_2 : vector<256x4096xf32>
    %bitcast_convert_type3A = tpu.bitcast %get3A_1 : vector<256x4096xf32> -> vector<256x4096xi32>
    %jit3A = arith.constant 2139095040 : i32
    %broadcast_in_dim3A = vector.broadcast %jit3A : i32 to vector<256x4096xi32>
    %select_n3A = arith.select %le3A_3, %bitcast_convert_type3A, %broadcast_in_dim3A : vector<256x4096xi1>, vector<256x4096xi32>
    %reduce_min3A = arith.constant dense<2147483647> : vector<256xi32>
    %reduce_min3A_4 = vector.multi_reduction <minsi>, %select_n3A, %reduce_min3A [1] : vector<256x4096xi32> to vector<256xi32>
    %broadcast_in_dim3A_5 = vector.shape_cast %reduce_min3A_4 : vector<256xi32> to vector<256x1xi32>
    %eq3A = vector.broadcast %broadcast_in_dim3A_5 : vector<256x1xi32> to vector<256x4096xi32>
    %eq3A_6 = arith.cmpi eq, %select_n3A, %eq3A : vector<256x4096xi32>
    %jit3A_7 = arith.constant 4096 : i32
    %broadcast_in_dim3A_8 = vector.broadcast %jit3A_7 : i32 to vector<256x4096xi32>
    %select_n3A_9 = arith.select %eq3A_6, %iota3A, %broadcast_in_dim3A_8 : vector<256x4096xi1>, vector<256x4096xi32>
    %reduce_min3A_10 = arith.constant dense<2147483647> : vector<256xi32>
    %reduce_min3A_11 = vector.multi_reduction <minsi>, %select_n3A_9, %reduce_min3A_10 [1] : vector<256x4096xi32> to vector<256xi32>
    %broadcast_in_dim3A_12 = vector.shape_cast %reduce_min3A_11 : vector<256xi32> to vector<256x1xi32>
    %eq3A_13 = vector.broadcast %broadcast_in_dim3A_12 : vector<256x1xi32> to vector<256x4096xi32>
    %eq3A_14 = arith.cmpi eq, %iota3A, %eq3A_13 : vector<256x4096xi32>
    %jit3A_15 = arith.constant 2147483647 : i32
    %broadcast_in_dim3A_16 = vector.broadcast %jit3A_15 : i32 to vector<256x4096xi32>
    %select_n3A_17 = arith.select %eq3A_14, %broadcast_in_dim3A_16, %select_n3A : vector<256x4096xi1>, vector<256x4096xi32>
    %reduce_min3A_18 = arith.constant dense<2147483647> : vector<256xi32>
    %reduce_min3A_19 = vector.multi_reduction <minsi>, %select_n3A_17, %reduce_min3A_18 [1] : vector<256x4096xi32> to vector<256xi32>
    %broadcast_in_dim3A_20 = vector.shape_cast %reduce_min3A_19 : vector<256xi32> to vector<256x1xi32>
    %eq3A_21 = vector.broadcast %broadcast_in_dim3A_20 : vector<256x1xi32> to vector<256x4096xi32>
    %eq3A_22 = arith.cmpi eq, %select_n3A_17, %eq3A_21 : vector<256x4096xi32>
    %jit3A_23 = arith.constant 4096 : i32
    %broadcast_in_dim3A_24 = vector.broadcast %jit3A_23 : i32 to vector<256x4096xi32>
    %select_n3A_25 = arith.select %eq3A_22, %iota3A, %broadcast_in_dim3A_24 : vector<256x4096xi1>, vector<256x4096xi32>
    %reduce_min3A_26 = arith.constant dense<2147483647> : vector<256xi32>
    %reduce_min3A_27 = vector.multi_reduction <minsi>, %select_n3A_25, %reduce_min3A_26 [1] : vector<256x4096xi32> to vector<256xi32>
    %broadcast_in_dim3A_28 = vector.shape_cast %reduce_min3A_27 : vector<256xi32> to vector<256x1xi32>
    %eq3A_29 = vector.broadcast %broadcast_in_dim3A_28 : vector<256x1xi32> to vector<256x4096xi32>
    %eq3A_30 = arith.cmpi eq, %iota3A, %eq3A_29 : vector<256x4096xi32>
    %jit3A_31 = arith.constant 2147483647 : i32
    %broadcast_in_dim3A_32 = vector.broadcast %jit3A_31 : i32 to vector<256x4096xi32>
    %select_n3A_33 = arith.select %eq3A_30, %broadcast_in_dim3A_32, %select_n3A_17 : vector<256x4096xi1>, vector<256x4096xi32>
    %reduce_min3A_34 = arith.constant dense<2147483647> : vector<256xi32>
    %reduce_min3A_35 = vector.multi_reduction <minsi>, %select_n3A_33, %reduce_min3A_34 [1] : vector<256x4096xi32> to vector<256xi32>
    %broadcast_in_dim3A_36 = vector.shape_cast %reduce_min3A_35 : vector<256xi32> to vector<256x1xi32>
    %eq3A_37 = vector.broadcast %broadcast_in_dim3A_36 : vector<256x1xi32> to vector<256x4096xi32>
    %eq3A_38 = arith.cmpi eq, %select_n3A_33, %eq3A_37 : vector<256x4096xi32>
    %jit3A_39 = arith.constant 4096 : i32
    %broadcast_in_dim3A_40 = vector.broadcast %jit3A_39 : i32 to vector<256x4096xi32>
    %select_n3A_41 = arith.select %eq3A_38, %iota3A, %broadcast_in_dim3A_40 : vector<256x4096xi1>, vector<256x4096xi32>
    %reduce_min3A_42 = arith.constant dense<2147483647> : vector<256xi32>
    %reduce_min3A_43 = vector.multi_reduction <minsi>, %select_n3A_41, %reduce_min3A_42 [1] : vector<256x4096xi32> to vector<256xi32>
    %broadcast_in_dim3A_44 = vector.shape_cast %reduce_min3A_43 : vector<256xi32> to vector<256x1xi32>
    %eq3A_45 = vector.broadcast %broadcast_in_dim3A_44 : vector<256x1xi32> to vector<256x4096xi32>
    %eq3A_46 = arith.cmpi eq, %iota3A, %eq3A_45 : vector<256x4096xi32>
    %jit3A_47 = arith.constant 2147483647 : i32
    %broadcast_in_dim3A_48 = vector.broadcast %jit3A_47 : i32 to vector<256x4096xi32>
    %select_n3A_49 = arith.select %eq3A_46, %broadcast_in_dim3A_48, %select_n3A_33 : vector<256x4096xi1>, vector<256x4096xi32>
    %reduce_min3A_50 = arith.constant dense<2147483647> : vector<256xi32>
    %reduce_min3A_51 = vector.multi_reduction <minsi>, %select_n3A_49, %reduce_min3A_50 [1] : vector<256x4096xi32> to vector<256xi32>
    %broadcast_in_dim3A_52 = vector.shape_cast %reduce_min3A_51 : vector<256xi32> to vector<256x1xi32>
    %eq3A_53 = vector.broadcast %broadcast_in_dim3A_52 : vector<256x1xi32> to vector<256x4096xi32>
    %eq3A_54 = arith.cmpi eq, %select_n3A_49, %eq3A_53 : vector<256x4096xi32>
    %jit3A_55 = arith.constant 4096 : i32
    %broadcast_in_dim3A_56 = vector.broadcast %jit3A_55 : i32 to vector<256x4096xi32>
    %select_n3A_57 = arith.select %eq3A_54, %iota3A, %broadcast_in_dim3A_56 : vector<256x4096xi1>, vector<256x4096xi32>
    %reduce_min3A_58 = arith.constant dense<2147483647> : vector<256xi32>
    %reduce_min3A_59 = vector.multi_reduction <minsi>, %select_n3A_57, %reduce_min3A_58 [1] : vector<256x4096xi32> to vector<256xi32>
    %broadcast_in_dim3A_60 = vector.shape_cast %reduce_min3A_59 : vector<256xi32> to vector<256x1xi32>
    %eq3A_61 = vector.broadcast %broadcast_in_dim3A_60 : vector<256x1xi32> to vector<256x4096xi32>
    %eq3A_62 = arith.cmpi eq, %iota3A, %eq3A_61 : vector<256x4096xi32>
    %jit3A_63 = arith.constant 2147483647 : i32
    %broadcast_in_dim3A_64 = vector.broadcast %jit3A_63 : i32 to vector<256x4096xi32>
    %select_n3A_65 = arith.select %eq3A_62, %broadcast_in_dim3A_64, %select_n3A_49 : vector<256x4096xi1>, vector<256x4096xi32>
    %reduce_min3A_66 = arith.constant dense<2147483647> : vector<256xi32>
    %reduce_min3A_67 = vector.multi_reduction <minsi>, %select_n3A_65, %reduce_min3A_66 [1] : vector<256x4096xi32> to vector<256xi32>
    %broadcast_in_dim3A_68 = vector.shape_cast %reduce_min3A_67 : vector<256xi32> to vector<256x1xi32>
    %eq3A_69 = vector.broadcast %broadcast_in_dim3A_68 : vector<256x1xi32> to vector<256x4096xi32>
    %eq3A_70 = arith.cmpi eq, %select_n3A_65, %eq3A_69 : vector<256x4096xi32>
    %jit3A_71 = arith.constant 4096 : i32
    %broadcast_in_dim3A_72 = vector.broadcast %jit3A_71 : i32 to vector<256x4096xi32>
    %select_n3A_73 = arith.select %eq3A_70, %iota3A, %broadcast_in_dim3A_72 : vector<256x4096xi1>, vector<256x4096xi32>
    %reduce_min3A_74 = arith.constant dense<2147483647> : vector<256xi32>
    %reduce_min3A_75 = vector.multi_reduction <minsi>, %select_n3A_73, %reduce_min3A_74 [1] : vector<256x4096xi32> to vector<256xi32>
    %broadcast_in_dim3A_76 = vector.shape_cast %reduce_min3A_75 : vector<256xi32> to vector<256x1xi32>
    %eq3A_77 = vector.broadcast %broadcast_in_dim3A_76 : vector<256x1xi32> to vector<256x4096xi32>
    %eq3A_78 = arith.cmpi eq, %iota3A, %eq3A_77 : vector<256x4096xi32>
    %jit3A_79 = arith.constant 2147483647 : i32
    %broadcast_in_dim3A_80 = vector.broadcast %jit3A_79 : i32 to vector<256x4096xi32>
    %select_n3A_81 = arith.select %eq3A_78, %broadcast_in_dim3A_80, %select_n3A_65 : vector<256x4096xi1>, vector<256x4096xi32>
    %reduce_min3A_82 = arith.constant dense<2147483647> : vector<256xi32>
    %reduce_min3A_83 = vector.multi_reduction <minsi>, %select_n3A_81, %reduce_min3A_82 [1] : vector<256x4096xi32> to vector<256xi32>
    %broadcast_in_dim3A_84 = vector.shape_cast %reduce_min3A_83 : vector<256xi32> to vector<256x1xi32>
    %eq3A_85 = vector.broadcast %broadcast_in_dim3A_84 : vector<256x1xi32> to vector<256x4096xi32>
    %eq3A_86 = arith.cmpi eq, %select_n3A_81, %eq3A_85 : vector<256x4096xi32>
    %jit3A_87 = arith.constant 4096 : i32
    %broadcast_in_dim3A_88 = vector.broadcast %jit3A_87 : i32 to vector<256x4096xi32>
    %select_n3A_89 = arith.select %eq3A_86, %iota3A, %broadcast_in_dim3A_88 : vector<256x4096xi1>, vector<256x4096xi32>
    %reduce_min3A_90 = arith.constant dense<2147483647> : vector<256xi32>
    %reduce_min3A_91 = vector.multi_reduction <minsi>, %select_n3A_89, %reduce_min3A_90 [1] : vector<256x4096xi32> to vector<256xi32>
    %broadcast_in_dim3A_92 = vector.shape_cast %reduce_min3A_91 : vector<256xi32> to vector<256x1xi32>
    %eq3A_93 = vector.broadcast %broadcast_in_dim3A_92 : vector<256x1xi32> to vector<256x4096xi32>
    %eq3A_94 = arith.cmpi eq, %iota3A, %eq3A_93 : vector<256x4096xi32>
    %jit3A_95 = arith.constant 2147483647 : i32
    %broadcast_in_dim3A_96 = vector.broadcast %jit3A_95 : i32 to vector<256x4096xi32>
    %select_n3A_97 = arith.select %eq3A_94, %broadcast_in_dim3A_96, %select_n3A_81 : vector<256x4096xi1>, vector<256x4096xi32>
    %reduce_min3A_98 = arith.constant dense<2147483647> : vector<256xi32>
    %reduce_min3A_99 = vector.multi_reduction <minsi>, %select_n3A_97, %reduce_min3A_98 [1] : vector<256x4096xi32> to vector<256xi32>
    %broadcast_in_dim3A_100 = vector.shape_cast %reduce_min3A_99 : vector<256xi32> to vector<256x1xi32>
    %eq3A_101 = vector.broadcast %broadcast_in_dim3A_100 : vector<256x1xi32> to vector<256x4096xi32>
    %eq3A_102 = arith.cmpi eq, %select_n3A_97, %eq3A_101 : vector<256x4096xi32>
    %jit3A_103 = arith.constant 4096 : i32
    %broadcast_in_dim3A_104 = vector.broadcast %jit3A_103 : i32 to vector<256x4096xi32>
    %select_n3A_105 = arith.select %eq3A_102, %iota3A, %broadcast_in_dim3A_104 : vector<256x4096xi1>, vector<256x4096xi32>
    %reduce_min3A_106 = arith.constant dense<2147483647> : vector<256xi32>
    %reduce_min3A_107 = vector.multi_reduction <minsi>, %select_n3A_105, %reduce_min3A_106 [1] : vector<256x4096xi32> to vector<256xi32>
    %broadcast_in_dim3A_108 = vector.shape_cast %reduce_min3A_107 : vector<256xi32> to vector<256x1xi32>
    %eq3A_109 = vector.broadcast %broadcast_in_dim3A_108 : vector<256x1xi32> to vector<256x4096xi32>
    %eq3A_110 = arith.cmpi eq, %iota3A, %eq3A_109 : vector<256x4096xi32>
    %jit3A_111 = arith.constant 2147483647 : i32
    %broadcast_in_dim3A_112 = vector.broadcast %jit3A_111 : i32 to vector<256x4096xi32>
    %select_n3A_113 = arith.select %eq3A_110, %broadcast_in_dim3A_112, %select_n3A_97 : vector<256x4096xi1>, vector<256x4096xi32>
    %reduce_min3A_114 = arith.constant dense<2147483647> : vector<256xi32>
    %reduce_min3A_115 = vector.multi_reduction <minsi>, %select_n3A_113, %reduce_min3A_114 [1] : vector<256x4096xi32> to vector<256xi32>
    %broadcast_in_dim3A_116 = vector.shape_cast %reduce_min3A_115 : vector<256xi32> to vector<256x1xi32>
    %eq3A_117 = vector.broadcast %broadcast_in_dim3A_116 : vector<256x1xi32> to vector<256x4096xi32>
    %eq3A_118 = arith.cmpi eq, %select_n3A_113, %eq3A_117 : vector<256x4096xi32>
    %jit3A_119 = arith.constant 4096 : i32
    %broadcast_in_dim3A_120 = vector.broadcast %jit3A_119 : i32 to vector<256x4096xi32>
    %select_n3A_121 = arith.select %eq3A_118, %iota3A, %broadcast_in_dim3A_120 : vector<256x4096xi1>, vector<256x4096xi32>
    %reduce_min3A_122 = arith.constant dense<2147483647> : vector<256xi32>
    %reduce_min3A_123 = vector.multi_reduction <minsi>, %select_n3A_121, %reduce_min3A_122 [1] : vector<256x4096xi32> to vector<256xi32>
    %broadcast_in_dim3A_124 = vector.shape_cast %reduce_min3A_123 : vector<256xi32> to vector<256x1xi32>
    %eq3A_125 = vector.broadcast %broadcast_in_dim3A_124 : vector<256x1xi32> to vector<256x4096xi32>
    %eq3A_126 = arith.cmpi eq, %iota3A, %eq3A_125 : vector<256x4096xi32>
    %jit3A_127 = arith.constant 2147483647 : i32
    %broadcast_in_dim3A_128 = vector.broadcast %jit3A_127 : i32 to vector<256x4096xi32>
    %select_n3A_129 = arith.select %eq3A_126, %broadcast_in_dim3A_128, %select_n3A_113 : vector<256x4096xi1>, vector<256x4096xi32>
    %reduce_min3A_130 = arith.constant dense<2147483647> : vector<256xi32>
    %reduce_min3A_131 = vector.multi_reduction <minsi>, %select_n3A_129, %reduce_min3A_130 [1] : vector<256x4096xi32> to vector<256xi32>
    %broadcast_in_dim3A_132 = vector.shape_cast %reduce_min3A_131 : vector<256xi32> to vector<256x1xi32>
    %eq3A_133 = vector.broadcast %broadcast_in_dim3A_132 : vector<256x1xi32> to vector<256x4096xi32>
    %eq3A_134 = arith.cmpi eq, %select_n3A_129, %eq3A_133 : vector<256x4096xi32>
    %jit3A_135 = arith.constant 4096 : i32
    %broadcast_in_dim3A_136 = vector.broadcast %jit3A_135 : i32 to vector<256x4096xi32>
    %select_n3A_137 = arith.select %eq3A_134, %iota3A, %broadcast_in_dim3A_136 : vector<256x4096xi1>, vector<256x4096xi32>
    %reduce_min3A_138 = arith.constant dense<2147483647> : vector<256xi32>
    %reduce_min3A_139 = vector.multi_reduction <minsi>, %select_n3A_137, %reduce_min3A_138 [1] : vector<256x4096xi32> to vector<256xi32>
    %broadcast_in_dim3A_140 = vector.shape_cast %reduce_min3A_139 : vector<256xi32> to vector<256x1xi32>
    %eq3A_141 = vector.broadcast %broadcast_in_dim3A_140 : vector<256x1xi32> to vector<256x4096xi32>
    %eq3A_142 = arith.cmpi eq, %iota3A, %eq3A_141 : vector<256x4096xi32>
    %jit3A_143 = arith.constant 2147483647 : i32
    %broadcast_in_dim3A_144 = vector.broadcast %jit3A_143 : i32 to vector<256x4096xi32>
    %select_n3A_145 = arith.select %eq3A_142, %broadcast_in_dim3A_144, %select_n3A_129 : vector<256x4096xi1>, vector<256x4096xi32>
    %reduce_min3A_146 = arith.constant dense<2147483647> : vector<256xi32>
    %reduce_min3A_147 = vector.multi_reduction <minsi>, %select_n3A_145, %reduce_min3A_146 [1] : vector<256x4096xi32> to vector<256xi32>
    %broadcast_in_dim3A_148 = vector.shape_cast %reduce_min3A_147 : vector<256xi32> to vector<256x1xi32>
    %eq3A_149 = vector.broadcast %broadcast_in_dim3A_148 : vector<256x1xi32> to vector<256x4096xi32>
    %eq3A_150 = arith.cmpi eq, %select_n3A_145, %eq3A_149 : vector<256x4096xi32>
    %jit3A_151 = arith.constant 4096 : i32
    %broadcast_in_dim3A_152 = vector.broadcast %jit3A_151 : i32 to vector<256x4096xi32>
    %select_n3A_153 = arith.select %eq3A_150, %iota3A, %broadcast_in_dim3A_152 : vector<256x4096xi1>, vector<256x4096xi32>
    %reduce_min3A_154 = arith.constant dense<2147483647> : vector<256xi32>
    %reduce_min3A_155 = vector.multi_reduction <minsi>, %select_n3A_153, %reduce_min3A_154 [1] : vector<256x4096xi32> to vector<256xi32>
    %broadcast_in_dim3A_156 = vector.shape_cast %reduce_min3A_155 : vector<256xi32> to vector<256x1xi32>
    %eq3A_157 = vector.broadcast %broadcast_in_dim3A_156 : vector<256x1xi32> to vector<256x4096xi32>
    %eq3A_158 = arith.cmpi eq, %iota3A, %eq3A_157 : vector<256x4096xi32>
    %jit3A_159 = arith.constant 2147483647 : i32
    %broadcast_in_dim3A_160 = vector.broadcast %jit3A_159 : i32 to vector<256x4096xi32>
    %select_n3A_161 = arith.select %eq3A_158, %broadcast_in_dim3A_160, %select_n3A_145 : vector<256x4096xi1>, vector<256x4096xi32>
    %reduce_min3A_162 = arith.constant dense<2147483647> : vector<256xi32>
    %reduce_min3A_163 = vector.multi_reduction <minsi>, %select_n3A_161, %reduce_min3A_162 [1] : vector<256x4096xi32> to vector<256xi32>
    %broadcast_in_dim3A_164 = vector.shape_cast %reduce_min3A_163 : vector<256xi32> to vector<256x1xi32>
    %eq3A_165 = vector.broadcast %broadcast_in_dim3A_164 : vector<256x1xi32> to vector<256x4096xi32>
    %eq3A_166 = arith.cmpi eq, %select_n3A_161, %eq3A_165 : vector<256x4096xi32>
    %jit3A_167 = arith.constant 4096 : i32
    %broadcast_in_dim3A_168 = vector.broadcast %jit3A_167 : i32 to vector<256x4096xi32>
    %select_n3A_169 = arith.select %eq3A_166, %iota3A, %broadcast_in_dim3A_168 : vector<256x4096xi1>, vector<256x4096xi32>
    %reduce_min3A_170 = arith.constant dense<2147483647> : vector<256xi32>
    %reduce_min3A_171 = vector.multi_reduction <minsi>, %select_n3A_169, %reduce_min3A_170 [1] : vector<256x4096xi32> to vector<256xi32>
    %broadcast_in_dim3A_172 = vector.shape_cast %reduce_min3A_171 : vector<256xi32> to vector<256x1xi32>
    %eq3A_173 = vector.broadcast %broadcast_in_dim3A_172 : vector<256x1xi32> to vector<256x4096xi32>
    %eq3A_174 = arith.cmpi eq, %iota3A, %eq3A_173 : vector<256x4096xi32>
    %jit3A_175 = arith.constant 2147483647 : i32
    %broadcast_in_dim3A_176 = vector.broadcast %jit3A_175 : i32 to vector<256x4096xi32>
    %select_n3A_177 = arith.select %eq3A_174, %broadcast_in_dim3A_176, %select_n3A_161 : vector<256x4096xi1>, vector<256x4096xi32>
    %reduce_min3A_178 = arith.constant dense<2147483647> : vector<256xi32>
    %reduce_min3A_179 = vector.multi_reduction <minsi>, %select_n3A_177, %reduce_min3A_178 [1] : vector<256x4096xi32> to vector<256xi32>
    %broadcast_in_dim3A_180 = vector.shape_cast %reduce_min3A_179 : vector<256xi32> to vector<256x1xi32>
    %eq3A_181 = vector.broadcast %broadcast_in_dim3A_180 : vector<256x1xi32> to vector<256x4096xi32>
    %eq3A_182 = arith.cmpi eq, %select_n3A_177, %eq3A_181 : vector<256x4096xi32>
    %jit3A_183 = arith.constant 4096 : i32
    %broadcast_in_dim3A_184 = vector.broadcast %jit3A_183 : i32 to vector<256x4096xi32>
    %select_n3A_185 = arith.select %eq3A_182, %iota3A, %broadcast_in_dim3A_184 : vector<256x4096xi1>, vector<256x4096xi32>
    %reduce_min3A_186 = arith.constant dense<2147483647> : vector<256xi32>
    %reduce_min3A_187 = vector.multi_reduction <minsi>, %select_n3A_185, %reduce_min3A_186 [1] : vector<256x4096xi32> to vector<256xi32>
    %broadcast_in_dim3A_188 = vector.shape_cast %reduce_min3A_187 : vector<256xi32> to vector<256x1xi32>
    %eq3A_189 = vector.broadcast %broadcast_in_dim3A_188 : vector<256x1xi32> to vector<256x4096xi32>
    %eq3A_190 = arith.cmpi eq, %iota3A, %eq3A_189 : vector<256x4096xi32>
    %jit3A_191 = arith.constant 2147483647 : i32
    %broadcast_in_dim3A_192 = vector.broadcast %jit3A_191 : i32 to vector<256x4096xi32>
    %select_n3A_193 = arith.select %eq3A_190, %broadcast_in_dim3A_192, %select_n3A_177 : vector<256x4096xi1>, vector<256x4096xi32>
    %reduce_min3A_194 = arith.constant dense<2147483647> : vector<256xi32>
    %reduce_min3A_195 = vector.multi_reduction <minsi>, %select_n3A_193, %reduce_min3A_194 [1] : vector<256x4096xi32> to vector<256xi32>
    %broadcast_in_dim3A_196 = vector.shape_cast %reduce_min3A_195 : vector<256xi32> to vector<256x1xi32>
    %eq3A_197 = vector.broadcast %broadcast_in_dim3A_196 : vector<256x1xi32> to vector<256x4096xi32>
    %eq3A_198 = arith.cmpi eq, %select_n3A_193, %eq3A_197 : vector<256x4096xi32>
    %jit3A_199 = arith.constant 4096 : i32
    %broadcast_in_dim3A_200 = vector.broadcast %jit3A_199 : i32 to vector<256x4096xi32>
    %select_n3A_201 = arith.select %eq3A_198, %iota3A, %broadcast_in_dim3A_200 : vector<256x4096xi1>, vector<256x4096xi32>
    %reduce_min3A_202 = arith.constant dense<2147483647> : vector<256xi32>
    %reduce_min3A_203 = vector.multi_reduction <minsi>, %select_n3A_201, %reduce_min3A_202 [1] : vector<256x4096xi32> to vector<256xi32>
    %broadcast_in_dim3A_204 = vector.shape_cast %reduce_min3A_203 : vector<256xi32> to vector<256x1xi32>
    %eq3A_205 = vector.broadcast %broadcast_in_dim3A_204 : vector<256x1xi32> to vector<256x4096xi32>
    %eq3A_206 = arith.cmpi eq, %iota3A, %eq3A_205 : vector<256x4096xi32>
    %jit3A_207 = arith.constant 2147483647 : i32
    %broadcast_in_dim3A_208 = vector.broadcast %jit3A_207 : i32 to vector<256x4096xi32>
    %select_n3A_209 = arith.select %eq3A_206, %broadcast_in_dim3A_208, %select_n3A_193 : vector<256x4096xi1>, vector<256x4096xi32>
    %reduce_min3A_210 = arith.constant dense<2147483647> : vector<256xi32>
    %reduce_min3A_211 = vector.multi_reduction <minsi>, %select_n3A_209, %reduce_min3A_210 [1] : vector<256x4096xi32> to vector<256xi32>
    %broadcast_in_dim3A_212 = vector.shape_cast %reduce_min3A_211 : vector<256xi32> to vector<256x1xi32>
    %eq3A_213 = vector.broadcast %broadcast_in_dim3A_212 : vector<256x1xi32> to vector<256x4096xi32>
    %eq3A_214 = arith.cmpi eq, %select_n3A_209, %eq3A_213 : vector<256x4096xi32>
    %jit3A_215 = arith.constant 4096 : i32
    %broadcast_in_dim3A_216 = vector.broadcast %jit3A_215 : i32 to vector<256x4096xi32>
    %select_n3A_217 = arith.select %eq3A_214, %iota3A, %broadcast_in_dim3A_216 : vector<256x4096xi1>, vector<256x4096xi32>
    %reduce_min3A_218 = arith.constant dense<2147483647> : vector<256xi32>
    %reduce_min3A_219 = vector.multi_reduction <minsi>, %select_n3A_217, %reduce_min3A_218 [1] : vector<256x4096xi32> to vector<256xi32>
    %broadcast_in_dim3A_220 = vector.shape_cast %reduce_min3A_219 : vector<256xi32> to vector<256x1xi32>
    %eq3A_221 = vector.broadcast %broadcast_in_dim3A_220 : vector<256x1xi32> to vector<256x4096xi32>
    %eq3A_222 = arith.cmpi eq, %iota3A, %eq3A_221 : vector<256x4096xi32>
    %jit3A_223 = arith.constant 2147483647 : i32
    %broadcast_in_dim3A_224 = vector.broadcast %jit3A_223 : i32 to vector<256x4096xi32>
    %select_n3A_225 = arith.select %eq3A_222, %broadcast_in_dim3A_224, %select_n3A_209 : vector<256x4096xi1>, vector<256x4096xi32>
    %reduce_min3A_226 = arith.constant dense<2147483647> : vector<256xi32>
    %reduce_min3A_227 = vector.multi_reduction <minsi>, %select_n3A_225, %reduce_min3A_226 [1] : vector<256x4096xi32> to vector<256xi32>
    %broadcast_in_dim3A_228 = vector.shape_cast %reduce_min3A_227 : vector<256xi32> to vector<256x1xi32>
    %eq3A_229 = vector.broadcast %broadcast_in_dim3A_228 : vector<256x1xi32> to vector<256x4096xi32>
    %eq3A_230 = arith.cmpi eq, %select_n3A_225, %eq3A_229 : vector<256x4096xi32>
    %jit3A_231 = arith.constant 4096 : i32
    %broadcast_in_dim3A_232 = vector.broadcast %jit3A_231 : i32 to vector<256x4096xi32>
    %select_n3A_233 = arith.select %eq3A_230, %iota3A, %broadcast_in_dim3A_232 : vector<256x4096xi1>, vector<256x4096xi32>
    %reduce_min3A_234 = arith.constant dense<2147483647> : vector<256xi32>
    %reduce_min3A_235 = vector.multi_reduction <minsi>, %select_n3A_233, %reduce_min3A_234 [1] : vector<256x4096xi32> to vector<256xi32>
    %broadcast_in_dim3A_236 = vector.shape_cast %reduce_min3A_235 : vector<256xi32> to vector<256x1xi32>
    %eq3A_237 = vector.broadcast %broadcast_in_dim3A_236 : vector<256x1xi32> to vector<256x4096xi32>
    %eq3A_238 = arith.cmpi eq, %iota3A, %eq3A_237 : vector<256x4096xi32>
    %jit3A_239 = arith.constant 2147483647 : i32
    %broadcast_in_dim3A_240 = vector.broadcast %jit3A_239 : i32 to vector<256x4096xi32>
    %select_n3A_241 = arith.select %eq3A_238, %broadcast_in_dim3A_240, %select_n3A_225 : vector<256x4096xi1>, vector<256x4096xi32>
    %reduce_min3A_242 = arith.constant dense<2147483647> : vector<256xi32>
    %reduce_min3A_243 = vector.multi_reduction <minsi>, %select_n3A_241, %reduce_min3A_242 [1] : vector<256x4096xi32> to vector<256xi32>
    %broadcast_in_dim3A_244 = vector.shape_cast %reduce_min3A_243 : vector<256xi32> to vector<256x1xi32>
    %eq3A_245 = vector.broadcast %broadcast_in_dim3A_244 : vector<256x1xi32> to vector<256x4096xi32>
    %eq3A_246 = arith.cmpi eq, %select_n3A_241, %eq3A_245 : vector<256x4096xi32>
    %jit3A_247 = arith.constant 4096 : i32
    %broadcast_in_dim3A_248 = vector.broadcast %jit3A_247 : i32 to vector<256x4096xi32>
    %select_n3A_249 = arith.select %eq3A_246, %iota3A, %broadcast_in_dim3A_248 : vector<256x4096xi1>, vector<256x4096xi32>
    %reduce_min3A_250 = arith.constant dense<2147483647> : vector<256xi32>
    %reduce_min3A_251 = vector.multi_reduction <minsi>, %select_n3A_249, %reduce_min3A_250 [1] : vector<256x4096xi32> to vector<256xi32>
    %broadcast_in_dim3A_252 = vector.shape_cast %reduce_min3A_251 : vector<256xi32> to vector<256x1xi32>
    %concatenate3A = tpu.concatenate %broadcast_in_dim3A_12, %broadcast_in_dim3A_28, %broadcast_in_dim3A_44, %broadcast_in_dim3A_60, %broadcast_in_dim3A_76, %broadcast_in_dim3A_92, %broadcast_in_dim3A_108, %broadcast_in_dim3A_124, %broadcast_in_dim3A_140, %broadcast_in_dim3A_156, %broadcast_in_dim3A_172, %broadcast_in_dim3A_188, %broadcast_in_dim3A_204, %broadcast_in_dim3A_220, %broadcast_in_dim3A_236, %broadcast_in_dim3A_252 in 1 : vector<256x1xi32>, vector<256x1xi32>, vector<256x1xi32>, vector<256x1xi32>, vector<256x1xi32>, vector<256x1xi32>, vector<256x1xi32>, vector<256x1xi32>, vector<256x1xi32>, vector<256x1xi32>, vector<256x1xi32>, vector<256x1xi32>, vector<256x1xi32>, vector<256x1xi32>, vector<256x1xi32>, vector<256x1xi32> -> vector<256x16xi32>
    %concatenate3A_253 = tpu.concatenate %broadcast_in_dim3A_5, %broadcast_in_dim3A_20, %broadcast_in_dim3A_36, %broadcast_in_dim3A_52, %broadcast_in_dim3A_68, %broadcast_in_dim3A_84, %broadcast_in_dim3A_100, %broadcast_in_dim3A_116, %broadcast_in_dim3A_132, %broadcast_in_dim3A_148, %broadcast_in_dim3A_164, %broadcast_in_dim3A_180, %broadcast_in_dim3A_196, %broadcast_in_dim3A_212, %broadcast_in_dim3A_228, %broadcast_in_dim3A_244 in 1 : vector<256x1xi32>, vector<256x1xi32>, vector<256x1xi32>, vector<256x1xi32>, vector<256x1xi32>, vector<256x1xi32>, vector<256x1xi32>, vector<256x1xi32>, vector<256x1xi32>, vector<256x1xi32>, vector<256x1xi32>, vector<256x1xi32>, vector<256x1xi32>, vector<256x1xi32>, vector<256x1xi32>, vector<256x1xi32> -> vector<256x16xi32>
    %eq3A_254 = arith.constant 2139095040 : i32
    %eq3A_255 = vector.broadcast %eq3A_254 : i32 to vector<256x16xi32>
    %eq3A_256 = arith.cmpi eq, %concatenate3A_253, %eq3A_255 : vector<256x16xi32>
    %reduce_or3A = arith.constant 1.000000e+00 : f32
    %reduce_or3A_257 = arith.constant 0.000000e+00 : f32
    %reduce_or3A_258 = vector.broadcast %reduce_or3A : f32 to vector<256x16xf32>
    %reduce_or3A_259 = vector.broadcast %reduce_or3A_257 : f32 to vector<256x16xf32>
    %reduce_or3A_260 = arith.select %eq3A_256, %reduce_or3A_258, %reduce_or3A_259 : vector<256x16xi1>, vector<256x16xf32>
    %reduce_or3A_261 = vector.shape_cast %reduce_or3A_260 : vector<256x16xf32> to vector<1x256x16xf32>
    %reduce_or3A_262 = arith.constant dense<0xFF800000> : vector<1xf32>
    %reduce_or3A_263 = vector.multi_reduction <maximumf>, %reduce_or3A_261, %reduce_or3A_262 [1, 2] : vector<1x256x16xf32> to vector<1xf32>
    %reduce_or3A_264 = vector.shape_cast %reduce_or3A_263 : vector<1xf32> to vector<1x1x1xf32>
    %reduce_or3A_265 = vector.extract %reduce_or3A_264[0, 0, 0] : f32 from vector<1x1x1xf32>
    %reduce_or3A_266 = arith.constant 0.000000e+00 : f32
    %reduce_or3A_267 = arith.cmpf ogt, %reduce_or3A_265, %reduce_or3A_266 : f32
    %convert_element_type3A = arith.extui %reduce_or3A_267 : i1 to i32
    %cond3A = arith.constant 0 : i32
    %cond3A_268 = arith.cmpi ne, %convert_element_type3A, %cond3A : i32
    %cond3A_269 = scf.if %cond3A_268 -> (vector<256x16xf32>) {
      %slice3A = vector.extract_strided_slice %concatenate3A {offsets = [0, 0], sizes = [256, 1], strides = [1, 1]} : vector<256x16xi32> to vector<256x1xi32>
      %eq3A_275 = vector.broadcast %slice3A : vector<256x1xi32> to vector<256x4096xi32>
      %eq3A_276 = arith.cmpi eq, %iota3A, %eq3A_275 : vector<256x4096xi32>
      %jit3A_277 = arith.constant 0.000000e+00 : f32
      %broadcast_in_dim3A_278 = vector.broadcast %jit3A_277 : f32 to vector<256x4096xf32>
      %select_n3A_279 = arith.select %eq3A_276, %get3A_1, %broadcast_in_dim3A_278 : vector<256x4096xi1>, vector<256x4096xf32>
      %reduce_sum3A = arith.constant dense<0.000000e+00> : vector<256xf32>
      %reduce_sum3A_280 = vector.multi_reduction <add>, %select_n3A_279, %reduce_sum3A [1] : vector<256x4096xf32> to vector<256xf32>
      %broadcast_in_dim3A_281 = vector.shape_cast %reduce_sum3A_280 : vector<256xf32> to vector<256x1xf32>
      %slice3A_282 = vector.extract_strided_slice %concatenate3A {offsets = [0, 1], sizes = [256, 1], strides = [1, 1]} : vector<256x16xi32> to vector<256x1xi32>
      %eq3A_283 = vector.broadcast %slice3A_282 : vector<256x1xi32> to vector<256x4096xi32>
      %eq3A_284 = arith.cmpi eq, %iota3A, %eq3A_283 : vector<256x4096xi32>
      %jit3A_285 = arith.constant 0.000000e+00 : f32
      %broadcast_in_dim3A_286 = vector.broadcast %jit3A_285 : f32 to vector<256x4096xf32>
      %select_n3A_287 = arith.select %eq3A_284, %get3A_1, %broadcast_in_dim3A_286 : vector<256x4096xi1>, vector<256x4096xf32>
      %reduce_sum3A_288 = arith.constant dense<0.000000e+00> : vector<256xf32>
      %reduce_sum3A_289 = vector.multi_reduction <add>, %select_n3A_287, %reduce_sum3A_288 [1] : vector<256x4096xf32> to vector<256xf32>
      %broadcast_in_dim3A_290 = vector.shape_cast %reduce_sum3A_289 : vector<256xf32> to vector<256x1xf32>
      %slice3A_291 = vector.extract_strided_slice %concatenate3A {offsets = [0, 2], sizes = [256, 1], strides = [1, 1]} : vector<256x16xi32> to vector<256x1xi32>
      %eq3A_292 = vector.broadcast %slice3A_291 : vector<256x1xi32> to vector<256x4096xi32>
      %eq3A_293 = arith.cmpi eq, %iota3A, %eq3A_292 : vector<256x4096xi32>
      %jit3A_294 = arith.constant 0.000000e+00 : f32
      %broadcast_in_dim3A_295 = vector.broadcast %jit3A_294 : f32 to vector<256x4096xf32>
      %select_n3A_296 = arith.select %eq3A_293, %get3A_1, %broadcast_in_dim3A_295 : vector<256x4096xi1>, vector<256x4096xf32>
      %reduce_sum3A_297 = arith.constant dense<0.000000e+00> : vector<256xf32>
      %reduce_sum3A_298 = vector.multi_reduction <add>, %select_n3A_296, %reduce_sum3A_297 [1] : vector<256x4096xf32> to vector<256xf32>
      %broadcast_in_dim3A_299 = vector.shape_cast %reduce_sum3A_298 : vector<256xf32> to vector<256x1xf32>
      %slice3A_300 = vector.extract_strided_slice %concatenate3A {offsets = [0, 3], sizes = [256, 1], strides = [1, 1]} : vector<256x16xi32> to vector<256x1xi32>
      %eq3A_301 = vector.broadcast %slice3A_300 : vector<256x1xi32> to vector<256x4096xi32>
      %eq3A_302 = arith.cmpi eq, %iota3A, %eq3A_301 : vector<256x4096xi32>
      %jit3A_303 = arith.constant 0.000000e+00 : f32
      %broadcast_in_dim3A_304 = vector.broadcast %jit3A_303 : f32 to vector<256x4096xf32>
      %select_n3A_305 = arith.select %eq3A_302, %get3A_1, %broadcast_in_dim3A_304 : vector<256x4096xi1>, vector<256x4096xf32>
      %reduce_sum3A_306 = arith.constant dense<0.000000e+00> : vector<256xf32>
      %reduce_sum3A_307 = vector.multi_reduction <add>, %select_n3A_305, %reduce_sum3A_306 [1] : vector<256x4096xf32> to vector<256xf32>
      %broadcast_in_dim3A_308 = vector.shape_cast %reduce_sum3A_307 : vector<256xf32> to vector<256x1xf32>
      %slice3A_309 = vector.extract_strided_slice %concatenate3A {offsets = [0, 4], sizes = [256, 1], strides = [1, 1]} : vector<256x16xi32> to vector<256x1xi32>
      %eq3A_310 = vector.broadcast %slice3A_309 : vector<256x1xi32> to vector<256x4096xi32>
      %eq3A_311 = arith.cmpi eq, %iota3A, %eq3A_310 : vector<256x4096xi32>
      %jit3A_312 = arith.constant 0.000000e+00 : f32
      %broadcast_in_dim3A_313 = vector.broadcast %jit3A_312 : f32 to vector<256x4096xf32>
      %select_n3A_314 = arith.select %eq3A_311, %get3A_1, %broadcast_in_dim3A_313 : vector<256x4096xi1>, vector<256x4096xf32>
      %reduce_sum3A_315 = arith.constant dense<0.000000e+00> : vector<256xf32>
      %reduce_sum3A_316 = vector.multi_reduction <add>, %select_n3A_314, %reduce_sum3A_315 [1] : vector<256x4096xf32> to vector<256xf32>
      %broadcast_in_dim3A_317 = vector.shape_cast %reduce_sum3A_316 : vector<256xf32> to vector<256x1xf32>
      %slice3A_318 = vector.extract_strided_slice %concatenate3A {offsets = [0, 5], sizes = [256, 1], strides = [1, 1]} : vector<256x16xi32> to vector<256x1xi32>
      %eq3A_319 = vector.broadcast %slice3A_318 : vector<256x1xi32> to vector<256x4096xi32>
      %eq3A_320 = arith.cmpi eq, %iota3A, %eq3A_319 : vector<256x4096xi32>
      %jit3A_321 = arith.constant 0.000000e+00 : f32
      %broadcast_in_dim3A_322 = vector.broadcast %jit3A_321 : f32 to vector<256x4096xf32>
      %select_n3A_323 = arith.select %eq3A_320, %get3A_1, %broadcast_in_dim3A_322 : vector<256x4096xi1>, vector<256x4096xf32>
      %reduce_sum3A_324 = arith.constant dense<0.000000e+00> : vector<256xf32>
      %reduce_sum3A_325 = vector.multi_reduction <add>, %select_n3A_323, %reduce_sum3A_324 [1] : vector<256x4096xf32> to vector<256xf32>
      %broadcast_in_dim3A_326 = vector.shape_cast %reduce_sum3A_325 : vector<256xf32> to vector<256x1xf32>
      %slice3A_327 = vector.extract_strided_slice %concatenate3A {offsets = [0, 6], sizes = [256, 1], strides = [1, 1]} : vector<256x16xi32> to vector<256x1xi32>
      %eq3A_328 = vector.broadcast %slice3A_327 : vector<256x1xi32> to vector<256x4096xi32>
      %eq3A_329 = arith.cmpi eq, %iota3A, %eq3A_328 : vector<256x4096xi32>
      %jit3A_330 = arith.constant 0.000000e+00 : f32
      %broadcast_in_dim3A_331 = vector.broadcast %jit3A_330 : f32 to vector<256x4096xf32>
      %select_n3A_332 = arith.select %eq3A_329, %get3A_1, %broadcast_in_dim3A_331 : vector<256x4096xi1>, vector<256x4096xf32>
      %reduce_sum3A_333 = arith.constant dense<0.000000e+00> : vector<256xf32>
      %reduce_sum3A_334 = vector.multi_reduction <add>, %select_n3A_332, %reduce_sum3A_333 [1] : vector<256x4096xf32> to vector<256xf32>
      %broadcast_in_dim3A_335 = vector.shape_cast %reduce_sum3A_334 : vector<256xf32> to vector<256x1xf32>
      %slice3A_336 = vector.extract_strided_slice %concatenate3A {offsets = [0, 7], sizes = [256, 1], strides = [1, 1]} : vector<256x16xi32> to vector<256x1xi32>
      %eq3A_337 = vector.broadcast %slice3A_336 : vector<256x1xi32> to vector<256x4096xi32>
      %eq3A_338 = arith.cmpi eq, %iota3A, %eq3A_337 : vector<256x4096xi32>
      %jit3A_339 = arith.constant 0.000000e+00 : f32
      %broadcast_in_dim3A_340 = vector.broadcast %jit3A_339 : f32 to vector<256x4096xf32>
      %select_n3A_341 = arith.select %eq3A_338, %get3A_1, %broadcast_in_dim3A_340 : vector<256x4096xi1>, vector<256x4096xf32>
      %reduce_sum3A_342 = arith.constant dense<0.000000e+00> : vector<256xf32>
      %reduce_sum3A_343 = vector.multi_reduction <add>, %select_n3A_341, %reduce_sum3A_342 [1] : vector<256x4096xf32> to vector<256xf32>
      %broadcast_in_dim3A_344 = vector.shape_cast %reduce_sum3A_343 : vector<256xf32> to vector<256x1xf32>
      %slice3A_345 = vector.extract_strided_slice %concatenate3A {offsets = [0, 8], sizes = [256, 1], strides = [1, 1]} : vector<256x16xi32> to vector<256x1xi32>
      %eq3A_346 = vector.broadcast %slice3A_345 : vector<256x1xi32> to vector<256x4096xi32>
      %eq3A_347 = arith.cmpi eq, %iota3A, %eq3A_346 : vector<256x4096xi32>
      %jit3A_348 = arith.constant 0.000000e+00 : f32
      %broadcast_in_dim3A_349 = vector.broadcast %jit3A_348 : f32 to vector<256x4096xf32>
      %select_n3A_350 = arith.select %eq3A_347, %get3A_1, %broadcast_in_dim3A_349 : vector<256x4096xi1>, vector<256x4096xf32>
      %reduce_sum3A_351 = arith.constant dense<0.000000e+00> : vector<256xf32>
      %reduce_sum3A_352 = vector.multi_reduction <add>, %select_n3A_350, %reduce_sum3A_351 [1] : vector<256x4096xf32> to vector<256xf32>
      %broadcast_in_dim3A_353 = vector.shape_cast %reduce_sum3A_352 : vector<256xf32> to vector<256x1xf32>
      %slice3A_354 = vector.extract_strided_slice %concatenate3A {offsets = [0, 9], sizes = [256, 1], strides = [1, 1]} : vector<256x16xi32> to vector<256x1xi32>
      %eq3A_355 = vector.broadcast %slice3A_354 : vector<256x1xi32> to vector<256x4096xi32>
      %eq3A_356 = arith.cmpi eq, %iota3A, %eq3A_355 : vector<256x4096xi32>
      %jit3A_357 = arith.constant 0.000000e+00 : f32
      %broadcast_in_dim3A_358 = vector.broadcast %jit3A_357 : f32 to vector<256x4096xf32>
      %select_n3A_359 = arith.select %eq3A_356, %get3A_1, %broadcast_in_dim3A_358 : vector<256x4096xi1>, vector<256x4096xf32>
      %reduce_sum3A_360 = arith.constant dense<0.000000e+00> : vector<256xf32>
      %reduce_sum3A_361 = vector.multi_reduction <add>, %select_n3A_359, %reduce_sum3A_360 [1] : vector<256x4096xf32> to vector<256xf32>
      %broadcast_in_dim3A_362 = vector.shape_cast %reduce_sum3A_361 : vector<256xf32> to vector<256x1xf32>
      %slice3A_363 = vector.extract_strided_slice %concatenate3A {offsets = [0, 10], sizes = [256, 1], strides = [1, 1]} : vector<256x16xi32> to vector<256x1xi32>
      %eq3A_364 = vector.broadcast %slice3A_363 : vector<256x1xi32> to vector<256x4096xi32>
      %eq3A_365 = arith.cmpi eq, %iota3A, %eq3A_364 : vector<256x4096xi32>
      %jit3A_366 = arith.constant 0.000000e+00 : f32
      %broadcast_in_dim3A_367 = vector.broadcast %jit3A_366 : f32 to vector<256x4096xf32>
      %select_n3A_368 = arith.select %eq3A_365, %get3A_1, %broadcast_in_dim3A_367 : vector<256x4096xi1>, vector<256x4096xf32>
      %reduce_sum3A_369 = arith.constant dense<0.000000e+00> : vector<256xf32>
      %reduce_sum3A_370 = vector.multi_reduction <add>, %select_n3A_368, %reduce_sum3A_369 [1] : vector<256x4096xf32> to vector<256xf32>
      %broadcast_in_dim3A_371 = vector.shape_cast %reduce_sum3A_370 : vector<256xf32> to vector<256x1xf32>
      %slice3A_372 = vector.extract_strided_slice %concatenate3A {offsets = [0, 11], sizes = [256, 1], strides = [1, 1]} : vector<256x16xi32> to vector<256x1xi32>
      %eq3A_373 = vector.broadcast %slice3A_372 : vector<256x1xi32> to vector<256x4096xi32>
      %eq3A_374 = arith.cmpi eq, %iota3A, %eq3A_373 : vector<256x4096xi32>
      %jit3A_375 = arith.constant 0.000000e+00 : f32
      %broadcast_in_dim3A_376 = vector.broadcast %jit3A_375 : f32 to vector<256x4096xf32>
      %select_n3A_377 = arith.select %eq3A_374, %get3A_1, %broadcast_in_dim3A_376 : vector<256x4096xi1>, vector<256x4096xf32>
      %reduce_sum3A_378 = arith.constant dense<0.000000e+00> : vector<256xf32>
      %reduce_sum3A_379 = vector.multi_reduction <add>, %select_n3A_377, %reduce_sum3A_378 [1] : vector<256x4096xf32> to vector<256xf32>
      %broadcast_in_dim3A_380 = vector.shape_cast %reduce_sum3A_379 : vector<256xf32> to vector<256x1xf32>
      %slice3A_381 = vector.extract_strided_slice %concatenate3A {offsets = [0, 12], sizes = [256, 1], strides = [1, 1]} : vector<256x16xi32> to vector<256x1xi32>
      %eq3A_382 = vector.broadcast %slice3A_381 : vector<256x1xi32> to vector<256x4096xi32>
      %eq3A_383 = arith.cmpi eq, %iota3A, %eq3A_382 : vector<256x4096xi32>
      %jit3A_384 = arith.constant 0.000000e+00 : f32
      %broadcast_in_dim3A_385 = vector.broadcast %jit3A_384 : f32 to vector<256x4096xf32>
      %select_n3A_386 = arith.select %eq3A_383, %get3A_1, %broadcast_in_dim3A_385 : vector<256x4096xi1>, vector<256x4096xf32>
      %reduce_sum3A_387 = arith.constant dense<0.000000e+00> : vector<256xf32>
      %reduce_sum3A_388 = vector.multi_reduction <add>, %select_n3A_386, %reduce_sum3A_387 [1] : vector<256x4096xf32> to vector<256xf32>
      %broadcast_in_dim3A_389 = vector.shape_cast %reduce_sum3A_388 : vector<256xf32> to vector<256x1xf32>
      %slice3A_390 = vector.extract_strided_slice %concatenate3A {offsets = [0, 13], sizes = [256, 1], strides = [1, 1]} : vector<256x16xi32> to vector<256x1xi32>
      %eq3A_391 = vector.broadcast %slice3A_390 : vector<256x1xi32> to vector<256x4096xi32>
      %eq3A_392 = arith.cmpi eq, %iota3A, %eq3A_391 : vector<256x4096xi32>
      %jit3A_393 = arith.constant 0.000000e+00 : f32
      %broadcast_in_dim3A_394 = vector.broadcast %jit3A_393 : f32 to vector<256x4096xf32>
      %select_n3A_395 = arith.select %eq3A_392, %get3A_1, %broadcast_in_dim3A_394 : vector<256x4096xi1>, vector<256x4096xf32>
      %reduce_sum3A_396 = arith.constant dense<0.000000e+00> : vector<256xf32>
      %reduce_sum3A_397 = vector.multi_reduction <add>, %select_n3A_395, %reduce_sum3A_396 [1] : vector<256x4096xf32> to vector<256xf32>
      %broadcast_in_dim3A_398 = vector.shape_cast %reduce_sum3A_397 : vector<256xf32> to vector<256x1xf32>
      %slice3A_399 = vector.extract_strided_slice %concatenate3A {offsets = [0, 14], sizes = [256, 1], strides = [1, 1]} : vector<256x16xi32> to vector<256x1xi32>
      %eq3A_400 = vector.broadcast %slice3A_399 : vector<256x1xi32> to vector<256x4096xi32>
      %eq3A_401 = arith.cmpi eq, %iota3A, %eq3A_400 : vector<256x4096xi32>
      %jit3A_402 = arith.constant 0.000000e+00 : f32
      %broadcast_in_dim3A_403 = vector.broadcast %jit3A_402 : f32 to vector<256x4096xf32>
      %select_n3A_404 = arith.select %eq3A_401, %get3A_1, %broadcast_in_dim3A_403 : vector<256x4096xi1>, vector<256x4096xf32>
      %reduce_sum3A_405 = arith.constant dense<0.000000e+00> : vector<256xf32>
      %reduce_sum3A_406 = vector.multi_reduction <add>, %select_n3A_404, %reduce_sum3A_405 [1] : vector<256x4096xf32> to vector<256xf32>
      %broadcast_in_dim3A_407 = vector.shape_cast %reduce_sum3A_406 : vector<256xf32> to vector<256x1xf32>
      %slice3A_408 = vector.extract_strided_slice %concatenate3A {offsets = [0, 15], sizes = [256, 1], strides = [1, 1]} : vector<256x16xi32> to vector<256x1xi32>
      %eq3A_409 = vector.broadcast %slice3A_408 : vector<256x1xi32> to vector<256x4096xi32>
      %eq3A_410 = arith.cmpi eq, %iota3A, %eq3A_409 : vector<256x4096xi32>
      %jit3A_411 = arith.constant 0.000000e+00 : f32
      %broadcast_in_dim3A_412 = vector.broadcast %jit3A_411 : f32 to vector<256x4096xf32>
      %select_n3A_413 = arith.select %eq3A_410, %get3A_1, %broadcast_in_dim3A_412 : vector<256x4096xi1>, vector<256x4096xf32>
      %reduce_sum3A_414 = arith.constant dense<0.000000e+00> : vector<256xf32>
      %reduce_sum3A_415 = vector.multi_reduction <add>, %select_n3A_413, %reduce_sum3A_414 [1] : vector<256x4096xf32> to vector<256xf32>
      %broadcast_in_dim3A_416 = vector.shape_cast %reduce_sum3A_415 : vector<256xf32> to vector<256x1xf32>
      %concatenate3A_417 = tpu.concatenate %broadcast_in_dim3A_281, %broadcast_in_dim3A_290, %broadcast_in_dim3A_299, %broadcast_in_dim3A_308, %broadcast_in_dim3A_317, %broadcast_in_dim3A_326, %broadcast_in_dim3A_335, %broadcast_in_dim3A_344, %broadcast_in_dim3A_353, %broadcast_in_dim3A_362, %broadcast_in_dim3A_371, %broadcast_in_dim3A_380, %broadcast_in_dim3A_389, %broadcast_in_dim3A_398, %broadcast_in_dim3A_407, %broadcast_in_dim3A_416 in 1 : vector<256x1xf32>, vector<256x1xf32>, vector<256x1xf32>, vector<256x1xf32>, vector<256x1xf32>, vector<256x1xf32>, vector<256x1xf32>, vector<256x1xf32>, vector<256x1xf32>, vector<256x1xf32>, vector<256x1xf32>, vector<256x1xf32>, vector<256x1xf32>, vector<256x1xf32>, vector<256x1xf32>, vector<256x1xf32> -> vector<256x16xf32>
      scf.yield %concatenate3A_417 : vector<256x16xf32>
    } else {
      %bitcast_convert_type3A_275 = tpu.bitcast %concatenate3A_253 : vector<256x16xi32> -> vector<256x16xf32>
      scf.yield %bitcast_convert_type3A_275 : vector<256x16xf32>
    }
    %swap3A = arith.constant 0 : index
    %swap3A_270 = arith.constant 0 : index
    %swap3A_271 = vector.load %arg2[%swap3A, %swap3A_270] : memref<256x16xi32, #tpu.memory_space<vmem>>, vector<256x16xi32>
    tpu.vector_store %arg2[%swap3A, %swap3A_270], %concatenate3A {strides = array<i32>} : memref<256x16xi32, #tpu.memory_space<vmem>>, vector<256x16xi32>,
    %swap3A_272 = arith.constant 0 : index
    %swap3A_273 = arith.constant 0 : index
    %swap3A_274 = vector.load %arg3[%swap3A_272, %swap3A_273] : memref<256x16xf32, #tpu.memory_space<vmem>>, vector<256x16xf32>
    tpu.vector_store %arg3[%swap3A_272, %swap3A_273], %cond3A_269 {strides = array<i32>} : memref<256x16xf32, #tpu.memory_space<vmem>>, vector<256x16xf32>,
    return
  }
  func.func @transform_0(%arg0: i32) -> (i32, i32) {
    %add3A = arith.constant 8 : i32
    %add3A_0 = arith.addi %arg0, %add3A : i32
    %c0_i32 = arith.constant 0 : i32
    %c0_i32_1 = arith.constant 0 : i32
    return %add3A_0, %c0_i32 : i32, i32
  }
  func.func @transform_1(%arg0: i32) -> (i32, i32) {
    %c0_i32 = arith.constant 0 : i32
    %c0_i32_0 = arith.constant 0 : i32
    return %arg0, %c0_i32 : i32, i32
  }
  func.func @transform_2(%arg0: i32) -> (i32, i32) {
    %c0_i32 = arith.constant 0 : i32
    %c0_i32_0 = arith.constant 0 : i32
    return %arg0, %c0_i32 : i32, i32
  }
}

</mosaic_0001>

<sc_bundles>
// kernel: kernel.6.cloned.1.call-start
scs
__scs_entry_jumppad:
0x0: {  	(pc) =	sbr.rel $0x88, $3  }
0x1: {  	(tag) =	ssettag $0x0;
	lr =	simm.s32 $0x1  }
0x2: {  	[smem:$0x3FA0] =	sst lr;
	_ =	strace $0xD0000000  }
0x3: {  	_ = 	snop  }
0x4: {  	_ = 	snop  }
0x5: {  	_ = 	snop  }
0x6: {  	_ = 	snop  }
0x7: {  	_ = 	snop  }
__scs_overlays_trampoline_lowered:
0x8: {  	[smem:$0x3FAF] =	sst s0  }
0x9: {  	[smem:$0x3FB0] =	sst s1  }
0xa: {  	[smem:$0x3FB1] =	sst s2  }
0xb: {  	[smem:$0x3FB2] =	sst s3  }
0xc: {  	[smem:$0x3FB3] =	sst s4  }
0xd: {  	[smem:$0x3FB4] =	sst s5  }
0xe: {  	[smem:$0x3FB5] =	sst s6  }
0xf: {  	[smem:$0x3FB6] =	sst s7  }
0x10: {  	[smem:$0x3FB7] =	sst s8  }
0x11: {  	[smem:$0x3FB8] =	sst s9;
	s0 =	simm.s32 @!p0 $0x0  }
0x12: {  	s1 =	sld [smem:$0x3F9E];
	s0 =	simm.s32 @p0 $0x1  }
0x13: {  	[smem:$0x3FB9] =	sst s0;
	s0 =	simm.s32 @!p1 $0x0  }
0x14: {  	s2 =	sld [smem:$0x3F9D];
	s0 =	simm.s32 @p1 $0x1  }
0x15: {  	[smem:$0x3FBA] =	sst s0;
	s0 =	simm.s32 @!p2 $0x0  }
0x16: {  	s3 =	sld [smem:$0x3FDB];
	s0 =	simm.s32 @p2 $0x1  }
0x17: {  	s4 =	simm.s32 $0x1BF5;
	[smem:$0x3FBC] =	sst s0  }
0x18: {  	s0 =	sld [smem:$0x3F9F];
	_ =	swait.ge [sflag:s4], $0x0  }
0x19: {  	s7 =	sld [smem:$0x3FA0]  }
0x1a: {  	s8 =	sadd.s32 $0xFFFFE003, lr  }
0x1b: {  	s9 =	sadd.s32 $0xFFFFFEF7, lr;
	s5 =	simm.s32 $0xFFFFFFFF;
	p2 =	slt.u32 s8, $0xFFFFF086  }
0x1c: {  	p1 =	slt.u32 s9, $0xF7A;
	s5 =	simm.s32 @!p2 $0x0  }
0x1d: {  	s5 =	simm.s32 @p1 $0x1;
	p0 =	seq.s32 s7, s2  }
0x1e: {  	s7 =	smul.u32 @!p0 $0xF7A, s2;
	p2 =	seq.s32 @!p0 s5, $0x0  }
0x1f: {  	s9 =	smul.u32 $0xF7A, s1;
	s8 =	simm.s32 @!p0 $0x1BF5;
	p2 =	por !p2, p0  }
0x20: {  	[sflag:s8] =	ssyncset.s32 @!p0 $0xFFFFF086;
	s6 =	sadd.s32 @!p0 s3, s7;
	s7 =	simm.s32 @!p0 $0x108  }
0x21: {  	s3 =	sadd.s32 s3, s9;
	s6 =	sadd.s32 @!p0 $0x88, s6;
	s7 =	simm.s32 @p2 $0x1082  }
0x22: {  	[simem:s7], [sflag:s8] =	dma.local @!p0 [hbm:s6], $0xF7A  }
0x23: {  	s9 =	sor.u32 $0xD0000000, s2;
	s6 =	simm.s32 $0x108;
	_ =	swait.ge @!p0 [sflag:s8], $0x0  }
0x24: {  	s3 =	sadd.s32 $0x88, s3;
	s6 =	simm.s32 @!p1 $0x1082;
	[sflag:s4] =	ssyncset.s32 $0xFFFFF086  }
0x25: {  	[simem:s6], [sflag:s4] =	dma.local [hbm:s3], $0xF7A  }
0x26: {  	[smem:$0x3FA0] =	sst s1;
	(tag) =	ssettag s2;
	_ =	strace s9  }
0x27: {  	s1 =	sld [smem:$0x3FB0]  }
0x28: {  	s2 =	sld [smem:$0x3FB1]  }
0x29: {  	s4 =	sld [smem:$0x3FB3]  }
0x2a: {  	p0 =	seq.s32 s5, $0x0;
	s5 =	sld [smem:$0x3FB4]  }
0x2b: {  	s6 =	sld [smem:$0x3FB5]  }
0x2c: {  	s7 =	sld [smem:$0x3FB6]  }
0x2d: {  	s3 =	simm.s32 $0x108;
	s8 =	sld [smem:$0x3FB7]  }
0x2e: {  	s3 =	simm.s32 @!p0 $0x1082;
	s9 =	sld [smem:$0x3FB8]  }
0x2f: {  	lr =	sadd.s32 s0, s3;
	s0 =	sld [smem:$0x3FAF]  }
0x30: {  	s3 =	sld [smem:$0x3FB2]  }
0x31: {  	[smem:$0x3FBB] =	sst s10  }
0x32: {  	s10 =	sld [smem:$0x3FB9];
	_ =	sdelay $0x3  }
0x33: {  	p0 =	seq.s32 s10, $0x1;
	s10 =	sld [smem:$0x3FBB];
	_ =	sdelay $0x3  }
0x34: {  	[smem:$0x3FBB] =	sst s10  }
0x35: {  	s10 =	sld [smem:$0x3FBA];
	_ =	sdelay $0x3  }
0x36: {  	p1 =	seq.s32 s10, $0x1;
	s10 =	sld [smem:$0x3FBB];
	_ =	sdelay $0x3  }
0x37: {  	[smem:$0x3FBB] =	sst s10  }
0x38: {  	s10 =	sld [smem:$0x3FBC]  }
0x39: {  	_ = 	snop;
	(pc) =	sbr.ind lr, $3  }
0x3a: {  	_ = 	snop  }
0x3b: {  	_ = 	snop  }
0x3c: {  	p2 =	seq.s32 s10, $0x1;
	s10 =	sld [smem:$0x3FBB]  }
0x3d: {  	_ =	shalt  }
0x3e: {  	_ =	shalt  }
0x3f: {  	_ =	shalt  }
0x40: {  	_ =	shalt  }
0x41: {  	_ =	shalt  }
0x42: {  	_ =	shalt  }
0x43: {  	_ =	shalt  }
0x44: {  	_ =	shalt  }
0x45: {  	_ =	shalt  }
0x46: {  	_ =	shalt  }
0x47: {  	_ =	shalt  }
0x48: {  	_ =	shalt  }
0x49: {  	_ =	shalt  }
0x4a: {  	_ =	shalt  }
0x4b: {  	_ =	shalt  }
0x4c: {  	_ =	shalt  }
0x4d: {  	_ =	shalt  }
0x4e: {  	_ =	shalt  }
0x4f: {  	_ =	shalt  }
0x50: {  	_ =	shalt  }
0x51: {  	_ =	shalt  }
0x52: {  	_ =	shalt  }
0x53: {  	_ =	shalt  }
0x54: {  	_ =	shalt  }
0x55: {  	_ =	shalt  }
0x56: {  	_ =	shalt  }
0x57: {  	_ =	shalt  }
0x58: {  	_ =	shalt  }
0x59: {  	_ =	shalt  }
0x5a: {  	_ =	shalt  }
0x5b: {  	_ =	shalt  }
0x5c: {  	_ =	shalt  }
0x5d: {  	_ =	shalt  }
0x5e: {  	_ =	shalt  }
0x5f: {  	_ =	shalt  }
0x60: {  	_ =	shalt  }
0x61: {  	_ =	shalt  }
0x62: {  	_ =	shalt  }
0x63: {  	_ =	shalt  }
0x64: {  	_ =	shalt  }
0x65: {  	_ =	shalt  }
0x66: {  	_ =	shalt  }
0x67: {  	_ =	shalt  }
0x68: {  	_ =	shalt  }
0x69: {  	_ =	shalt  }
0x6a: {  	_ =	shalt  }
0x6b: {  	_ =	shalt  }
0x6c: {  	_ =	shalt  }
0x6d: {  	_ =	shalt  }
0x6e: {  	_ =	shalt  }
0x6f: {  	_ =	shalt  }
0x70: {  	_ =	shalt  }
0x71: {  	_ =	shalt  }
0x72: {  	_ =	shalt  }
0x73: {  	_ =	shalt  }
0x74: {  	_ =	shalt  }
0x75: {  	_ =	shalt  }
0x76: {  	_ =	shalt  }
0x77: {  	_ =	shalt  }
0x78: {  	_ =	shalt  }
0x79: {  	_ =	shalt  }
0x7a: {  	_ =	shalt  }
0x7b: {  	_ =	shalt  }
0x7c: {  	_ =	shalt  }
0x7d: {  	_ =	shalt  }
0x7e: {  	_ =	shalt  }
0x7f: {  	_ =	shalt  }
0x80: {  	_ =	shalt  }
0x81: {  	_ =	shalt  }
0x82: {  	_ =	shalt  }
0x83: {  	_ =	shalt  }
0x84: {  	_ =	shalt  }
0x85: {  	_ =	shalt  }
0x86: {  	_ =	shalt  }
0x87: {  	_ =	shalt  }
.Lfunc_end0:
.L_simem_size_0:
called_computation_lowered:
.L_overlay_start_0:
0x88: {  	s2 =	sld [smem:$0x3FD9]  }
0x89: {  	s3 =	sld [smem:$0x3FFE];
	_ =	sdelay $0x1  }
0x8a: {  	s1 =	srdreg.scid  }
0x8b: {  	s0 =	sand.u32 $0x1, s1  }
0x8c: {  	s15 =	sshll.u32 s0, $0xA;
	s2 =	sadd.s32 s3, s2  }
0x8d: {  	s2 =	sadd.s32 s2, s15  }
0x8e: {  	[smem:$0x3FC7] =	sst s2  }
0x8f: {  	_ = 	snop  }
0x90: {  	s2 =	sld [smem:$0x3FD0];
	_ =	sdelay $0x2  }
0x91: {  	s4 =	simm.s32 $0xA;
	s5 =	simm.s32 $0x10;
	s16 =	sld [smem:$0x3FC9]  }
0x92: {  	[smem:s5], [sflag:s4] =	dma.local [hbm:s2], $0x1  }
0x93: {  	_ =	swait.eq [sflag:s4], $0x1  }
0x94: {  	[sflag:s4] =	ssyncset.done $0x0  }
0x95: {  	s17 =	sld [smem:$0x10];
	[sflag:s4] =	ssyncadd.s32 $0xFFFFFFFF  }
0x96: {  	s18 =	sld [smem:$0x11];
	(tm) =	ssettm $0x1  }
0x97: {  	s19 =	sld [smem:$0x3FFB];
	_ =	sdelay $0x3  }
0x98: {  	_ =	strace s19  }
0x99: {  	s5 =	sld [smem:$0x3FFC];
	_ =	sdelay $0x3  }
0x9a: {  	_ =	strace s5  }
0x9b: {  	s5 =	sld [smem:$0x3FFD];
	_ =	sdelay $0x3  }
0x9c: {  	_ =	strace s5  }
0x9d: {  	_ =	strace $0x8FFFFFFF  }
0x9e: {  	s20 =	sld [smem:$0x3FDB];
	_ =	sdelay $0x1  }
0x9f: {  	s6 =	simm.s32 $_scs_section_size  }
0xa0: {  	s7 =	simm.s32 $_size__tile_overlayer_lowered;
	s8 =	simm.s32 $_tile_overlayer_lowered  }
0xa1: {  	s23 =	simm.s32 $0x1BFF;
	s22 =	sshll.u32 s8, $0x1;
	s5 =	sadd.s32 s6, s20  }
0xa2: {  	s9 =	simm.s32 $0x0;
	s21 =	sshll.u32 s7, $0x1;
	s7 =	sadd.s32 s22, s5  }
0xa3: {  	[timem:s9], [sflag:s23] =	dma.local [hbm:s7], s21  }
0xa4: {  	_ =	swait.ge [sflag:s23], s21  }
0xa5: {  	s6 =	ssub.s32 $0x0, s21;
	[sflag:s23] =	ssyncset.done $0x0  }
0xa6: {  	[sflag:s23] =	ssyncadd.s32 s6;
	_ =	sdelay $0x1  }
0xa7: {  	s24 =	simm.s32 $0x1B8B  }
0xa8: {  	_ =	swait.ge [sflag:s24], $0x1  }
0xa9: {  	[sflag:s24] =	ssyncset.done $0x0  }
0xaa: {  	s25 =	simm.s32 $0x1B8E;
	[sflag:s24] =	ssyncadd.s32 $0xFFFFFFFF  }
0xab: {  	s26 =	simm.s32 $execute0_lowered;
	[smem:$0x3FD2] =	sst s25  }
0xac: {  	s6 =	sshll.u32 s26, $0x1;
	_ =	strace $0x80000046;
	[dreg:$0x1] =	wrdreg $0xFFFFFFFF  }
0xad: {  	s28 =	simm.s32 $_size_execute0_lowered;
	s5 =	sadd.s32 s5, s6;
	[dreg:$0x0] =	wrdreg $0x0  }
0xae: {  	s6 =	sshll.u32 s28, $0x1;
	[dreg:$0x2] =	wrdreg s5  }
0xaf: {  	[dreg:$0x3] =	wrdreg s6  }
0xb0: {  	[dreg:$0x4] =	wrdreg $0xC0  }
0xb1: {  	_ =	task [dreg:s9], $0x5FFFF  }
0xb2: {  	[dreg:$0x1] =	wrdreg $0xFFFFFFFF  }
0xb3: {  	[dreg:$0x0] =	wrdreg $0x60  }
0xb4: {  	[dreg:$0x2] =	wrdreg s16  }
0xb5: {  	[dreg:$0x3] =	wrdreg s17  }
0xb6: {  	[dreg:$0x4] =	wrdreg s18  }
0xb7: {  	[dreg:$0x5] =	wrdreg $0x9  }
0xb8: {  	_ =	task.clear_ibuf [dreg:s9], $0x6FFFF;
	_ =	strace $0x90000046  }
0xb9: {  	s29 =	simm.s32 $0x9;
	_ =	strace $0x80000048  }
0xba: {  	_ =	swait.ge [sflag:s29], $0x1  }
0xbb: {  	[sflag:s29] =	ssyncadd.s32 $0xFFFFFFFF  }
0xbc: {  	_ =	strace $0x90000048  }
0xbd: {  	_ =	sfence  }
0xbe: {  	s30 =	sld [smem:$0x0];
	_ =	sdelay $0x2  }
0xbf: {  	s31 =	sshll.u32 s1, $0xD;
	s1 =	sshrl.u32 s1, $0x2  }
0xc0: {  	s3 =	sand.u32 $0x4000, s31;
	s1 =	sadd.s32 s1, s30  }
0xc1: {  	s0 =	sor.u32 s3, s0;
	s1 =	sshll.u32 s1, $0x11  }
0xc2: {  	s0 =	sor.u32 s1, s0  }
0xc3: {  	s0 =	sadd.s32 $0x8F2B, s0  }
0xc4: {  	[sflag:s0] =	ssyncadd.remote.s32 $0x1  }
0xc5: {  	_ =	sfence.sel $0xFFFF  }
0xc6: {  	[dreg:$0x0] =	wrdreg $0xFFFFFFFF;
	(pc) =	sbr.abs _section_cstart, $3  }
0xc7: {  	[dreg:$0x1] =	wrdreg $0xFFFFFFFF  }
0xc8: {  	_ =	task.clear_ibuf [dreg:s9], $0x2FFFF;
	_ =	strace $0x9FFFFFFF  }
0xc9: {  	(tm) =	ssettm $0x7FFFFFFF  }
tec
execute0_lowered:
.L_overlay_start_1:
0x0: {  	(tag) =	ssettag $0x1  }
0x1: {  	v0 =	vimm.s32 $0xFEDCBA98;
	v1 =	vimm.s32 $0x76543210  }
0x2: {  	v2 =	vimm.s32 $0xBA98FEDC;
	v3 =	vimm.s32 $0x32107654;
	v5 =	vimm.s32 $0x54761032  }
0x3: {  	s0 =	rddreg [dreg:$0x0];
	v6 =	vimm.s32 $0xEFCDAB89;
	v7 =	vimm.s32 $0x67452301;
	v0 =	vunpack.c.l.s4.s8 v0  }
0x4: {  	s7 =	rddreg [dreg:$0x1];
	v8 =	vimm.s32 $0xEDCBA987;
	v9 =	vimm.s32 $0x65432100;
	v1 =	vunpack.c.l.s4.s8 v1  }
0x5: {  	s8 =	rddreg [dreg:$0x2];
	v2 =	vunpack.c.l.s4.s8 v2;
	v3 =	vunpack.c.l.s4.s8 v3;
	v0 =	vunpack.c.0.s8.s32 v0  }
0x6: {  	s1 =	rddreg [dreg:$0x3];
	s4 =	srdreg.scid;
	s3 =	simm.s32 $0x0;
	v5 =	vunpack.c.l.s4.s8 v5;
	v6 =	vunpack.c.l.s4.s8 v6;
	v1 =	vunpack.c.0.s8.s32 v1  }
0x7: {  	s2 =	stileid.u32;
	s11 =	simm.s32 $0x2;
	s12 =	simm.s32 $0x2000;
	v7 =	vunpack.c.l.s4.s8 v7;
	v8 =	vunpack.c.l.s4.s8 v8;
	v4 =	vand.u32 $0xF, v0  }
0x8: {  	s13 =	simm.s32 $0x3;
	s14 =	simm.s32 $0x2400;
	s15 =	simm.s32 $0x0;
	v9 =	vunpack.c.l.s4.s8 v9;
	v1 =	vcombine.low v4, v1;
	v4 =	vimm.s32 $0xDCFE98BA  }
0x9: {  	s4 =	sand.u32 $0x1, s4;
	[smem:$0x7FF] =	sst s3;
	s6 =	sshll.u32 s2, $0x1;
	v2 =	vunpack.c.0.s8.s32 v2;
	v3 =	vunpack.c.0.s8.s32 v3;
	v4 =	vunpack.c.l.s4.s8 v4  }
.Ltmp0:
0xa: {  	s5 =	ssub.s32 $0x2, s4;
	s10 =	sor.u32 s4, s6;
	v5 =	vunpack.c.0.s8.s32 v5;
	v6 =	vunpack.c.0.s8.s32 v6;
	v7 =	vunpack.c.0.s8.s32 v7;
	(pc) =	sbr.rel .LBB2_1-.Ltmp0, $4  }
0xb: {  	s9 =	sshrl.u32 s5, $0x1;
	s4 =	sshll.u32 s10, $0x6;
	s6 =	sshll.u32 s10, $0xF;
	v8 =	vunpack.c.0.s8.s32 v8;
	v0 =	vlaneseq.u32;
	v4 =	vunpack.c.0.s8.s32 v4  }
0xc: {  	v9 =	vunpack.c.0.s8.s32 v9;
	s9 =	ssub.s32 s5, s9;
	s5 =	sshllo.u32 s10, $0x6;
	s10 =	sshll.u32 s10, $0x7;
	v2 =	vcombine.low v3, v2;
	v10 =	vmul.u32 $0xFFFFFFFF, v0  }
0xd: {  	_ =	strace $0x80000047;
	s6 =	sadd.s32 s0, s6;
	s7 =	sadd.s32 s7, s10;
	v3 =	vcombine.low v5, v4;
	v4 =	vcombine.low v7, v6;
	v6 =	vand.u32 $0xF, v8  }
0xe: {  	s8 =	sadd.s32 s8, s10;
	s9 =	smax.u32 s9, $0x1;
	s10 =	simm.s32 $0x1;
	v5 =	vadd.s32 $0xF, v10;
	v7 =	vimm.s32 $0xF;
	v6 =	vcombine.low v9, v6  }
.LBB2_130:
0xf: {  	_ =	swait.ge [sflag:s10], $0x1000  }
0x10: {  	[sflag:s10] =	ssyncset.done $0x0  }
0x11: {  	[sflag:s10] =	ssyncadd.s32 $0xFFFFF000  }
0x12: {  	[hbm4b:s7+s3] =	stream.linear.scatter [tilespmem:s12], [sflag:$0x3], $0x400, $0x38;
	[tilespmem:$0x2800] =	vst v63  }
0x13: {  	s15 =	sadd.s32 $0x1, s15;
	_ =	swait.ge [sflag:s13], $0x400  }
0x14: {  	p0 =	sne.s32 s15, s9;
	[sflag:s13] =	ssyncset.done $0x0  }
.Ltmp1:
0x15: {  	[sflag:s13] =	ssyncadd.s32 $0xFFFFFC00;
	(pc) =	sbr.rel @!p0 .LBB2_131-.Ltmp1, $4  }
0x16: {  	[hbm4b:s8+s3] =	stream.linear.scatter [tilespmem:s14], [sflag:$0x3], $0x400, $0x38;
	[tilespmem:$0x2800] =	vst v63  }
0x17: {  	_ =	swait.ge [sflag:s13], $0x400  }
0x18: {  	[sflag:s13] =	ssyncset.done $0x0  }
0x19: {  	[sflag:s13] =	ssyncadd.s32 $0xFFFFFC00  }
.LBB2_1:
0x1a: {  	s16 =	sadd.s32 $0x0, s6;
	s17 =	simm.s32 $0x80;
	s18 =	simm.s32 $0x0  }
0x1b: {  	[tilespmem:s3], [sflag:$0x1] =	stream.linear.gather [hbm4b:s16+s3], $0x80, $0x38;
	[tilespmem:$0x2800] =	vst v63  }
.LBB2_2:
0x1c: {  	p0 =	sne.s32 s17, $0xF80  }
.Ltmp2:
0x1d: {  	_ = 	snop;
	(pc) =	sbr.rel @p0 .LBB2_2-.Ltmp2, $4  }
0x1e: {  	_ = 	snop  }
0x1f: {  	s19 =	sadd.s32 s17, s6;
	s18 =	sadd.s32 $0x100, s18  }
0x20: {  	s16 =	simm.s32 $0x0;
	s17 =	sadd.s32 $0x80, s17  }
0x21: {  	[tilespmem:s18], [sflag:$0x1] =	stream.linear.gather [hbm4b:s19+s16], $0x80, $0x38;
	[tilespmem:$0x2800] =	vst v63  }
.Ltmp3:
0x22: {  	_ = 	snop;
	(pc) =	sbr.rel .LBB2_3-.Ltmp3, $1  }
0x23: {  	_ =	sdelay $0x3  }
.LBB2_129:
0x24: {  	v9 =	vshll.u32 v8, $0x1  }
0x25: {  	v10 =	vand.u32 $0x7F, v8;
	v9 =	vand.u32 $0xFFFFFF00, v9  }
0x26: {  	v9 =	vor.u32 v9, v10  }
0x27: {  	v9 =	vor.u32 $0x80, v9;
	_ =	sdelay $0x3  }
0x28: {  	s16 =	sadd.s32 $0x1, s16  }
0x29: {  	p0 =	sne.s32 s16, $0x20;
	v9 =	vld.idx.msk [tilespmem:v9+s3+$0x0], $0xffff  }
.Ltmp4:
0x2a: {  	_ = 	snop;
	(pc) =	sbr.rel @!p0 .LBB2_130-.Ltmp4, $3  }
0x2b: {  	_ =	sdelay $0x1  }
0x2c: {  	[tilespmem:s17+$0x2010] =	vst v8  }
0x2d: {  	[tilespmem:s17+$0x2410] =	vst v9  }
.LBB2_3:
0x2e: {  	s17 =	sshll.u32 s16, $0x1  }
0x2f: {  	s18 =	sadd.s32 s4, s17;
	s17 =	sshll.u32 s16, $0x5  }
0x30: {  	s19 =	sshll.u32 s18, $0x9;
	s20 =	sand.u32 $0x60, s17  }
0x31: {  	s19 =	sand.u32 $0xFFFF000, s19;
	s20 =	sadd.s32 s20, s0  }
0x32: {  	s19 =	sadd.s32 s19, s20  }
0x33: {  	s21 =	simm.s32 $0x80;
	s19 =	sadd.s32 $0x10, s19  }
0x34: {  	s22 =	simm.s32 $0x180;
	s20 =	simm.s32 $0x80;
	s23 =	sadd.s32 $0x0, s19  }
.LBB2_4:
0x35: {  	[tilespmem:s20], [sflag:$0x2] =	stream.linear.gather [hbm4b:s23+s3], $0x80, $0x38;
	[tilespmem:$0x2800] =	vst v63  }
0x36: {  	s23 =	smov.u32 s21;
	s20 =	smov.u32 s22;
	p0 =	sne.s32 s21, $0xF80  }
.Ltmp5:
0x37: {  	s21 =	sadd.s32 $0x80, s21;
	(pc) =	sbr.rel @p0 .LBB2_4-.Ltmp5, $2  }
0x38: {  	_ =	sdelay $0x2  }
0x39: {  	s22 =	sadd.s32 $0x100, s22;
	s23 =	sadd.s32 s23, s19  }
0x3a: {  	[tilespmem:s20], [sflag:$0x2] =	stream.linear.gather [hbm4b:s23+s3], $0x80, $0x38;
	[tilespmem:$0x2800] =	vst v63  }
0x3b: {  	_ =	swait.ge [sflag:s10], $0x1000  }
0x3c: {  	[sflag:s10] =	ssyncset.done $0x0  }
0x3d: {  	s19 =	simm.s32 $0x0;
	[sflag:s10] =	ssyncadd.s32 $0xFFFFF000  }
0x3e: {  	v12 =	vld [tilespmem:s19+$0x100]  }
0x3f: {  	v13 =	vld [tilespmem:s19+$0x110]  }
0x40: {  	v8 =	vld [tilespmem:s19+$0x120]  }
0x41: {  	v11 =	vld [tilespmem:s19+$0x130]  }
0x42: {  	v14 =	vld [tilespmem:s19+$0x140]  }
0x43: {  	v9 =	vld [tilespmem:s19+$0x150]  }
0x44: {  	v10 =	vld [tilespmem:s19+$0x160]  }
0x45: {  	v28 =	vld [tilespmem:s19+$0x0]  }
0x46: {  	v29 =	vld [tilespmem:s19+$0x10]  }
0x47: {  	v25 =	vld [tilespmem:s19+$0x20]  }
0x48: {  	v26 =	vld [tilespmem:s19+$0x30]  }
0x49: {  	v21 =	vimm.f32 $+Inf;
	v22 =	vimm.f32 $+Inf;
	v27 =	vld [tilespmem:s19+$0x40]  }
0x4a: {  	v15 =	vimm.f32 $+Inf;
	v19 =	vimm.f32 $+Inf;
	v20 =	vimm.f32 $+Inf;
	v23 =	vld [tilespmem:s19+$0x50]  }
0x4b: {  	s20 =	simm.s32 $0x800;
	v16 =	vimm.f32 $+Inf;
	v17 =	vimm.f32 $+Inf;
	v18 =	vimm.f32 $+Inf;
	v24 =	vld [tilespmem:s19+$0x60]  }
.LBB2_6:
0x4c: {  	p0 =	sne.s32 s20, $0x7800;
	v30 =	vld [tilespmem:s19+$0x70]  }
0x4d: {  	v21 =	vmin.f32 v21, v28;
	v22 =	vmin.f32 v22, v29;
	v28 =	vld [tilespmem:s19+$0x170];
	s19 =	sshra.s32 s20, $0x2  }
0x4e: {  	v21 =	vmin.f32 v21, v12;
	v22 =	vmin.f32 v22, v13;
	v12 =	vld [tilespmem:s19+$0x100]  }
0x4f: {  	v15 =	vmin.f32 v15, v25;
	v19 =	vmin.f32 v19, v26;
	v20 =	vmin.f32 v20, v27;
	v13 =	vld [tilespmem:s19+$0x110]  }
0x50: {  	v15 =	vmin.f32 v15, v8;
	v19 =	vmin.f32 v19, v11;
	v20 =	vmin.f32 v20, v14;
	v8 =	vld [tilespmem:s19+$0x120]  }
0x51: {  	v16 =	vmin.f32 v16, v23;
	v17 =	vmin.f32 v17, v24;
	v11 =	vld [tilespmem:s19+$0x130];
	v18 =	vmin.f32 v18, v30  }
0x52: {  	v16 =	vmin.f32 v16, v9;
	v17 =	vmin.f32 v17, v10;
	v14 =	vld [tilespmem:s19+$0x140];
	v18 =	vmin.f32 v18, v28  }
0x53: {  	v9 =	vld [tilespmem:s19+$0x150]  }
0x54: {  	v10 =	vld [tilespmem:s19+$0x160]  }
0x55: {  	v28 =	vld [tilespmem:s19+$0x0]  }
0x56: {  	v29 =	vld [tilespmem:s19+$0x10]  }
.Ltmp6:
0x57: {  	v25 =	vld [tilespmem:s19+$0x20];
	(pc) =	sbr.rel @p0 .LBB2_6-.Ltmp6, $4  }
0x58: {  	v26 =	vld [tilespmem:s19+$0x30]  }
0x59: {  	v27 =	vld [tilespmem:s19+$0x40]  }
0x5a: {  	v23 =	vld [tilespmem:s19+$0x50]  }
0x5b: {  	s20 =	sadd.s32 $0x800, s20;
	v24 =	vld [tilespmem:s19+$0x60]  }
0x5c: {  	v30 =	vld [tilespmem:s19+$0x70];
	v21 =	vmin.f32 v21, v28;
	v22 =	vmin.f32 v22, v29;
	v15 =	vmin.f32 v15, v25  }
0x5d: {  	v63 =	vld [tilespmem:s19+$0x170];
	v12 =	vmin.f32 v21, v12;
	v13 =	vmin.f32 v22, v13;
	v19 =	vmin.f32 v19, v26  }
0x5e: {  	v8 =	vmin.f32 v15, v8;
	v20 =	vmin.f32 v20, v27;
	v11 =	vmin.f32 v19, v11  }
0x5f: {  	v12 =	vmin.f32 v12, v13;
	v14 =	vmin.f32 v20, v14;
	v15 =	vmin.f32 v16, v23  }
0x60: {  	v8 =	vmin.f32 v8, v11;
	(xrf1) =	vsort.ascd.msk.f32 $0xffff, v12, v12;
	v16 =	vmin.f32 v17, v24  }
0x61: {  	v9 =	vmin.f32 v15, v9;
	(xrf1) =	vsort.ascd.msk.f32 $0xffff, v8, v8;
	v17 =	vmin.f32 v18, v30  }
0x62: {  	v10 =	vmin.f32 v16, v10;
	v9 =	vmin.f32 v14, v9;
	v11 =	vmin.f32 v17, v63  }
0x63: {  	(xrf1) =	vsort.ascd.msk.f32 $0xffff, v9, v9;
	v8 =	vmin.f32 v10, v11  }
0x64: {  	(xrf1) =	vsort.ascd.msk.f32 $0xffff, v8, v8;
	_ =	sdelay $0xa  }
0x65: {  	v8, _, _ =	vpop (xrf1)  }
0x66: {  	v9, _, _ =	vpop (xrf1)  }
0x67: {  	v10, _, _ =	vpop (xrf1)  }
0x68: {  	v9 =	vperm.xlane v9, v5;
	v11, _, _ =	vpop (xrf1)  }
0x69: {  	v11 =	vperm.xlane v11, v5  }
0x6a: {  	v8 =	vmin.f32 v8, v9  }
0x6b: {  	(xrf1) =	vsort.ascd.msk.f32 $0xffff, v8, v8;
	v9 =	vmin.f32 v10, v11  }
0x6c: {  	(xrf1) =	vsort.ascd.msk.f32 $0xffff, v9, v9;
	_ =	sdelay $0xc  }
0x6d: {  	v8, _, _ =	vpop (xrf1)  }
0x6e: {  	v9, _, _ =	vpop (xrf1)  }
0x6f: {  	v9 =	vperm.xlane v9, v5;
	_ =	sdelay $0x1  }
0x70: {  	v8 =	vmin.f32 v8, v9  }
0x71: {  	v9 =	vperm.xlane v8, v1;
	_ =	sdelay $0x1  }
0x72: {  	v8 =	vmax.f32 v8, v9  }
0x73: {  	v9 =	vperm.xlane v8, v2;
	_ =	sdelay $0x1  }
0x74: {  	v8 =	vmax.f32 v8, v9  }
0x75: {  	v9 =	vperm.xlane v8, v3;
	_ =	sdelay $0x1  }
.Ltmp7:
0x76: {  	v8 =	vmax.f32 v8, v9;
	(pc) =	sbr.rel .LBB2_8-.Ltmp7, $3  }
0x77: {  	v9 =	vperm.xlane v8, v4;
	_ =	sdelay $0x1  }
0x78: {  	v9 =	vmax.f32 v8, v9  }
0x79: {  	s19 =	simm.s32 $0x0;
	v10 =	vimm.f32 $+Inf;
	v8 =	vimm.s32 $0x7FFFFFFF;
	v15 =	vmov v9  }
.LBB2_35:
0x7a: {  	s19 =	sadd.s32 $0x1, s19  }
0x7b: {  	p0 =	sne.s32 s19, $0x20  }
.Ltmp8:
0x7c: {  	_ = 	snop;
	(pc) =	sbr.rel @!p0 .LBB2_36-.Ltmp8, $1  }
0x7d: {  	_ =	sdelay $0x3  }
.LBB2_8:
0x7e: {  	s20 =	sshll.u32 s19, $0x8  }
0x7f: {  	s20 =	sand.u32 $0x3FFFFF00, s20  }
0x80: {  	v19 =	vld [tilespmem:s20+$0x0]  }
0x81: {  	v18 =	vld [tilespmem:s20+$0x10]  }
0x82: {  	v17 =	vld [tilespmem:s20+$0x20]  }
0x83: {  	v16 =	vld [tilespmem:s20+$0x30]  }
0x84: {  	v14 =	vld [tilespmem:s20+$0x40]  }
0x85: {  	v13 =	vld [tilespmem:s20+$0x50]  }
0x86: {  	v12 =	vld [tilespmem:s20+$0x60]  }
0x87: {  	v11 =	vld [tilespmem:s20+$0x70];
	_ =	sdelay $0x1  }
0x88: {  	vm0 =	vle.f32 v18, v15;
	vm1 =	vle.f32 v17, v15;
	vm2 =	vle.f32 v14, v15  }
0x89: {  	vm3 =	vle.f32 v13, v15;
	vm0 =	vmor vm0, vm1;
	vm1 =	vle.f32 v16, v15  }
0x8a: {  	vm2 =	vmor vm2, vm3;
	vm3 =	vle.f32 v12, v15;
	vm1 =	vmor vm0, vm1  }
0x8b: {  	vm0 =	vle.f32 v19, v15;
	vm2 =	vmor vm2, vm3;
	vm3 =	vle.f32 v11, v15  }
0x8c: {  	vm1 =	vmor vm0, vm1;
	vm2 =	vmor vm2, vm3  }
0x8d: {  	vm2 =	vmor vm1, vm2  }
0x8e: {  	v20 =	vmpcnt.ones.xlane vm2;
	_ =	sdelay $0x1  }
0x8f: {  	(v2sf) =	vpush v20, $0x0;
	_ =	sdelay $0xe  }
0x90: {  	s31 =	spop (v2sf)  }
0x91: {  	p0 =	slt.s32 s31, $0x1  }
.Ltmp9:
0x92: {  	_ = 	snop;
	(pc) =	sbr.rel @p0 .LBB2_35-.Ltmp9, $1  }
0x93: {  	_ =	sdelay $0x3  }
0x94: {  	v20 =	vmpcnt.ones.xlane vm1;
	_ =	sdelay $0x1  }
0x95: {  	(v2sf) =	vpush v20, $0x0;
	_ =	sdelay $0xe  }
0x96: {  	s20 =	spop (v2sf)  }
0x97: {  	p0 =	slt.s32 s20, $0x1  }
.Ltmp10:
0x98: {  	_ = 	snop;
	(pc) =	sbr.rel @p0 .LBB2_22-.Ltmp10, $2  }
0x99: {  	_ =	sdelay $0x2  }
0x9a: {  	s20 =	sshll.u32 s19, $0x7  }
0x9b: {  	vm1 =	vle.f32 v19, v15  }
0x9c: {  	v20 =	vmpcnt.ones.xlane vm1;
	_ =	sdelay $0x1  }
0x9d: {  	(v2sf) =	vpush v20, $0x0;
	_ =	sdelay $0xe  }
0x9e: {  	s21 =	spop (v2sf)  }
0x9f: {  	p0 =	slt.s32 s21, $0x1  }
.Ltmp11:
0xa0: {  	_ = 	snop;
	(pc) =	sbr.rel @p0 .LBB2_13-.Ltmp11, $1  }
0xa1: {  	_ =	sdelay $0x3  }
0xa2: {  	v20 =	vor.u32 s20, v0  }
.LBB2_12:
0xa3: {  	v21 =	vmctz.xlane vm0;
	_ =	sdelay $0x1  }
0xa4: {  	v15 =	vperm.xlane v19, v21;
	_ =	sdelay $0x1  }
0xa5: {  	v22 =	vperm.xlane v20, v21;
	vm1 =	vle.f32 v15, $8.000000110e-01  }
0xa6: {  	v15 =	vnsel vm1, $0x7F800000, v15  }
0xa7: {  	vm2 =	vlt.s32 v8, v22;
	vm1 =	veq.f32 v10, v15  }
0xa8: {  	vm3 =	vlt.f32 v10, v15;
	vm1 =	vmand vm2, vm1  }
0xa9: {  	vm1 =	vmor vm3, vm1  }
0xaa: {  	v23 =	vmpcnt.ones.xlane vm1  }
0xab: {  	v24 =	vperm.xlane v10, v6  }
0xac: {  	vm1 =	veq.s32 v23, v0  }
0xad: {  	vm2 =	vgt.s32 v23, v0;
	v15 =	vsel vm1, v15, v24  }
0xae: {  	v10 =	vsel vm2, v10, v15  }
0xaf: {  	v15 =	vperm.xlane v10, v7;
	_ =	sdelay $0x1  }
0xb0: {  	v15 =	vmin.f32 v9, v15  }
0xb1: {  	vm3 =	vne.s32 v21, v0;
	vm4 =	vle.f32 v19, v15  }
0xb2: {  	vm3 =	vmand vm3, vm4  }
0xb3: {  	vm0 =	vmand vm0, vm3  }
0xb4: {  	v21 =	vmpcnt.ones.xlane vm0;
	_ =	sdelay $0x1  }
0xb5: {  	(v2sf) =	vpush v21, $0x0;
	_ =	sdelay $0xe  }
0xb6: {  	s21 =	spop (v2sf)  }
0xb7: {  	p0 =	sgt.s32 s21, $0x0  }
.Ltmp12:
0xb8: {  	_ = 	snop;
	(pc) =	sbr.rel @p0 .LBB2_12-.Ltmp12, $3  }
0xb9: {  	v21 =	vperm.xlane v8, v6;
	_ =	sdelay $0x1  }
0xba: {  	v21 =	vsel vm1, v22, v21  }
0xbb: {  	v8 =	vsel vm2, v8, v21  }
.LBB2_13:
0xbc: {  	vm0 =	vle.f32 v18, v15  }
0xbd: {  	v19 =	vmpcnt.ones.xlane vm0;
	_ =	sdelay $0x1  }
0xbe: {  	(v2sf) =	vpush v19, $0x0;
	_ =	sdelay $0xe  }
0xbf: {  	s21 =	spop (v2sf)  }
0xc0: {  	p0 =	slt.s32 s21, $0x1  }
.Ltmp13:
0xc1: {  	_ = 	snop;
	(pc) =	sbr.rel @p0 .LBB2_16-.Ltmp13, $1  }
0xc2: {  	_ =	sdelay $0x3  }
0xc3: {  	s21 =	sor.u32 $0x10, s20  }
0xc4: {  	v19 =	vor.u32 s21, v0  }
.LBB2_15:
0xc5: {  	v20 =	vmctz.xlane vm0;
	_ =	sdelay $0x1  }
0xc6: {  	v15 =	vperm.xlane v18, v20;
	_ =	sdelay $0x1  }
0xc7: {  	v21 =	vperm.xlane v19, v20;
	vm1 =	vle.f32 v15, $8.000000110e-01  }
0xc8: {  	v15 =	vnsel vm1, $0x7F800000, v15  }
0xc9: {  	vm2 =	vlt.s32 v8, v21;
	vm1 =	veq.f32 v10, v15  }
0xca: {  	vm3 =	vlt.f32 v10, v15;
	vm1 =	vmand vm2, vm1  }
0xcb: {  	vm1 =	vmor vm3, vm1  }
0xcc: {  	v22 =	vmpcnt.ones.xlane vm1  }
0xcd: {  	v23 =	vperm.xlane v10, v6  }
0xce: {  	vm1 =	veq.s32 v22, v0  }
0xcf: {  	vm2 =	vgt.s32 v22, v0;
	v15 =	vsel vm1, v15, v23  }
0xd0: {  	v10 =	vsel vm2, v10, v15  }
0xd1: {  	v15 =	vperm.xlane v10, v7;
	_ =	sdelay $0x1  }
0xd2: {  	v15 =	vmin.f32 v9, v15  }
0xd3: {  	vm3 =	vne.s32 v20, v0;
	vm4 =	vle.f32 v18, v15  }
0xd4: {  	vm3 =	vmand vm3, vm4  }
0xd5: {  	vm0 =	vmand vm0, vm3  }
0xd6: {  	v20 =	vmpcnt.ones.xlane vm0;
	_ =	sdelay $0x1  }
0xd7: {  	(v2sf) =	vpush v20, $0x0;
	_ =	sdelay $0xe  }
0xd8: {  	s21 =	spop (v2sf)  }
0xd9: {  	p0 =	sgt.s32 s21, $0x0  }
.Ltmp14:
0xda: {  	_ = 	snop;
	(pc) =	sbr.rel @p0 .LBB2_15-.Ltmp14, $3  }
0xdb: {  	v20 =	vperm.xlane v8, v6;
	_ =	sdelay $0x1  }
0xdc: {  	v20 =	vsel vm1, v21, v20  }
0xdd: {  	v8 =	vsel vm2, v8, v20  }
.LBB2_16:
0xde: {  	vm0 =	vle.f32 v17, v15  }
0xdf: {  	v18 =	vmpcnt.ones.xlane vm0;
	_ =	sdelay $0x1  }
0xe0: {  	(v2sf) =	vpush v18, $0x0;
	_ =	sdelay $0xe  }
0xe1: {  	s21 =	spop (v2sf)  }
0xe2: {  	p0 =	slt.s32 s21, $0x1  }
.Ltmp15:
0xe3: {  	_ = 	snop;
	(pc) =	sbr.rel @p0 .LBB2_19-.Ltmp15, $1  }
0xe4: {  	_ =	sdelay $0x3  }
0xe5: {  	s21 =	sor.u32 $0x20, s20  }
0xe6: {  	v18 =	vor.u32 s21, v0  }
.LBB2_18:
0xe7: {  	v19 =	vmctz.xlane vm0;
	_ =	sdelay $0x1  }
0xe8: {  	v15 =	vperm.xlane v17, v19;
	_ =	sdelay $0x1  }
0xe9: {  	v20 =	vperm.xlane v18, v19;
	vm1 =	vle.f32 v15, $8.000000110e-01  }
0xea: {  	v15 =	vnsel vm1, $0x7F800000, v15  }
0xeb: {  	vm2 =	vlt.s32 v8, v20;
	vm1 =	veq.f32 v10, v15  }
0xec: {  	vm3 =	vlt.f32 v10, v15;
	vm1 =	vmand vm2, vm1  }
0xed: {  	vm1 =	vmor vm3, vm1  }
0xee: {  	v21 =	vmpcnt.ones.xlane vm1  }
0xef: {  	v22 =	vperm.xlane v10, v6  }
0xf0: {  	vm1 =	veq.s32 v21, v0  }
0xf1: {  	vm2 =	vgt.s32 v21, v0;
	v15 =	vsel vm1, v15, v22  }
0xf2: {  	v10 =	vsel vm2, v10, v15  }
0xf3: {  	v15 =	vperm.xlane v10, v7;
	_ =	sdelay $0x1  }
0xf4: {  	v15 =	vmin.f32 v9, v15  }
0xf5: {  	vm3 =	vne.s32 v19, v0;
	vm4 =	vle.f32 v17, v15  }
0xf6: {  	vm3 =	vmand vm3, vm4  }
0xf7: {  	vm0 =	vmand vm0, vm3  }
0xf8: {  	v19 =	vmpcnt.ones.xlane vm0;
	_ =	sdelay $0x1  }
0xf9: {  	(v2sf) =	vpush v19, $0x0;
	_ =	sdelay $0xe  }
0xfa: {  	s21 =	spop (v2sf)  }
0xfb: {  	p0 =	sgt.s32 s21, $0x0  }
.Ltmp16:
0xfc: {  	_ = 	snop;
	(pc) =	sbr.rel @p0 .LBB2_18-.Ltmp16, $3  }
0xfd: {  	v19 =	vperm.xlane v8, v6;
	_ =	sdelay $0x1  }
0xfe: {  	v19 =	vsel vm1, v20, v19  }
0xff: {  	v8 =	vsel vm2, v8, v19  }
.LBB2_19:
0x100: {  	vm0 =	vle.f32 v16, v15  }
0x101: {  	v17 =	vmpcnt.ones.xlane vm0;
	_ =	sdelay $0x1  }
0x102: {  	(v2sf) =	vpush v17, $0x0;
	_ =	sdelay $0xe  }
0x103: {  	s21 =	spop (v2sf)  }
0x104: {  	p0 =	slt.s32 s21, $0x1  }
.Ltmp17:
0x105: {  	_ = 	snop;
	(pc) =	sbr.rel @p0 .LBB2_22-.Ltmp17, $1  }
0x106: {  	_ =	sdelay $0x3  }
0x107: {  	s21 =	sor.u32 $0x30, s20  }
0x108: {  	v17 =	vor.u32 s21, v0  }
.LBB2_21:
0x109: {  	v18 =	vmctz.xlane vm0;
	_ =	sdelay $0x1  }
0x10a: {  	v15 =	vperm.xlane v16, v18;
	_ =	sdelay $0x1  }
0x10b: {  	v19 =	vperm.xlane v17, v18;
	vm1 =	vle.f32 v15, $8.000000110e-01  }
0x10c: {  	v15 =	vnsel vm1, $0x7F800000, v15  }
0x10d: {  	vm2 =	vlt.s32 v8, v19;
	vm1 =	veq.f32 v10, v15  }
0x10e: {  	vm3 =	vlt.f32 v10, v15;
	vm1 =	vmand vm2, vm1  }
0x10f: {  	vm1 =	vmor vm3, vm1  }
0x110: {  	v20 =	vmpcnt.ones.xlane vm1  }
0x111: {  	v21 =	vperm.xlane v10, v6  }
0x112: {  	vm1 =	veq.s32 v20, v0  }
0x113: {  	vm2 =	vgt.s32 v20, v0;
	v15 =	vsel vm1, v15, v21  }
0x114: {  	v10 =	vsel vm2, v10, v15  }
0x115: {  	v15 =	vperm.xlane v10, v7;
	_ =	sdelay $0x1  }
0x116: {  	v15 =	vmin.f32 v9, v15  }
0x117: {  	vm3 =	vne.s32 v18, v0;
	vm4 =	vle.f32 v16, v15  }
0x118: {  	vm3 =	vmand vm3, vm4  }
0x119: {  	vm0 =	vmand vm0, vm3  }
0x11a: {  	v18 =	vmpcnt.ones.xlane vm0;
	_ =	sdelay $0x1  }
0x11b: {  	(v2sf) =	vpush v18, $0x0;
	_ =	sdelay $0xe  }
0x11c: {  	s21 =	spop (v2sf)  }
0x11d: {  	p0 =	sgt.s32 s21, $0x0  }
.Ltmp18:
0x11e: {  	_ = 	snop;
	(pc) =	sbr.rel @p0 .LBB2_21-.Ltmp18, $3  }
0x11f: {  	v18 =	vperm.xlane v8, v6;
	_ =	sdelay $0x1  }
0x120: {  	v18 =	vsel vm1, v19, v18  }
0x121: {  	v8 =	vsel vm2, v8, v18  }
.LBB2_22:
0x122: {  	vm0 =	vle.f32 v13, v15;
	vm1 =	vle.f32 v12, v15  }
0x123: {  	vm2 =	vle.f32 v11, v15;
	vm1 =	vmor vm0, vm1  }
0x124: {  	vm0 =	vle.f32 v14, v15;
	vm1 =	vmor vm2, vm1  }
0x125: {  	vm1 =	vmor vm0, vm1  }
0x126: {  	v16 =	vmpcnt.ones.xlane vm1;
	_ =	sdelay $0x1  }
0x127: {  	(v2sf) =	vpush v16, $0x0;
	_ =	sdelay $0xe  }
0x128: {  	s21 =	spop (v2sf)  }
0x129: {  	p0 =	slt.s32 s21, $0x1  }
.Ltmp19:
0x12a: {  	_ = 	snop;
	(pc) =	sbr.rel @p0 .LBB2_35-.Ltmp19, $1  }
0x12b: {  	_ =	sdelay $0x3  }
0x12c: {  	vm1 =	vle.f32 v14, v15  }
0x12d: {  	v16 =	vmpcnt.ones.xlane vm1;
	_ =	sdelay $0x1  }
0x12e: {  	(v2sf) =	vpush v16, $0x0;
	_ =	sdelay $0xe  }
0x12f: {  	s21 =	spop (v2sf)  }
0x130: {  	p0 =	slt.s32 s21, $0x1  }
.Ltmp20:
0x131: {  	_ = 	snop;
	(pc) =	sbr.rel @p0 .LBB2_26-.Ltmp20, $1  }
0x132: {  	_ =	sdelay $0x3  }
0x133: {  	s21 =	sor.u32 $0x40, s20  }
0x134: {  	v16 =	vor.u32 s21, v0  }
.LBB2_25:
0x135: {  	v17 =	vmctz.xlane vm0;
	_ =	sdelay $0x1  }
0x136: {  	v15 =	vperm.xlane v14, v17;
	_ =	sdelay $0x1  }
0x137: {  	v18 =	vperm.xlane v16, v17;
	vm1 =	vle.f32 v15, $8.000000110e-01  }
0x138: {  	v15 =	vnsel vm1, $0x7F800000, v15  }
0x139: {  	vm2 =	vlt.s32 v8, v18;
	vm1 =	veq.f32 v10, v15  }
0x13a: {  	vm3 =	vlt.f32 v10, v15;
	vm1 =	vmand vm2, vm1  }
0x13b: {  	vm1 =	vmor vm3, vm1  }
0x13c: {  	v19 =	vmpcnt.ones.xlane vm1  }
0x13d: {  	v20 =	vperm.xlane v10, v6  }
0x13e: {  	vm1 =	veq.s32 v19, v0  }
0x13f: {  	vm2 =	vgt.s32 v19, v0;
	v15 =	vsel vm1, v15, v20  }
0x140: {  	v10 =	vsel vm2, v10, v15  }
0x141: {  	v15 =	vperm.xlane v10, v7;
	_ =	sdelay $0x1  }
0x142: {  	v15 =	vmin.f32 v9, v15  }
0x143: {  	vm3 =	vne.s32 v17, v0;
	vm4 =	vle.f32 v14, v15  }
0x144: {  	vm3 =	vmand vm3, vm4  }
0x145: {  	vm0 =	vmand vm0, vm3  }
0x146: {  	v17 =	vmpcnt.ones.xlane vm0;
	_ =	sdelay $0x1  }
0x147: {  	(v2sf) =	vpush v17, $0x0;
	_ =	sdelay $0xe  }
0x148: {  	s21 =	spop (v2sf)  }
0x149: {  	p0 =	sgt.s32 s21, $0x0  }
.Ltmp21:
0x14a: {  	_ = 	snop;
	(pc) =	sbr.rel @p0 .LBB2_25-.Ltmp21, $3  }
0x14b: {  	v17 =	vperm.xlane v8, v6;
	_ =	sdelay $0x1  }
0x14c: {  	v17 =	vsel vm1, v18, v17  }
0x14d: {  	v8 =	vsel vm2, v8, v17  }
.LBB2_26:
0x14e: {  	vm0 =	vle.f32 v13, v15  }
0x14f: {  	v14 =	vmpcnt.ones.xlane vm0;
	_ =	sdelay $0x1  }
0x150: {  	(v2sf) =	vpush v14, $0x0;
	_ =	sdelay $0xe  }
0x151: {  	s21 =	spop (v2sf)  }
0x152: {  	p0 =	slt.s32 s21, $0x1  }
.Ltmp22:
0x153: {  	_ = 	snop;
	(pc) =	sbr.rel @p0 .LBB2_29-.Ltmp22, $1  }
0x154: {  	_ =	sdelay $0x3  }
0x155: {  	s21 =	sor.u32 $0x50, s20  }
0x156: {  	v14 =	vor.u32 s21, v0  }
.LBB2_28:
0x157: {  	v16 =	vmctz.xlane vm0;
	_ =	sdelay $0x1  }
0x158: {  	v15 =	vperm.xlane v13, v16;
	_ =	sdelay $0x1  }
0x159: {  	v17 =	vperm.xlane v14, v16;
	vm1 =	vle.f32 v15, $8.000000110e-01  }
0x15a: {  	v15 =	vnsel vm1, $0x7F800000, v15  }
0x15b: {  	vm2 =	vlt.s32 v8, v17;
	vm1 =	veq.f32 v10, v15  }
0x15c: {  	vm3 =	vlt.f32 v10, v15;
	vm1 =	vmand vm2, vm1  }
0x15d: {  	vm1 =	vmor vm3, vm1  }
0x15e: {  	v18 =	vmpcnt.ones.xlane vm1  }
0x15f: {  	v19 =	vperm.xlane v10, v6  }
0x160: {  	vm1 =	veq.s32 v18, v0  }
0x161: {  	vm2 =	vgt.s32 v18, v0;
	v15 =	vsel vm1, v15, v19  }
0x162: {  	v10 =	vsel vm2, v10, v15  }
0x163: {  	v15 =	vperm.xlane v10, v7;
	_ =	sdelay $0x1  }
0x164: {  	v15 =	vmin.f32 v9, v15  }
0x165: {  	vm3 =	vne.s32 v16, v0;
	vm4 =	vle.f32 v13, v15  }
0x166: {  	vm3 =	vmand vm3, vm4  }
0x167: {  	vm0 =	vmand vm0, vm3  }
0x168: {  	v16 =	vmpcnt.ones.xlane vm0;
	_ =	sdelay $0x1  }
0x169: {  	(v2sf) =	vpush v16, $0x0;
	_ =	sdelay $0xe  }
0x16a: {  	s21 =	spop (v2sf)  }
0x16b: {  	p0 =	sgt.s32 s21, $0x0  }
.Ltmp23:
0x16c: {  	_ = 	snop;
	(pc) =	sbr.rel @p0 .LBB2_28-.Ltmp23, $3  }
0x16d: {  	v16 =	vperm.xlane v8, v6;
	_ =	sdelay $0x1  }
0x16e: {  	v16 =	vsel vm1, v17, v16  }
0x16f: {  	v8 =	vsel vm2, v8, v16  }
.LBB2_29:
0x170: {  	vm0 =	vle.f32 v12, v15  }
0x171: {  	v13 =	vmpcnt.ones.xlane vm0;
	_ =	sdelay $0x1  }
0x172: {  	(v2sf) =	vpush v13, $0x0;
	_ =	sdelay $0xe  }
0x173: {  	s21 =	spop (v2sf)  }
0x174: {  	p0 =	slt.s32 s21, $0x1  }
.Ltmp24:
0x175: {  	_ = 	snop;
	(pc) =	sbr.rel @p0 .LBB2_32-.Ltmp24, $1  }
0x176: {  	_ =	sdelay $0x3  }
0x177: {  	s21 =	sor.u32 $0x60, s20  }
0x178: {  	v13 =	vor.u32 s21, v0  }
.LBB2_31:
0x179: {  	v14 =	vmctz.xlane vm0;
	_ =	sdelay $0x1  }
0x17a: {  	v15 =	vperm.xlane v12, v14;
	_ =	sdelay $0x1  }
0x17b: {  	v16 =	vperm.xlane v13, v14;
	vm1 =	vle.f32 v15, $8.000000110e-01  }
0x17c: {  	v15 =	vnsel vm1, $0x7F800000, v15  }
0x17d: {  	vm2 =	vlt.s32 v8, v16;
	vm1 =	veq.f32 v10, v15  }
0x17e: {  	vm3 =	vlt.f32 v10, v15;
	vm1 =	vmand vm2, vm1  }
0x17f: {  	vm1 =	vmor vm3, vm1  }
0x180: {  	v17 =	vmpcnt.ones.xlane vm1  }
0x181: {  	v18 =	vperm.xlane v10, v6  }
0x182: {  	vm1 =	veq.s32 v17, v0  }
0x183: {  	vm2 =	vgt.s32 v17, v0;
	v15 =	vsel vm1, v15, v18  }
0x184: {  	v10 =	vsel vm2, v10, v15  }
0x185: {  	v15 =	vperm.xlane v10, v7;
	_ =	sdelay $0x1  }
0x186: {  	v15 =	vmin.f32 v9, v15  }
0x187: {  	vm3 =	vne.s32 v14, v0;
	vm4 =	vle.f32 v12, v15  }
0x188: {  	vm3 =	vmand vm3, vm4  }
0x189: {  	vm0 =	vmand vm0, vm3  }
0x18a: {  	v14 =	vmpcnt.ones.xlane vm0;
	_ =	sdelay $0x1  }
0x18b: {  	(v2sf) =	vpush v14, $0x0;
	_ =	sdelay $0xe  }
0x18c: {  	s21 =	spop (v2sf)  }
0x18d: {  	p0 =	sgt.s32 s21, $0x0  }
.Ltmp25:
0x18e: {  	_ = 	snop;
	(pc) =	sbr.rel @p0 .LBB2_31-.Ltmp25, $3  }
0x18f: {  	v14 =	vperm.xlane v8, v6;
	_ =	sdelay $0x1  }
0x190: {  	v14 =	vsel vm1, v16, v14  }
0x191: {  	v8 =	vsel vm2, v8, v14  }
.LBB2_32:
0x192: {  	vm0 =	vle.f32 v11, v15  }
0x193: {  	v12 =	vmpcnt.ones.xlane vm0;
	_ =	sdelay $0x1  }
0x194: {  	(v2sf) =	vpush v12, $0x0;
	_ =	sdelay $0xe  }
0x195: {  	s21 =	spop (v2sf)  }
0x196: {  	p0 =	slt.s32 s21, $0x1  }
.Ltmp26:
0x197: {  	_ = 	snop;
	(pc) =	sbr.rel @p0 .LBB2_35-.Ltmp26, $1  }
0x198: {  	_ =	sdelay $0x3  }
0x199: {  	s20 =	sor.u32 $0x70, s20  }
0x19a: {  	v12 =	vor.u32 s20, v0  }
.LBB2_34:
0x19b: {  	v13 =	vmctz.xlane vm0;
	_ =	sdelay $0x1  }
0x19c: {  	v14 =	vperm.xlane v11, v13;
	_ =	sdelay $0x1  }
0x19d: {  	v16 =	vperm.xlane v12, v13;
	vm1 =	vle.f32 v14, $8.000000110e-01  }
0x19e: {  	v14 =	vnsel vm1, $0x7F800000, v14  }
0x19f: {  	vm2 =	vlt.s32 v8, v16;
	vm1 =	veq.f32 v10, v14  }
0x1a0: {  	vm3 =	vlt.f32 v10, v14;
	vm1 =	vmand vm2, vm1  }
0x1a1: {  	vm1 =	vmor vm3, vm1  }
0x1a2: {  	v15 =	vmpcnt.ones.xlane vm1  }
0x1a3: {  	v17 =	vperm.xlane v10, v6  }
0x1a4: {  	vm1 =	veq.s32 v15, v0  }
0x1a5: {  	vm2 =	vgt.s32 v15, v0;
	v14 =	vsel vm1, v14, v17  }
0x1a6: {  	v10 =	vsel vm2, v10, v14  }
0x1a7: {  	v14 =	vperm.xlane v10, v7;
	_ =	sdelay $0x1  }
0x1a8: {  	v15 =	vmin.f32 v9, v14  }
0x1a9: {  	vm3 =	vne.s32 v13, v0;
	vm4 =	vle.f32 v11, v15  }
0x1aa: {  	vm3 =	vmand vm3, vm4  }
0x1ab: {  	vm0 =	vmand vm0, vm3  }
0x1ac: {  	v13 =	vmpcnt.ones.xlane vm0;
	_ =	sdelay $0x1  }
0x1ad: {  	(v2sf) =	vpush v13, $0x0;
	_ =	sdelay $0xe  }
0x1ae: {  	s20 =	spop (v2sf)  }
0x1af: {  	p0 =	sgt.s32 s20, $0x0  }
.Ltmp27:
0x1b0: {  	_ = 	snop;
	(pc) =	sbr.rel @p0 .LBB2_34-.Ltmp27, $3  }
0x1b1: {  	v13 =	vperm.xlane v8, v6;
	_ =	sdelay $0x1  }
0x1b2: {  	v13 =	vsel vm1, v16, v13  }
0x1b3: {  	v8 =	vsel vm2, v8, v13  }
.Ltmp28:
0x1b4: {  	_ = 	snop;
	(pc) =	sbr.rel .LBB2_35-.Ltmp28, $1  }
0x1b5: {  	_ =	sdelay $0x3  }
.LBB2_36:
0x1b6: {  	v9 =	vperm.xlane v10, v7;
	_ =	sdelay $0x1  }
0x1b7: {  	(v2sf) =	vpush v9, $0x0;
	_ =	sdelay $0xe  }
0x1b8: {  	s19 =	spop (v2sf)  }
0x1b9: {  	p0 =	sgt.f32 s19, $8.000000110e-01  }
.Ltmp29:
0x1ba: {  	_ = 	snop;
	(pc) =	sbr.rel @!p0 .LBB2_66-.Ltmp29, $1  }
0x1bb: {  	_ =	sdelay $0x3  }
.Ltmp30:
0x1bc: {  	(pc) =	sbr.rel .LBB2_38-.Ltmp30, $2  }
0x1bd: {  	_ =	sdelay $0x2  }
0x1be: {  	s19 =	simm.s32 $0x0;
	v8 =	vimm.s32 $0x7FFFFFFF;
	v14 =	vimm.f32 $+Inf;
	v9 =	vimm.f32 $+Inf  }
.LBB2_65:
0x1bf: {  	s19 =	sadd.s32 $0x1, s19  }
0x1c0: {  	p0 =	sne.s32 s19, $0x20  }
.Ltmp31:
0x1c1: {  	_ = 	snop;
	(pc) =	sbr.rel @!p0 .LBB2_66-.Ltmp31, $1  }
0x1c2: {  	_ =	sdelay $0x3  }
.LBB2_38:
0x1c3: {  	s20 =	sshll.u32 s19, $0x8  }
0x1c4: {  	s20 =	sand.u32 $0x3FFFFF00, s20  }
0x1c5: {  	v18 =	vld [tilespmem:s20+$0x0]  }
0x1c6: {  	v17 =	vld [tilespmem:s20+$0x10]  }
0x1c7: {  	v16 =	vld [tilespmem:s20+$0x20]  }
0x1c8: {  	v15 =	vld [tilespmem:s20+$0x30]  }
0x1c9: {  	v13 =	vld [tilespmem:s20+$0x40]  }
0x1ca: {  	v12 =	vld [tilespmem:s20+$0x50]  }
0x1cb: {  	v11 =	vld [tilespmem:s20+$0x60]  }
0x1cc: {  	v10 =	vld [tilespmem:s20+$0x70];
	_ =	sdelay $0x1  }
0x1cd: {  	vm0 =	vle.f32 v17, v14;
	vm1 =	vle.f32 v16, v14;
	vm2 =	vle.f32 v13, v14  }
0x1ce: {  	vm3 =	vle.f32 v12, v14;
	vm0 =	vmor vm0, vm1;
	vm1 =	vle.f32 v15, v14  }
0x1cf: {  	vm2 =	vmor vm2, vm3;
	vm3 =	vle.f32 v11, v14;
	vm1 =	vmor vm0, vm1  }
0x1d0: {  	vm0 =	vle.f32 v18, v14;
	vm2 =	vmor vm2, vm3;
	vm3 =	vle.f32 v10, v14  }
0x1d1: {  	vm1 =	vmor vm0, vm1;
	vm2 =	vmor vm2, vm3  }
0x1d2: {  	vm2 =	vmor vm1, vm2  }
0x1d3: {  	v19 =	vmpcnt.ones.xlane vm2;
	_ =	sdelay $0x1  }
0x1d4: {  	(v2sf) =	vpush v19, $0x0;
	_ =	sdelay $0xe  }
0x1d5: {  	s31 =	spop (v2sf)  }
0x1d6: {  	p0 =	slt.s32 s31, $0x1  }
.Ltmp32:
0x1d7: {  	_ = 	snop;
	(pc) =	sbr.rel @p0 .LBB2_65-.Ltmp32, $1  }
0x1d8: {  	_ =	sdelay $0x3  }
0x1d9: {  	v19 =	vmpcnt.ones.xlane vm1;
	_ =	sdelay $0x1  }
0x1da: {  	(v2sf) =	vpush v19, $0x0;
	_ =	sdelay $0xe  }
0x1db: {  	s20 =	spop (v2sf)  }
0x1dc: {  	p0 =	slt.s32 s20, $0x1  }
.Ltmp33:
0x1dd: {  	_ = 	snop;
	(pc) =	sbr.rel @p0 .LBB2_52-.Ltmp33, $2  }
0x1de: {  	_ =	sdelay $0x2  }
0x1df: {  	s20 =	sshll.u32 s19, $0x7  }
0x1e0: {  	vm1 =	vle.f32 v18, v14  }
0x1e1: {  	v19 =	vmpcnt.ones.xlane vm1;
	_ =	sdelay $0x1  }
0x1e2: {  	(v2sf) =	vpush v19, $0x0;
	_ =	sdelay $0xe  }
0x1e3: {  	s21 =	spop (v2sf)  }
0x1e4: {  	p0 =	slt.s32 s21, $0x1  }
.Ltmp34:
0x1e5: {  	_ = 	snop;
	(pc) =	sbr.rel @p0 .LBB2_43-.Ltmp34, $1  }
0x1e6: {  	_ =	sdelay $0x3  }
0x1e7: {  	v19 =	vor.u32 s20, v0  }
.LBB2_42:
0x1e8: {  	v20 =	vmctz.xlane vm0;
	_ =	sdelay $0x1  }
0x1e9: {  	v14 =	vperm.xlane v18, v20;
	_ =	sdelay $0x1  }
0x1ea: {  	v21 =	vperm.xlane v19, v20;
	vm1 =	vle.f32 v14, $8.000000110e-01  }
0x1eb: {  	v14 =	vnsel vm1, $0x7F800000, v14  }
0x1ec: {  	vm2 =	vlt.s32 v8, v21;
	vm1 =	veq.f32 v9, v14  }
0x1ed: {  	vm3 =	vlt.f32 v9, v14;
	vm1 =	vmand vm2, vm1  }
0x1ee: {  	vm1 =	vmor vm3, vm1  }
0x1ef: {  	v22 =	vmpcnt.ones.xlane vm1  }
0x1f0: {  	v23 =	vperm.xlane v9, v6  }
0x1f1: {  	vm1 =	veq.s32 v22, v0  }
0x1f2: {  	vm2 =	vgt.s32 v22, v0;
	v14 =	vsel vm1, v14, v23  }
0x1f3: {  	v9 =	vsel vm2, v9, v14  }
0x1f4: {  	v14 =	vperm.xlane v9, v7;
	_ =	sdelay $0x1  }
0x1f5: {  	vm3 =	vne.s32 v20, v0;
	vm4 =	vle.f32 v18, v14  }
0x1f6: {  	vm3 =	vmand vm3, vm4  }
0x1f7: {  	vm0 =	vmand vm0, vm3  }
0x1f8: {  	v20 =	vmpcnt.ones.xlane vm0;
	_ =	sdelay $0x1  }
0x1f9: {  	(v2sf) =	vpush v20, $0x0;
	_ =	sdelay $0xe  }
0x1fa: {  	s21 =	spop (v2sf)  }
0x1fb: {  	p0 =	sgt.s32 s21, $0x0  }
.Ltmp35:
0x1fc: {  	_ = 	snop;
	(pc) =	sbr.rel @p0 .LBB2_42-.Ltmp35, $3  }
0x1fd: {  	v20 =	vperm.xlane v8, v6;
	_ =	sdelay $0x1  }
0x1fe: {  	v20 =	vsel vm1, v21, v20  }
0x1ff: {  	v8 =	vsel vm2, v8, v20  }
.LBB2_43:
0x200: {  	vm0 =	vle.f32 v17, v14  }
0x201: {  	v18 =	vmpcnt.ones.xlane vm0;
	_ =	sdelay $0x1  }
0x202: {  	(v2sf) =	vpush v18, $0x0;
	_ =	sdelay $0xe  }
0x203: {  	s21 =	spop (v2sf)  }
0x204: {  	p0 =	slt.s32 s21, $0x1  }
.Ltmp36:
0x205: {  	_ = 	snop;
	(pc) =	sbr.rel @p0 .LBB2_46-.Ltmp36, $1  }
0x206: {  	_ =	sdelay $0x3  }
0x207: {  	s21 =	sor.u32 $0x10, s20  }
0x208: {  	v18 =	vor.u32 s21, v0  }
.LBB2_45:
0x209: {  	v19 =	vmctz.xlane vm0;
	_ =	sdelay $0x1  }
0x20a: {  	v14 =	vperm.xlane v17, v19;
	_ =	sdelay $0x1  }
0x20b: {  	v20 =	vperm.xlane v18, v19;
	vm1 =	vle.f32 v14, $8.000000110e-01  }
0x20c: {  	v14 =	vnsel vm1, $0x7F800000, v14  }
0x20d: {  	vm2 =	vlt.s32 v8, v20;
	vm1 =	veq.f32 v9, v14  }
0x20e: {  	vm3 =	vlt.f32 v9, v14;
	vm1 =	vmand vm2, vm1  }
0x20f: {  	vm1 =	vmor vm3, vm1  }
0x210: {  	v21 =	vmpcnt.ones.xlane vm1  }
0x211: {  	v22 =	vperm.xlane v9, v6  }
0x212: {  	vm1 =	veq.s32 v21, v0  }
0x213: {  	vm2 =	vgt.s32 v21, v0;
	v14 =	vsel vm1, v14, v22  }
0x214: {  	v9 =	vsel vm2, v9, v14  }
0x215: {  	v14 =	vperm.xlane v9, v7;
	_ =	sdelay $0x1  }
0x216: {  	vm3 =	vne.s32 v19, v0;
	vm4 =	vle.f32 v17, v14  }
0x217: {  	vm3 =	vmand vm3, vm4  }
0x218: {  	vm0 =	vmand vm0, vm3  }
0x219: {  	v19 =	vmpcnt.ones.xlane vm0;
	_ =	sdelay $0x1  }
0x21a: {  	(v2sf) =	vpush v19, $0x0;
	_ =	sdelay $0xe  }
0x21b: {  	s21 =	spop (v2sf)  }
0x21c: {  	p0 =	sgt.s32 s21, $0x0  }
.Ltmp37:
0x21d: {  	_ = 	snop;
	(pc) =	sbr.rel @p0 .LBB2_45-.Ltmp37, $3  }
0x21e: {  	v19 =	vperm.xlane v8, v6;
	_ =	sdelay $0x1  }
0x21f: {  	v19 =	vsel vm1, v20, v19  }
0x220: {  	v8 =	vsel vm2, v8, v19  }
.LBB2_46:
0x221: {  	vm0 =	vle.f32 v16, v14  }
0x222: {  	v17 =	vmpcnt.ones.xlane vm0;
	_ =	sdelay $0x1  }
0x223: {  	(v2sf) =	vpush v17, $0x0;
	_ =	sdelay $0xe  }
0x224: {  	s21 =	spop (v2sf)  }
0x225: {  	p0 =	slt.s32 s21, $0x1  }
.Ltmp38:
0x226: {  	_ = 	snop;
	(pc) =	sbr.rel @p0 .LBB2_49-.Ltmp38, $1  }
0x227: {  	_ =	sdelay $0x3  }
0x228: {  	s21 =	sor.u32 $0x20, s20  }
0x229: {  	v17 =	vor.u32 s21, v0  }
.LBB2_48:
0x22a: {  	v18 =	vmctz.xlane vm0;
	_ =	sdelay $0x1  }
0x22b: {  	v14 =	vperm.xlane v16, v18;
	_ =	sdelay $0x1  }
0x22c: {  	v19 =	vperm.xlane v17, v18;
	vm1 =	vle.f32 v14, $8.000000110e-01  }
0x22d: {  	v14 =	vnsel vm1, $0x7F800000, v14  }
0x22e: {  	vm2 =	vlt.s32 v8, v19;
	vm1 =	veq.f32 v9, v14  }
0x22f: {  	vm3 =	vlt.f32 v9, v14;
	vm1 =	vmand vm2, vm1  }
0x230: {  	vm1 =	vmor vm3, vm1  }
0x231: {  	v20 =	vmpcnt.ones.xlane vm1  }
0x232: {  	v21 =	vperm.xlane v9, v6  }
0x233: {  	vm1 =	veq.s32 v20, v0  }
0x234: {  	vm2 =	vgt.s32 v20, v0;
	v14 =	vsel vm1, v14, v21  }
0x235: {  	v9 =	vsel vm2, v9, v14  }
0x236: {  	v14 =	vperm.xlane v9, v7;
	_ =	sdelay $0x1  }
0x237: {  	vm3 =	vne.s32 v18, v0;
	vm4 =	vle.f32 v16, v14  }
0x238: {  	vm3 =	vmand vm3, vm4  }
0x239: {  	vm0 =	vmand vm0, vm3  }
0x23a: {  	v18 =	vmpcnt.ones.xlane vm0;
	_ =	sdelay $0x1  }
0x23b: {  	(v2sf) =	vpush v18, $0x0;
	_ =	sdelay $0xe  }
0x23c: {  	s21 =	spop (v2sf)  }
0x23d: {  	p0 =	sgt.s32 s21, $0x0  }
.Ltmp39:
0x23e: {  	_ = 	snop;
	(pc) =	sbr.rel @p0 .LBB2_48-.Ltmp39, $3  }
0x23f: {  	v18 =	vperm.xlane v8, v6;
	_ =	sdelay $0x1  }
0x240: {  	v18 =	vsel vm1, v19, v18  }
0x241: {  	v8 =	vsel vm2, v8, v18  }
.LBB2_49:
0x242: {  	vm0 =	vle.f32 v15, v14  }
0x243: {  	v16 =	vmpcnt.ones.xlane vm0;
	_ =	sdelay $0x1  }
0x244: {  	(v2sf) =	vpush v16, $0x0;
	_ =	sdelay $0xe  }
0x245: {  	s21 =	spop (v2sf)  }
0x246: {  	p0 =	slt.s32 s21, $0x1  }
.Ltmp40:
0x247: {  	_ = 	snop;
	(pc) =	sbr.rel @p0 .LBB2_52-.Ltmp40, $1  }
0x248: {  	_ =	sdelay $0x3  }
0x249: {  	s21 =	sor.u32 $0x30, s20  }
0x24a: {  	v16 =	vor.u32 s21, v0  }
.LBB2_51:
0x24b: {  	v17 =	vmctz.xlane vm0;
	_ =	sdelay $0x1  }
0x24c: {  	v14 =	vperm.xlane v15, v17;
	_ =	sdelay $0x1  }
0x24d: {  	v18 =	vperm.xlane v16, v17;
	vm1 =	vle.f32 v14, $8.000000110e-01  }
0x24e: {  	v14 =	vnsel vm1, $0x7F800000, v14  }
0x24f: {  	vm2 =	vlt.s32 v8, v18;
	vm1 =	veq.f32 v9, v14  }
0x250: {  	vm3 =	vlt.f32 v9, v14;
	vm1 =	vmand vm2, vm1  }
0x251: {  	vm1 =	vmor vm3, vm1  }
0x252: {  	v19 =	vmpcnt.ones.xlane vm1  }
0x253: {  	v20 =	vperm.xlane v9, v6  }
0x254: {  	vm1 =	veq.s32 v19, v0  }
0x255: {  	vm2 =	vgt.s32 v19, v0;
	v14 =	vsel vm1, v14, v20  }
0x256: {  	v9 =	vsel vm2, v9, v14  }
0x257: {  	v14 =	vperm.xlane v9, v7;
	_ =	sdelay $0x1  }
0x258: {  	vm3 =	vne.s32 v17, v0;
	vm4 =	vle.f32 v15, v14  }
0x259: {  	vm3 =	vmand vm3, vm4  }
0x25a: {  	vm0 =	vmand vm0, vm3  }
0x25b: {  	v17 =	vmpcnt.ones.xlane vm0;
	_ =	sdelay $0x1  }
0x25c: {  	(v2sf) =	vpush v17, $0x0;
	_ =	sdelay $0xe  }
0x25d: {  	s21 =	spop (v2sf)  }
0x25e: {  	p0 =	sgt.s32 s21, $0x0  }
.Ltmp41:
0x25f: {  	_ = 	snop;
	(pc) =	sbr.rel @p0 .LBB2_51-.Ltmp41, $3  }
0x260: {  	v17 =	vperm.xlane v8, v6;
	_ =	sdelay $0x1  }
0x261: {  	v17 =	vsel vm1, v18, v17  }
0x262: {  	v8 =	vsel vm2, v8, v17  }
.LBB2_52:
0x263: {  	vm0 =	vle.f32 v12, v14;
	vm1 =	vle.f32 v11, v14  }
0x264: {  	vm2 =	vle.f32 v10, v14;
	vm1 =	vmor vm0, vm1  }
0x265: {  	vm0 =	vle.f32 v13, v14;
	vm1 =	vmor vm2, vm1  }
0x266: {  	vm1 =	vmor vm0, vm1  }
0x267: {  	v15 =	vmpcnt.ones.xlane vm1;
	_ =	sdelay $0x1  }
0x268: {  	(v2sf) =	vpush v15, $0x0;
	_ =	sdelay $0xe  }
0x269: {  	s21 =	spop (v2sf)  }
0x26a: {  	p0 =	slt.s32 s21, $0x1  }
.Ltmp42:
0x26b: {  	_ = 	snop;
	(pc) =	sbr.rel @p0 .LBB2_65-.Ltmp42, $1  }
0x26c: {  	_ =	sdelay $0x3  }
0x26d: {  	vm1 =	vle.f32 v13, v14  }
0x26e: {  	v15 =	vmpcnt.ones.xlane vm1;
	_ =	sdelay $0x1  }
0x26f: {  	(v2sf) =	vpush v15, $0x0;
	_ =	sdelay $0xe  }
0x270: {  	s21 =	spop (v2sf)  }
0x271: {  	p0 =	slt.s32 s21, $0x1  }
.Ltmp43:
0x272: {  	_ = 	snop;
	(pc) =	sbr.rel @p0 .LBB2_56-.Ltmp43, $1  }
0x273: {  	_ =	sdelay $0x3  }
0x274: {  	s21 =	sor.u32 $0x40, s20  }
0x275: {  	v15 =	vor.u32 s21, v0  }
.LBB2_55:
0x276: {  	v16 =	vmctz.xlane vm0;
	_ =	sdelay $0x1  }
0x277: {  	v14 =	vperm.xlane v13, v16;
	_ =	sdelay $0x1  }
0x278: {  	v17 =	vperm.xlane v15, v16;
	vm1 =	vle.f32 v14, $8.000000110e-01  }
0x279: {  	v14 =	vnsel vm1, $0x7F800000, v14  }
0x27a: {  	vm2 =	vlt.s32 v8, v17;
	vm1 =	veq.f32 v9, v14  }
0x27b: {  	vm3 =	vlt.f32 v9, v14;
	vm1 =	vmand vm2, vm1  }
0x27c: {  	vm1 =	vmor vm3, vm1  }
0x27d: {  	v18 =	vmpcnt.ones.xlane vm1  }
0x27e: {  	v19 =	vperm.xlane v9, v6  }
0x27f: {  	vm1 =	veq.s32 v18, v0  }
0x280: {  	vm2 =	vgt.s32 v18, v0;
	v14 =	vsel vm1, v14, v19  }
0x281: {  	v9 =	vsel vm2, v9, v14  }
0x282: {  	v14 =	vperm.xlane v9, v7;
	_ =	sdelay $0x1  }
0x283: {  	vm3 =	vne.s32 v16, v0;
	vm4 =	vle.f32 v13, v14  }
0x284: {  	vm3 =	vmand vm3, vm4  }
0x285: {  	vm0 =	vmand vm0, vm3  }
0x286: {  	v16 =	vmpcnt.ones.xlane vm0;
	_ =	sdelay $0x1  }
0x287: {  	(v2sf) =	vpush v16, $0x0;
	_ =	sdelay $0xe  }
0x288: {  	s21 =	spop (v2sf)  }
0x289: {  	p0 =	sgt.s32 s21, $0x0  }
.Ltmp44:
0x28a: {  	_ = 	snop;
	(pc) =	sbr.rel @p0 .LBB2_55-.Ltmp44, $3  }
0x28b: {  	v16 =	vperm.xlane v8, v6;
	_ =	sdelay $0x1  }
0x28c: {  	v16 =	vsel vm1, v17, v16  }
0x28d: {  	v8 =	vsel vm2, v8, v16  }
.LBB2_56:
0x28e: {  	vm0 =	vle.f32 v12, v14  }
0x28f: {  	v13 =	vmpcnt.ones.xlane vm0;
	_ =	sdelay $0x1  }
0x290: {  	(v2sf) =	vpush v13, $0x0;
	_ =	sdelay $0xe  }
0x291: {  	s21 =	spop (v2sf)  }
0x292: {  	p0 =	slt.s32 s21, $0x1  }
.Ltmp45:
0x293: {  	_ = 	snop;
	(pc) =	sbr.rel @p0 .LBB2_59-.Ltmp45, $1  }
0x294: {  	_ =	sdelay $0x3  }
0x295: {  	s21 =	sor.u32 $0x50, s20  }
0x296: {  	v13 =	vor.u32 s21, v0  }
.LBB2_58:
0x297: {  	v15 =	vmctz.xlane vm0;
	_ =	sdelay $0x1  }
0x298: {  	v14 =	vperm.xlane v12, v15;
	_ =	sdelay $0x1  }
0x299: {  	v16 =	vperm.xlane v13, v15;
	vm1 =	vle.f32 v14, $8.000000110e-01  }
0x29a: {  	v14 =	vnsel vm1, $0x7F800000, v14  }
0x29b: {  	vm2 =	vlt.s32 v8, v16;
	vm1 =	veq.f32 v9, v14  }
0x29c: {  	vm3 =	vlt.f32 v9, v14;
	vm1 =	vmand vm2, vm1  }
0x29d: {  	vm1 =	vmor vm3, vm1  }
0x29e: {  	v17 =	vmpcnt.ones.xlane vm1  }
0x29f: {  	v18 =	vperm.xlane v9, v6  }
0x2a0: {  	vm1 =	veq.s32 v17, v0  }
0x2a1: {  	vm2 =	vgt.s32 v17, v0;
	v14 =	vsel vm1, v14, v18  }
0x2a2: {  	v9 =	vsel vm2, v9, v14  }
0x2a3: {  	v14 =	vperm.xlane v9, v7;
	_ =	sdelay $0x1  }
0x2a4: {  	vm3 =	vne.s32 v15, v0;
	vm4 =	vle.f32 v12, v14  }
0x2a5: {  	vm3 =	vmand vm3, vm4  }
0x2a6: {  	vm0 =	vmand vm0, vm3  }
0x2a7: {  	v15 =	vmpcnt.ones.xlane vm0;
	_ =	sdelay $0x1  }
0x2a8: {  	(v2sf) =	vpush v15, $0x0;
	_ =	sdelay $0xe  }
0x2a9: {  	s21 =	spop (v2sf)  }
0x2aa: {  	p0 =	sgt.s32 s21, $0x0  }
.Ltmp46:
0x2ab: {  	_ = 	snop;
	(pc) =	sbr.rel @p0 .LBB2_58-.Ltmp46, $3  }
0x2ac: {  	v15 =	vperm.xlane v8, v6;
	_ =	sdelay $0x1  }
0x2ad: {  	v15 =	vsel vm1, v16, v15  }
0x2ae: {  	v8 =	vsel vm2, v8, v15  }
.LBB2_59:
0x2af: {  	vm0 =	vle.f32 v11, v14  }
0x2b0: {  	v12 =	vmpcnt.ones.xlane vm0;
	_ =	sdelay $0x1  }
0x2b1: {  	(v2sf) =	vpush v12, $0x0;
	_ =	sdelay $0xe  }
0x2b2: {  	s21 =	spop (v2sf)  }
0x2b3: {  	p0 =	slt.s32 s21, $0x1  }
.Ltmp47:
0x2b4: {  	_ = 	snop;
	(pc) =	sbr.rel @p0 .LBB2_62-.Ltmp47, $1  }
0x2b5: {  	_ =	sdelay $0x3  }
0x2b6: {  	s21 =	sor.u32 $0x60, s20  }
0x2b7: {  	v12 =	vor.u32 s21, v0  }
.LBB2_61:
0x2b8: {  	v13 =	vmctz.xlane vm0;
	_ =	sdelay $0x1  }
0x2b9: {  	v14 =	vperm.xlane v11, v13;
	_ =	sdelay $0x1  }
0x2ba: {  	v15 =	vperm.xlane v12, v13;
	vm1 =	vle.f32 v14, $8.000000110e-01  }
0x2bb: {  	v14 =	vnsel vm1, $0x7F800000, v14  }
0x2bc: {  	vm2 =	vlt.s32 v8, v15;
	vm1 =	veq.f32 v9, v14  }
0x2bd: {  	vm3 =	vlt.f32 v9, v14;
	vm1 =	vmand vm2, vm1  }
0x2be: {  	vm1 =	vmor vm3, vm1  }
0x2bf: {  	v16 =	vmpcnt.ones.xlane vm1  }
0x2c0: {  	v17 =	vperm.xlane v9, v6  }
0x2c1: {  	vm1 =	veq.s32 v16, v0  }
0x2c2: {  	vm2 =	vgt.s32 v16, v0;
	v14 =	vsel vm1, v14, v17  }
0x2c3: {  	v9 =	vsel vm2, v9, v14  }
0x2c4: {  	v14 =	vperm.xlane v9, v7;
	_ =	sdelay $0x1  }
0x2c5: {  	vm3 =	vne.s32 v13, v0;
	vm4 =	vle.f32 v11, v14  }
0x2c6: {  	vm3 =	vmand vm3, vm4  }
0x2c7: {  	vm0 =	vmand vm0, vm3  }
0x2c8: {  	v13 =	vmpcnt.ones.xlane vm0;
	_ =	sdelay $0x1  }
0x2c9: {  	(v2sf) =	vpush v13, $0x0;
	_ =	sdelay $0xe  }
0x2ca: {  	s21 =	spop (v2sf)  }
0x2cb: {  	p0 =	sgt.s32 s21, $0x0  }
.Ltmp48:
0x2cc: {  	_ = 	snop;
	(pc) =	sbr.rel @p0 .LBB2_61-.Ltmp48, $3  }
0x2cd: {  	v13 =	vperm.xlane v8, v6;
	_ =	sdelay $0x1  }
0x2ce: {  	v13 =	vsel vm1, v15, v13  }
0x2cf: {  	v8 =	vsel vm2, v8, v13  }
.LBB2_62:
0x2d0: {  	vm0 =	vle.f32 v10, v14  }
0x2d1: {  	v11 =	vmpcnt.ones.xlane vm0;
	_ =	sdelay $0x1  }
0x2d2: {  	(v2sf) =	vpush v11, $0x0;
	_ =	sdelay $0xe  }
0x2d3: {  	s21 =	spop (v2sf)  }
0x2d4: {  	p0 =	slt.s32 s21, $0x1  }
.Ltmp49:
0x2d5: {  	_ = 	snop;
	(pc) =	sbr.rel @p0 .LBB2_65-.Ltmp49, $1  }
0x2d6: {  	_ =	sdelay $0x3  }
0x2d7: {  	s20 =	sor.u32 $0x70, s20  }
0x2d8: {  	v11 =	vor.u32 s20, v0  }
.LBB2_64:
0x2d9: {  	v12 =	vmctz.xlane vm0;
	_ =	sdelay $0x1  }
0x2da: {  	v13 =	vperm.xlane v10, v12;
	_ =	sdelay $0x1  }
0x2db: {  	v15 =	vperm.xlane v11, v12;
	vm1 =	vle.f32 v13, $8.000000110e-01  }
0x2dc: {  	v13 =	vnsel vm1, $0x7F800000, v13  }
0x2dd: {  	vm2 =	vlt.s32 v8, v15;
	vm1 =	veq.f32 v9, v13  }
0x2de: {  	vm3 =	vlt.f32 v9, v13;
	vm1 =	vmand vm2, vm1  }
0x2df: {  	vm1 =	vmor vm3, vm1  }
0x2e0: {  	v14 =	vmpcnt.ones.xlane vm1  }
0x2e1: {  	v16 =	vperm.xlane v9, v6  }
0x2e2: {  	vm1 =	veq.s32 v14, v0  }
0x2e3: {  	vm2 =	vgt.s32 v14, v0;
	v13 =	vsel vm1, v13, v16  }
0x2e4: {  	v9 =	vsel vm2, v9, v13  }
0x2e5: {  	v14 =	vperm.xlane v9, v7;
	_ =	sdelay $0x1  }
0x2e6: {  	vm3 =	vne.s32 v12, v0;
	vm4 =	vle.f32 v10, v14  }
0x2e7: {  	vm3 =	vmand vm3, vm4  }
0x2e8: {  	vm0 =	vmand vm0, vm3  }
0x2e9: {  	v12 =	vmpcnt.ones.xlane vm0;
	_ =	sdelay $0x1  }
0x2ea: {  	(v2sf) =	vpush v12, $0x0;
	_ =	sdelay $0xe  }
0x2eb: {  	s20 =	spop (v2sf)  }
0x2ec: {  	p0 =	sgt.s32 s20, $0x0  }
.Ltmp50:
0x2ed: {  	_ = 	snop;
	(pc) =	sbr.rel @p0 .LBB2_64-.Ltmp50, $3  }
0x2ee: {  	v12 =	vperm.xlane v8, v6;
	_ =	sdelay $0x1  }
0x2ef: {  	v12 =	vsel vm1, v15, v12  }
0x2f0: {  	v8 =	vsel vm2, v8, v12  }
.Ltmp51:
0x2f1: {  	_ = 	snop;
	(pc) =	sbr.rel .LBB2_65-.Ltmp51, $1  }
0x2f2: {  	_ =	sdelay $0x3  }
.LBB2_66:
0x2f3: {  	v9 =	vshll.u32 v8, $0x1  }
0x2f4: {  	v10 =	vand.u32 $0x7F, v8;
	v9 =	vand.u32 $0xFFFFFF00, v9  }
0x2f5: {  	v9 =	vor.u32 v10, v9;
	_ =	sdelay $0x3  }
0x2f6: {  	s19 =	simm.s32 $0x0;
	s18 =	sadd.s32 $0x2, s18  }
0x2f7: {  	s18 =	smin.u32 s18, s5;
	v9 =	vld.idx.msk [tilespmem:v9+s19+$0x0], $0xffff  }
0x2f8: {  	s20 =	sshll.u32 s18, $0x4  }
0x2f9: {  	s18 =	sshll.u32 s18, $0x9;
	s20 =	sand.u32 $0x70, s20  }
0x2fa: {  	s18 =	sand.u32 $0xFF000, s18;
	s20 =	sadd.s32 s0, s20  }
0x2fb: {  	s18 =	sadd.s32 s18, s20;
	[tilespmem:s17+$0x2000] =	vst v8  }
0x2fc: {  	s21 =	simm.s32 $0x100;
	s20 =	simm.s32 $0x80;
	s22 =	sadd.s32 $0x0, s18;
	[tilespmem:s17+$0x2400] =	vst v9  }
.LBB2_67:
0x2fd: {  	[tilespmem:s19], [sflag:$0x1] =	stream.linear.gather [hbm4b:s22+s3], $0x80, $0x38;
	[tilespmem:$0x2800] =	vst v63  }
0x2fe: {  	s22 =	smov.u32 s20;
	s19 =	smov.u32 s21;
	p0 =	sne.s32 s20, $0xF80  }
.Ltmp52:
0x2ff: {  	s20 =	sadd.s32 $0x80, s20;
	(pc) =	sbr.rel @p0 .LBB2_67-.Ltmp52, $2  }
0x300: {  	_ =	sdelay $0x2  }
0x301: {  	s21 =	sadd.s32 $0x100, s21;
	s22 =	sadd.s32 s22, s18  }
0x302: {  	[tilespmem:s19], [sflag:$0x1] =	stream.linear.gather [hbm4b:s22+s3], $0x80, $0x38;
	[tilespmem:$0x2800] =	vst v63  }
0x303: {  	_ =	swait.ge [sflag:s11], $0x1000  }
0x304: {  	[sflag:s11] =	ssyncset.done $0x0  }
0x305: {  	s18 =	simm.s32 $0x0;
	[sflag:s11] =	ssyncadd.s32 $0xFFFFF000  }
0x306: {  	v12 =	vld [tilespmem:s18+$0x180]  }
0x307: {  	v13 =	vld [tilespmem:s18+$0x190]  }
0x308: {  	v8 =	vld [tilespmem:s18+$0x1A0]  }
0x309: {  	v11 =	vld [tilespmem:s18+$0x1B0]  }
0x30a: {  	v14 =	vld [tilespmem:s18+$0x1C0]  }
0x30b: {  	v9 =	vld [tilespmem:s18+$0x1D0]  }
0x30c: {  	v10 =	vld [tilespmem:s18+$0x1E0]  }
0x30d: {  	v28 =	vld [tilespmem:s18+$0x80]  }
0x30e: {  	v29 =	vld [tilespmem:s18+$0x90]  }
0x30f: {  	v25 =	vld [tilespmem:s18+$0xA0]  }
0x310: {  	v26 =	vld [tilespmem:s18+$0xB0]  }
0x311: {  	v21 =	vimm.f32 $+Inf;
	v22 =	vimm.f32 $+Inf;
	v27 =	vld [tilespmem:s18+$0xC0]  }
0x312: {  	v15 =	vimm.f32 $+Inf;
	v19 =	vimm.f32 $+Inf;
	v20 =	vimm.f32 $+Inf;
	v23 =	vld [tilespmem:s18+$0xD0]  }
0x313: {  	s19 =	simm.s32 $0x800;
	v16 =	vimm.f32 $+Inf;
	v17 =	vimm.f32 $+Inf;
	v18 =	vimm.f32 $+Inf;
	v24 =	vld [tilespmem:s18+$0xE0]  }
.LBB2_69:
0x314: {  	p0 =	sne.s32 s19, $0x7800;
	v30 =	vld [tilespmem:s18+$0xF0]  }
0x315: {  	v21 =	vmin.f32 v21, v28;
	v22 =	vmin.f32 v22, v29;
	v28 =	vld [tilespmem:s18+$0x1F0];
	s18 =	sshra.s32 s19, $0x2  }
0x316: {  	v21 =	vmin.f32 v21, v12;
	v22 =	vmin.f32 v22, v13;
	v12 =	vld [tilespmem:s18+$0x180]  }
0x317: {  	v15 =	vmin.f32 v15, v25;
	v19 =	vmin.f32 v19, v26;
	v20 =	vmin.f32 v20, v27;
	v13 =	vld [tilespmem:s18+$0x190]  }
0x318: {  	v15 =	vmin.f32 v15, v8;
	v19 =	vmin.f32 v19, v11;
	v20 =	vmin.f32 v20, v14;
	v8 =	vld [tilespmem:s18+$0x1A0]  }
0x319: {  	v16 =	vmin.f32 v16, v23;
	v17 =	vmin.f32 v17, v24;
	v11 =	vld [tilespmem:s18+$0x1B0];
	v18 =	vmin.f32 v18, v30  }
0x31a: {  	v16 =	vmin.f32 v16, v9;
	v17 =	vmin.f32 v17, v10;
	v14 =	vld [tilespmem:s18+$0x1C0];
	v18 =	vmin.f32 v18, v28  }
0x31b: {  	v9 =	vld [tilespmem:s18+$0x1D0]  }
0x31c: {  	v10 =	vld [tilespmem:s18+$0x1E0]  }
0x31d: {  	v28 =	vld [tilespmem:s18+$0x80]  }
0x31e: {  	v29 =	vld [tilespmem:s18+$0x90]  }
.Ltmp53:
0x31f: {  	v25 =	vld [tilespmem:s18+$0xA0];
	(pc) =	sbr.rel @p0 .LBB2_69-.Ltmp53, $4  }
0x320: {  	v26 =	vld [tilespmem:s18+$0xB0]  }
0x321: {  	v27 =	vld [tilespmem:s18+$0xC0]  }
0x322: {  	v23 =	vld [tilespmem:s18+$0xD0]  }
0x323: {  	s19 =	sadd.s32 $0x800, s19;
	v24 =	vld [tilespmem:s18+$0xE0]  }
0x324: {  	v30 =	vld [tilespmem:s18+$0xF0];
	v21 =	vmin.f32 v21, v28;
	v22 =	vmin.f32 v22, v29;
	v15 =	vmin.f32 v15, v25  }
0x325: {  	v63 =	vld [tilespmem:s18+$0x1F0];
	v12 =	vmin.f32 v21, v12;
	v13 =	vmin.f32 v22, v13;
	v19 =	vmin.f32 v19, v26  }
0x326: {  	v8 =	vmin.f32 v15, v8;
	v20 =	vmin.f32 v20, v27;
	v11 =	vmin.f32 v19, v11  }
0x327: {  	v12 =	vmin.f32 v12, v13;
	v14 =	vmin.f32 v20, v14;
	v15 =	vmin.f32 v16, v23  }
0x328: {  	v8 =	vmin.f32 v8, v11;
	(xrf1) =	vsort.ascd.msk.f32 $0xffff, v12, v12;
	v16 =	vmin.f32 v17, v24  }
0x329: {  	v9 =	vmin.f32 v15, v9;
	(xrf1) =	vsort.ascd.msk.f32 $0xffff, v8, v8;
	v17 =	vmin.f32 v18, v30  }
0x32a: {  	v10 =	vmin.f32 v16, v10;
	v9 =	vmin.f32 v14, v9;
	v11 =	vmin.f32 v17, v63  }
0x32b: {  	(xrf1) =	vsort.ascd.msk.f32 $0xffff, v9, v9;
	v8 =	vmin.f32 v10, v11  }
0x32c: {  	(xrf1) =	vsort.ascd.msk.f32 $0xffff, v8, v8;
	_ =	sdelay $0xa  }
0x32d: {  	v8, _, _ =	vpop (xrf1)  }
0x32e: {  	v9, _, _ =	vpop (xrf1)  }
0x32f: {  	v10, _, _ =	vpop (xrf1)  }
0x330: {  	v9 =	vperm.xlane v9, v5;
	v11, _, _ =	vpop (xrf1)  }
0x331: {  	v11 =	vperm.xlane v11, v5  }
0x332: {  	v8 =	vmin.f32 v8, v9  }
0x333: {  	(xrf1) =	vsort.ascd.msk.f32 $0xffff, v8, v8;
	v9 =	vmin.f32 v10, v11  }
0x334: {  	(xrf1) =	vsort.ascd.msk.f32 $0xffff, v9, v9;
	_ =	sdelay $0xc  }
0x335: {  	v8, _, _ =	vpop (xrf1)  }
0x336: {  	v9, _, _ =	vpop (xrf1)  }
0x337: {  	v9 =	vperm.xlane v9, v5;
	_ =	sdelay $0x1  }
0x338: {  	v8 =	vmin.f32 v8, v9  }
0x339: {  	v9 =	vperm.xlane v8, v1;
	_ =	sdelay $0x1  }
0x33a: {  	v8 =	vmax.f32 v8, v9  }
0x33b: {  	v9 =	vperm.xlane v8, v2;
	_ =	sdelay $0x1  }
0x33c: {  	v8 =	vmax.f32 v8, v9  }
0x33d: {  	v9 =	vperm.xlane v8, v3;
	_ =	sdelay $0x1  }
.Ltmp54:
0x33e: {  	v8 =	vmax.f32 v8, v9;
	(pc) =	sbr.rel .LBB2_71-.Ltmp54, $3  }
0x33f: {  	v9 =	vperm.xlane v8, v4;
	_ =	sdelay $0x1  }
0x340: {  	v9 =	vmax.f32 v8, v9  }
0x341: {  	s18 =	simm.s32 $0x0;
	v10 =	vimm.f32 $+Inf;
	v8 =	vimm.s32 $0x7FFFFFFF;
	v15 =	vmov v9  }
.LBB2_98:
0x342: {  	s18 =	sadd.s32 $0x1, s18  }
0x343: {  	p0 =	sne.s32 s18, $0x20  }
.Ltmp55:
0x344: {  	_ = 	snop;
	(pc) =	sbr.rel @!p0 .LBB2_99-.Ltmp55, $1  }
0x345: {  	_ =	sdelay $0x3  }
.LBB2_71:
0x346: {  	s19 =	sshll.u32 s18, $0x8  }
0x347: {  	s19 =	sand.u32 $0x3FFFFF00, s19  }
0x348: {  	v19 =	vld [tilespmem:s19+$0x80]  }
0x349: {  	v18 =	vld [tilespmem:s19+$0x90]  }
0x34a: {  	v17 =	vld [tilespmem:s19+$0xA0]  }
0x34b: {  	v16 =	vld [tilespmem:s19+$0xB0]  }
0x34c: {  	v14 =	vld [tilespmem:s19+$0xC0]  }
0x34d: {  	v13 =	vld [tilespmem:s19+$0xD0]  }
0x34e: {  	v12 =	vld [tilespmem:s19+$0xE0]  }
0x34f: {  	v11 =	vld [tilespmem:s19+$0xF0];
	_ =	sdelay $0x1  }
0x350: {  	vm0 =	vle.f32 v18, v15;
	vm1 =	vle.f32 v17, v15;
	vm2 =	vle.f32 v14, v15  }
0x351: {  	vm3 =	vle.f32 v13, v15;
	vm0 =	vmor vm0, vm1;
	vm1 =	vle.f32 v16, v15  }
0x352: {  	vm2 =	vmor vm2, vm3;
	vm3 =	vle.f32 v12, v15;
	vm1 =	vmor vm0, vm1  }
0x353: {  	vm0 =	vle.f32 v19, v15;
	vm2 =	vmor vm2, vm3;
	vm3 =	vle.f32 v11, v15  }
0x354: {  	vm1 =	vmor vm0, vm1;
	vm2 =	vmor vm2, vm3  }
0x355: {  	vm2 =	vmor vm1, vm2  }
0x356: {  	v20 =	vmpcnt.ones.xlane vm2;
	_ =	sdelay $0x1  }
0x357: {  	(v2sf) =	vpush v20, $0x0;
	_ =	sdelay $0xe  }
0x358: {  	s31 =	spop (v2sf)  }
0x359: {  	p0 =	slt.s32 s31, $0x1  }
.Ltmp56:
0x35a: {  	_ = 	snop;
	(pc) =	sbr.rel @p0 .LBB2_98-.Ltmp56, $1  }
0x35b: {  	_ =	sdelay $0x3  }
0x35c: {  	v20 =	vmpcnt.ones.xlane vm1;
	_ =	sdelay $0x1  }
0x35d: {  	(v2sf) =	vpush v20, $0x0;
	_ =	sdelay $0xe  }
0x35e: {  	s19 =	spop (v2sf)  }
0x35f: {  	p0 =	slt.s32 s19, $0x1  }
.Ltmp57:
0x360: {  	_ = 	snop;
	(pc) =	sbr.rel @p0 .LBB2_85-.Ltmp57, $2  }
0x361: {  	_ =	sdelay $0x2  }
0x362: {  	s19 =	sshll.u32 s18, $0x7  }
0x363: {  	vm1 =	vle.f32 v19, v15  }
0x364: {  	v20 =	vmpcnt.ones.xlane vm1;
	_ =	sdelay $0x1  }
0x365: {  	(v2sf) =	vpush v20, $0x0;
	_ =	sdelay $0xe  }
0x366: {  	s20 =	spop (v2sf)  }
0x367: {  	p0 =	slt.s32 s20, $0x1  }
.Ltmp58:
0x368: {  	_ = 	snop;
	(pc) =	sbr.rel @p0 .LBB2_76-.Ltmp58, $1  }
0x369: {  	_ =	sdelay $0x3  }
0x36a: {  	v20 =	vor.u32 s19, v0  }
.LBB2_75:
0x36b: {  	v21 =	vmctz.xlane vm0;
	_ =	sdelay $0x1  }
0x36c: {  	v15 =	vperm.xlane v19, v21;
	_ =	sdelay $0x1  }
0x36d: {  	v22 =	vperm.xlane v20, v21;
	vm1 =	vle.f32 v15, $8.000000110e-01  }
0x36e: {  	v15 =	vnsel vm1, $0x7F800000, v15  }
0x36f: {  	vm2 =	vlt.s32 v8, v22;
	vm1 =	veq.f32 v10, v15  }
0x370: {  	vm3 =	vlt.f32 v10, v15;
	vm1 =	vmand vm2, vm1  }
0x371: {  	vm1 =	vmor vm3, vm1  }
0x372: {  	v23 =	vmpcnt.ones.xlane vm1  }
0x373: {  	v24 =	vperm.xlane v10, v6  }
0x374: {  	vm1 =	veq.s32 v23, v0  }
0x375: {  	vm2 =	vgt.s32 v23, v0;
	v15 =	vsel vm1, v15, v24  }
0x376: {  	v10 =	vsel vm2, v10, v15  }
0x377: {  	v15 =	vperm.xlane v10, v7;
	_ =	sdelay $0x1  }
0x378: {  	v15 =	vmin.f32 v9, v15  }
0x379: {  	vm3 =	vne.s32 v21, v0;
	vm4 =	vle.f32 v19, v15  }
0x37a: {  	vm3 =	vmand vm3, vm4  }
0x37b: {  	vm0 =	vmand vm0, vm3  }
0x37c: {  	v21 =	vmpcnt.ones.xlane vm0;
	_ =	sdelay $0x1  }
0x37d: {  	(v2sf) =	vpush v21, $0x0;
	_ =	sdelay $0xe  }
0x37e: {  	s20 =	spop (v2sf)  }
0x37f: {  	p0 =	sgt.s32 s20, $0x0  }
.Ltmp59:
0x380: {  	_ = 	snop;
	(pc) =	sbr.rel @p0 .LBB2_75-.Ltmp59, $3  }
0x381: {  	v21 =	vperm.xlane v8, v6;
	_ =	sdelay $0x1  }
0x382: {  	v21 =	vsel vm1, v22, v21  }
0x383: {  	v8 =	vsel vm2, v8, v21  }
.LBB2_76:
0x384: {  	vm0 =	vle.f32 v18, v15  }
0x385: {  	v19 =	vmpcnt.ones.xlane vm0;
	_ =	sdelay $0x1  }
0x386: {  	(v2sf) =	vpush v19, $0x0;
	_ =	sdelay $0xe  }
0x387: {  	s20 =	spop (v2sf)  }
0x388: {  	p0 =	slt.s32 s20, $0x1  }
.Ltmp60:
0x389: {  	_ = 	snop;
	(pc) =	sbr.rel @p0 .LBB2_79-.Ltmp60, $1  }
0x38a: {  	_ =	sdelay $0x3  }
0x38b: {  	s20 =	sor.u32 $0x10, s19  }
0x38c: {  	v19 =	vor.u32 s20, v0  }
.LBB2_78:
0x38d: {  	v20 =	vmctz.xlane vm0;
	_ =	sdelay $0x1  }
0x38e: {  	v15 =	vperm.xlane v18, v20;
	_ =	sdelay $0x1  }
0x38f: {  	v21 =	vperm.xlane v19, v20;
	vm1 =	vle.f32 v15, $8.000000110e-01  }
0x390: {  	v15 =	vnsel vm1, $0x7F800000, v15  }
0x391: {  	vm2 =	vlt.s32 v8, v21;
	vm1 =	veq.f32 v10, v15  }
0x392: {  	vm3 =	vlt.f32 v10, v15;
	vm1 =	vmand vm2, vm1  }
0x393: {  	vm1 =	vmor vm3, vm1  }
0x394: {  	v22 =	vmpcnt.ones.xlane vm1  }
0x395: {  	v23 =	vperm.xlane v10, v6  }
0x396: {  	vm1 =	veq.s32 v22, v0  }
0x397: {  	vm2 =	vgt.s32 v22, v0;
	v15 =	vsel vm1, v15, v23  }
0x398: {  	v10 =	vsel vm2, v10, v15  }
0x399: {  	v15 =	vperm.xlane v10, v7;
	_ =	sdelay $0x1  }
0x39a: {  	v15 =	vmin.f32 v9, v15  }
0x39b: {  	vm3 =	vne.s32 v20, v0;
	vm4 =	vle.f32 v18, v15  }
0x39c: {  	vm3 =	vmand vm3, vm4  }
0x39d: {  	vm0 =	vmand vm0, vm3  }
0x39e: {  	v20 =	vmpcnt.ones.xlane vm0;
	_ =	sdelay $0x1  }
0x39f: {  	(v2sf) =	vpush v20, $0x0;
	_ =	sdelay $0xe  }
0x3a0: {  	s20 =	spop (v2sf)  }
0x3a1: {  	p0 =	sgt.s32 s20, $0x0  }
.Ltmp61:
0x3a2: {  	_ = 	snop;
	(pc) =	sbr.rel @p0 .LBB2_78-.Ltmp61, $3  }
0x3a3: {  	v20 =	vperm.xlane v8, v6;
	_ =	sdelay $0x1  }
0x3a4: {  	v20 =	vsel vm1, v21, v20  }
0x3a5: {  	v8 =	vsel vm2, v8, v20  }
.LBB2_79:
0x3a6: {  	vm0 =	vle.f32 v17, v15  }
0x3a7: {  	v18 =	vmpcnt.ones.xlane vm0;
	_ =	sdelay $0x1  }
0x3a8: {  	(v2sf) =	vpush v18, $0x0;
	_ =	sdelay $0xe  }
0x3a9: {  	s20 =	spop (v2sf)  }
0x3aa: {  	p0 =	slt.s32 s20, $0x1  }
.Ltmp62:
0x3ab: {  	_ = 	snop;
	(pc) =	sbr.rel @p0 .LBB2_82-.Ltmp62, $1  }
0x3ac: {  	_ =	sdelay $0x3  }
0x3ad: {  	s20 =	sor.u32 $0x20, s19  }
0x3ae: {  	v18 =	vor.u32 s20, v0  }
.LBB2_81:
0x3af: {  	v19 =	vmctz.xlane vm0;
	_ =	sdelay $0x1  }
0x3b0: {  	v15 =	vperm.xlane v17, v19;
	_ =	sdelay $0x1  }
0x3b1: {  	v20 =	vperm.xlane v18, v19;
	vm1 =	vle.f32 v15, $8.000000110e-01  }
0x3b2: {  	v15 =	vnsel vm1, $0x7F800000, v15  }
0x3b3: {  	vm2 =	vlt.s32 v8, v20;
	vm1 =	veq.f32 v10, v15  }
0x3b4: {  	vm3 =	vlt.f32 v10, v15;
	vm1 =	vmand vm2, vm1  }
0x3b5: {  	vm1 =	vmor vm3, vm1  }
0x3b6: {  	v21 =	vmpcnt.ones.xlane vm1  }
0x3b7: {  	v22 =	vperm.xlane v10, v6  }
0x3b8: {  	vm1 =	veq.s32 v21, v0  }
0x3b9: {  	vm2 =	vgt.s32 v21, v0;
	v15 =	vsel vm1, v15, v22  }
0x3ba: {  	v10 =	vsel vm2, v10, v15  }
0x3bb: {  	v15 =	vperm.xlane v10, v7;
	_ =	sdelay $0x1  }
0x3bc: {  	v15 =	vmin.f32 v9, v15  }
0x3bd: {  	vm3 =	vne.s32 v19, v0;
	vm4 =	vle.f32 v17, v15  }
0x3be: {  	vm3 =	vmand vm3, vm4  }
0x3bf: {  	vm0 =	vmand vm0, vm3  }
0x3c0: {  	v19 =	vmpcnt.ones.xlane vm0;
	_ =	sdelay $0x1  }
0x3c1: {  	(v2sf) =	vpush v19, $0x0;
	_ =	sdelay $0xe  }
0x3c2: {  	s20 =	spop (v2sf)  }
0x3c3: {  	p0 =	sgt.s32 s20, $0x0  }
.Ltmp63:
0x3c4: {  	_ = 	snop;
	(pc) =	sbr.rel @p0 .LBB2_81-.Ltmp63, $3  }
0x3c5: {  	v19 =	vperm.xlane v8, v6;
	_ =	sdelay $0x1  }
0x3c6: {  	v19 =	vsel vm1, v20, v19  }
0x3c7: {  	v8 =	vsel vm2, v8, v19  }
.LBB2_82:
0x3c8: {  	vm0 =	vle.f32 v16, v15  }
0x3c9: {  	v17 =	vmpcnt.ones.xlane vm0;
	_ =	sdelay $0x1  }
0x3ca: {  	(v2sf) =	vpush v17, $0x0;
	_ =	sdelay $0xe  }
0x3cb: {  	s20 =	spop (v2sf)  }
0x3cc: {  	p0 =	slt.s32 s20, $0x1  }
.Ltmp64:
0x3cd: {  	_ = 	snop;
	(pc) =	sbr.rel @p0 .LBB2_85-.Ltmp64, $1  }
0x3ce: {  	_ =	sdelay $0x3  }
0x3cf: {  	s20 =	sor.u32 $0x30, s19  }
0x3d0: {  	v17 =	vor.u32 s20, v0  }
.LBB2_84:
0x3d1: {  	v18 =	vmctz.xlane vm0;
	_ =	sdelay $0x1  }
0x3d2: {  	v15 =	vperm.xlane v16, v18;
	_ =	sdelay $0x1  }
0x3d3: {  	v19 =	vperm.xlane v17, v18;
	vm1 =	vle.f32 v15, $8.000000110e-01  }
0x3d4: {  	v15 =	vnsel vm1, $0x7F800000, v15  }
0x3d5: {  	vm2 =	vlt.s32 v8, v19;
	vm1 =	veq.f32 v10, v15  }
0x3d6: {  	vm3 =	vlt.f32 v10, v15;
	vm1 =	vmand vm2, vm1  }
0x3d7: {  	vm1 =	vmor vm3, vm1  }
0x3d8: {  	v20 =	vmpcnt.ones.xlane vm1  }
0x3d9: {  	v21 =	vperm.xlane v10, v6  }
0x3da: {  	vm1 =	veq.s32 v20, v0  }
0x3db: {  	vm2 =	vgt.s32 v20, v0;
	v15 =	vsel vm1, v15, v21  }
0x3dc: {  	v10 =	vsel vm2, v10, v15  }
0x3dd: {  	v15 =	vperm.xlane v10, v7;
	_ =	sdelay $0x1  }
0x3de: {  	v15 =	vmin.f32 v9, v15  }
0x3df: {  	vm3 =	vne.s32 v18, v0;
	vm4 =	vle.f32 v16, v15  }
0x3e0: {  	vm3 =	vmand vm3, vm4  }
0x3e1: {  	vm0 =	vmand vm0, vm3  }
0x3e2: {  	v18 =	vmpcnt.ones.xlane vm0;
	_ =	sdelay $0x1  }
0x3e3: {  	(v2sf) =	vpush v18, $0x0;
	_ =	sdelay $0xe  }
0x3e4: {  	s20 =	spop (v2sf)  }
0x3e5: {  	p0 =	sgt.s32 s20, $0x0  }
.Ltmp65:
0x3e6: {  	_ = 	snop;
	(pc) =	sbr.rel @p0 .LBB2_84-.Ltmp65, $3  }
0x3e7: {  	v18 =	vperm.xlane v8, v6;
	_ =	sdelay $0x1  }
0x3e8: {  	v18 =	vsel vm1, v19, v18  }
0x3e9: {  	v8 =	vsel vm2, v8, v18  }
.LBB2_85:
0x3ea: {  	vm0 =	vle.f32 v13, v15;
	vm1 =	vle.f32 v12, v15  }
0x3eb: {  	vm2 =	vle.f32 v11, v15;
	vm1 =	vmor vm0, vm1  }
0x3ec: {  	vm0 =	vle.f32 v14, v15;
	vm1 =	vmor vm2, vm1  }
0x3ed: {  	vm1 =	vmor vm0, vm1  }
0x3ee: {  	v16 =	vmpcnt.ones.xlane vm1;
	_ =	sdelay $0x1  }
0x3ef: {  	(v2sf) =	vpush v16, $0x0;
	_ =	sdelay $0xe  }
0x3f0: {  	s20 =	spop (v2sf)  }
0x3f1: {  	p0 =	slt.s32 s20, $0x1  }
.Ltmp66:
0x3f2: {  	_ = 	snop;
	(pc) =	sbr.rel @p0 .LBB2_98-.Ltmp66, $1  }
0x3f3: {  	_ =	sdelay $0x3  }
0x3f4: {  	vm1 =	vle.f32 v14, v15  }
0x3f5: {  	v16 =	vmpcnt.ones.xlane vm1;
	_ =	sdelay $0x1  }
0x3f6: {  	(v2sf) =	vpush v16, $0x0;
	_ =	sdelay $0xe  }
0x3f7: {  	s20 =	spop (v2sf)  }
0x3f8: {  	p0 =	slt.s32 s20, $0x1  }
.Ltmp67:
0x3f9: {  	_ = 	snop;
	(pc) =	sbr.rel @p0 .LBB2_89-.Ltmp67, $1  }
0x3fa: {  	_ =	sdelay $0x3  }
0x3fb: {  	s20 =	sor.u32 $0x40, s19  }
0x3fc: {  	v16 =	vor.u32 s20, v0  }
.LBB2_88:
0x3fd: {  	v17 =	vmctz.xlane vm0;
	_ =	sdelay $0x1  }
0x3fe: {  	v15 =	vperm.xlane v14, v17;
	_ =	sdelay $0x1  }
0x3ff: {  	v18 =	vperm.xlane v16, v17;
	vm1 =	vle.f32 v15, $8.000000110e-01  }
0x400: {  	v15 =	vnsel vm1, $0x7F800000, v15  }
0x401: {  	vm2 =	vlt.s32 v8, v18;
	vm1 =	veq.f32 v10, v15  }
0x402: {  	vm3 =	vlt.f32 v10, v15;
	vm1 =	vmand vm2, vm1  }
0x403: {  	vm1 =	vmor vm3, vm1  }
0x404: {  	v19 =	vmpcnt.ones.xlane vm1  }
0x405: {  	v20 =	vperm.xlane v10, v6  }
0x406: {  	vm1 =	veq.s32 v19, v0  }
0x407: {  	vm2 =	vgt.s32 v19, v0;
	v15 =	vsel vm1, v15, v20  }
0x408: {  	v10 =	vsel vm2, v10, v15  }
0x409: {  	v15 =	vperm.xlane v10, v7;
	_ =	sdelay $0x1  }
0x40a: {  	v15 =	vmin.f32 v9, v15  }
0x40b: {  	vm3 =	vne.s32 v17, v0;
	vm4 =	vle.f32 v14, v15  }
0x40c: {  	vm3 =	vmand vm3, vm4  }
0x40d: {  	vm0 =	vmand vm0, vm3  }
0x40e: {  	v17 =	vmpcnt.ones.xlane vm0;
	_ =	sdelay $0x1  }
0x40f: {  	(v2sf) =	vpush v17, $0x0;
	_ =	sdelay $0xe  }
0x410: {  	s20 =	spop (v2sf)  }
0x411: {  	p0 =	sgt.s32 s20, $0x0  }
.Ltmp68:
0x412: {  	_ = 	snop;
	(pc) =	sbr.rel @p0 .LBB2_88-.Ltmp68, $3  }
0x413: {  	v17 =	vperm.xlane v8, v6;
	_ =	sdelay $0x1  }
0x414: {  	v17 =	vsel vm1, v18, v17  }
0x415: {  	v8 =	vsel vm2, v8, v17  }
.LBB2_89:
0x416: {  	vm0 =	vle.f32 v13, v15  }
0x417: {  	v14 =	vmpcnt.ones.xlane vm0;
	_ =	sdelay $0x1  }
0x418: {  	(v2sf) =	vpush v14, $0x0;
	_ =	sdelay $0xe  }
0x419: {  	s20 =	spop (v2sf)  }
0x41a: {  	p0 =	slt.s32 s20, $0x1  }
.Ltmp69:
0x41b: {  	_ = 	snop;
	(pc) =	sbr.rel @p0 .LBB2_92-.Ltmp69, $1  }
0x41c: {  	_ =	sdelay $0x3  }
0x41d: {  	s20 =	sor.u32 $0x50, s19  }
0x41e: {  	v14 =	vor.u32 s20, v0  }
.LBB2_91:
0x41f: {  	v16 =	vmctz.xlane vm0;
	_ =	sdelay $0x1  }
0x420: {  	v15 =	vperm.xlane v13, v16;
	_ =	sdelay $0x1  }
0x421: {  	v17 =	vperm.xlane v14, v16;
	vm1 =	vle.f32 v15, $8.000000110e-01  }
0x422: {  	v15 =	vnsel vm1, $0x7F800000, v15  }
0x423: {  	vm2 =	vlt.s32 v8, v17;
	vm1 =	veq.f32 v10, v15  }
0x424: {  	vm3 =	vlt.f32 v10, v15;
	vm1 =	vmand vm2, vm1  }
0x425: {  	vm1 =	vmor vm3, vm1  }
0x426: {  	v18 =	vmpcnt.ones.xlane vm1  }
0x427: {  	v19 =	vperm.xlane v10, v6  }
0x428: {  	vm1 =	veq.s32 v18, v0  }
0x429: {  	vm2 =	vgt.s32 v18, v0;
	v15 =	vsel vm1, v15, v19  }
0x42a: {  	v10 =	vsel vm2, v10, v15  }
0x42b: {  	v15 =	vperm.xlane v10, v7;
	_ =	sdelay $0x1  }
0x42c: {  	v15 =	vmin.f32 v9, v15  }
0x42d: {  	vm3 =	vne.s32 v16, v0;
	vm4 =	vle.f32 v13, v15  }
0x42e: {  	vm3 =	vmand vm3, vm4  }
0x42f: {  	vm0 =	vmand vm0, vm3  }
0x430: {  	v16 =	vmpcnt.ones.xlane vm0;
	_ =	sdelay $0x1  }
0x431: {  	(v2sf) =	vpush v16, $0x0;
	_ =	sdelay $0xe  }
0x432: {  	s20 =	spop (v2sf)  }
0x433: {  	p0 =	sgt.s32 s20, $0x0  }
.Ltmp70:
0x434: {  	_ = 	snop;
	(pc) =	sbr.rel @p0 .LBB2_91-.Ltmp70, $3  }
0x435: {  	v16 =	vperm.xlane v8, v6;
	_ =	sdelay $0x1  }
0x436: {  	v16 =	vsel vm1, v17, v16  }
0x437: {  	v8 =	vsel vm2, v8, v16  }
.LBB2_92:
0x438: {  	vm0 =	vle.f32 v12, v15  }
0x439: {  	v13 =	vmpcnt.ones.xlane vm0;
	_ =	sdelay $0x1  }
0x43a: {  	(v2sf) =	vpush v13, $0x0;
	_ =	sdelay $0xe  }
0x43b: {  	s20 =	spop (v2sf)  }
0x43c: {  	p0 =	slt.s32 s20, $0x1  }
.Ltmp71:
0x43d: {  	_ = 	snop;
	(pc) =	sbr.rel @p0 .LBB2_95-.Ltmp71, $1  }
0x43e: {  	_ =	sdelay $0x3  }
0x43f: {  	s20 =	sor.u32 $0x60, s19  }
0x440: {  	v13 =	vor.u32 s20, v0  }
.LBB2_94:
0x441: {  	v14 =	vmctz.xlane vm0;
	_ =	sdelay $0x1  }
0x442: {  	v15 =	vperm.xlane v12, v14;
	_ =	sdelay $0x1  }
0x443: {  	v16 =	vperm.xlane v13, v14;
	vm1 =	vle.f32 v15, $8.000000110e-01  }
0x444: {  	v15 =	vnsel vm1, $0x7F800000, v15  }
0x445: {  	vm2 =	vlt.s32 v8, v16;
	vm1 =	veq.f32 v10, v15  }
0x446: {  	vm3 =	vlt.f32 v10, v15;
	vm1 =	vmand vm2, vm1  }
0x447: {  	vm1 =	vmor vm3, vm1  }
0x448: {  	v17 =	vmpcnt.ones.xlane vm1  }
0x449: {  	v18 =	vperm.xlane v10, v6  }
0x44a: {  	vm1 =	veq.s32 v17, v0  }
0x44b: {  	vm2 =	vgt.s32 v17, v0;
	v15 =	vsel vm1, v15, v18  }
0x44c: {  	v10 =	vsel vm2, v10, v15  }
0x44d: {  	v15 =	vperm.xlane v10, v7;
	_ =	sdelay $0x1  }
0x44e: {  	v15 =	vmin.f32 v9, v15  }
0x44f: {  	vm3 =	vne.s32 v14, v0;
	vm4 =	vle.f32 v12, v15  }
0x450: {  	vm3 =	vmand vm3, vm4  }
0x451: {  	vm0 =	vmand vm0, vm3  }
0x452: {  	v14 =	vmpcnt.ones.xlane vm0;
	_ =	sdelay $0x1  }
0x453: {  	(v2sf) =	vpush v14, $0x0;
	_ =	sdelay $0xe  }
0x454: {  	s20 =	spop (v2sf)  }
0x455: {  	p0 =	sgt.s32 s20, $0x0  }
.Ltmp72:
0x456: {  	_ = 	snop;
	(pc) =	sbr.rel @p0 .LBB2_94-.Ltmp72, $3  }
0x457: {  	v14 =	vperm.xlane v8, v6;
	_ =	sdelay $0x1  }
0x458: {  	v14 =	vsel vm1, v16, v14  }
0x459: {  	v8 =	vsel vm2, v8, v14  }
.LBB2_95:
0x45a: {  	vm0 =	vle.f32 v11, v15  }
0x45b: {  	v12 =	vmpcnt.ones.xlane vm0;
	_ =	sdelay $0x1  }
0x45c: {  	(v2sf) =	vpush v12, $0x0;
	_ =	sdelay $0xe  }
0x45d: {  	s20 =	spop (v2sf)  }
0x45e: {  	p0 =	slt.s32 s20, $0x1  }
.Ltmp73:
0x45f: {  	_ = 	snop;
	(pc) =	sbr.rel @p0 .LBB2_98-.Ltmp73, $1  }
0x460: {  	_ =	sdelay $0x3  }
0x461: {  	s19 =	sor.u32 $0x70, s19  }
0x462: {  	v12 =	vor.u32 s19, v0  }
.LBB2_97:
0x463: {  	v13 =	vmctz.xlane vm0;
	_ =	sdelay $0x1  }
0x464: {  	v14 =	vperm.xlane v11, v13;
	_ =	sdelay $0x1  }
0x465: {  	v16 =	vperm.xlane v12, v13;
	vm1 =	vle.f32 v14, $8.000000110e-01  }
0x466: {  	v14 =	vnsel vm1, $0x7F800000, v14  }
0x467: {  	vm2 =	vlt.s32 v8, v16;
	vm1 =	veq.f32 v10, v14  }
0x468: {  	vm3 =	vlt.f32 v10, v14;
	vm1 =	vmand vm2, vm1  }
0x469: {  	vm1 =	vmor vm3, vm1  }
0x46a: {  	v15 =	vmpcnt.ones.xlane vm1  }
0x46b: {  	v17 =	vperm.xlane v10, v6  }
0x46c: {  	vm1 =	veq.s32 v15, v0  }
0x46d: {  	vm2 =	vgt.s32 v15, v0;
	v14 =	vsel vm1, v14, v17  }
0x46e: {  	v10 =	vsel vm2, v10, v14  }
0x46f: {  	v14 =	vperm.xlane v10, v7;
	_ =	sdelay $0x1  }
0x470: {  	v15 =	vmin.f32 v9, v14  }
0x471: {  	vm3 =	vne.s32 v13, v0;
	vm4 =	vle.f32 v11, v15  }
0x472: {  	vm3 =	vmand vm3, vm4  }
0x473: {  	vm0 =	vmand vm0, vm3  }
0x474: {  	v13 =	vmpcnt.ones.xlane vm0;
	_ =	sdelay $0x1  }
0x475: {  	(v2sf) =	vpush v13, $0x0;
	_ =	sdelay $0xe  }
0x476: {  	s19 =	spop (v2sf)  }
0x477: {  	p0 =	sgt.s32 s19, $0x0  }
.Ltmp74:
0x478: {  	_ = 	snop;
	(pc) =	sbr.rel @p0 .LBB2_97-.Ltmp74, $3  }
0x479: {  	v13 =	vperm.xlane v8, v6;
	_ =	sdelay $0x1  }
0x47a: {  	v13 =	vsel vm1, v16, v13  }
0x47b: {  	v8 =	vsel vm2, v8, v13  }
.Ltmp75:
0x47c: {  	_ = 	snop;
	(pc) =	sbr.rel .LBB2_98-.Ltmp75, $1  }
0x47d: {  	_ =	sdelay $0x3  }
.LBB2_99:
0x47e: {  	v9 =	vperm.xlane v10, v7;
	_ =	sdelay $0x1  }
0x47f: {  	(v2sf) =	vpush v9, $0x0;
	_ =	sdelay $0xe  }
0x480: {  	s18 =	spop (v2sf)  }
0x481: {  	p0 =	sgt.f32 s18, $8.000000110e-01  }
.Ltmp76:
0x482: {  	_ = 	snop;
	(pc) =	sbr.rel @!p0 .LBB2_129-.Ltmp76, $1  }
0x483: {  	_ =	sdelay $0x3  }
.Ltmp77:
0x484: {  	(pc) =	sbr.rel .LBB2_101-.Ltmp77, $2  }
0x485: {  	_ =	sdelay $0x2  }
0x486: {  	s18 =	simm.s32 $0x0;
	v8 =	vimm.s32 $0x7FFFFFFF;
	v14 =	vimm.f32 $+Inf;
	v9 =	vimm.f32 $+Inf  }
.LBB2_128:
0x487: {  	s18 =	sadd.s32 $0x1, s18  }
0x488: {  	p0 =	sne.s32 s18, $0x20  }
.Ltmp78:
0x489: {  	_ = 	snop;
	(pc) =	sbr.rel @!p0 .LBB2_129-.Ltmp78, $1  }
0x48a: {  	_ =	sdelay $0x3  }
.LBB2_101:
0x48b: {  	s19 =	sshll.u32 s18, $0x8  }
0x48c: {  	s19 =	sand.u32 $0x3FFFFF00, s19  }
0x48d: {  	v18 =	vld [tilespmem:s19+$0x80]  }
0x48e: {  	v17 =	vld [tilespmem:s19+$0x90]  }
0x48f: {  	v16 =	vld [tilespmem:s19+$0xA0]  }
0x490: {  	v15 =	vld [tilespmem:s19+$0xB0]  }
0x491: {  	v13 =	vld [tilespmem:s19+$0xC0]  }
0x492: {  	v12 =	vld [tilespmem:s19+$0xD0]  }
0x493: {  	v11 =	vld [tilespmem:s19+$0xE0]  }
0x494: {  	v10 =	vld [tilespmem:s19+$0xF0];
	_ =	sdelay $0x1  }
0x495: {  	vm0 =	vle.f32 v17, v14;
	vm1 =	vle.f32 v16, v14;
	vm2 =	vle.f32 v13, v14  }
0x496: {  	vm3 =	vle.f32 v12, v14;
	vm0 =	vmor vm0, vm1;
	vm1 =	vle.f32 v15, v14  }
0x497: {  	vm2 =	vmor vm2, vm3;
	vm3 =	vle.f32 v11, v14;
	vm1 =	vmor vm0, vm1  }
0x498: {  	vm0 =	vle.f32 v18, v14;
	vm2 =	vmor vm2, vm3;
	vm3 =	vle.f32 v10, v14  }
0x499: {  	vm1 =	vmor vm0, vm1;
	vm2 =	vmor vm2, vm3  }
0x49a: {  	vm2 =	vmor vm1, vm2  }
0x49b: {  	v19 =	vmpcnt.ones.xlane vm2;
	_ =	sdelay $0x1  }
0x49c: {  	(v2sf) =	vpush v19, $0x0;
	_ =	sdelay $0xe  }
0x49d: {  	s31 =	spop (v2sf)  }
0x49e: {  	p0 =	slt.s32 s31, $0x1  }
.Ltmp79:
0x49f: {  	_ = 	snop;
	(pc) =	sbr.rel @p0 .LBB2_128-.Ltmp79, $1  }
0x4a0: {  	_ =	sdelay $0x3  }
0x4a1: {  	v19 =	vmpcnt.ones.xlane vm1;
	_ =	sdelay $0x1  }
0x4a2: {  	(v2sf) =	vpush v19, $0x0;
	_ =	sdelay $0xe  }
0x4a3: {  	s19 =	spop (v2sf)  }
0x4a4: {  	p0 =	slt.s32 s19, $0x1  }
.Ltmp80:
0x4a5: {  	_ = 	snop;
	(pc) =	sbr.rel @p0 .LBB2_115-.Ltmp80, $2  }
0x4a6: {  	_ =	sdelay $0x2  }
0x4a7: {  	s19 =	sshll.u32 s18, $0x7  }
0x4a8: {  	vm1 =	vle.f32 v18, v14  }
0x4a9: {  	v19 =	vmpcnt.ones.xlane vm1;
	_ =	sdelay $0x1  }
0x4aa: {  	(v2sf) =	vpush v19, $0x0;
	_ =	sdelay $0xe  }
0x4ab: {  	s20 =	spop (v2sf)  }
0x4ac: {  	p0 =	slt.s32 s20, $0x1  }
.Ltmp81:
0x4ad: {  	_ = 	snop;
	(pc) =	sbr.rel @p0 .LBB2_106-.Ltmp81, $1  }
0x4ae: {  	_ =	sdelay $0x3  }
0x4af: {  	v19 =	vor.u32 s19, v0  }
.LBB2_105:
0x4b0: {  	v20 =	vmctz.xlane vm0;
	_ =	sdelay $0x1  }
0x4b1: {  	v14 =	vperm.xlane v18, v20;
	_ =	sdelay $0x1  }
0x4b2: {  	v21 =	vperm.xlane v19, v20;
	vm1 =	vle.f32 v14, $8.000000110e-01  }
0x4b3: {  	v14 =	vnsel vm1, $0x7F800000, v14  }
0x4b4: {  	vm2 =	vlt.s32 v8, v21;
	vm1 =	veq.f32 v9, v14  }
0x4b5: {  	vm3 =	vlt.f32 v9, v14;
	vm1 =	vmand vm2, vm1  }
0x4b6: {  	vm1 =	vmor vm3, vm1  }
0x4b7: {  	v22 =	vmpcnt.ones.xlane vm1  }
0x4b8: {  	v23 =	vperm.xlane v9, v6  }
0x4b9: {  	vm1 =	veq.s32 v22, v0  }
0x4ba: {  	vm2 =	vgt.s32 v22, v0;
	v14 =	vsel vm1, v14, v23  }
0x4bb: {  	v9 =	vsel vm2, v9, v14  }
0x4bc: {  	v14 =	vperm.xlane v9, v7;
	_ =	sdelay $0x1  }
0x4bd: {  	vm3 =	vne.s32 v20, v0;
	vm4 =	vle.f32 v18, v14  }
0x4be: {  	vm3 =	vmand vm3, vm4  }
0x4bf: {  	vm0 =	vmand vm0, vm3  }
0x4c0: {  	v20 =	vmpcnt.ones.xlane vm0;
	_ =	sdelay $0x1  }
0x4c1: {  	(v2sf) =	vpush v20, $0x0;
	_ =	sdelay $0xe  }
0x4c2: {  	s20 =	spop (v2sf)  }
0x4c3: {  	p0 =	sgt.s32 s20, $0x0  }
.Ltmp82:
0x4c4: {  	_ = 	snop;
	(pc) =	sbr.rel @p0 .LBB2_105-.Ltmp82, $3  }
0x4c5: {  	v20 =	vperm.xlane v8, v6;
	_ =	sdelay $0x1  }
0x4c6: {  	v20 =	vsel vm1, v21, v20  }
0x4c7: {  	v8 =	vsel vm2, v8, v20  }
.LBB2_106:
0x4c8: {  	vm0 =	vle.f32 v17, v14  }
0x4c9: {  	v18 =	vmpcnt.ones.xlane vm0;
	_ =	sdelay $0x1  }
0x4ca: {  	(v2sf) =	vpush v18, $0x0;
	_ =	sdelay $0xe  }
0x4cb: {  	s20 =	spop (v2sf)  }
0x4cc: {  	p0 =	slt.s32 s20, $0x1  }
.Ltmp83:
0x4cd: {  	_ = 	snop;
	(pc) =	sbr.rel @p0 .LBB2_109-.Ltmp83, $1  }
0x4ce: {  	_ =	sdelay $0x3  }
0x4cf: {  	s20 =	sor.u32 $0x10, s19  }
0x4d0: {  	v18 =	vor.u32 s20, v0  }
.LBB2_108:
0x4d1: {  	v19 =	vmctz.xlane vm0;
	_ =	sdelay $0x1  }
0x4d2: {  	v14 =	vperm.xlane v17, v19;
	_ =	sdelay $0x1  }
0x4d3: {  	v20 =	vperm.xlane v18, v19;
	vm1 =	vle.f32 v14, $8.000000110e-01  }
0x4d4: {  	v14 =	vnsel vm1, $0x7F800000, v14  }
0x4d5: {  	vm2 =	vlt.s32 v8, v20;
	vm1 =	veq.f32 v9, v14  }
0x4d6: {  	vm3 =	vlt.f32 v9, v14;
	vm1 =	vmand vm2, vm1  }
0x4d7: {  	vm1 =	vmor vm3, vm1  }
0x4d8: {  	v21 =	vmpcnt.ones.xlane vm1  }
0x4d9: {  	v22 =	vperm.xlane v9, v6  }
0x4da: {  	vm1 =	veq.s32 v21, v0  }
0x4db: {  	vm2 =	vgt.s32 v21, v0;
	v14 =	vsel vm1, v14, v22  }
0x4dc: {  	v9 =	vsel vm2, v9, v14  }
0x4dd: {  	v14 =	vperm.xlane v9, v7;
	_ =	sdelay $0x1  }
0x4de: {  	vm3 =	vne.s32 v19, v0;
	vm4 =	vle.f32 v17, v14  }
0x4df: {  	vm3 =	vmand vm3, vm4  }
0x4e0: {  	vm0 =	vmand vm0, vm3  }
0x4e1: {  	v19 =	vmpcnt.ones.xlane vm0;
	_ =	sdelay $0x1  }
0x4e2: {  	(v2sf) =	vpush v19, $0x0;
	_ =	sdelay $0xe  }
0x4e3: {  	s20 =	spop (v2sf)  }
0x4e4: {  	p0 =	sgt.s32 s20, $0x0  }
.Ltmp84:
0x4e5: {  	_ = 	snop;
	(pc) =	sbr.rel @p0 .LBB2_108-.Ltmp84, $3  }
0x4e6: {  	v19 =	vperm.xlane v8, v6;
	_ =	sdelay $0x1  }
0x4e7: {  	v19 =	vsel vm1, v20, v19  }
0x4e8: {  	v8 =	vsel vm2, v8, v19  }
.LBB2_109:
0x4e9: {  	vm0 =	vle.f32 v16, v14  }
0x4ea: {  	v17 =	vmpcnt.ones.xlane vm0;
	_ =	sdelay $0x1  }
0x4eb: {  	(v2sf) =	vpush v17, $0x0;
	_ =	sdelay $0xe  }
0x4ec: {  	s20 =	spop (v2sf)  }
0x4ed: {  	p0 =	slt.s32 s20, $0x1  }
.Ltmp85:
0x4ee: {  	_ = 	snop;
	(pc) =	sbr.rel @p0 .LBB2_112-.Ltmp85, $1  }
0x4ef: {  	_ =	sdelay $0x3  }
0x4f0: {  	s20 =	sor.u32 $0x20, s19  }
0x4f1: {  	v17 =	vor.u32 s20, v0  }
.LBB2_111:
0x4f2: {  	v18 =	vmctz.xlane vm0;
	_ =	sdelay $0x1  }
0x4f3: {  	v14 =	vperm.xlane v16, v18;
	_ =	sdelay $0x1  }
0x4f4: {  	v19 =	vperm.xlane v17, v18;
	vm1 =	vle.f32 v14, $8.000000110e-01  }
0x4f5: {  	v14 =	vnsel vm1, $0x7F800000, v14  }
0x4f6: {  	vm2 =	vlt.s32 v8, v19;
	vm1 =	veq.f32 v9, v14  }
0x4f7: {  	vm3 =	vlt.f32 v9, v14;
	vm1 =	vmand vm2, vm1  }
0x4f8: {  	vm1 =	vmor vm3, vm1  }
0x4f9: {  	v20 =	vmpcnt.ones.xlane vm1  }
0x4fa: {  	v21 =	vperm.xlane v9, v6  }
0x4fb: {  	vm1 =	veq.s32 v20, v0  }
0x4fc: {  	vm2 =	vgt.s32 v20, v0;
	v14 =	vsel vm1, v14, v21  }
0x4fd: {  	v9 =	vsel vm2, v9, v14  }
0x4fe: {  	v14 =	vperm.xlane v9, v7;
	_ =	sdelay $0x1  }
0x4ff: {  	vm3 =	vne.s32 v18, v0;
	vm4 =	vle.f32 v16, v14  }
0x500: {  	vm3 =	vmand vm3, vm4  }
0x501: {  	vm0 =	vmand vm0, vm3  }
0x502: {  	v18 =	vmpcnt.ones.xlane vm0;
	_ =	sdelay $0x1  }
0x503: {  	(v2sf) =	vpush v18, $0x0;
	_ =	sdelay $0xe  }
0x504: {  	s20 =	spop (v2sf)  }
0x505: {  	p0 =	sgt.s32 s20, $0x0  }
.Ltmp86:
0x506: {  	_ = 	snop;
	(pc) =	sbr.rel @p0 .LBB2_111-.Ltmp86, $3  }
0x507: {  	v18 =	vperm.xlane v8, v6;
	_ =	sdelay $0x1  }
0x508: {  	v18 =	vsel vm1, v19, v18  }
0x509: {  	v8 =	vsel vm2, v8, v18  }
.LBB2_112:
0x50a: {  	vm0 =	vle.f32 v15, v14  }
0x50b: {  	v16 =	vmpcnt.ones.xlane vm0;
	_ =	sdelay $0x1  }
0x50c: {  	(v2sf) =	vpush v16, $0x0;
	_ =	sdelay $0xe  }
0x50d: {  	s20 =	spop (v2sf)  }
0x50e: {  	p0 =	slt.s32 s20, $0x1  }
.Ltmp87:
0x50f: {  	_ = 	snop;
	(pc) =	sbr.rel @p0 .LBB2_115-.Ltmp87, $1  }
0x510: {  	_ =	sdelay $0x3  }
0x511: {  	s20 =	sor.u32 $0x30, s19  }
0x512: {  	v16 =	vor.u32 s20, v0  }
.LBB2_114:
0x513: {  	v17 =	vmctz.xlane vm0;
	_ =	sdelay $0x1  }
0x514: {  	v14 =	vperm.xlane v15, v17;
	_ =	sdelay $0x1  }
0x515: {  	v18 =	vperm.xlane v16, v17;
	vm1 =	vle.f32 v14, $8.000000110e-01  }
0x516: {  	v14 =	vnsel vm1, $0x7F800000, v14  }
0x517: {  	vm2 =	vlt.s32 v8, v18;
	vm1 =	veq.f32 v9, v14  }
0x518: {  	vm3 =	vlt.f32 v9, v14;
	vm1 =	vmand vm2, vm1  }
0x519: {  	vm1 =	vmor vm3, vm1  }
0x51a: {  	v19 =	vmpcnt.ones.xlane vm1  }
0x51b: {  	v20 =	vperm.xlane v9, v6  }
0x51c: {  	vm1 =	veq.s32 v19, v0  }
0x51d: {  	vm2 =	vgt.s32 v19, v0;
	v14 =	vsel vm1, v14, v20  }
0x51e: {  	v9 =	vsel vm2, v9, v14  }
0x51f: {  	v14 =	vperm.xlane v9, v7;
	_ =	sdelay $0x1  }
0x520: {  	vm3 =	vne.s32 v17, v0;
	vm4 =	vle.f32 v15, v14  }
0x521: {  	vm3 =	vmand vm3, vm4  }
0x522: {  	vm0 =	vmand vm0, vm3  }
0x523: {  	v17 =	vmpcnt.ones.xlane vm0;
	_ =	sdelay $0x1  }
0x524: {  	(v2sf) =	vpush v17, $0x0;
	_ =	sdelay $0xe  }
0x525: {  	s20 =	spop (v2sf)  }
0x526: {  	p0 =	sgt.s32 s20, $0x0  }
.Ltmp88:
0x527: {  	_ = 	snop;
	(pc) =	sbr.rel @p0 .LBB2_114-.Ltmp88, $3  }
0x528: {  	v17 =	vperm.xlane v8, v6;
	_ =	sdelay $0x1  }
0x529: {  	v17 =	vsel vm1, v18, v17  }
0x52a: {  	v8 =	vsel vm2, v8, v17  }
.LBB2_115:
0x52b: {  	vm0 =	vle.f32 v12, v14;
	vm1 =	vle.f32 v11, v14  }
0x52c: {  	vm2 =	vle.f32 v10, v14;
	vm1 =	vmor vm0, vm1  }
0x52d: {  	vm0 =	vle.f32 v13, v14;
	vm1 =	vmor vm2, vm1  }
0x52e: {  	vm1 =	vmor vm0, vm1  }
0x52f: {  	v15 =	vmpcnt.ones.xlane vm1;
	_ =	sdelay $0x1  }
0x530: {  	(v2sf) =	vpush v15, $0x0;
	_ =	sdelay $0xe  }
0x531: {  	s20 =	spop (v2sf)  }
0x532: {  	p0 =	slt.s32 s20, $0x1  }
.Ltmp89:
0x533: {  	_ = 	snop;
	(pc) =	sbr.rel @p0 .LBB2_128-.Ltmp89, $1  }
0x534: {  	_ =	sdelay $0x3  }
0x535: {  	vm1 =	vle.f32 v13, v14  }
0x536: {  	v15 =	vmpcnt.ones.xlane vm1;
	_ =	sdelay $0x1  }
0x537: {  	(v2sf) =	vpush v15, $0x0;
	_ =	sdelay $0xe  }
0x538: {  	s20 =	spop (v2sf)  }
0x539: {  	p0 =	slt.s32 s20, $0x1  }
.Ltmp90:
0x53a: {  	_ = 	snop;
	(pc) =	sbr.rel @p0 .LBB2_119-.Ltmp90, $1  }
0x53b: {  	_ =	sdelay $0x3  }
0x53c: {  	s20 =	sor.u32 $0x40, s19  }
0x53d: {  	v15 =	vor.u32 s20, v0  }
.LBB2_118:
0x53e: {  	v16 =	vmctz.xlane vm0;
	_ =	sdelay $0x1  }
0x53f: {  	v14 =	vperm.xlane v13, v16;
	_ =	sdelay $0x1  }
0x540: {  	v17 =	vperm.xlane v15, v16;
	vm1 =	vle.f32 v14, $8.000000110e-01  }
0x541: {  	v14 =	vnsel vm1, $0x7F800000, v14  }
0x542: {  	vm2 =	vlt.s32 v8, v17;
	vm1 =	veq.f32 v9, v14  }
0x543: {  	vm3 =	vlt.f32 v9, v14;
	vm1 =	vmand vm2, vm1  }
0x544: {  	vm1 =	vmor vm3, vm1  }
0x545: {  	v18 =	vmpcnt.ones.xlane vm1  }
0x546: {  	v19 =	vperm.xlane v9, v6  }
0x547: {  	vm1 =	veq.s32 v18, v0  }
0x548: {  	vm2 =	vgt.s32 v18, v0;
	v14 =	vsel vm1, v14, v19  }
0x549: {  	v9 =	vsel vm2, v9, v14  }
0x54a: {  	v14 =	vperm.xlane v9, v7;
	_ =	sdelay $0x1  }
0x54b: {  	vm3 =	vne.s32 v16, v0;
	vm4 =	vle.f32 v13, v14  }
0x54c: {  	vm3 =	vmand vm3, vm4  }
0x54d: {  	vm0 =	vmand vm0, vm3  }
0x54e: {  	v16 =	vmpcnt.ones.xlane vm0;
	_ =	sdelay $0x1  }
0x54f: {  	(v2sf) =	vpush v16, $0x0;
	_ =	sdelay $0xe  }
0x550: {  	s20 =	spop (v2sf)  }
0x551: {  	p0 =	sgt.s32 s20, $0x0  }
.Ltmp91:
0x552: {  	_ = 	snop;
	(pc) =	sbr.rel @p0 .LBB2_118-.Ltmp91, $3  }
0x553: {  	v16 =	vperm.xlane v8, v6;
	_ =	sdelay $0x1  }
0x554: {  	v16 =	vsel vm1, v17, v16  }
0x555: {  	v8 =	vsel vm2, v8, v16  }
.LBB2_119:
0x556: {  	vm0 =	vle.f32 v12, v14  }
0x557: {  	v13 =	vmpcnt.ones.xlane vm0;
	_ =	sdelay $0x1  }
0x558: {  	(v2sf) =	vpush v13, $0x0;
	_ =	sdelay $0xe  }
0x559: {  	s20 =	spop (v2sf)  }
0x55a: {  	p0 =	slt.s32 s20, $0x1  }
.Ltmp92:
0x55b: {  	_ = 	snop;
	(pc) =	sbr.rel @p0 .LBB2_122-.Ltmp92, $1  }
0x55c: {  	_ =	sdelay $0x3  }
0x55d: {  	s20 =	sor.u32 $0x50, s19  }
0x55e: {  	v13 =	vor.u32 s20, v0  }
.LBB2_121:
0x55f: {  	v15 =	vmctz.xlane vm0;
	_ =	sdelay $0x1  }
0x560: {  	v14 =	vperm.xlane v12, v15;
	_ =	sdelay $0x1  }
0x561: {  	v16 =	vperm.xlane v13, v15;
	vm1 =	vle.f32 v14, $8.000000110e-01  }
0x562: {  	v14 =	vnsel vm1, $0x7F800000, v14  }
0x563: {  	vm2 =	vlt.s32 v8, v16;
	vm1 =	veq.f32 v9, v14  }
0x564: {  	vm3 =	vlt.f32 v9, v14;
	vm1 =	vmand vm2, vm1  }
0x565: {  	vm1 =	vmor vm3, vm1  }
0x566: {  	v17 =	vmpcnt.ones.xlane vm1  }
0x567: {  	v18 =	vperm.xlane v9, v6  }
0x568: {  	vm1 =	veq.s32 v17, v0  }
0x569: {  	vm2 =	vgt.s32 v17, v0;
	v14 =	vsel vm1, v14, v18  }
0x56a: {  	v9 =	vsel vm2, v9, v14  }
0x56b: {  	v14 =	vperm.xlane v9, v7;
	_ =	sdelay $0x1  }
0x56c: {  	vm3 =	vne.s32 v15, v0;
	vm4 =	vle.f32 v12, v14  }
0x56d: {  	vm3 =	vmand vm3, vm4  }
0x56e: {  	vm0 =	vmand vm0, vm3  }
0x56f: {  	v15 =	vmpcnt.ones.xlane vm0;
	_ =	sdelay $0x1  }
0x570: {  	(v2sf) =	vpush v15, $0x0;
	_ =	sdelay $0xe  }
0x571: {  	s20 =	spop (v2sf)  }
0x572: {  	p0 =	sgt.s32 s20, $0x0  }
.Ltmp93:
0x573: {  	_ = 	snop;
	(pc) =	sbr.rel @p0 .LBB2_121-.Ltmp93, $3  }
0x574: {  	v15 =	vperm.xlane v8, v6;
	_ =	sdelay $0x1  }
0x575: {  	v15 =	vsel vm1, v16, v15  }
0x576: {  	v8 =	vsel vm2, v8, v15  }
.LBB2_122:
0x577: {  	vm0 =	vle.f32 v11, v14  }
0x578: {  	v12 =	vmpcnt.ones.xlane vm0;
	_ =	sdelay $0x1  }
0x579: {  	(v2sf) =	vpush v12, $0x0;
	_ =	sdelay $0xe  }
0x57a: {  	s20 =	spop (v2sf)  }
0x57b: {  	p0 =	slt.s32 s20, $0x1  }
.Ltmp94:
0x57c: {  	_ = 	snop;
	(pc) =	sbr.rel @p0 .LBB2_125-.Ltmp94, $1  }
0x57d: {  	_ =	sdelay $0x3  }
0x57e: {  	s20 =	sor.u32 $0x60, s19  }
0x57f: {  	v12 =	vor.u32 s20, v0  }
.LBB2_124:
0x580: {  	v13 =	vmctz.xlane vm0;
	_ =	sdelay $0x1  }
0x581: {  	v14 =	vperm.xlane v11, v13;
	_ =	sdelay $0x1  }
0x582: {  	v15 =	vperm.xlane v12, v13;
	vm1 =	vle.f32 v14, $8.000000110e-01  }
0x583: {  	v14 =	vnsel vm1, $0x7F800000, v14  }
0x584: {  	vm2 =	vlt.s32 v8, v15;
	vm1 =	veq.f32 v9, v14  }
0x585: {  	vm3 =	vlt.f32 v9, v14;
	vm1 =	vmand vm2, vm1  }
0x586: {  	vm1 =	vmor vm3, vm1  }
0x587: {  	v16 =	vmpcnt.ones.xlane vm1  }
0x588: {  	v17 =	vperm.xlane v9, v6  }
0x589: {  	vm1 =	veq.s32 v16, v0  }
0x58a: {  	vm2 =	vgt.s32 v16, v0;
	v14 =	vsel vm1, v14, v17  }
0x58b: {  	v9 =	vsel vm2, v9, v14  }
0x58c: {  	v14 =	vperm.xlane v9, v7;
	_ =	sdelay $0x1  }
0x58d: {  	vm3 =	vne.s32 v13, v0;
	vm4 =	vle.f32 v11, v14  }
0x58e: {  	vm3 =	vmand vm3, vm4  }
0x58f: {  	vm0 =	vmand vm0, vm3  }
0x590: {  	v13 =	vmpcnt.ones.xlane vm0;
	_ =	sdelay $0x1  }
0x591: {  	(v2sf) =	vpush v13, $0x0;
	_ =	sdelay $0xe  }
0x592: {  	s20 =	spop (v2sf)  }
0x593: {  	p0 =	sgt.s32 s20, $0x0  }
.Ltmp95:
0x594: {  	_ = 	snop;
	(pc) =	sbr.rel @p0 .LBB2_124-.Ltmp95, $3  }
0x595: {  	v13 =	vperm.xlane v8, v6;
	_ =	sdelay $0x1  }
0x596: {  	v13 =	vsel vm1, v15, v13  }
0x597: {  	v8 =	vsel vm2, v8, v13  }
.LBB2_125:
0x598: {  	vm0 =	vle.f32 v10, v14  }
0x599: {  	v11 =	vmpcnt.ones.xlane vm0;
	_ =	sdelay $0x1  }
0x59a: {  	(v2sf) =	vpush v11, $0x0;
	_ =	sdelay $0xe  }
0x59b: {  	s20 =	spop (v2sf)  }
0x59c: {  	p0 =	slt.s32 s20, $0x1  }
.Ltmp96:
0x59d: {  	_ = 	snop;
	(pc) =	sbr.rel @p0 .LBB2_128-.Ltmp96, $1  }
0x59e: {  	_ =	sdelay $0x3  }
0x59f: {  	s19 =	sor.u32 $0x70, s19  }
0x5a0: {  	v11 =	vor.u32 s19, v0  }
.LBB2_127:
0x5a1: {  	v12 =	vmctz.xlane vm0;
	_ =	sdelay $0x1  }
0x5a2: {  	v13 =	vperm.xlane v10, v12;
	_ =	sdelay $0x1  }
0x5a3: {  	v15 =	vperm.xlane v11, v12;
	vm1 =	vle.f32 v13, $8.000000110e-01  }
0x5a4: {  	v13 =	vnsel vm1, $0x7F800000, v13  }
0x5a5: {  	vm2 =	vlt.s32 v8, v15;
	vm1 =	veq.f32 v9, v13  }
0x5a6: {  	vm3 =	vlt.f32 v9, v13;
	vm1 =	vmand vm2, vm1  }
0x5a7: {  	vm1 =	vmor vm3, vm1  }
0x5a8: {  	v14 =	vmpcnt.ones.xlane vm1  }
0x5a9: {  	v16 =	vperm.xlane v9, v6  }
0x5aa: {  	vm1 =	veq.s32 v14, v0  }
0x5ab: {  	vm2 =	vgt.s32 v14, v0;
	v13 =	vsel vm1, v13, v16  }
0x5ac: {  	v9 =	vsel vm2, v9, v13  }
0x5ad: {  	v14 =	vperm.xlane v9, v7;
	_ =	sdelay $0x1  }
0x5ae: {  	vm3 =	vne.s32 v12, v0;
	vm4 =	vle.f32 v10, v14  }
0x5af: {  	vm3 =	vmand vm3, vm4  }
0x5b0: {  	vm0 =	vmand vm0, vm3  }
0x5b1: {  	v12 =	vmpcnt.ones.xlane vm0;
	_ =	sdelay $0x1  }
0x5b2: {  	(v2sf) =	vpush v12, $0x0;
	_ =	sdelay $0xe  }
0x5b3: {  	s19 =	spop (v2sf)  }
0x5b4: {  	p0 =	sgt.s32 s19, $0x0  }
.Ltmp97:
0x5b5: {  	_ = 	snop;
	(pc) =	sbr.rel @p0 .LBB2_127-.Ltmp97, $3  }
0x5b6: {  	v12 =	vperm.xlane v8, v6;
	_ =	sdelay $0x1  }
0x5b7: {  	v12 =	vsel vm1, v15, v12  }
0x5b8: {  	v8 =	vsel vm2, v8, v12  }
.Ltmp98:
0x5b9: {  	_ = 	snop;
	(pc) =	sbr.rel .LBB2_128-.Ltmp98, $1  }
0x5ba: {  	_ =	sdelay $0x3  }
.LBB2_131:
0x5bb: {  	_ =	sfence.sel $0x180000  }
0x5bc: {  	[bflag:$0x0] =	sbarrier.arrive $0xFFFF  }
0x5bd: {  	p0 =	sne.s32 s2, $0x0;
	_ =	strace $0x90000047  }
0x5be: {  	s0 =	sadd.s32 @!p0 $0x100000, s1;
	[bflag:$0x2] =	sbarrier.arrive $0xFFFF  }
0x5bf: {  	[sflag:s0] =	ssyncadd.tile.s32 @!p0 $0x1;
	_ =	shalt  }
.Lfunc_end2:
_tile_overlayer_lowered:
.L_overlay_start_2:
0x5c0: {  	(tag) =	ssettag $0x2  }
0x5c1: {  	s0 =	rddreg [dreg:$0x0];
	s2 =	stileid.u32  }
0x5c2: {  	s1 =	rddreg [dreg:$0x1];
	p0 =	sne.s32 s2, $0x0  }
0x5c3: {  	s3 =	rddreg [dreg:$0x2];
	[bflag:$0x3] =	sbarrier.arrive $0xFFFF;
	s2 =	simm.s32 @!p0 $0x1C03  }
0x5c4: {  	[timem:s3], [sflag:s2] =	dma.local @!p0 [hbm:s0], s1  }
0x5c5: {  	s0 =	simm.s32 @!p0 $0x3  }
0x5c6: {  	_ =	swait.ge @!p0 [sflag:s0], s1  }
0x5c7: {  	s1 =	ssub.s32 @!p0 $0x0, s1;
	[sflag:s0] =	ssyncset.done @!p0 $0x0  }
0x5c8: {  	[sflag:s0] =	ssyncadd.s32 @!p0 s1  }
0x5c9: {  	[bflag:$0x3] =	sbarrier.arrive $0xFFFF  }
0x5ca: {  	_ =	shalt  }

</sc_bundles>
